<compile_context>
chip_gen: v7x
topology: tpu7x:2x2x1
jax: 0.10.2.dev20260603
libtpu: 0.0.44.dev20260713+nightly
codegen_flags: <defaults>
</compile_context>

<pallas_src>
import functools

import jax
import jax.numpy as jnp
from jax import lax
from jax.experimental import pallas as pl
from jax.experimental.pallas import tpu as pltpu
from jax.experimental.pallas import tpu_sc as plsc

_N_ATTR = 26
_N_VALUES = 1000
_EMBED_DIM = 128
_N_HIDDEN = 1024
_BATCH = 4096
_K = _N_ATTR * _EMBED_DIM

_NC = 2
_NS = 16
_NW = _NC * _NS

_CH = 128
_NBUF = 6
_NCHUNK = 2
_BC = _BATCH // _NCHUNK


@functools.cache
def _build_gather_sc(bc):
    rows = bc * _N_ATTR
    rpw = rows // _NW
    nch = rpw // _CH
    mesh = plsc.VectorSubcoreMesh(
        core_axis_name="c", subcore_axis_name="s", num_cores=_NC, num_subcores=_NS
    )

    @functools.partial(
        pl.kernel,
        out_type=jax.ShapeDtypeStruct((bc, _K), jnp.float32),
        mesh=mesh,
        scratch_types=[
            pltpu.VMEM((nch, _CH), jnp.int32),
            pltpu.VMEM((_NBUF, _CH, _EMBED_DIM), jnp.float32),
            [pltpu.SemaphoreType.DMA] * _NBUF,
            [pltpu.SemaphoreType.DMA] * _NBUF,
        ],
    )
    def _gather_sc(idx_hbm, table_hbm, out_hbm, idx_v, rows_v, gsems, wsems):
        wid = lax.axis_index("s") * _NC + lax.axis_index("c")
        pltpu.sync_copy(idx_hbm.at[wid], idx_v)
        base = wid * rpw
        gathers = [None] * nch
        writes = [None] * nch

        def _gather(j):
            return pltpu.async_copy(
                table_hbm.at[idx_v.at[j]], rows_v.at[j % _NBUF], gsems[j % _NBUF]
            )

        for j in range(min(_NBUF - 1, nch)):
            gathers[j] = _gather(j)
        for j in range(nch):
            b = j % _NBUF
            gathers[j].wait()
            jn = j + _NBUF - 1
            if jn < nch:
                if jn >= _NBUF:
                    writes[jn - _NBUF].wait()
                gathers[jn] = _gather(jn)
            r0 = base + j * _CH
            writes[j] = pltpu.async_copy(
                rows_v.at[b],
                out_hbm.at[pl.ds(r0 % bc, _CH), pl.ds((r0 // bc) * _EMBED_DIM, _EMBED_DIM)],
                wsems[b],
            )
        for j in range(max(0, nch - _NBUF), nch):
            writes[j].wait()

    return _gather_sc


_BM = 512


def _mm_body(a_ref, w_ref, b_ref, o_ref):
    o_ref[...] = (
        jnp.dot(a_ref[...], w_ref[...], preferred_element_type=jnp.float32)
        + b_ref[...]
    )


def _mm_body_alias(a_ref, w_ref, b_ref, prev_ref, o_ref):
    del prev_ref
    o_ref[...] = (
        jnp.dot(a_ref[...], w_ref[...], preferred_element_type=jnp.float32)
        + b_ref[...]
    )


def _matmul_tc(flat, fc_w, fc_b2d, prev, c):
    base = c * (_BC // _BM)
    out_spec = pl.BlockSpec((_BM, _N_HIDDEN), lambda i, base=base: (base + i, 0))
    in_specs = [
        pl.BlockSpec((_BM, _K), lambda i: (i, 0)),
        pl.BlockSpec((_K, _N_HIDDEN), lambda i: (0, 0)),
        pl.BlockSpec((1, _N_HIDDEN), lambda i: (0, 0)),
    ]
    args = [flat, fc_w, fc_b2d]
    if prev is None:
        body, aliases = _mm_body, {}
    else:
        body, aliases = _mm_body_alias, {3: 0}
        in_specs.append(pl.BlockSpec(memory_space=pl.ANY))
        args.append(prev)
    return pl.pallas_call(
        body,
        grid=(_BC // _BM,),
        in_specs=in_specs,
        out_specs=out_spec,
        out_shape=jax.ShapeDtypeStruct((_BATCH, _N_HIDDEN), jnp.float32),
        input_output_aliases=aliases,
    )(*args)


def kernel(x, table, fc_w, fc_b):
    offs = (jnp.arange(_N_ATTR, dtype=jnp.int32) * _N_VALUES)[:, None]
    xT = x.astype(jnp.int32).T + offs
    gather = _build_gather_sc(_BC)
    nch = _BC * _N_ATTR // (_NW * _CH)
    flats = []
    for c in range(_NCHUNK):
        idx_c = lax.slice_in_dim(xT, c * _BC, (c + 1) * _BC, axis=1)
        flats.append(gather(idx_c.reshape(_NW, nch, _CH), table))
    fc_b2d = fc_b.reshape(1, _N_HIDDEN)
    out = None
    for c in range(_NCHUNK):
        out = _matmul_tc(flats[c], fc_w, fc_b2d, out, c)
    return out

# --- scband reference (transcript-rebuilt; emitter-appended) ---
"""Pipeline reference for scband-sender-with-embedding-40235253629551 (READ-ONLY COPY).

The authoritative reference and input builder live on the scoring server;
editing this copy changes nothing except your own understanding.
"""

import jax, jax.numpy as jnp
import numpy as np

N_ATTR = 26
N_VALUES = 1000
EMBED_DIM = 128
N_HIDDEN = 1024
BATCH = 4096


def setup_inputs(seed: int = 0) -> dict:
    key = jax.random.key(seed)
    k1, k2, k3, k4 = jax.random.split(key, 4)
    x = jax.random.randint(k1, (BATCH, N_ATTR), 0, N_VALUES, dtype=jnp.int64 if jax.config.jax_enable_x64 else jnp.int32)
    table = jax.random.normal(k2, (N_ATTR * N_VALUES, EMBED_DIM), dtype=jnp.float32) * 0.02
    fan_in = N_ATTR * EMBED_DIM
    bound = 1.0 / np.sqrt(fan_in)
    fc_w = jax.random.uniform(k3, (fan_in, N_HIDDEN), dtype=jnp.float32, minval=-bound, maxval=bound)
    fc_b = jax.random.uniform(k4, (N_HIDDEN,), dtype=jnp.float32, minval=-bound, maxval=bound)
    return {"x": x, "table": table, "fc_w": fc_w, "fc_b": fc_b}


def reference(x, table, fc_w, fc_b):
    # AttributeValueEmbedder: add per-attribute offsets, gather, flatten
    offsets = (jnp.arange(N_ATTR) * N_VALUES)[None, :]  # [1, n_attributes]
    idx = x + offsets                                   # [B, n_attributes]
    emb = jnp.take(table, idx, axis=0)                  # [B, n_attributes, embed_dim]
    bsz = emb.shape[0]
    flat = emb.reshape(bsz, -1)                         # [B, n_attributes*embed_dim]
    # Sender fc: Linear(n_attributes*embed_dim -> n_hidden)
    out = flat @ fc_w + fc_b                            # [B, n_hidden]
    return out

if __name__ == "__main__":
    import jax
    _d = setup_inputs()
    print(jax.jit(kernel)(*tuple(_d.values())))

</pallas_src>

<mosaic_0001>
#map = affine_map<(d0, d1) -> (0, 0, 0)>
#map1 = affine_map<(d0, d1) -> (0, 0)>
module attributes {stable_mosaic.version = 14 : i64} {
  func.func @_gather_sc(%arg0: i32, %arg1: i32, %arg2: memref<32x13x128xi32, #tpu.memory_space<hbm>>, %arg3: memref<26000x128xf32, #tpu.memory_space<hbm>>, %arg4: memref<2048x3328xf32, #tpu.memory_space<hbm>>, %arg5: memref<13x128xi32, #tpu.memory_space<vmem>>, %arg6: memref<6x128x128xf32, #tpu.memory_space<vmem>>, %arg7: memref<!tpu.dma_semaphore, #tpu.memory_space<semaphore_mem>>, %arg8: memref<!tpu.dma_semaphore, #tpu.memory_space<semaphore_mem>>, %arg9: memref<!tpu.dma_semaphore, #tpu.memory_space<semaphore_mem>>, %arg10: memref<!tpu.dma_semaphore, #tpu.memory_space<semaphore_mem>>, %arg11: memref<!tpu.dma_semaphore, #tpu.memory_space<semaphore_mem>>, %arg12: memref<!tpu.dma_semaphore, #tpu.memory_space<semaphore_mem>>, %arg13: memref<!tpu.dma_semaphore, #tpu.memory_space<semaphore_mem>>, %arg14: memref<!tpu.dma_semaphore, #tpu.memory_space<semaphore_mem>>, %arg15: memref<!tpu.dma_semaphore, #tpu.memory_space<semaphore_mem>>, %arg16: memref<!tpu.dma_semaphore, #tpu.memory_space<semaphore_mem>>, %arg17: memref<!tpu.dma_semaphore, #tpu.memory_space<semaphore_mem>>, %arg18: memref<!tpu.dma_semaphore, #tpu.memory_space<semaphore_mem>>) attributes {dimension_semantics = [#tpu.dimension_semantics<core_parallel>, #tpu.dimension_semantics<subcore_parallel>], iteration_bounds = array<i64: 2, 16>, scalar_prefetch = 0 : i64, scratch_operands = 14 : i64, tpu.core_type = #tpu.core_type<sc_vector_subcore>, window_params = [{transform_indices = #map}, {transform_indices = #map1}, {transform_indices = #map1}]} {
    %mul3A = arith.constant 2 : i32
    %mul3A_0 = arith.muli %arg1, %mul3A : i32
    %add3A = arith.addi %mul3A_0, %arg0 : i32
    "tpu.region"() ({
      %run_scoped3A = tpu.sem_alloc : memref<!tpu.dma_semaphore, #tpu.memory_space<semaphore_mem>>
      %dma_start3A_1161 = arith.constant 0 : i32
      %dma_start3A_1162 = arith.constant 0 : i32
      %dma_start3A_1163 = tpu.memref_slice %arg2[%add3A, %dma_start3A_1161, %dma_start3A_1162] : memref<32x13x128xi32, #tpu.memory_space<hbm>> -> memref<1x13x128xi32, #tpu.memory_space<hbm>>
      %dma_start3A_1164 = tpu.memref_squeeze %dma_start3A_1163 : memref<1x13x128xi32, #tpu.memory_space<hbm>> -> memref<13x128xi32, #tpu.memory_space<hbm>>
      %dma_start3A_1165 = arith.constant 0 : i32
      %dma_start3A_1166 = arith.constant 0 : i32
      %dma_start3A_1167 = tpu.memref_slice %arg2[%add3A, %dma_start3A_1165, %dma_start3A_1166] : memref<32x13x128xi32, #tpu.memory_space<hbm>> -> memref<1x13x128xi32, #tpu.memory_space<hbm>>
      %dma_start3A_1168 = tpu.memref_squeeze %dma_start3A_1167 : memref<1x13x128xi32, #tpu.memory_space<hbm>> -> memref<13x128xi32, #tpu.memory_space<hbm>>
      tpu.enqueue_dma source(%dma_start3A_1168 : memref<13x128xi32, #tpu.memory_space<hbm>>) target(%arg5 : memref<13x128xi32, #tpu.memory_space<vmem>>) target_semaphore(%run_scoped3A : memref<!tpu.dma_semaphore, #tpu.memory_space<semaphore_mem>>)
      %dma_wait3A_1169 = arith.constant 0 : i32
      %dma_wait3A_1170 = arith.constant 0 : i32
      %dma_wait3A_1171 = tpu.memref_slice %arg2[%add3A, %dma_wait3A_1169, %dma_wait3A_1170] : memref<32x13x128xi32, #tpu.memory_space<hbm>> -> memref<1x13x128xi32, #tpu.memory_space<hbm>>
      %dma_wait3A_1172 = tpu.memref_squeeze %dma_wait3A_1171 : memref<1x13x128xi32, #tpu.memory_space<hbm>> -> memref<13x128xi32, #tpu.memory_space<hbm>>
      %dma_wait3A_1173 = arith.constant 0 : i32
      %dma_wait3A_1174 = arith.constant 0 : i32
      %dma_wait3A_1175 = tpu.memref_slice %arg2[%add3A, %dma_wait3A_1173, %dma_wait3A_1174] : memref<32x13x128xi32, #tpu.memory_space<hbm>> -> memref<1x13x128xi32, #tpu.memory_space<hbm>>
      %dma_wait3A_1176 = tpu.memref_squeeze %dma_wait3A_1175 : memref<1x13x128xi32, #tpu.memory_space<hbm>> -> memref<13x128xi32, #tpu.memory_space<hbm>>
      tpu.wait_dma2 semaphore(%run_scoped3A : memref<!tpu.dma_semaphore, #tpu.memory_space<semaphore_mem>>) src(%dma_wait3A_1176 : memref<13x128xi32, #tpu.memory_space<hbm>>) dst(%arg5 : memref<13x128xi32, #tpu.memory_space<vmem>>)
      tpu.yield
    }) : () -> ()
    %mul3A_1 = arith.constant 1664 : i32
    %mul3A_2 = arith.muli %add3A, %mul3A_1 : i32
    %dma_start3A = arith.constant 0 : i32
    %dma_start3A_3 = arith.constant 0 : i32
    %dma_start3A_4 = arith.constant 0 : i32
    %dma_start3A_5 = arith.constant 0 : i32
    %dma_start3A_6 = tpu.memref_slice %arg6[%dma_start3A_3, %dma_start3A_4, %dma_start3A_5] : memref<6x128x128xf32, #tpu.memory_space<vmem>> -> memref<1x128x128xf32, #tpu.memory_space<vmem>>
    %dma_start3A_7 = tpu.memref_squeeze %dma_start3A_6 : memref<1x128x128xf32, #tpu.memory_space<vmem>> -> memref<128x128xf32, #tpu.memory_space<vmem>>
    %dma_start3A_8 = arith.constant 0 : i32
    %dma_start3A_9 = tpu.memref_slice %arg5[%dma_start3A, %dma_start3A_8] : memref<13x128xi32, #tpu.memory_space<vmem>> -> memref<1x128xi32, #tpu.memory_space<vmem>>
    %dma_start3A_10 = tpu.memref_squeeze %dma_start3A_9 : memref<1x128xi32, #tpu.memory_space<vmem>> -> memref<128xi32, #tpu.memory_space<vmem>>
    %dma_start3A_11 = arith.constant 0 : i32
    %dma_start3A_12 = arith.constant 0 : i32
    %dma_start3A_13 = tpu.memref_slice %arg3[%dma_start3A_11, %dma_start3A_12] : memref<26000x128xf32, #tpu.memory_space<hbm>> -> memref<26000x128xf32, #tpu.memory_space<hbm>>
    tpu.enqueue_indirect_dma source(%dma_start3A_13 : memref<26000x128xf32, #tpu.memory_space<hbm>>) target(%dma_start3A_7 : memref<128x128xf32, #tpu.memory_space<vmem>>) offsets(%dma_start3A_10 : memref<128xi32, #tpu.memory_space<vmem>>) semaphore(%arg7 : memref<!tpu.dma_semaphore, #tpu.memory_space<semaphore_mem>>)
    %dma_start3A_14 = arith.constant 1 : i32
    %dma_start3A_15 = arith.constant 1 : i32
    %dma_start3A_16 = arith.constant 0 : i32
    %dma_start3A_17 = arith.constant 0 : i32
    %dma_start3A_18 = tpu.memref_slice %arg6[%dma_start3A_15, %dma_start3A_16, %dma_start3A_17] : memref<6x128x128xf32, #tpu.memory_space<vmem>> -> memref<1x128x128xf32, #tpu.memory_space<vmem>>
    %dma_start3A_19 = tpu.memref_squeeze %dma_start3A_18 : memref<1x128x128xf32, #tpu.memory_space<vmem>> -> memref<128x128xf32, #tpu.memory_space<vmem>>
    %dma_start3A_20 = arith.constant 0 : i32
    %dma_start3A_21 = tpu.memref_slice %arg5[%dma_start3A_14, %dma_start3A_20] : memref<13x128xi32, #tpu.memory_space<vmem>> -> memref<1x128xi32, #tpu.memory_space<vmem>>
    %dma_start3A_22 = tpu.memref_squeeze %dma_start3A_21 : memref<1x128xi32, #tpu.memory_space<vmem>> -> memref<128xi32, #tpu.memory_space<vmem>>
    %dma_start3A_23 = arith.constant 0 : i32
    %dma_start3A_24 = arith.constant 0 : i32
    %dma_start3A_25 = tpu.memref_slice %arg3[%dma_start3A_23, %dma_start3A_24] : memref<26000x128xf32, #tpu.memory_space<hbm>> -> memref<26000x128xf32, #tpu.memory_space<hbm>>
    tpu.enqueue_indirect_dma source(%dma_start3A_25 : memref<26000x128xf32, #tpu.memory_space<hbm>>) target(%dma_start3A_19 : memref<128x128xf32, #tpu.memory_space<vmem>>) offsets(%dma_start3A_22 : memref<128xi32, #tpu.memory_space<vmem>>) semaphore(%arg8 : memref<!tpu.dma_semaphore, #tpu.memory_space<semaphore_mem>>)
    %dma_start3A_26 = arith.constant 2 : i32
    %dma_start3A_27 = arith.constant 2 : i32
    %dma_start3A_28 = arith.constant 0 : i32
    %dma_start3A_29 = arith.constant 0 : i32
    %dma_start3A_30 = tpu.memref_slice %arg6[%dma_start3A_27, %dma_start3A_28, %dma_start3A_29] : memref<6x128x128xf32, #tpu.memory_space<vmem>> -> memref<1x128x128xf32, #tpu.memory_space<vmem>>
    %dma_start3A_31 = tpu.memref_squeeze %dma_start3A_30 : memref<1x128x128xf32, #tpu.memory_space<vmem>> -> memref<128x128xf32, #tpu.memory_space<vmem>>
    %dma_start3A_32 = arith.constant 0 : i32
    %dma_start3A_33 = tpu.memref_slice %arg5[%dma_start3A_26, %dma_start3A_32] : memref<13x128xi32, #tpu.memory_space<vmem>> -> memref<1x128xi32, #tpu.memory_space<vmem>>
    %dma_start3A_34 = tpu.memref_squeeze %dma_start3A_33 : memref<1x128xi32, #tpu.memory_space<vmem>> -> memref<128xi32, #tpu.memory_space<vmem>>
    %dma_start3A_35 = arith.constant 0 : i32
    %dma_start3A_36 = arith.constant 0 : i32
    %dma_start3A_37 = tpu.memref_slice %arg3[%dma_start3A_35, %dma_start3A_36] : memref<26000x128xf32, #tpu.memory_space<hbm>> -> memref<26000x128xf32, #tpu.memory_space<hbm>>
    tpu.enqueue_indirect_dma source(%dma_start3A_37 : memref<26000x128xf32, #tpu.memory_space<hbm>>) target(%dma_start3A_31 : memref<128x128xf32, #tpu.memory_space<vmem>>) offsets(%dma_start3A_34 : memref<128xi32, #tpu.memory_space<vmem>>) semaphore(%arg9 : memref<!tpu.dma_semaphore, #tpu.memory_space<semaphore_mem>>)
    %dma_start3A_38 = arith.constant 3 : i32
    %dma_start3A_39 = arith.constant 3 : i32
    %dma_start3A_40 = arith.constant 0 : i32
    %dma_start3A_41 = arith.constant 0 : i32
    %dma_start3A_42 = tpu.memref_slice %arg6[%dma_start3A_39, %dma_start3A_40, %dma_start3A_41] : memref<6x128x128xf32, #tpu.memory_space<vmem>> -> memref<1x128x128xf32, #tpu.memory_space<vmem>>
    %dma_start3A_43 = tpu.memref_squeeze %dma_start3A_42 : memref<1x128x128xf32, #tpu.memory_space<vmem>> -> memref<128x128xf32, #tpu.memory_space<vmem>>
    %dma_start3A_44 = arith.constant 0 : i32
    %dma_start3A_45 = tpu.memref_slice %arg5[%dma_start3A_38, %dma_start3A_44] : memref<13x128xi32, #tpu.memory_space<vmem>> -> memref<1x128xi32, #tpu.memory_space<vmem>>
    %dma_start3A_46 = tpu.memref_squeeze %dma_start3A_45 : memref<1x128xi32, #tpu.memory_space<vmem>> -> memref<128xi32, #tpu.memory_space<vmem>>
    %dma_start3A_47 = arith.constant 0 : i32
    %dma_start3A_48 = arith.constant 0 : i32
    %dma_start3A_49 = tpu.memref_slice %arg3[%dma_start3A_47, %dma_start3A_48] : memref<26000x128xf32, #tpu.memory_space<hbm>> -> memref<26000x128xf32, #tpu.memory_space<hbm>>
    tpu.enqueue_indirect_dma source(%dma_start3A_49 : memref<26000x128xf32, #tpu.memory_space<hbm>>) target(%dma_start3A_43 : memref<128x128xf32, #tpu.memory_space<vmem>>) offsets(%dma_start3A_46 : memref<128xi32, #tpu.memory_space<vmem>>) semaphore(%arg10 : memref<!tpu.dma_semaphore, #tpu.memory_space<semaphore_mem>>)
    %dma_start3A_50 = arith.constant 4 : i32
    %dma_start3A_51 = arith.constant 4 : i32
    %dma_start3A_52 = arith.constant 0 : i32
    %dma_start3A_53 = arith.constant 0 : i32
    %dma_start3A_54 = tpu.memref_slice %arg6[%dma_start3A_51, %dma_start3A_52, %dma_start3A_53] : memref<6x128x128xf32, #tpu.memory_space<vmem>> -> memref<1x128x128xf32, #tpu.memory_space<vmem>>
    %dma_start3A_55 = tpu.memref_squeeze %dma_start3A_54 : memref<1x128x128xf32, #tpu.memory_space<vmem>> -> memref<128x128xf32, #tpu.memory_space<vmem>>
    %dma_start3A_56 = arith.constant 0 : i32
    %dma_start3A_57 = tpu.memref_slice %arg5[%dma_start3A_50, %dma_start3A_56] : memref<13x128xi32, #tpu.memory_space<vmem>> -> memref<1x128xi32, #tpu.memory_space<vmem>>
    %dma_start3A_58 = tpu.memref_squeeze %dma_start3A_57 : memref<1x128xi32, #tpu.memory_space<vmem>> -> memref<128xi32, #tpu.memory_space<vmem>>
    %dma_start3A_59 = arith.constant 0 : i32
    %dma_start3A_60 = arith.constant 0 : i32
    %dma_start3A_61 = tpu.memref_slice %arg3[%dma_start3A_59, %dma_start3A_60] : memref<26000x128xf32, #tpu.memory_space<hbm>> -> memref<26000x128xf32, #tpu.memory_space<hbm>>
    tpu.enqueue_indirect_dma source(%dma_start3A_61 : memref<26000x128xf32, #tpu.memory_space<hbm>>) target(%dma_start3A_55 : memref<128x128xf32, #tpu.memory_space<vmem>>) offsets(%dma_start3A_58 : memref<128xi32, #tpu.memory_space<vmem>>) semaphore(%arg11 : memref<!tpu.dma_semaphore, #tpu.memory_space<semaphore_mem>>)
    %dma_wait3A = arith.constant 0 : i32
    %dma_wait3A_62 = arith.constant 0 : i32
    %dma_wait3A_63 = arith.constant 0 : i32
    %dma_wait3A_64 = arith.constant 0 : i32
    %dma_wait3A_65 = tpu.memref_slice %arg6[%dma_wait3A_62, %dma_wait3A_63, %dma_wait3A_64] : memref<6x128x128xf32, #tpu.memory_space<vmem>> -> memref<1x128x128xf32, #tpu.memory_space<vmem>>
    %dma_wait3A_66 = tpu.memref_squeeze %dma_wait3A_65 : memref<1x128x128xf32, #tpu.memory_space<vmem>> -> memref<128x128xf32, #tpu.memory_space<vmem>>
    %dma_wait3A_67 = arith.constant 0 : i32
    %dma_wait3A_68 = tpu.memref_slice %arg5[%dma_wait3A, %dma_wait3A_67] : memref<13x128xi32, #tpu.memory_space<vmem>> -> memref<1x128xi32, #tpu.memory_space<vmem>>
    %dma_wait3A_69 = tpu.memref_squeeze %dma_wait3A_68 : memref<1x128xi32, #tpu.memory_space<vmem>> -> memref<128xi32, #tpu.memory_space<vmem>>
    %dma_wait3A_70 = arith.constant 0 : i32
    %dma_wait3A_71 = arith.constant 0 : i32
    %dma_wait3A_72 = tpu.memref_slice %arg3[%dma_wait3A_70, %dma_wait3A_71] : memref<26000x128xf32, #tpu.memory_space<hbm>> -> memref<26000x128xf32, #tpu.memory_space<hbm>>
    tpu.wait_indirect_dma semaphore(%arg7 : memref<!tpu.dma_semaphore, #tpu.memory_space<semaphore_mem>>) src(%dma_wait3A_72 : memref<26000x128xf32, #tpu.memory_space<hbm>>) dst(%dma_wait3A_66 : memref<128x128xf32, #tpu.memory_space<vmem>>)
    %dma_start3A_73 = arith.constant 5 : i32
    %dma_start3A_74 = arith.constant 5 : i32
    %dma_start3A_75 = arith.constant 0 : i32
    %dma_start3A_76 = arith.constant 0 : i32
    %dma_start3A_77 = tpu.memref_slice %arg6[%dma_start3A_74, %dma_start3A_75, %dma_start3A_76] : memref<6x128x128xf32, #tpu.memory_space<vmem>> -> memref<1x128x128xf32, #tpu.memory_space<vmem>>
    %dma_start3A_78 = tpu.memref_squeeze %dma_start3A_77 : memref<1x128x128xf32, #tpu.memory_space<vmem>> -> memref<128x128xf32, #tpu.memory_space<vmem>>
    %dma_start3A_79 = arith.constant 0 : i32
    %dma_start3A_80 = tpu.memref_slice %arg5[%dma_start3A_73, %dma_start3A_79] : memref<13x128xi32, #tpu.memory_space<vmem>> -> memref<1x128xi32, #tpu.memory_space<vmem>>
    %dma_start3A_81 = tpu.memref_squeeze %dma_start3A_80 : memref<1x128xi32, #tpu.memory_space<vmem>> -> memref<128xi32, #tpu.memory_space<vmem>>
    %dma_start3A_82 = arith.constant 0 : i32
    %dma_start3A_83 = arith.constant 0 : i32
    %dma_start3A_84 = tpu.memref_slice %arg3[%dma_start3A_82, %dma_start3A_83] : memref<26000x128xf32, #tpu.memory_space<hbm>> -> memref<26000x128xf32, #tpu.memory_space<hbm>>
    tpu.enqueue_indirect_dma source(%dma_start3A_84 : memref<26000x128xf32, #tpu.memory_space<hbm>>) target(%dma_start3A_78 : memref<128x128xf32, #tpu.memory_space<vmem>>) offsets(%dma_start3A_81 : memref<128xi32, #tpu.memory_space<vmem>>) semaphore(%arg12 : memref<!tpu.dma_semaphore, #tpu.memory_space<semaphore_mem>>)
    %add3A_85 = arith.constant 0 : i32
    %add3A_86 = arith.addi %mul3A_2, %add3A_85 : i32
    %jit3A = arith.constant 2048 : i32
    %eq3A = arith.constant 0 : i32
    %eq3A_87 = arith.cmpi eq, %jit3A, %eq3A : i32
    %jit3A_88 = arith.constant 1 : i32
    %select_n3A = arith.select %eq3A_87, %jit3A_88, %jit3A : i32
    %rem3A = arith.remsi %add3A_86, %select_n3A : i32
    %ne3A = arith.constant 0 : i32
    %ne3A_89 = arith.cmpi ne, %rem3A, %ne3A : i32
    %lt3A = arith.constant 0 : i32
    %lt3A_90 = arith.cmpi slt, %rem3A, %lt3A : i32
    %lt3A_91 = arith.constant 0 : i32
    %lt3A_92 = arith.cmpi slt, %select_n3A, %lt3A_91 : i32
    %ne3A_93 = arith.xori %lt3A_90, %lt3A_92 : i1
    %and3A = arith.andi %ne3A_93, %ne3A_89 : i1
    %add3A_94 = arith.addi %rem3A, %select_n3A : i32
    %select_n3A_95 = arith.select %and3A, %add3A_94, %rem3A : i32
    %jit3A_96 = arith.constant 2048 : i32
    %div3A = arith.divsi %add3A_86, %jit3A_96 : i32
    %sign3A = arith.constant 0 : i32
    %sign3A_97 = arith.cmpi sgt, %add3A_86, %sign3A : i32
    %sign3A_98 = arith.extui %sign3A_97 : i1 to i32
    %sign3A_99 = arith.constant 0 : i32
    %sign3A_100 = arith.cmpi slt, %add3A_86, %sign3A_99 : i32
    %sign3A_101 = arith.extui %sign3A_100 : i1 to i32
    %sign3A_102 = arith.subi %sign3A_98, %sign3A_101 : i32
    %sign3A_103 = arith.constant 0 : i32
    %sign3A_104 = arith.cmpi sgt, %jit3A_96, %sign3A_103 : i32
    %sign3A_105 = arith.extui %sign3A_104 : i1 to i32
    %sign3A_106 = arith.constant 0 : i32
    %sign3A_107 = arith.cmpi slt, %jit3A_96, %sign3A_106 : i32
    %sign3A_108 = arith.extui %sign3A_107 : i1 to i32
    %sign3A_109 = arith.subi %sign3A_105, %sign3A_108 : i32
    %ne3A_110 = arith.cmpi ne, %sign3A_102, %sign3A_109 : i32
    %rem3A_111 = arith.remsi %add3A_86, %jit3A_96 : i32
    %ne3A_112 = arith.constant 0 : i32
    %ne3A_113 = arith.cmpi ne, %rem3A_111, %ne3A_112 : i32
    %and3A_114 = arith.andi %ne3A_110, %ne3A_113 : i1
    %sub3A = arith.constant 1 : i32
    %sub3A_115 = arith.subi %div3A, %sub3A : i32
    %select_n3A_116 = arith.select %and3A_114, %sub3A_115, %div3A : i32
    %mul3A_117 = arith.constant 128 : i32
    %mul3A_118 = arith.muli %select_n3A_116, %mul3A_117 : i32
    %dma_start3A_119 = arith.constant 0 : i32
    %dma_start3A_120 = arith.constant 0 : i32
    %dma_start3A_121 = arith.constant 0 : i32
    %dma_start3A_122 = tpu.memref_slice %arg6[%dma_start3A_119, %dma_start3A_120, %dma_start3A_121] : memref<6x128x128xf32, #tpu.memory_space<vmem>> -> memref<1x128x128xf32, #tpu.memory_space<vmem>>
    %dma_start3A_123 = tpu.memref_squeeze %dma_start3A_122 : memref<1x128x128xf32, #tpu.memory_space<vmem>> -> memref<128x128xf32, #tpu.memory_space<vmem>>
    %dma_start3A_124 = tpu.memref_slice %arg4[%select_n3A_95, %mul3A_118] : memref<2048x3328xf32, #tpu.memory_space<hbm>> -> memref<128x128xf32, #tpu.memory_space<hbm>>
    %dma_start3A_125 = tpu.memref_slice %arg4[%select_n3A_95, %mul3A_118] : memref<2048x3328xf32, #tpu.memory_space<hbm>> -> memref<128x128xf32, #tpu.memory_space<hbm>>
    %dma_start3A_126 = arith.constant 0 : i32
    %dma_start3A_127 = arith.constant 0 : i32
    %dma_start3A_128 = tpu.memref_slice %arg6[%dma_start3A_119, %dma_start3A_126, %dma_start3A_127] : memref<6x128x128xf32, #tpu.memory_space<vmem>> -> memref<1x128x128xf32, #tpu.memory_space<vmem>>
    %dma_start3A_129 = tpu.memref_squeeze %dma_start3A_128 : memref<1x128x128xf32, #tpu.memory_space<vmem>> -> memref<128x128xf32, #tpu.memory_space<vmem>>
    tpu.enqueue_dma source(%dma_start3A_129 : memref<128x128xf32, #tpu.memory_space<vmem>>) target(%dma_start3A_125 : memref<128x128xf32, #tpu.memory_space<hbm>>) target_semaphore(%arg13 : memref<!tpu.dma_semaphore, #tpu.memory_space<semaphore_mem>>)
    %dma_wait3A_130 = arith.constant 1 : i32
    %dma_wait3A_131 = arith.constant 1 : i32
    %dma_wait3A_132 = arith.constant 0 : i32
    %dma_wait3A_133 = arith.constant 0 : i32
    %dma_wait3A_134 = tpu.memref_slice %arg6[%dma_wait3A_131, %dma_wait3A_132, %dma_wait3A_133] : memref<6x128x128xf32, #tpu.memory_space<vmem>> -> memref<1x128x128xf32, #tpu.memory_space<vmem>>
    %dma_wait3A_135 = tpu.memref_squeeze %dma_wait3A_134 : memref<1x128x128xf32, #tpu.memory_space<vmem>> -> memref<128x128xf32, #tpu.memory_space<vmem>>
    %dma_wait3A_136 = arith.constant 0 : i32
    %dma_wait3A_137 = tpu.memref_slice %arg5[%dma_wait3A_130, %dma_wait3A_136] : memref<13x128xi32, #tpu.memory_space<vmem>> -> memref<1x128xi32, #tpu.memory_space<vmem>>
    %dma_wait3A_138 = tpu.memref_squeeze %dma_wait3A_137 : memref<1x128xi32, #tpu.memory_space<vmem>> -> memref<128xi32, #tpu.memory_space<vmem>>
    %dma_wait3A_139 = arith.constant 0 : i32
    %dma_wait3A_140 = arith.constant 0 : i32
    %dma_wait3A_141 = tpu.memref_slice %arg3[%dma_wait3A_139, %dma_wait3A_140] : memref<26000x128xf32, #tpu.memory_space<hbm>> -> memref<26000x128xf32, #tpu.memory_space<hbm>>
    tpu.wait_indirect_dma semaphore(%arg8 : memref<!tpu.dma_semaphore, #tpu.memory_space<semaphore_mem>>) src(%dma_wait3A_141 : memref<26000x128xf32, #tpu.memory_space<hbm>>) dst(%dma_wait3A_135 : memref<128x128xf32, #tpu.memory_space<vmem>>)
    %dma_wait3A_142 = arith.constant 0 : i32
    %dma_wait3A_143 = arith.constant 0 : i32
    %dma_wait3A_144 = arith.constant 0 : i32
    %dma_wait3A_145 = tpu.memref_slice %arg6[%dma_wait3A_142, %dma_wait3A_143, %dma_wait3A_144] : memref<6x128x128xf32, #tpu.memory_space<vmem>> -> memref<1x128x128xf32, #tpu.memory_space<vmem>>
    %dma_wait3A_146 = tpu.memref_squeeze %dma_wait3A_145 : memref<1x128x128xf32, #tpu.memory_space<vmem>> -> memref<128x128xf32, #tpu.memory_space<vmem>>
    %dma_wait3A_147 = tpu.memref_slice %arg4[%select_n3A_95, %mul3A_118] : memref<2048x3328xf32, #tpu.memory_space<hbm>> -> memref<128x128xf32, #tpu.memory_space<hbm>>
    %dma_wait3A_148 = tpu.memref_slice %arg4[%select_n3A_95, %mul3A_118] : memref<2048x3328xf32, #tpu.memory_space<hbm>> -> memref<128x128xf32, #tpu.memory_space<hbm>>
    %dma_wait3A_149 = arith.constant 0 : i32
    %dma_wait3A_150 = arith.constant 0 : i32
    %dma_wait3A_151 = tpu.memref_slice %arg6[%dma_wait3A_142, %dma_wait3A_149, %dma_wait3A_150] : memref<6x128x128xf32, #tpu.memory_space<vmem>> -> memref<1x128x128xf32, #tpu.memory_space<vmem>>
    %dma_wait3A_152 = tpu.memref_squeeze %dma_wait3A_151 : memref<1x128x128xf32, #tpu.memory_space<vmem>> -> memref<128x128xf32, #tpu.memory_space<vmem>>
    tpu.wait_dma2 semaphore(%arg13 : memref<!tpu.dma_semaphore, #tpu.memory_space<semaphore_mem>>) src(%dma_wait3A_152 : memref<128x128xf32, #tpu.memory_space<vmem>>) dst(%dma_wait3A_148 : memref<128x128xf32, #tpu.memory_space<hbm>>)
    %dma_start3A_153 = arith.constant 6 : i32
    %dma_start3A_154 = arith.constant 0 : i32
    %dma_start3A_155 = arith.constant 0 : i32
    %dma_start3A_156 = arith.constant 0 : i32
    %dma_start3A_157 = tpu.memref_slice %arg6[%dma_start3A_154, %dma_start3A_155, %dma_start3A_156] : memref<6x128x128xf32, #tpu.memory_space<vmem>> -> memref<1x128x128xf32, #tpu.memory_space<vmem>>
    %dma_start3A_158 = tpu.memref_squeeze %dma_start3A_157 : memref<1x128x128xf32, #tpu.memory_space<vmem>> -> memref<128x128xf32, #tpu.memory_space<vmem>>
    %dma_start3A_159 = arith.constant 0 : i32
    %dma_start3A_160 = tpu.memref_slice %arg5[%dma_start3A_153, %dma_start3A_159] : memref<13x128xi32, #tpu.memory_space<vmem>> -> memref<1x128xi32, #tpu.memory_space<vmem>>
    %dma_start3A_161 = tpu.memref_squeeze %dma_start3A_160 : memref<1x128xi32, #tpu.memory_space<vmem>> -> memref<128xi32, #tpu.memory_space<vmem>>
    %dma_start3A_162 = arith.constant 0 : i32
    %dma_start3A_163 = arith.constant 0 : i32
    %dma_start3A_164 = tpu.memref_slice %arg3[%dma_start3A_162, %dma_start3A_163] : memref<26000x128xf32, #tpu.memory_space<hbm>> -> memref<26000x128xf32, #tpu.memory_space<hbm>>
    tpu.enqueue_indirect_dma source(%dma_start3A_164 : memref<26000x128xf32, #tpu.memory_space<hbm>>) target(%dma_start3A_158 : memref<128x128xf32, #tpu.memory_space<vmem>>) offsets(%dma_start3A_161 : memref<128xi32, #tpu.memory_space<vmem>>) semaphore(%arg7 : memref<!tpu.dma_semaphore, #tpu.memory_space<semaphore_mem>>)
    %add3A_165 = arith.constant 128 : i32
    %add3A_166 = arith.addi %mul3A_2, %add3A_165 : i32
    %jit3A_167 = arith.constant 2048 : i32
    %eq3A_168 = arith.constant 0 : i32
    %eq3A_169 = arith.cmpi eq, %jit3A_167, %eq3A_168 : i32
    %jit3A_170 = arith.constant 1 : i32
    %select_n3A_171 = arith.select %eq3A_169, %jit3A_170, %jit3A_167 : i32
    %rem3A_172 = arith.remsi %add3A_166, %select_n3A_171 : i32
    %ne3A_173 = arith.constant 0 : i32
    %ne3A_174 = arith.cmpi ne, %rem3A_172, %ne3A_173 : i32
    %lt3A_175 = arith.constant 0 : i32
    %lt3A_176 = arith.cmpi slt, %rem3A_172, %lt3A_175 : i32
    %lt3A_177 = arith.constant 0 : i32
    %lt3A_178 = arith.cmpi slt, %select_n3A_171, %lt3A_177 : i32
    %ne3A_179 = arith.xori %lt3A_176, %lt3A_178 : i1
    %and3A_180 = arith.andi %ne3A_179, %ne3A_174 : i1
    %add3A_181 = arith.addi %rem3A_172, %select_n3A_171 : i32
    %select_n3A_182 = arith.select %and3A_180, %add3A_181, %rem3A_172 : i32
    %jit3A_183 = arith.constant 2048 : i32
    %div3A_184 = arith.divsi %add3A_166, %jit3A_183 : i32
    %sign3A_185 = arith.constant 0 : i32
    %sign3A_186 = arith.cmpi sgt, %add3A_166, %sign3A_185 : i32
    %sign3A_187 = arith.extui %sign3A_186 : i1 to i32
    %sign3A_188 = arith.constant 0 : i32
    %sign3A_189 = arith.cmpi slt, %add3A_166, %sign3A_188 : i32
    %sign3A_190 = arith.extui %sign3A_189 : i1 to i32
    %sign3A_191 = arith.subi %sign3A_187, %sign3A_190 : i32
    %sign3A_192 = arith.constant 0 : i32
    %sign3A_193 = arith.cmpi sgt, %jit3A_183, %sign3A_192 : i32
    %sign3A_194 = arith.extui %sign3A_193 : i1 to i32
    %sign3A_195 = arith.constant 0 : i32
    %sign3A_196 = arith.cmpi slt, %jit3A_183, %sign3A_195 : i32
    %sign3A_197 = arith.extui %sign3A_196 : i1 to i32
    %sign3A_198 = arith.subi %sign3A_194, %sign3A_197 : i32
    %ne3A_199 = arith.cmpi ne, %sign3A_191, %sign3A_198 : i32
    %rem3A_200 = arith.remsi %add3A_166, %jit3A_183 : i32
    %ne3A_201 = arith.constant 0 : i32
    %ne3A_202 = arith.cmpi ne, %rem3A_200, %ne3A_201 : i32
    %and3A_203 = arith.andi %ne3A_199, %ne3A_202 : i1
    %sub3A_204 = arith.constant 1 : i32
    %sub3A_205 = arith.subi %div3A_184, %sub3A_204 : i32
    %select_n3A_206 = arith.select %and3A_203, %sub3A_205, %div3A_184 : i32
    %mul3A_207 = arith.constant 128 : i32
    %mul3A_208 = arith.muli %select_n3A_206, %mul3A_207 : i32
    %dma_start3A_209 = arith.constant 1 : i32
    %dma_start3A_210 = arith.constant 0 : i32
    %dma_start3A_211 = arith.constant 0 : i32
    %dma_start3A_212 = tpu.memref_slice %arg6[%dma_start3A_209, %dma_start3A_210, %dma_start3A_211] : memref<6x128x128xf32, #tpu.memory_space<vmem>> -> memref<1x128x128xf32, #tpu.memory_space<vmem>>
    %dma_start3A_213 = tpu.memref_squeeze %dma_start3A_212 : memref<1x128x128xf32, #tpu.memory_space<vmem>> -> memref<128x128xf32, #tpu.memory_space<vmem>>
    %dma_start3A_214 = tpu.memref_slice %arg4[%select_n3A_182, %mul3A_208] : memref<2048x3328xf32, #tpu.memory_space<hbm>> -> memref<128x128xf32, #tpu.memory_space<hbm>>
    %dma_start3A_215 = tpu.memref_slice %arg4[%select_n3A_182, %mul3A_208] : memref<2048x3328xf32, #tpu.memory_space<hbm>> -> memref<128x128xf32, #tpu.memory_space<hbm>>
    %dma_start3A_216 = arith.constant 0 : i32
    %dma_start3A_217 = arith.constant 0 : i32
    %dma_start3A_218 = tpu.memref_slice %arg6[%dma_start3A_209, %dma_start3A_216, %dma_start3A_217] : memref<6x128x128xf32, #tpu.memory_space<vmem>> -> memref<1x128x128xf32, #tpu.memory_space<vmem>>
    %dma_start3A_219 = tpu.memref_squeeze %dma_start3A_218 : memref<1x128x128xf32, #tpu.memory_space<vmem>> -> memref<128x128xf32, #tpu.memory_space<vmem>>
    tpu.enqueue_dma source(%dma_start3A_219 : memref<128x128xf32, #tpu.memory_space<vmem>>) target(%dma_start3A_215 : memref<128x128xf32, #tpu.memory_space<hbm>>) target_semaphore(%arg14 : memref<!tpu.dma_semaphore, #tpu.memory_space<semaphore_mem>>)
    %dma_wait3A_220 = arith.constant 2 : i32
    %dma_wait3A_221 = arith.constant 2 : i32
    %dma_wait3A_222 = arith.constant 0 : i32
    %dma_wait3A_223 = arith.constant 0 : i32
    %dma_wait3A_224 = tpu.memref_slice %arg6[%dma_wait3A_221, %dma_wait3A_222, %dma_wait3A_223] : memref<6x128x128xf32, #tpu.memory_space<vmem>> -> memref<1x128x128xf32, #tpu.memory_space<vmem>>
    %dma_wait3A_225 = tpu.memref_squeeze %dma_wait3A_224 : memref<1x128x128xf32, #tpu.memory_space<vmem>> -> memref<128x128xf32, #tpu.memory_space<vmem>>
    %dma_wait3A_226 = arith.constant 0 : i32
    %dma_wait3A_227 = tpu.memref_slice %arg5[%dma_wait3A_220, %dma_wait3A_226] : memref<13x128xi32, #tpu.memory_space<vmem>> -> memref<1x128xi32, #tpu.memory_space<vmem>>
    %dma_wait3A_228 = tpu.memref_squeeze %dma_wait3A_227 : memref<1x128xi32, #tpu.memory_space<vmem>> -> memref<128xi32, #tpu.memory_space<vmem>>
    %dma_wait3A_229 = arith.constant 0 : i32
    %dma_wait3A_230 = arith.constant 0 : i32
    %dma_wait3A_231 = tpu.memref_slice %arg3[%dma_wait3A_229, %dma_wait3A_230] : memref<26000x128xf32, #tpu.memory_space<hbm>> -> memref<26000x128xf32, #tpu.memory_space<hbm>>
    tpu.wait_indirect_dma semaphore(%arg9 : memref<!tpu.dma_semaphore, #tpu.memory_space<semaphore_mem>>) src(%dma_wait3A_231 : memref<26000x128xf32, #tpu.memory_space<hbm>>) dst(%dma_wait3A_225 : memref<128x128xf32, #tpu.memory_space<vmem>>)
    %dma_wait3A_232 = arith.constant 1 : i32
    %dma_wait3A_233 = arith.constant 0 : i32
    %dma_wait3A_234 = arith.constant 0 : i32
    %dma_wait3A_235 = tpu.memref_slice %arg6[%dma_wait3A_232, %dma_wait3A_233, %dma_wait3A_234] : memref<6x128x128xf32, #tpu.memory_space<vmem>> -> memref<1x128x128xf32, #tpu.memory_space<vmem>>
    %dma_wait3A_236 = tpu.memref_squeeze %dma_wait3A_235 : memref<1x128x128xf32, #tpu.memory_space<vmem>> -> memref<128x128xf32, #tpu.memory_space<vmem>>
    %dma_wait3A_237 = tpu.memref_slice %arg4[%select_n3A_182, %mul3A_208] : memref<2048x3328xf32, #tpu.memory_space<hbm>> -> memref<128x128xf32, #tpu.memory_space<hbm>>
    %dma_wait3A_238 = tpu.memref_slice %arg4[%select_n3A_182, %mul3A_208] : memref<2048x3328xf32, #tpu.memory_space<hbm>> -> memref<128x128xf32, #tpu.memory_space<hbm>>
    %dma_wait3A_239 = arith.constant 0 : i32
    %dma_wait3A_240 = arith.constant 0 : i32
    %dma_wait3A_241 = tpu.memref_slice %arg6[%dma_wait3A_232, %dma_wait3A_239, %dma_wait3A_240] : memref<6x128x128xf32, #tpu.memory_space<vmem>> -> memref<1x128x128xf32, #tpu.memory_space<vmem>>
    %dma_wait3A_242 = tpu.memref_squeeze %dma_wait3A_241 : memref<1x128x128xf32, #tpu.memory_space<vmem>> -> memref<128x128xf32, #tpu.memory_space<vmem>>
    tpu.wait_dma2 semaphore(%arg14 : memref<!tpu.dma_semaphore, #tpu.memory_space<semaphore_mem>>) src(%dma_wait3A_242 : memref<128x128xf32, #tpu.memory_space<vmem>>) dst(%dma_wait3A_238 : memref<128x128xf32, #tpu.memory_space<hbm>>)
    %dma_start3A_243 = arith.constant 7 : i32
    %dma_start3A_244 = arith.constant 1 : i32
    %dma_start3A_245 = arith.constant 0 : i32
    %dma_start3A_246 = arith.constant 0 : i32
    %dma_start3A_247 = tpu.memref_slice %arg6[%dma_start3A_244, %dma_start3A_245, %dma_start3A_246] : memref<6x128x128xf32, #tpu.memory_space<vmem>> -> memref<1x128x128xf32, #tpu.memory_space<vmem>>
    %dma_start3A_248 = tpu.memref_squeeze %dma_start3A_247 : memref<1x128x128xf32, #tpu.memory_space<vmem>> -> memref<128x128xf32, #tpu.memory_space<vmem>>
    %dma_start3A_249 = arith.constant 0 : i32
    %dma_start3A_250 = tpu.memref_slice %arg5[%dma_start3A_243, %dma_start3A_249] : memref<13x128xi32, #tpu.memory_space<vmem>> -> memref<1x128xi32, #tpu.memory_space<vmem>>
    %dma_start3A_251 = tpu.memref_squeeze %dma_start3A_250 : memref<1x128xi32, #tpu.memory_space<vmem>> -> memref<128xi32, #tpu.memory_space<vmem>>
    %dma_start3A_252 = arith.constant 0 : i32
    %dma_start3A_253 = arith.constant 0 : i32
    %dma_start3A_254 = tpu.memref_slice %arg3[%dma_start3A_252, %dma_start3A_253] : memref<26000x128xf32, #tpu.memory_space<hbm>> -> memref<26000x128xf32, #tpu.memory_space<hbm>>
    tpu.enqueue_indirect_dma source(%dma_start3A_254 : memref<26000x128xf32, #tpu.memory_space<hbm>>) target(%dma_start3A_248 : memref<128x128xf32, #tpu.memory_space<vmem>>) offsets(%dma_start3A_251 : memref<128xi32, #tpu.memory_space<vmem>>) semaphore(%arg8 : memref<!tpu.dma_semaphore, #tpu.memory_space<semaphore_mem>>)
    %add3A_255 = arith.constant 256 : i32
    %add3A_256 = arith.addi %mul3A_2, %add3A_255 : i32
    %jit3A_257 = arith.constant 2048 : i32
    %eq3A_258 = arith.constant 0 : i32
    %eq3A_259 = arith.cmpi eq, %jit3A_257, %eq3A_258 : i32
    %jit3A_260 = arith.constant 1 : i32
    %select_n3A_261 = arith.select %eq3A_259, %jit3A_260, %jit3A_257 : i32
    %rem3A_262 = arith.remsi %add3A_256, %select_n3A_261 : i32
    %ne3A_263 = arith.constant 0 : i32
    %ne3A_264 = arith.cmpi ne, %rem3A_262, %ne3A_263 : i32
    %lt3A_265 = arith.constant 0 : i32
    %lt3A_266 = arith.cmpi slt, %rem3A_262, %lt3A_265 : i32
    %lt3A_267 = arith.constant 0 : i32
    %lt3A_268 = arith.cmpi slt, %select_n3A_261, %lt3A_267 : i32
    %ne3A_269 = arith.xori %lt3A_266, %lt3A_268 : i1
    %and3A_270 = arith.andi %ne3A_269, %ne3A_264 : i1
    %add3A_271 = arith.addi %rem3A_262, %select_n3A_261 : i32
    %select_n3A_272 = arith.select %and3A_270, %add3A_271, %rem3A_262 : i32
    %jit3A_273 = arith.constant 2048 : i32
    %div3A_274 = arith.divsi %add3A_256, %jit3A_273 : i32
    %sign3A_275 = arith.constant 0 : i32
    %sign3A_276 = arith.cmpi sgt, %add3A_256, %sign3A_275 : i32
    %sign3A_277 = arith.extui %sign3A_276 : i1 to i32
    %sign3A_278 = arith.constant 0 : i32
    %sign3A_279 = arith.cmpi slt, %add3A_256, %sign3A_278 : i32
    %sign3A_280 = arith.extui %sign3A_279 : i1 to i32
    %sign3A_281 = arith.subi %sign3A_277, %sign3A_280 : i32
    %sign3A_282 = arith.constant 0 : i32
    %sign3A_283 = arith.cmpi sgt, %jit3A_273, %sign3A_282 : i32
    %sign3A_284 = arith.extui %sign3A_283 : i1 to i32
    %sign3A_285 = arith.constant 0 : i32
    %sign3A_286 = arith.cmpi slt, %jit3A_273, %sign3A_285 : i32
    %sign3A_287 = arith.extui %sign3A_286 : i1 to i32
    %sign3A_288 = arith.subi %sign3A_284, %sign3A_287 : i32
    %ne3A_289 = arith.cmpi ne, %sign3A_281, %sign3A_288 : i32
    %rem3A_290 = arith.remsi %add3A_256, %jit3A_273 : i32
    %ne3A_291 = arith.constant 0 : i32
    %ne3A_292 = arith.cmpi ne, %rem3A_290, %ne3A_291 : i32
    %and3A_293 = arith.andi %ne3A_289, %ne3A_292 : i1
    %sub3A_294 = arith.constant 1 : i32
    %sub3A_295 = arith.subi %div3A_274, %sub3A_294 : i32
    %select_n3A_296 = arith.select %and3A_293, %sub3A_295, %div3A_274 : i32
    %mul3A_297 = arith.constant 128 : i32
    %mul3A_298 = arith.muli %select_n3A_296, %mul3A_297 : i32
    %dma_start3A_299 = arith.constant 2 : i32
    %dma_start3A_300 = arith.constant 0 : i32
    %dma_start3A_301 = arith.constant 0 : i32
    %dma_start3A_302 = tpu.memref_slice %arg6[%dma_start3A_299, %dma_start3A_300, %dma_start3A_301] : memref<6x128x128xf32, #tpu.memory_space<vmem>> -> memref<1x128x128xf32, #tpu.memory_space<vmem>>
    %dma_start3A_303 = tpu.memref_squeeze %dma_start3A_302 : memref<1x128x128xf32, #tpu.memory_space<vmem>> -> memref<128x128xf32, #tpu.memory_space<vmem>>
    %dma_start3A_304 = tpu.memref_slice %arg4[%select_n3A_272, %mul3A_298] : memref<2048x3328xf32, #tpu.memory_space<hbm>> -> memref<128x128xf32, #tpu.memory_space<hbm>>
    %dma_start3A_305 = tpu.memref_slice %arg4[%select_n3A_272, %mul3A_298] : memref<2048x3328xf32, #tpu.memory_space<hbm>> -> memref<128x128xf32, #tpu.memory_space<hbm>>
    %dma_start3A_306 = arith.constant 0 : i32
    %dma_start3A_307 = arith.constant 0 : i32
    %dma_start3A_308 = tpu.memref_slice %arg6[%dma_start3A_299, %dma_start3A_306, %dma_start3A_307] : memref<6x128x128xf32, #tpu.memory_space<vmem>> -> memref<1x128x128xf32, #tpu.memory_space<vmem>>
    %dma_start3A_309 = tpu.memref_squeeze %dma_start3A_308 : memref<1x128x128xf32, #tpu.memory_space<vmem>> -> memref<128x128xf32, #tpu.memory_space<vmem>>
    tpu.enqueue_dma source(%dma_start3A_309 : memref<128x128xf32, #tpu.memory_space<vmem>>) target(%dma_start3A_305 : memref<128x128xf32, #tpu.memory_space<hbm>>) target_semaphore(%arg15 : memref<!tpu.dma_semaphore, #tpu.memory_space<semaphore_mem>>)
    %dma_wait3A_310 = arith.constant 3 : i32
    %dma_wait3A_311 = arith.constant 3 : i32
    %dma_wait3A_312 = arith.constant 0 : i32
    %dma_wait3A_313 = arith.constant 0 : i32
    %dma_wait3A_314 = tpu.memref_slice %arg6[%dma_wait3A_311, %dma_wait3A_312, %dma_wait3A_313] : memref<6x128x128xf32, #tpu.memory_space<vmem>> -> memref<1x128x128xf32, #tpu.memory_space<vmem>>
    %dma_wait3A_315 = tpu.memref_squeeze %dma_wait3A_314 : memref<1x128x128xf32, #tpu.memory_space<vmem>> -> memref<128x128xf32, #tpu.memory_space<vmem>>
    %dma_wait3A_316 = arith.constant 0 : i32
    %dma_wait3A_317 = tpu.memref_slice %arg5[%dma_wait3A_310, %dma_wait3A_316] : memref<13x128xi32, #tpu.memory_space<vmem>> -> memref<1x128xi32, #tpu.memory_space<vmem>>
    %dma_wait3A_318 = tpu.memref_squeeze %dma_wait3A_317 : memref<1x128xi32, #tpu.memory_space<vmem>> -> memref<128xi32, #tpu.memory_space<vmem>>
    %dma_wait3A_319 = arith.constant 0 : i32
    %dma_wait3A_320 = arith.constant 0 : i32
    %dma_wait3A_321 = tpu.memref_slice %arg3[%dma_wait3A_319, %dma_wait3A_320] : memref<26000x128xf32, #tpu.memory_space<hbm>> -> memref<26000x128xf32, #tpu.memory_space<hbm>>
    tpu.wait_indirect_dma semaphore(%arg10 : memref<!tpu.dma_semaphore, #tpu.memory_space<semaphore_mem>>) src(%dma_wait3A_321 : memref<26000x128xf32, #tpu.memory_space<hbm>>) dst(%dma_wait3A_315 : memref<128x128xf32, #tpu.memory_space<vmem>>)
    %dma_wait3A_322 = arith.constant 2 : i32
    %dma_wait3A_323 = arith.constant 0 : i32
    %dma_wait3A_324 = arith.constant 0 : i32
    %dma_wait3A_325 = tpu.memref_slice %arg6[%dma_wait3A_322, %dma_wait3A_323, %dma_wait3A_324] : memref<6x128x128xf32, #tpu.memory_space<vmem>> -> memref<1x128x128xf32, #tpu.memory_space<vmem>>
    %dma_wait3A_326 = tpu.memref_squeeze %dma_wait3A_325 : memref<1x128x128xf32, #tpu.memory_space<vmem>> -> memref<128x128xf32, #tpu.memory_space<vmem>>
    %dma_wait3A_327 = tpu.memref_slice %arg4[%select_n3A_272, %mul3A_298] : memref<2048x3328xf32, #tpu.memory_space<hbm>> -> memref<128x128xf32, #tpu.memory_space<hbm>>
    %dma_wait3A_328 = tpu.memref_slice %arg4[%select_n3A_272, %mul3A_298] : memref<2048x3328xf32, #tpu.memory_space<hbm>> -> memref<128x128xf32, #tpu.memory_space<hbm>>
    %dma_wait3A_329 = arith.constant 0 : i32
    %dma_wait3A_330 = arith.constant 0 : i32
    %dma_wait3A_331 = tpu.memref_slice %arg6[%dma_wait3A_322, %dma_wait3A_329, %dma_wait3A_330] : memref<6x128x128xf32, #tpu.memory_space<vmem>> -> memref<1x128x128xf32, #tpu.memory_space<vmem>>
    %dma_wait3A_332 = tpu.memref_squeeze %dma_wait3A_331 : memref<1x128x128xf32, #tpu.memory_space<vmem>> -> memref<128x128xf32, #tpu.memory_space<vmem>>
    tpu.wait_dma2 semaphore(%arg15 : memref<!tpu.dma_semaphore, #tpu.memory_space<semaphore_mem>>) src(%dma_wait3A_332 : memref<128x128xf32, #tpu.memory_space<vmem>>) dst(%dma_wait3A_328 : memref<128x128xf32, #tpu.memory_space<hbm>>)
    %dma_start3A_333 = arith.constant 8 : i32
    %dma_start3A_334 = arith.constant 2 : i32
    %dma_start3A_335 = arith.constant 0 : i32
    %dma_start3A_336 = arith.constant 0 : i32
    %dma_start3A_337 = tpu.memref_slice %arg6[%dma_start3A_334, %dma_start3A_335, %dma_start3A_336] : memref<6x128x128xf32, #tpu.memory_space<vmem>> -> memref<1x128x128xf32, #tpu.memory_space<vmem>>
    %dma_start3A_338 = tpu.memref_squeeze %dma_start3A_337 : memref<1x128x128xf32, #tpu.memory_space<vmem>> -> memref<128x128xf32, #tpu.memory_space<vmem>>
    %dma_start3A_339 = arith.constant 0 : i32
    %dma_start3A_340 = tpu.memref_slice %arg5[%dma_start3A_333, %dma_start3A_339] : memref<13x128xi32, #tpu.memory_space<vmem>> -> memref<1x128xi32, #tpu.memory_space<vmem>>
    %dma_start3A_341 = tpu.memref_squeeze %dma_start3A_340 : memref<1x128xi32, #tpu.memory_space<vmem>> -> memref<128xi32, #tpu.memory_space<vmem>>
    %dma_start3A_342 = arith.constant 0 : i32
    %dma_start3A_343 = arith.constant 0 : i32
    %dma_start3A_344 = tpu.memref_slice %arg3[%dma_start3A_342, %dma_start3A_343] : memref<26000x128xf32, #tpu.memory_space<hbm>> -> memref<26000x128xf32, #tpu.memory_space<hbm>>
    tpu.enqueue_indirect_dma source(%dma_start3A_344 : memref<26000x128xf32, #tpu.memory_space<hbm>>) target(%dma_start3A_338 : memref<128x128xf32, #tpu.memory_space<vmem>>) offsets(%dma_start3A_341 : memref<128xi32, #tpu.memory_space<vmem>>) semaphore(%arg9 : memref<!tpu.dma_semaphore, #tpu.memory_space<semaphore_mem>>)
    %add3A_345 = arith.constant 384 : i32
    %add3A_346 = arith.addi %mul3A_2, %add3A_345 : i32
    %jit3A_347 = arith.constant 2048 : i32
    %eq3A_348 = arith.constant 0 : i32
    %eq3A_349 = arith.cmpi eq, %jit3A_347, %eq3A_348 : i32
    %jit3A_350 = arith.constant 1 : i32
    %select_n3A_351 = arith.select %eq3A_349, %jit3A_350, %jit3A_347 : i32
    %rem3A_352 = arith.remsi %add3A_346, %select_n3A_351 : i32
    %ne3A_353 = arith.constant 0 : i32
    %ne3A_354 = arith.cmpi ne, %rem3A_352, %ne3A_353 : i32
    %lt3A_355 = arith.constant 0 : i32
    %lt3A_356 = arith.cmpi slt, %rem3A_352, %lt3A_355 : i32
    %lt3A_357 = arith.constant 0 : i32
    %lt3A_358 = arith.cmpi slt, %select_n3A_351, %lt3A_357 : i32
    %ne3A_359 = arith.xori %lt3A_356, %lt3A_358 : i1
    %and3A_360 = arith.andi %ne3A_359, %ne3A_354 : i1
    %add3A_361 = arith.addi %rem3A_352, %select_n3A_351 : i32
    %select_n3A_362 = arith.select %and3A_360, %add3A_361, %rem3A_352 : i32
    %jit3A_363 = arith.constant 2048 : i32
    %div3A_364 = arith.divsi %add3A_346, %jit3A_363 : i32
    %sign3A_365 = arith.constant 0 : i32
    %sign3A_366 = arith.cmpi sgt, %add3A_346, %sign3A_365 : i32
    %sign3A_367 = arith.extui %sign3A_366 : i1 to i32
    %sign3A_368 = arith.constant 0 : i32
    %sign3A_369 = arith.cmpi slt, %add3A_346, %sign3A_368 : i32
    %sign3A_370 = arith.extui %sign3A_369 : i1 to i32
    %sign3A_371 = arith.subi %sign3A_367, %sign3A_370 : i32
    %sign3A_372 = arith.constant 0 : i32
    %sign3A_373 = arith.cmpi sgt, %jit3A_363, %sign3A_372 : i32
    %sign3A_374 = arith.extui %sign3A_373 : i1 to i32
    %sign3A_375 = arith.constant 0 : i32
    %sign3A_376 = arith.cmpi slt, %jit3A_363, %sign3A_375 : i32
    %sign3A_377 = arith.extui %sign3A_376 : i1 to i32
    %sign3A_378 = arith.subi %sign3A_374, %sign3A_377 : i32
    %ne3A_379 = arith.cmpi ne, %sign3A_371, %sign3A_378 : i32
    %rem3A_380 = arith.remsi %add3A_346, %jit3A_363 : i32
    %ne3A_381 = arith.constant 0 : i32
    %ne3A_382 = arith.cmpi ne, %rem3A_380, %ne3A_381 : i32
    %and3A_383 = arith.andi %ne3A_379, %ne3A_382 : i1
    %sub3A_384 = arith.constant 1 : i32
    %sub3A_385 = arith.subi %div3A_364, %sub3A_384 : i32
    %select_n3A_386 = arith.select %and3A_383, %sub3A_385, %div3A_364 : i32
    %mul3A_387 = arith.constant 128 : i32
    %mul3A_388 = arith.muli %select_n3A_386, %mul3A_387 : i32
    %dma_start3A_389 = arith.constant 3 : i32
    %dma_start3A_390 = arith.constant 0 : i32
    %dma_start3A_391 = arith.constant 0 : i32
    %dma_start3A_392 = tpu.memref_slice %arg6[%dma_start3A_389, %dma_start3A_390, %dma_start3A_391] : memref<6x128x128xf32, #tpu.memory_space<vmem>> -> memref<1x128x128xf32, #tpu.memory_space<vmem>>
    %dma_start3A_393 = tpu.memref_squeeze %dma_start3A_392 : memref<1x128x128xf32, #tpu.memory_space<vmem>> -> memref<128x128xf32, #tpu.memory_space<vmem>>
    %dma_start3A_394 = tpu.memref_slice %arg4[%select_n3A_362, %mul3A_388] : memref<2048x3328xf32, #tpu.memory_space<hbm>> -> memref<128x128xf32, #tpu.memory_space<hbm>>
    %dma_start3A_395 = tpu.memref_slice %arg4[%select_n3A_362, %mul3A_388] : memref<2048x3328xf32, #tpu.memory_space<hbm>> -> memref<128x128xf32, #tpu.memory_space<hbm>>
    %dma_start3A_396 = arith.constant 0 : i32
    %dma_start3A_397 = arith.constant 0 : i32
    %dma_start3A_398 = tpu.memref_slice %arg6[%dma_start3A_389, %dma_start3A_396, %dma_start3A_397] : memref<6x128x128xf32, #tpu.memory_space<vmem>> -> memref<1x128x128xf32, #tpu.memory_space<vmem>>
    %dma_start3A_399 = tpu.memref_squeeze %dma_start3A_398 : memref<1x128x128xf32, #tpu.memory_space<vmem>> -> memref<128x128xf32, #tpu.memory_space<vmem>>
    tpu.enqueue_dma source(%dma_start3A_399 : memref<128x128xf32, #tpu.memory_space<vmem>>) target(%dma_start3A_395 : memref<128x128xf32, #tpu.memory_space<hbm>>) target_semaphore(%arg16 : memref<!tpu.dma_semaphore, #tpu.memory_space<semaphore_mem>>)
    %dma_wait3A_400 = arith.constant 4 : i32
    %dma_wait3A_401 = arith.constant 4 : i32
    %dma_wait3A_402 = arith.constant 0 : i32
    %dma_wait3A_403 = arith.constant 0 : i32
    %dma_wait3A_404 = tpu.memref_slice %arg6[%dma_wait3A_401, %dma_wait3A_402, %dma_wait3A_403] : memref<6x128x128xf32, #tpu.memory_space<vmem>> -> memref<1x128x128xf32, #tpu.memory_space<vmem>>
    %dma_wait3A_405 = tpu.memref_squeeze %dma_wait3A_404 : memref<1x128x128xf32, #tpu.memory_space<vmem>> -> memref<128x128xf32, #tpu.memory_space<vmem>>
    %dma_wait3A_406 = arith.constant 0 : i32
    %dma_wait3A_407 = tpu.memref_slice %arg5[%dma_wait3A_400, %dma_wait3A_406] : memref<13x128xi32, #tpu.memory_space<vmem>> -> memref<1x128xi32, #tpu.memory_space<vmem>>
    %dma_wait3A_408 = tpu.memref_squeeze %dma_wait3A_407 : memref<1x128xi32, #tpu.memory_space<vmem>> -> memref<128xi32, #tpu.memory_space<vmem>>
    %dma_wait3A_409 = arith.constant 0 : i32
    %dma_wait3A_410 = arith.constant 0 : i32
    %dma_wait3A_411 = tpu.memref_slice %arg3[%dma_wait3A_409, %dma_wait3A_410] : memref<26000x128xf32, #tpu.memory_space<hbm>> -> memref<26000x128xf32, #tpu.memory_space<hbm>>
    tpu.wait_indirect_dma semaphore(%arg11 : memref<!tpu.dma_semaphore, #tpu.memory_space<semaphore_mem>>) src(%dma_wait3A_411 : memref<26000x128xf32, #tpu.memory_space<hbm>>) dst(%dma_wait3A_405 : memref<128x128xf32, #tpu.memory_space<vmem>>)
    %dma_wait3A_412 = arith.constant 3 : i32
    %dma_wait3A_413 = arith.constant 0 : i32
    %dma_wait3A_414 = arith.constant 0 : i32
    %dma_wait3A_415 = tpu.memref_slice %arg6[%dma_wait3A_412, %dma_wait3A_413, %dma_wait3A_414] : memref<6x128x128xf32, #tpu.memory_space<vmem>> -> memref<1x128x128xf32, #tpu.memory_space<vmem>>
    %dma_wait3A_416 = tpu.memref_squeeze %dma_wait3A_415 : memref<1x128x128xf32, #tpu.memory_space<vmem>> -> memref<128x128xf32, #tpu.memory_space<vmem>>
    %dma_wait3A_417 = tpu.memref_slice %arg4[%select_n3A_362, %mul3A_388] : memref<2048x3328xf32, #tpu.memory_space<hbm>> -> memref<128x128xf32, #tpu.memory_space<hbm>>
    %dma_wait3A_418 = tpu.memref_slice %arg4[%select_n3A_362, %mul3A_388] : memref<2048x3328xf32, #tpu.memory_space<hbm>> -> memref<128x128xf32, #tpu.memory_space<hbm>>
    %dma_wait3A_419 = arith.constant 0 : i32
    %dma_wait3A_420 = arith.constant 0 : i32
    %dma_wait3A_421 = tpu.memref_slice %arg6[%dma_wait3A_412, %dma_wait3A_419, %dma_wait3A_420] : memref<6x128x128xf32, #tpu.memory_space<vmem>> -> memref<1x128x128xf32, #tpu.memory_space<vmem>>
    %dma_wait3A_422 = tpu.memref_squeeze %dma_wait3A_421 : memref<1x128x128xf32, #tpu.memory_space<vmem>> -> memref<128x128xf32, #tpu.memory_space<vmem>>
    tpu.wait_dma2 semaphore(%arg16 : memref<!tpu.dma_semaphore, #tpu.memory_space<semaphore_mem>>) src(%dma_wait3A_422 : memref<128x128xf32, #tpu.memory_space<vmem>>) dst(%dma_wait3A_418 : memref<128x128xf32, #tpu.memory_space<hbm>>)
    %dma_start3A_423 = arith.constant 9 : i32
    %dma_start3A_424 = arith.constant 3 : i32
    %dma_start3A_425 = arith.constant 0 : i32
    %dma_start3A_426 = arith.constant 0 : i32
    %dma_start3A_427 = tpu.memref_slice %arg6[%dma_start3A_424, %dma_start3A_425, %dma_start3A_426] : memref<6x128x128xf32, #tpu.memory_space<vmem>> -> memref<1x128x128xf32, #tpu.memory_space<vmem>>
    %dma_start3A_428 = tpu.memref_squeeze %dma_start3A_427 : memref<1x128x128xf32, #tpu.memory_space<vmem>> -> memref<128x128xf32, #tpu.memory_space<vmem>>
    %dma_start3A_429 = arith.constant 0 : i32
    %dma_start3A_430 = tpu.memref_slice %arg5[%dma_start3A_423, %dma_start3A_429] : memref<13x128xi32, #tpu.memory_space<vmem>> -> memref<1x128xi32, #tpu.memory_space<vmem>>
    %dma_start3A_431 = tpu.memref_squeeze %dma_start3A_430 : memref<1x128xi32, #tpu.memory_space<vmem>> -> memref<128xi32, #tpu.memory_space<vmem>>
    %dma_start3A_432 = arith.constant 0 : i32
    %dma_start3A_433 = arith.constant 0 : i32
    %dma_start3A_434 = tpu.memref_slice %arg3[%dma_start3A_432, %dma_start3A_433] : memref<26000x128xf32, #tpu.memory_space<hbm>> -> memref<26000x128xf32, #tpu.memory_space<hbm>>
    tpu.enqueue_indirect_dma source(%dma_start3A_434 : memref<26000x128xf32, #tpu.memory_space<hbm>>) target(%dma_start3A_428 : memref<128x128xf32, #tpu.memory_space<vmem>>) offsets(%dma_start3A_431 : memref<128xi32, #tpu.memory_space<vmem>>) semaphore(%arg10 : memref<!tpu.dma_semaphore, #tpu.memory_space<semaphore_mem>>)
    %add3A_435 = arith.constant 512 : i32
    %add3A_436 = arith.addi %mul3A_2, %add3A_435 : i32
    %jit3A_437 = arith.constant 2048 : i32
    %eq3A_438 = arith.constant 0 : i32
    %eq3A_439 = arith.cmpi eq, %jit3A_437, %eq3A_438 : i32
    %jit3A_440 = arith.constant 1 : i32
    %select_n3A_441 = arith.select %eq3A_439, %jit3A_440, %jit3A_437 : i32
    %rem3A_442 = arith.remsi %add3A_436, %select_n3A_441 : i32
    %ne3A_443 = arith.constant 0 : i32
    %ne3A_444 = arith.cmpi ne, %rem3A_442, %ne3A_443 : i32
    %lt3A_445 = arith.constant 0 : i32
    %lt3A_446 = arith.cmpi slt, %rem3A_442, %lt3A_445 : i32
    %lt3A_447 = arith.constant 0 : i32
    %lt3A_448 = arith.cmpi slt, %select_n3A_441, %lt3A_447 : i32
    %ne3A_449 = arith.xori %lt3A_446, %lt3A_448 : i1
    %and3A_450 = arith.andi %ne3A_449, %ne3A_444 : i1
    %add3A_451 = arith.addi %rem3A_442, %select_n3A_441 : i32
    %select_n3A_452 = arith.select %and3A_450, %add3A_451, %rem3A_442 : i32
    %jit3A_453 = arith.constant 2048 : i32
    %div3A_454 = arith.divsi %add3A_436, %jit3A_453 : i32
    %sign3A_455 = arith.constant 0 : i32
    %sign3A_456 = arith.cmpi sgt, %add3A_436, %sign3A_455 : i32
    %sign3A_457 = arith.extui %sign3A_456 : i1 to i32
    %sign3A_458 = arith.constant 0 : i32
    %sign3A_459 = arith.cmpi slt, %add3A_436, %sign3A_458 : i32
    %sign3A_460 = arith.extui %sign3A_459 : i1 to i32
    %sign3A_461 = arith.subi %sign3A_457, %sign3A_460 : i32
    %sign3A_462 = arith.constant 0 : i32
    %sign3A_463 = arith.cmpi sgt, %jit3A_453, %sign3A_462 : i32
    %sign3A_464 = arith.extui %sign3A_463 : i1 to i32
    %sign3A_465 = arith.constant 0 : i32
    %sign3A_466 = arith.cmpi slt, %jit3A_453, %sign3A_465 : i32
    %sign3A_467 = arith.extui %sign3A_466 : i1 to i32
    %sign3A_468 = arith.subi %sign3A_464, %sign3A_467 : i32
    %ne3A_469 = arith.cmpi ne, %sign3A_461, %sign3A_468 : i32
    %rem3A_470 = arith.remsi %add3A_436, %jit3A_453 : i32
    %ne3A_471 = arith.constant 0 : i32
    %ne3A_472 = arith.cmpi ne, %rem3A_470, %ne3A_471 : i32
    %and3A_473 = arith.andi %ne3A_469, %ne3A_472 : i1
    %sub3A_474 = arith.constant 1 : i32
    %sub3A_475 = arith.subi %div3A_454, %sub3A_474 : i32
    %select_n3A_476 = arith.select %and3A_473, %sub3A_475, %div3A_454 : i32
    %mul3A_477 = arith.constant 128 : i32
    %mul3A_478 = arith.muli %select_n3A_476, %mul3A_477 : i32
    %dma_start3A_479 = arith.constant 4 : i32
    %dma_start3A_480 = arith.constant 0 : i32
    %dma_start3A_481 = arith.constant 0 : i32
    %dma_start3A_482 = tpu.memref_slice %arg6[%dma_start3A_479, %dma_start3A_480, %dma_start3A_481] : memref<6x128x128xf32, #tpu.memory_space<vmem>> -> memref<1x128x128xf32, #tpu.memory_space<vmem>>
    %dma_start3A_483 = tpu.memref_squeeze %dma_start3A_482 : memref<1x128x128xf32, #tpu.memory_space<vmem>> -> memref<128x128xf32, #tpu.memory_space<vmem>>
    %dma_start3A_484 = tpu.memref_slice %arg4[%select_n3A_452, %mul3A_478] : memref<2048x3328xf32, #tpu.memory_space<hbm>> -> memref<128x128xf32, #tpu.memory_space<hbm>>
    %dma_start3A_485 = tpu.memref_slice %arg4[%select_n3A_452, %mul3A_478] : memref<2048x3328xf32, #tpu.memory_space<hbm>> -> memref<128x128xf32, #tpu.memory_space<hbm>>
    %dma_start3A_486 = arith.constant 0 : i32
    %dma_start3A_487 = arith.constant 0 : i32
    %dma_start3A_488 = tpu.memref_slice %arg6[%dma_start3A_479, %dma_start3A_486, %dma_start3A_487] : memref<6x128x128xf32, #tpu.memory_space<vmem>> -> memref<1x128x128xf32, #tpu.memory_space<vmem>>
    %dma_start3A_489 = tpu.memref_squeeze %dma_start3A_488 : memref<1x128x128xf32, #tpu.memory_space<vmem>> -> memref<128x128xf32, #tpu.memory_space<vmem>>
    tpu.enqueue_dma source(%dma_start3A_489 : memref<128x128xf32, #tpu.memory_space<vmem>>) target(%dma_start3A_485 : memref<128x128xf32, #tpu.memory_space<hbm>>) target_semaphore(%arg17 : memref<!tpu.dma_semaphore, #tpu.memory_space<semaphore_mem>>)
    %dma_wait3A_490 = arith.constant 5 : i32
    %dma_wait3A_491 = arith.constant 5 : i32
    %dma_wait3A_492 = arith.constant 0 : i32
    %dma_wait3A_493 = arith.constant 0 : i32
    %dma_wait3A_494 = tpu.memref_slice %arg6[%dma_wait3A_491, %dma_wait3A_492, %dma_wait3A_493] : memref<6x128x128xf32, #tpu.memory_space<vmem>> -> memref<1x128x128xf32, #tpu.memory_space<vmem>>
    %dma_wait3A_495 = tpu.memref_squeeze %dma_wait3A_494 : memref<1x128x128xf32, #tpu.memory_space<vmem>> -> memref<128x128xf32, #tpu.memory_space<vmem>>
    %dma_wait3A_496 = arith.constant 0 : i32
    %dma_wait3A_497 = tpu.memref_slice %arg5[%dma_wait3A_490, %dma_wait3A_496] : memref<13x128xi32, #tpu.memory_space<vmem>> -> memref<1x128xi32, #tpu.memory_space<vmem>>
    %dma_wait3A_498 = tpu.memref_squeeze %dma_wait3A_497 : memref<1x128xi32, #tpu.memory_space<vmem>> -> memref<128xi32, #tpu.memory_space<vmem>>
    %dma_wait3A_499 = arith.constant 0 : i32
    %dma_wait3A_500 = arith.constant 0 : i32
    %dma_wait3A_501 = tpu.memref_slice %arg3[%dma_wait3A_499, %dma_wait3A_500] : memref<26000x128xf32, #tpu.memory_space<hbm>> -> memref<26000x128xf32, #tpu.memory_space<hbm>>
    tpu.wait_indirect_dma semaphore(%arg12 : memref<!tpu.dma_semaphore, #tpu.memory_space<semaphore_mem>>) src(%dma_wait3A_501 : memref<26000x128xf32, #tpu.memory_space<hbm>>) dst(%dma_wait3A_495 : memref<128x128xf32, #tpu.memory_space<vmem>>)
    %dma_wait3A_502 = arith.constant 4 : i32
    %dma_wait3A_503 = arith.constant 0 : i32
    %dma_wait3A_504 = arith.constant 0 : i32
    %dma_wait3A_505 = tpu.memref_slice %arg6[%dma_wait3A_502, %dma_wait3A_503, %dma_wait3A_504] : memref<6x128x128xf32, #tpu.memory_space<vmem>> -> memref<1x128x128xf32, #tpu.memory_space<vmem>>
    %dma_wait3A_506 = tpu.memref_squeeze %dma_wait3A_505 : memref<1x128x128xf32, #tpu.memory_space<vmem>> -> memref<128x128xf32, #tpu.memory_space<vmem>>
    %dma_wait3A_507 = tpu.memref_slice %arg4[%select_n3A_452, %mul3A_478] : memref<2048x3328xf32, #tpu.memory_space<hbm>> -> memref<128x128xf32, #tpu.memory_space<hbm>>
    %dma_wait3A_508 = tpu.memref_slice %arg4[%select_n3A_452, %mul3A_478] : memref<2048x3328xf32, #tpu.memory_space<hbm>> -> memref<128x128xf32, #tpu.memory_space<hbm>>
    %dma_wait3A_509 = arith.constant 0 : i32
    %dma_wait3A_510 = arith.constant 0 : i32
    %dma_wait3A_511 = tpu.memref_slice %arg6[%dma_wait3A_502, %dma_wait3A_509, %dma_wait3A_510] : memref<6x128x128xf32, #tpu.memory_space<vmem>> -> memref<1x128x128xf32, #tpu.memory_space<vmem>>
    %dma_wait3A_512 = tpu.memref_squeeze %dma_wait3A_511 : memref<1x128x128xf32, #tpu.memory_space<vmem>> -> memref<128x128xf32, #tpu.memory_space<vmem>>
    tpu.wait_dma2 semaphore(%arg17 : memref<!tpu.dma_semaphore, #tpu.memory_space<semaphore_mem>>) src(%dma_wait3A_512 : memref<128x128xf32, #tpu.memory_space<vmem>>) dst(%dma_wait3A_508 : memref<128x128xf32, #tpu.memory_space<hbm>>)
    %dma_start3A_513 = arith.constant 10 : i32
    %dma_start3A_514 = arith.constant 4 : i32
    %dma_start3A_515 = arith.constant 0 : i32
    %dma_start3A_516 = arith.constant 0 : i32
    %dma_start3A_517 = tpu.memref_slice %arg6[%dma_start3A_514, %dma_start3A_515, %dma_start3A_516] : memref<6x128x128xf32, #tpu.memory_space<vmem>> -> memref<1x128x128xf32, #tpu.memory_space<vmem>>
    %dma_start3A_518 = tpu.memref_squeeze %dma_start3A_517 : memref<1x128x128xf32, #tpu.memory_space<vmem>> -> memref<128x128xf32, #tpu.memory_space<vmem>>
    %dma_start3A_519 = arith.constant 0 : i32
    %dma_start3A_520 = tpu.memref_slice %arg5[%dma_start3A_513, %dma_start3A_519] : memref<13x128xi32, #tpu.memory_space<vmem>> -> memref<1x128xi32, #tpu.memory_space<vmem>>
    %dma_start3A_521 = tpu.memref_squeeze %dma_start3A_520 : memref<1x128xi32, #tpu.memory_space<vmem>> -> memref<128xi32, #tpu.memory_space<vmem>>
    %dma_start3A_522 = arith.constant 0 : i32
    %dma_start3A_523 = arith.constant 0 : i32
    %dma_start3A_524 = tpu.memref_slice %arg3[%dma_start3A_522, %dma_start3A_523] : memref<26000x128xf32, #tpu.memory_space<hbm>> -> memref<26000x128xf32, #tpu.memory_space<hbm>>
    tpu.enqueue_indirect_dma source(%dma_start3A_524 : memref<26000x128xf32, #tpu.memory_space<hbm>>) target(%dma_start3A_518 : memref<128x128xf32, #tpu.memory_space<vmem>>) offsets(%dma_start3A_521 : memref<128xi32, #tpu.memory_space<vmem>>) semaphore(%arg11 : memref<!tpu.dma_semaphore, #tpu.memory_space<semaphore_mem>>)
    %add3A_525 = arith.constant 640 : i32
    %add3A_526 = arith.addi %mul3A_2, %add3A_525 : i32
    %jit3A_527 = arith.constant 2048 : i32
    %eq3A_528 = arith.constant 0 : i32
    %eq3A_529 = arith.cmpi eq, %jit3A_527, %eq3A_528 : i32
    %jit3A_530 = arith.constant 1 : i32
    %select_n3A_531 = arith.select %eq3A_529, %jit3A_530, %jit3A_527 : i32
    %rem3A_532 = arith.remsi %add3A_526, %select_n3A_531 : i32
    %ne3A_533 = arith.constant 0 : i32
    %ne3A_534 = arith.cmpi ne, %rem3A_532, %ne3A_533 : i32
    %lt3A_535 = arith.constant 0 : i32
    %lt3A_536 = arith.cmpi slt, %rem3A_532, %lt3A_535 : i32
    %lt3A_537 = arith.constant 0 : i32
    %lt3A_538 = arith.cmpi slt, %select_n3A_531, %lt3A_537 : i32
    %ne3A_539 = arith.xori %lt3A_536, %lt3A_538 : i1
    %and3A_540 = arith.andi %ne3A_539, %ne3A_534 : i1
    %add3A_541 = arith.addi %rem3A_532, %select_n3A_531 : i32
    %select_n3A_542 = arith.select %and3A_540, %add3A_541, %rem3A_532 : i32
    %jit3A_543 = arith.constant 2048 : i32
    %div3A_544 = arith.divsi %add3A_526, %jit3A_543 : i32
    %sign3A_545 = arith.constant 0 : i32
    %sign3A_546 = arith.cmpi sgt, %add3A_526, %sign3A_545 : i32
    %sign3A_547 = arith.extui %sign3A_546 : i1 to i32
    %sign3A_548 = arith.constant 0 : i32
    %sign3A_549 = arith.cmpi slt, %add3A_526, %sign3A_548 : i32
    %sign3A_550 = arith.extui %sign3A_549 : i1 to i32
    %sign3A_551 = arith.subi %sign3A_547, %sign3A_550 : i32
    %sign3A_552 = arith.constant 0 : i32
    %sign3A_553 = arith.cmpi sgt, %jit3A_543, %sign3A_552 : i32
    %sign3A_554 = arith.extui %sign3A_553 : i1 to i32
    %sign3A_555 = arith.constant 0 : i32
    %sign3A_556 = arith.cmpi slt, %jit3A_543, %sign3A_555 : i32
    %sign3A_557 = arith.extui %sign3A_556 : i1 to i32
    %sign3A_558 = arith.subi %sign3A_554, %sign3A_557 : i32
    %ne3A_559 = arith.cmpi ne, %sign3A_551, %sign3A_558 : i32
    %rem3A_560 = arith.remsi %add3A_526, %jit3A_543 : i32
    %ne3A_561 = arith.constant 0 : i32
    %ne3A_562 = arith.cmpi ne, %rem3A_560, %ne3A_561 : i32
    %and3A_563 = arith.andi %ne3A_559, %ne3A_562 : i1
    %sub3A_564 = arith.constant 1 : i32
    %sub3A_565 = arith.subi %div3A_544, %sub3A_564 : i32
    %select_n3A_566 = arith.select %and3A_563, %sub3A_565, %div3A_544 : i32
    %mul3A_567 = arith.constant 128 : i32
    %mul3A_568 = arith.muli %select_n3A_566, %mul3A_567 : i32
    %dma_start3A_569 = arith.constant 5 : i32
    %dma_start3A_570 = arith.constant 0 : i32
    %dma_start3A_571 = arith.constant 0 : i32
    %dma_start3A_572 = tpu.memref_slice %arg6[%dma_start3A_569, %dma_start3A_570, %dma_start3A_571] : memref<6x128x128xf32, #tpu.memory_space<vmem>> -> memref<1x128x128xf32, #tpu.memory_space<vmem>>
    %dma_start3A_573 = tpu.memref_squeeze %dma_start3A_572 : memref<1x128x128xf32, #tpu.memory_space<vmem>> -> memref<128x128xf32, #tpu.memory_space<vmem>>
    %dma_start3A_574 = tpu.memref_slice %arg4[%select_n3A_542, %mul3A_568] : memref<2048x3328xf32, #tpu.memory_space<hbm>> -> memref<128x128xf32, #tpu.memory_space<hbm>>
    %dma_start3A_575 = tpu.memref_slice %arg4[%select_n3A_542, %mul3A_568] : memref<2048x3328xf32, #tpu.memory_space<hbm>> -> memref<128x128xf32, #tpu.memory_space<hbm>>
    %dma_start3A_576 = arith.constant 0 : i32
    %dma_start3A_577 = arith.constant 0 : i32
    %dma_start3A_578 = tpu.memref_slice %arg6[%dma_start3A_569, %dma_start3A_576, %dma_start3A_577] : memref<6x128x128xf32, #tpu.memory_space<vmem>> -> memref<1x128x128xf32, #tpu.memory_space<vmem>>
    %dma_start3A_579 = tpu.memref_squeeze %dma_start3A_578 : memref<1x128x128xf32, #tpu.memory_space<vmem>> -> memref<128x128xf32, #tpu.memory_space<vmem>>
    tpu.enqueue_dma source(%dma_start3A_579 : memref<128x128xf32, #tpu.memory_space<vmem>>) target(%dma_start3A_575 : memref<128x128xf32, #tpu.memory_space<hbm>>) target_semaphore(%arg18 : memref<!tpu.dma_semaphore, #tpu.memory_space<semaphore_mem>>)
    %dma_wait3A_580 = arith.constant 6 : i32
    %dma_wait3A_581 = arith.constant 0 : i32
    %dma_wait3A_582 = arith.constant 0 : i32
    %dma_wait3A_583 = arith.constant 0 : i32
    %dma_wait3A_584 = tpu.memref_slice %arg6[%dma_wait3A_581, %dma_wait3A_582, %dma_wait3A_583] : memref<6x128x128xf32, #tpu.memory_space<vmem>> -> memref<1x128x128xf32, #tpu.memory_space<vmem>>
    %dma_wait3A_585 = tpu.memref_squeeze %dma_wait3A_584 : memref<1x128x128xf32, #tpu.memory_space<vmem>> -> memref<128x128xf32, #tpu.memory_space<vmem>>
    %dma_wait3A_586 = arith.constant 0 : i32
    %dma_wait3A_587 = tpu.memref_slice %arg5[%dma_wait3A_580, %dma_wait3A_586] : memref<13x128xi32, #tpu.memory_space<vmem>> -> memref<1x128xi32, #tpu.memory_space<vmem>>
    %dma_wait3A_588 = tpu.memref_squeeze %dma_wait3A_587 : memref<1x128xi32, #tpu.memory_space<vmem>> -> memref<128xi32, #tpu.memory_space<vmem>>
    %dma_wait3A_589 = arith.constant 0 : i32
    %dma_wait3A_590 = arith.constant 0 : i32
    %dma_wait3A_591 = tpu.memref_slice %arg3[%dma_wait3A_589, %dma_wait3A_590] : memref<26000x128xf32, #tpu.memory_space<hbm>> -> memref<26000x128xf32, #tpu.memory_space<hbm>>
    tpu.wait_indirect_dma semaphore(%arg7 : memref<!tpu.dma_semaphore, #tpu.memory_space<semaphore_mem>>) src(%dma_wait3A_591 : memref<26000x128xf32, #tpu.memory_space<hbm>>) dst(%dma_wait3A_585 : memref<128x128xf32, #tpu.memory_space<vmem>>)
    %dma_wait3A_592 = arith.constant 5 : i32
    %dma_wait3A_593 = arith.constant 0 : i32
    %dma_wait3A_594 = arith.constant 0 : i32
    %dma_wait3A_595 = tpu.memref_slice %arg6[%dma_wait3A_592, %dma_wait3A_593, %dma_wait3A_594] : memref<6x128x128xf32, #tpu.memory_space<vmem>> -> memref<1x128x128xf32, #tpu.memory_space<vmem>>
    %dma_wait3A_596 = tpu.memref_squeeze %dma_wait3A_595 : memref<1x128x128xf32, #tpu.memory_space<vmem>> -> memref<128x128xf32, #tpu.memory_space<vmem>>
    %dma_wait3A_597 = tpu.memref_slice %arg4[%select_n3A_542, %mul3A_568] : memref<2048x3328xf32, #tpu.memory_space<hbm>> -> memref<128x128xf32, #tpu.memory_space<hbm>>
    %dma_wait3A_598 = tpu.memref_slice %arg4[%select_n3A_542, %mul3A_568] : memref<2048x3328xf32, #tpu.memory_space<hbm>> -> memref<128x128xf32, #tpu.memory_space<hbm>>
    %dma_wait3A_599 = arith.constant 0 : i32
    %dma_wait3A_600 = arith.constant 0 : i32
    %dma_wait3A_601 = tpu.memref_slice %arg6[%dma_wait3A_592, %dma_wait3A_599, %dma_wait3A_600] : memref<6x128x128xf32, #tpu.memory_space<vmem>> -> memref<1x128x128xf32, #tpu.memory_space<vmem>>
    %dma_wait3A_602 = tpu.memref_squeeze %dma_wait3A_601 : memref<1x128x128xf32, #tpu.memory_space<vmem>> -> memref<128x128xf32, #tpu.memory_space<vmem>>
    tpu.wait_dma2 semaphore(%arg18 : memref<!tpu.dma_semaphore, #tpu.memory_space<semaphore_mem>>) src(%dma_wait3A_602 : memref<128x128xf32, #tpu.memory_space<vmem>>) dst(%dma_wait3A_598 : memref<128x128xf32, #tpu.memory_space<hbm>>)
    %dma_start3A_603 = arith.constant 11 : i32
    %dma_start3A_604 = arith.constant 5 : i32
    %dma_start3A_605 = arith.constant 0 : i32
    %dma_start3A_606 = arith.constant 0 : i32
    %dma_start3A_607 = tpu.memref_slice %arg6[%dma_start3A_604, %dma_start3A_605, %dma_start3A_606] : memref<6x128x128xf32, #tpu.memory_space<vmem>> -> memref<1x128x128xf32, #tpu.memory_space<vmem>>
    %dma_start3A_608 = tpu.memref_squeeze %dma_start3A_607 : memref<1x128x128xf32, #tpu.memory_space<vmem>> -> memref<128x128xf32, #tpu.memory_space<vmem>>
    %dma_start3A_609 = arith.constant 0 : i32
    %dma_start3A_610 = tpu.memref_slice %arg5[%dma_start3A_603, %dma_start3A_609] : memref<13x128xi32, #tpu.memory_space<vmem>> -> memref<1x128xi32, #tpu.memory_space<vmem>>
    %dma_start3A_611 = tpu.memref_squeeze %dma_start3A_610 : memref<1x128xi32, #tpu.memory_space<vmem>> -> memref<128xi32, #tpu.memory_space<vmem>>
    %dma_start3A_612 = arith.constant 0 : i32
    %dma_start3A_613 = arith.constant 0 : i32
    %dma_start3A_614 = tpu.memref_slice %arg3[%dma_start3A_612, %dma_start3A_613] : memref<26000x128xf32, #tpu.memory_space<hbm>> -> memref<26000x128xf32, #tpu.memory_space<hbm>>
    tpu.enqueue_indirect_dma source(%dma_start3A_614 : memref<26000x128xf32, #tpu.memory_space<hbm>>) target(%dma_start3A_608 : memref<128x128xf32, #tpu.memory_space<vmem>>) offsets(%dma_start3A_611 : memref<128xi32, #tpu.memory_space<vmem>>) semaphore(%arg12 : memref<!tpu.dma_semaphore, #tpu.memory_space<semaphore_mem>>)
    %add3A_615 = arith.constant 768 : i32
    %add3A_616 = arith.addi %mul3A_2, %add3A_615 : i32
    %jit3A_617 = arith.constant 2048 : i32
    %eq3A_618 = arith.constant 0 : i32
    %eq3A_619 = arith.cmpi eq, %jit3A_617, %eq3A_618 : i32
    %jit3A_620 = arith.constant 1 : i32
    %select_n3A_621 = arith.select %eq3A_619, %jit3A_620, %jit3A_617 : i32
    %rem3A_622 = arith.remsi %add3A_616, %select_n3A_621 : i32
    %ne3A_623 = arith.constant 0 : i32
    %ne3A_624 = arith.cmpi ne, %rem3A_622, %ne3A_623 : i32
    %lt3A_625 = arith.constant 0 : i32
    %lt3A_626 = arith.cmpi slt, %rem3A_622, %lt3A_625 : i32
    %lt3A_627 = arith.constant 0 : i32
    %lt3A_628 = arith.cmpi slt, %select_n3A_621, %lt3A_627 : i32
    %ne3A_629 = arith.xori %lt3A_626, %lt3A_628 : i1
    %and3A_630 = arith.andi %ne3A_629, %ne3A_624 : i1
    %add3A_631 = arith.addi %rem3A_622, %select_n3A_621 : i32
    %select_n3A_632 = arith.select %and3A_630, %add3A_631, %rem3A_622 : i32
    %jit3A_633 = arith.constant 2048 : i32
    %div3A_634 = arith.divsi %add3A_616, %jit3A_633 : i32
    %sign3A_635 = arith.constant 0 : i32
    %sign3A_636 = arith.cmpi sgt, %add3A_616, %sign3A_635 : i32
    %sign3A_637 = arith.extui %sign3A_636 : i1 to i32
    %sign3A_638 = arith.constant 0 : i32
    %sign3A_639 = arith.cmpi slt, %add3A_616, %sign3A_638 : i32
    %sign3A_640 = arith.extui %sign3A_639 : i1 to i32
    %sign3A_641 = arith.subi %sign3A_637, %sign3A_640 : i32
    %sign3A_642 = arith.constant 0 : i32
    %sign3A_643 = arith.cmpi sgt, %jit3A_633, %sign3A_642 : i32
    %sign3A_644 = arith.extui %sign3A_643 : i1 to i32
    %sign3A_645 = arith.constant 0 : i32
    %sign3A_646 = arith.cmpi slt, %jit3A_633, %sign3A_645 : i32
    %sign3A_647 = arith.extui %sign3A_646 : i1 to i32
    %sign3A_648 = arith.subi %sign3A_644, %sign3A_647 : i32
    %ne3A_649 = arith.cmpi ne, %sign3A_641, %sign3A_648 : i32
    %rem3A_650 = arith.remsi %add3A_616, %jit3A_633 : i32
    %ne3A_651 = arith.constant 0 : i32
    %ne3A_652 = arith.cmpi ne, %rem3A_650, %ne3A_651 : i32
    %and3A_653 = arith.andi %ne3A_649, %ne3A_652 : i1
    %sub3A_654 = arith.constant 1 : i32
    %sub3A_655 = arith.subi %div3A_634, %sub3A_654 : i32
    %select_n3A_656 = arith.select %and3A_653, %sub3A_655, %div3A_634 : i32
    %mul3A_657 = arith.constant 128 : i32
    %mul3A_658 = arith.muli %select_n3A_656, %mul3A_657 : i32
    %dma_start3A_659 = arith.constant 0 : i32
    %dma_start3A_660 = arith.constant 0 : i32
    %dma_start3A_661 = arith.constant 0 : i32
    %dma_start3A_662 = tpu.memref_slice %arg6[%dma_start3A_659, %dma_start3A_660, %dma_start3A_661] : memref<6x128x128xf32, #tpu.memory_space<vmem>> -> memref<1x128x128xf32, #tpu.memory_space<vmem>>
    %dma_start3A_663 = tpu.memref_squeeze %dma_start3A_662 : memref<1x128x128xf32, #tpu.memory_space<vmem>> -> memref<128x128xf32, #tpu.memory_space<vmem>>
    %dma_start3A_664 = tpu.memref_slice %arg4[%select_n3A_632, %mul3A_658] : memref<2048x3328xf32, #tpu.memory_space<hbm>> -> memref<128x128xf32, #tpu.memory_space<hbm>>
    %dma_start3A_665 = tpu.memref_slice %arg4[%select_n3A_632, %mul3A_658] : memref<2048x3328xf32, #tpu.memory_space<hbm>> -> memref<128x128xf32, #tpu.memory_space<hbm>>
    %dma_start3A_666 = arith.constant 0 : i32
    %dma_start3A_667 = arith.constant 0 : i32
    %dma_start3A_668 = tpu.memref_slice %arg6[%dma_start3A_659, %dma_start3A_666, %dma_start3A_667] : memref<6x128x128xf32, #tpu.memory_space<vmem>> -> memref<1x128x128xf32, #tpu.memory_space<vmem>>
    %dma_start3A_669 = tpu.memref_squeeze %dma_start3A_668 : memref<1x128x128xf32, #tpu.memory_space<vmem>> -> memref<128x128xf32, #tpu.memory_space<vmem>>
    tpu.enqueue_dma source(%dma_start3A_669 : memref<128x128xf32, #tpu.memory_space<vmem>>) target(%dma_start3A_665 : memref<128x128xf32, #tpu.memory_space<hbm>>) target_semaphore(%arg13 : memref<!tpu.dma_semaphore, #tpu.memory_space<semaphore_mem>>)
    %dma_wait3A_670 = arith.constant 7 : i32
    %dma_wait3A_671 = arith.constant 1 : i32
    %dma_wait3A_672 = arith.constant 0 : i32
    %dma_wait3A_673 = arith.constant 0 : i32
    %dma_wait3A_674 = tpu.memref_slice %arg6[%dma_wait3A_671, %dma_wait3A_672, %dma_wait3A_673] : memref<6x128x128xf32, #tpu.memory_space<vmem>> -> memref<1x128x128xf32, #tpu.memory_space<vmem>>
    %dma_wait3A_675 = tpu.memref_squeeze %dma_wait3A_674 : memref<1x128x128xf32, #tpu.memory_space<vmem>> -> memref<128x128xf32, #tpu.memory_space<vmem>>
    %dma_wait3A_676 = arith.constant 0 : i32
    %dma_wait3A_677 = tpu.memref_slice %arg5[%dma_wait3A_670, %dma_wait3A_676] : memref<13x128xi32, #tpu.memory_space<vmem>> -> memref<1x128xi32, #tpu.memory_space<vmem>>
    %dma_wait3A_678 = tpu.memref_squeeze %dma_wait3A_677 : memref<1x128xi32, #tpu.memory_space<vmem>> -> memref<128xi32, #tpu.memory_space<vmem>>
    %dma_wait3A_679 = arith.constant 0 : i32
    %dma_wait3A_680 = arith.constant 0 : i32
    %dma_wait3A_681 = tpu.memref_slice %arg3[%dma_wait3A_679, %dma_wait3A_680] : memref<26000x128xf32, #tpu.memory_space<hbm>> -> memref<26000x128xf32, #tpu.memory_space<hbm>>
    tpu.wait_indirect_dma semaphore(%arg8 : memref<!tpu.dma_semaphore, #tpu.memory_space<semaphore_mem>>) src(%dma_wait3A_681 : memref<26000x128xf32, #tpu.memory_space<hbm>>) dst(%dma_wait3A_675 : memref<128x128xf32, #tpu.memory_space<vmem>>)
    %dma_wait3A_682 = arith.constant 0 : i32
    %dma_wait3A_683 = arith.constant 0 : i32
    %dma_wait3A_684 = arith.constant 0 : i32
    %dma_wait3A_685 = tpu.memref_slice %arg6[%dma_wait3A_682, %dma_wait3A_683, %dma_wait3A_684] : memref<6x128x128xf32, #tpu.memory_space<vmem>> -> memref<1x128x128xf32, #tpu.memory_space<vmem>>
    %dma_wait3A_686 = tpu.memref_squeeze %dma_wait3A_685 : memref<1x128x128xf32, #tpu.memory_space<vmem>> -> memref<128x128xf32, #tpu.memory_space<vmem>>
    %dma_wait3A_687 = tpu.memref_slice %arg4[%select_n3A_632, %mul3A_658] : memref<2048x3328xf32, #tpu.memory_space<hbm>> -> memref<128x128xf32, #tpu.memory_space<hbm>>
    %dma_wait3A_688 = tpu.memref_slice %arg4[%select_n3A_632, %mul3A_658] : memref<2048x3328xf32, #tpu.memory_space<hbm>> -> memref<128x128xf32, #tpu.memory_space<hbm>>
    %dma_wait3A_689 = arith.constant 0 : i32
    %dma_wait3A_690 = arith.constant 0 : i32
    %dma_wait3A_691 = tpu.memref_slice %arg6[%dma_wait3A_682, %dma_wait3A_689, %dma_wait3A_690] : memref<6x128x128xf32, #tpu.memory_space<vmem>> -> memref<1x128x128xf32, #tpu.memory_space<vmem>>
    %dma_wait3A_692 = tpu.memref_squeeze %dma_wait3A_691 : memref<1x128x128xf32, #tpu.memory_space<vmem>> -> memref<128x128xf32, #tpu.memory_space<vmem>>
    tpu.wait_dma2 semaphore(%arg13 : memref<!tpu.dma_semaphore, #tpu.memory_space<semaphore_mem>>) src(%dma_wait3A_692 : memref<128x128xf32, #tpu.memory_space<vmem>>) dst(%dma_wait3A_688 : memref<128x128xf32, #tpu.memory_space<hbm>>)
    %dma_start3A_693 = arith.constant 12 : i32
    %dma_start3A_694 = arith.constant 0 : i32
    %dma_start3A_695 = arith.constant 0 : i32
    %dma_start3A_696 = arith.constant 0 : i32
    %dma_start3A_697 = tpu.memref_slice %arg6[%dma_start3A_694, %dma_start3A_695, %dma_start3A_696] : memref<6x128x128xf32, #tpu.memory_space<vmem>> -> memref<1x128x128xf32, #tpu.memory_space<vmem>>
    %dma_start3A_698 = tpu.memref_squeeze %dma_start3A_697 : memref<1x128x128xf32, #tpu.memory_space<vmem>> -> memref<128x128xf32, #tpu.memory_space<vmem>>
    %dma_start3A_699 = arith.constant 0 : i32
    %dma_start3A_700 = tpu.memref_slice %arg5[%dma_start3A_693, %dma_start3A_699] : memref<13x128xi32, #tpu.memory_space<vmem>> -> memref<1x128xi32, #tpu.memory_space<vmem>>
    %dma_start3A_701 = tpu.memref_squeeze %dma_start3A_700 : memref<1x128xi32, #tpu.memory_space<vmem>> -> memref<128xi32, #tpu.memory_space<vmem>>
    %dma_start3A_702 = arith.constant 0 : i32
    %dma_start3A_703 = arith.constant 0 : i32
    %dma_start3A_704 = tpu.memref_slice %arg3[%dma_start3A_702, %dma_start3A_703] : memref<26000x128xf32, #tpu.memory_space<hbm>> -> memref<26000x128xf32, #tpu.memory_space<hbm>>
    tpu.enqueue_indirect_dma source(%dma_start3A_704 : memref<26000x128xf32, #tpu.memory_space<hbm>>) target(%dma_start3A_698 : memref<128x128xf32, #tpu.memory_space<vmem>>) offsets(%dma_start3A_701 : memref<128xi32, #tpu.memory_space<vmem>>) semaphore(%arg7 : memref<!tpu.dma_semaphore, #tpu.memory_space<semaphore_mem>>)
    %add3A_705 = arith.constant 896 : i32
    %add3A_706 = arith.addi %mul3A_2, %add3A_705 : i32
    %jit3A_707 = arith.constant 2048 : i32
    %eq3A_708 = arith.constant 0 : i32
    %eq3A_709 = arith.cmpi eq, %jit3A_707, %eq3A_708 : i32
    %jit3A_710 = arith.constant 1 : i32
    %select_n3A_711 = arith.select %eq3A_709, %jit3A_710, %jit3A_707 : i32
    %rem3A_712 = arith.remsi %add3A_706, %select_n3A_711 : i32
    %ne3A_713 = arith.constant 0 : i32
    %ne3A_714 = arith.cmpi ne, %rem3A_712, %ne3A_713 : i32
    %lt3A_715 = arith.constant 0 : i32
    %lt3A_716 = arith.cmpi slt, %rem3A_712, %lt3A_715 : i32
    %lt3A_717 = arith.constant 0 : i32
    %lt3A_718 = arith.cmpi slt, %select_n3A_711, %lt3A_717 : i32
    %ne3A_719 = arith.xori %lt3A_716, %lt3A_718 : i1
    %and3A_720 = arith.andi %ne3A_719, %ne3A_714 : i1
    %add3A_721 = arith.addi %rem3A_712, %select_n3A_711 : i32
    %select_n3A_722 = arith.select %and3A_720, %add3A_721, %rem3A_712 : i32
    %jit3A_723 = arith.constant 2048 : i32
    %div3A_724 = arith.divsi %add3A_706, %jit3A_723 : i32
    %sign3A_725 = arith.constant 0 : i32
    %sign3A_726 = arith.cmpi sgt, %add3A_706, %sign3A_725 : i32
    %sign3A_727 = arith.extui %sign3A_726 : i1 to i32
    %sign3A_728 = arith.constant 0 : i32
    %sign3A_729 = arith.cmpi slt, %add3A_706, %sign3A_728 : i32
    %sign3A_730 = arith.extui %sign3A_729 : i1 to i32
    %sign3A_731 = arith.subi %sign3A_727, %sign3A_730 : i32
    %sign3A_732 = arith.constant 0 : i32
    %sign3A_733 = arith.cmpi sgt, %jit3A_723, %sign3A_732 : i32
    %sign3A_734 = arith.extui %sign3A_733 : i1 to i32
    %sign3A_735 = arith.constant 0 : i32
    %sign3A_736 = arith.cmpi slt, %jit3A_723, %sign3A_735 : i32
    %sign3A_737 = arith.extui %sign3A_736 : i1 to i32
    %sign3A_738 = arith.subi %sign3A_734, %sign3A_737 : i32
    %ne3A_739 = arith.cmpi ne, %sign3A_731, %sign3A_738 : i32
    %rem3A_740 = arith.remsi %add3A_706, %jit3A_723 : i32
    %ne3A_741 = arith.constant 0 : i32
    %ne3A_742 = arith.cmpi ne, %rem3A_740, %ne3A_741 : i32
    %and3A_743 = arith.andi %ne3A_739, %ne3A_742 : i1
    %sub3A_744 = arith.constant 1 : i32
    %sub3A_745 = arith.subi %div3A_724, %sub3A_744 : i32
    %select_n3A_746 = arith.select %and3A_743, %sub3A_745, %div3A_724 : i32
    %mul3A_747 = arith.constant 128 : i32
    %mul3A_748 = arith.muli %select_n3A_746, %mul3A_747 : i32
    %dma_start3A_749 = arith.constant 1 : i32
    %dma_start3A_750 = arith.constant 0 : i32
    %dma_start3A_751 = arith.constant 0 : i32
    %dma_start3A_752 = tpu.memref_slice %arg6[%dma_start3A_749, %dma_start3A_750, %dma_start3A_751] : memref<6x128x128xf32, #tpu.memory_space<vmem>> -> memref<1x128x128xf32, #tpu.memory_space<vmem>>
    %dma_start3A_753 = tpu.memref_squeeze %dma_start3A_752 : memref<1x128x128xf32, #tpu.memory_space<vmem>> -> memref<128x128xf32, #tpu.memory_space<vmem>>
    %dma_start3A_754 = tpu.memref_slice %arg4[%select_n3A_722, %mul3A_748] : memref<2048x3328xf32, #tpu.memory_space<hbm>> -> memref<128x128xf32, #tpu.memory_space<hbm>>
    %dma_start3A_755 = tpu.memref_slice %arg4[%select_n3A_722, %mul3A_748] : memref<2048x3328xf32, #tpu.memory_space<hbm>> -> memref<128x128xf32, #tpu.memory_space<hbm>>
    %dma_start3A_756 = arith.constant 0 : i32
    %dma_start3A_757 = arith.constant 0 : i32
    %dma_start3A_758 = tpu.memref_slice %arg6[%dma_start3A_749, %dma_start3A_756, %dma_start3A_757] : memref<6x128x128xf32, #tpu.memory_space<vmem>> -> memref<1x128x128xf32, #tpu.memory_space<vmem>>
    %dma_start3A_759 = tpu.memref_squeeze %dma_start3A_758 : memref<1x128x128xf32, #tpu.memory_space<vmem>> -> memref<128x128xf32, #tpu.memory_space<vmem>>
    tpu.enqueue_dma source(%dma_start3A_759 : memref<128x128xf32, #tpu.memory_space<vmem>>) target(%dma_start3A_755 : memref<128x128xf32, #tpu.memory_space<hbm>>) target_semaphore(%arg14 : memref<!tpu.dma_semaphore, #tpu.memory_space<semaphore_mem>>)
    %dma_wait3A_760 = arith.constant 8 : i32
    %dma_wait3A_761 = arith.constant 2 : i32
    %dma_wait3A_762 = arith.constant 0 : i32
    %dma_wait3A_763 = arith.constant 0 : i32
    %dma_wait3A_764 = tpu.memref_slice %arg6[%dma_wait3A_761, %dma_wait3A_762, %dma_wait3A_763] : memref<6x128x128xf32, #tpu.memory_space<vmem>> -> memref<1x128x128xf32, #tpu.memory_space<vmem>>
    %dma_wait3A_765 = tpu.memref_squeeze %dma_wait3A_764 : memref<1x128x128xf32, #tpu.memory_space<vmem>> -> memref<128x128xf32, #tpu.memory_space<vmem>>
    %dma_wait3A_766 = arith.constant 0 : i32
    %dma_wait3A_767 = tpu.memref_slice %arg5[%dma_wait3A_760, %dma_wait3A_766] : memref<13x128xi32, #tpu.memory_space<vmem>> -> memref<1x128xi32, #tpu.memory_space<vmem>>
    %dma_wait3A_768 = tpu.memref_squeeze %dma_wait3A_767 : memref<1x128xi32, #tpu.memory_space<vmem>> -> memref<128xi32, #tpu.memory_space<vmem>>
    %dma_wait3A_769 = arith.constant 0 : i32
    %dma_wait3A_770 = arith.constant 0 : i32
    %dma_wait3A_771 = tpu.memref_slice %arg3[%dma_wait3A_769, %dma_wait3A_770] : memref<26000x128xf32, #tpu.memory_space<hbm>> -> memref<26000x128xf32, #tpu.memory_space<hbm>>
    tpu.wait_indirect_dma semaphore(%arg9 : memref<!tpu.dma_semaphore, #tpu.memory_space<semaphore_mem>>) src(%dma_wait3A_771 : memref<26000x128xf32, #tpu.memory_space<hbm>>) dst(%dma_wait3A_765 : memref<128x128xf32, #tpu.memory_space<vmem>>)
    %add3A_772 = arith.constant 1024 : i32
    %add3A_773 = arith.addi %mul3A_2, %add3A_772 : i32
    %jit3A_774 = arith.constant 2048 : i32
    %eq3A_775 = arith.constant 0 : i32
    %eq3A_776 = arith.cmpi eq, %jit3A_774, %eq3A_775 : i32
    %jit3A_777 = arith.constant 1 : i32
    %select_n3A_778 = arith.select %eq3A_776, %jit3A_777, %jit3A_774 : i32
    %rem3A_779 = arith.remsi %add3A_773, %select_n3A_778 : i32
    %ne3A_780 = arith.constant 0 : i32
    %ne3A_781 = arith.cmpi ne, %rem3A_779, %ne3A_780 : i32
    %lt3A_782 = arith.constant 0 : i32
    %lt3A_783 = arith.cmpi slt, %rem3A_779, %lt3A_782 : i32
    %lt3A_784 = arith.constant 0 : i32
    %lt3A_785 = arith.cmpi slt, %select_n3A_778, %lt3A_784 : i32
    %ne3A_786 = arith.xori %lt3A_783, %lt3A_785 : i1
    %and3A_787 = arith.andi %ne3A_786, %ne3A_781 : i1
    %add3A_788 = arith.addi %rem3A_779, %select_n3A_778 : i32
    %select_n3A_789 = arith.select %and3A_787, %add3A_788, %rem3A_779 : i32
    %jit3A_790 = arith.constant 2048 : i32
    %div3A_791 = arith.divsi %add3A_773, %jit3A_790 : i32
    %sign3A_792 = arith.constant 0 : i32
    %sign3A_793 = arith.cmpi sgt, %add3A_773, %sign3A_792 : i32
    %sign3A_794 = arith.extui %sign3A_793 : i1 to i32
    %sign3A_795 = arith.constant 0 : i32
    %sign3A_796 = arith.cmpi slt, %add3A_773, %sign3A_795 : i32
    %sign3A_797 = arith.extui %sign3A_796 : i1 to i32
    %sign3A_798 = arith.subi %sign3A_794, %sign3A_797 : i32
    %sign3A_799 = arith.constant 0 : i32
    %sign3A_800 = arith.cmpi sgt, %jit3A_790, %sign3A_799 : i32
    %sign3A_801 = arith.extui %sign3A_800 : i1 to i32
    %sign3A_802 = arith.constant 0 : i32
    %sign3A_803 = arith.cmpi slt, %jit3A_790, %sign3A_802 : i32
    %sign3A_804 = arith.extui %sign3A_803 : i1 to i32
    %sign3A_805 = arith.subi %sign3A_801, %sign3A_804 : i32
    %ne3A_806 = arith.cmpi ne, %sign3A_798, %sign3A_805 : i32
    %rem3A_807 = arith.remsi %add3A_773, %jit3A_790 : i32
    %ne3A_808 = arith.constant 0 : i32
    %ne3A_809 = arith.cmpi ne, %rem3A_807, %ne3A_808 : i32
    %and3A_810 = arith.andi %ne3A_806, %ne3A_809 : i1
    %sub3A_811 = arith.constant 1 : i32
    %sub3A_812 = arith.subi %div3A_791, %sub3A_811 : i32
    %select_n3A_813 = arith.select %and3A_810, %sub3A_812, %div3A_791 : i32
    %mul3A_814 = arith.constant 128 : i32
    %mul3A_815 = arith.muli %select_n3A_813, %mul3A_814 : i32
    %dma_start3A_816 = arith.constant 2 : i32
    %dma_start3A_817 = arith.constant 0 : i32
    %dma_start3A_818 = arith.constant 0 : i32
    %dma_start3A_819 = tpu.memref_slice %arg6[%dma_start3A_816, %dma_start3A_817, %dma_start3A_818] : memref<6x128x128xf32, #tpu.memory_space<vmem>> -> memref<1x128x128xf32, #tpu.memory_space<vmem>>
    %dma_start3A_820 = tpu.memref_squeeze %dma_start3A_819 : memref<1x128x128xf32, #tpu.memory_space<vmem>> -> memref<128x128xf32, #tpu.memory_space<vmem>>
    %dma_start3A_821 = tpu.memref_slice %arg4[%select_n3A_789, %mul3A_815] : memref<2048x3328xf32, #tpu.memory_space<hbm>> -> memref<128x128xf32, #tpu.memory_space<hbm>>
    %dma_start3A_822 = tpu.memref_slice %arg4[%select_n3A_789, %mul3A_815] : memref<2048x3328xf32, #tpu.memory_space<hbm>> -> memref<128x128xf32, #tpu.memory_space<hbm>>
    %dma_start3A_823 = arith.constant 0 : i32
    %dma_start3A_824 = arith.constant 0 : i32
    %dma_start3A_825 = tpu.memref_slice %arg6[%dma_start3A_816, %dma_start3A_823, %dma_start3A_824] : memref<6x128x128xf32, #tpu.memory_space<vmem>> -> memref<1x128x128xf32, #tpu.memory_space<vmem>>
    %dma_start3A_826 = tpu.memref_squeeze %dma_start3A_825 : memref<1x128x128xf32, #tpu.memory_space<vmem>> -> memref<128x128xf32, #tpu.memory_space<vmem>>
    tpu.enqueue_dma source(%dma_start3A_826 : memref<128x128xf32, #tpu.memory_space<vmem>>) target(%dma_start3A_822 : memref<128x128xf32, #tpu.memory_space<hbm>>) target_semaphore(%arg15 : memref<!tpu.dma_semaphore, #tpu.memory_space<semaphore_mem>>)
    %dma_wait3A_827 = arith.constant 9 : i32
    %dma_wait3A_828 = arith.constant 3 : i32
    %dma_wait3A_829 = arith.constant 0 : i32
    %dma_wait3A_830 = arith.constant 0 : i32
    %dma_wait3A_831 = tpu.memref_slice %arg6[%dma_wait3A_828, %dma_wait3A_829, %dma_wait3A_830] : memref<6x128x128xf32, #tpu.memory_space<vmem>> -> memref<1x128x128xf32, #tpu.memory_space<vmem>>
    %dma_wait3A_832 = tpu.memref_squeeze %dma_wait3A_831 : memref<1x128x128xf32, #tpu.memory_space<vmem>> -> memref<128x128xf32, #tpu.memory_space<vmem>>
    %dma_wait3A_833 = arith.constant 0 : i32
    %dma_wait3A_834 = tpu.memref_slice %arg5[%dma_wait3A_827, %dma_wait3A_833] : memref<13x128xi32, #tpu.memory_space<vmem>> -> memref<1x128xi32, #tpu.memory_space<vmem>>
    %dma_wait3A_835 = tpu.memref_squeeze %dma_wait3A_834 : memref<1x128xi32, #tpu.memory_space<vmem>> -> memref<128xi32, #tpu.memory_space<vmem>>
    %dma_wait3A_836 = arith.constant 0 : i32
    %dma_wait3A_837 = arith.constant 0 : i32
    %dma_wait3A_838 = tpu.memref_slice %arg3[%dma_wait3A_836, %dma_wait3A_837] : memref<26000x128xf32, #tpu.memory_space<hbm>> -> memref<26000x128xf32, #tpu.memory_space<hbm>>
    tpu.wait_indirect_dma semaphore(%arg10 : memref<!tpu.dma_semaphore, #tpu.memory_space<semaphore_mem>>) src(%dma_wait3A_838 : memref<26000x128xf32, #tpu.memory_space<hbm>>) dst(%dma_wait3A_832 : memref<128x128xf32, #tpu.memory_space<vmem>>)
    %add3A_839 = arith.constant 1152 : i32
    %add3A_840 = arith.addi %mul3A_2, %add3A_839 : i32
    %jit3A_841 = arith.constant 2048 : i32
    %eq3A_842 = arith.constant 0 : i32
    %eq3A_843 = arith.cmpi eq, %jit3A_841, %eq3A_842 : i32
    %jit3A_844 = arith.constant 1 : i32
    %select_n3A_845 = arith.select %eq3A_843, %jit3A_844, %jit3A_841 : i32
    %rem3A_846 = arith.remsi %add3A_840, %select_n3A_845 : i32
    %ne3A_847 = arith.constant 0 : i32
    %ne3A_848 = arith.cmpi ne, %rem3A_846, %ne3A_847 : i32
    %lt3A_849 = arith.constant 0 : i32
    %lt3A_850 = arith.cmpi slt, %rem3A_846, %lt3A_849 : i32
    %lt3A_851 = arith.constant 0 : i32
    %lt3A_852 = arith.cmpi slt, %select_n3A_845, %lt3A_851 : i32
    %ne3A_853 = arith.xori %lt3A_850, %lt3A_852 : i1
    %and3A_854 = arith.andi %ne3A_853, %ne3A_848 : i1
    %add3A_855 = arith.addi %rem3A_846, %select_n3A_845 : i32
    %select_n3A_856 = arith.select %and3A_854, %add3A_855, %rem3A_846 : i32
    %jit3A_857 = arith.constant 2048 : i32
    %div3A_858 = arith.divsi %add3A_840, %jit3A_857 : i32
    %sign3A_859 = arith.constant 0 : i32
    %sign3A_860 = arith.cmpi sgt, %add3A_840, %sign3A_859 : i32
    %sign3A_861 = arith.extui %sign3A_860 : i1 to i32
    %sign3A_862 = arith.constant 0 : i32
    %sign3A_863 = arith.cmpi slt, %add3A_840, %sign3A_862 : i32
    %sign3A_864 = arith.extui %sign3A_863 : i1 to i32
    %sign3A_865 = arith.subi %sign3A_861, %sign3A_864 : i32
    %sign3A_866 = arith.constant 0 : i32
    %sign3A_867 = arith.cmpi sgt, %jit3A_857, %sign3A_866 : i32
    %sign3A_868 = arith.extui %sign3A_867 : i1 to i32
    %sign3A_869 = arith.constant 0 : i32
    %sign3A_870 = arith.cmpi slt, %jit3A_857, %sign3A_869 : i32
    %sign3A_871 = arith.extui %sign3A_870 : i1 to i32
    %sign3A_872 = arith.subi %sign3A_868, %sign3A_871 : i32
    %ne3A_873 = arith.cmpi ne, %sign3A_865, %sign3A_872 : i32
    %rem3A_874 = arith.remsi %add3A_840, %jit3A_857 : i32
    %ne3A_875 = arith.constant 0 : i32
    %ne3A_876 = arith.cmpi ne, %rem3A_874, %ne3A_875 : i32
    %and3A_877 = arith.andi %ne3A_873, %ne3A_876 : i1
    %sub3A_878 = arith.constant 1 : i32
    %sub3A_879 = arith.subi %div3A_858, %sub3A_878 : i32
    %select_n3A_880 = arith.select %and3A_877, %sub3A_879, %div3A_858 : i32
    %mul3A_881 = arith.constant 128 : i32
    %mul3A_882 = arith.muli %select_n3A_880, %mul3A_881 : i32
    %dma_start3A_883 = arith.constant 3 : i32
    %dma_start3A_884 = arith.constant 0 : i32
    %dma_start3A_885 = arith.constant 0 : i32
    %dma_start3A_886 = tpu.memref_slice %arg6[%dma_start3A_883, %dma_start3A_884, %dma_start3A_885] : memref<6x128x128xf32, #tpu.memory_space<vmem>> -> memref<1x128x128xf32, #tpu.memory_space<vmem>>
    %dma_start3A_887 = tpu.memref_squeeze %dma_start3A_886 : memref<1x128x128xf32, #tpu.memory_space<vmem>> -> memref<128x128xf32, #tpu.memory_space<vmem>>
    %dma_start3A_888 = tpu.memref_slice %arg4[%select_n3A_856, %mul3A_882] : memref<2048x3328xf32, #tpu.memory_space<hbm>> -> memref<128x128xf32, #tpu.memory_space<hbm>>
    %dma_start3A_889 = tpu.memref_slice %arg4[%select_n3A_856, %mul3A_882] : memref<2048x3328xf32, #tpu.memory_space<hbm>> -> memref<128x128xf32, #tpu.memory_space<hbm>>
    %dma_start3A_890 = arith.constant 0 : i32
    %dma_start3A_891 = arith.constant 0 : i32
    %dma_start3A_892 = tpu.memref_slice %arg6[%dma_start3A_883, %dma_start3A_890, %dma_start3A_891] : memref<6x128x128xf32, #tpu.memory_space<vmem>> -> memref<1x128x128xf32, #tpu.memory_space<vmem>>
    %dma_start3A_893 = tpu.memref_squeeze %dma_start3A_892 : memref<1x128x128xf32, #tpu.memory_space<vmem>> -> memref<128x128xf32, #tpu.memory_space<vmem>>
    tpu.enqueue_dma source(%dma_start3A_893 : memref<128x128xf32, #tpu.memory_space<vmem>>) target(%dma_start3A_889 : memref<128x128xf32, #tpu.memory_space<hbm>>) target_semaphore(%arg16 : memref<!tpu.dma_semaphore, #tpu.memory_space<semaphore_mem>>)
    %dma_wait3A_894 = arith.constant 10 : i32
    %dma_wait3A_895 = arith.constant 4 : i32
    %dma_wait3A_896 = arith.constant 0 : i32
    %dma_wait3A_897 = arith.constant 0 : i32
    %dma_wait3A_898 = tpu.memref_slice %arg6[%dma_wait3A_895, %dma_wait3A_896, %dma_wait3A_897] : memref<6x128x128xf32, #tpu.memory_space<vmem>> -> memref<1x128x128xf32, #tpu.memory_space<vmem>>
    %dma_wait3A_899 = tpu.memref_squeeze %dma_wait3A_898 : memref<1x128x128xf32, #tpu.memory_space<vmem>> -> memref<128x128xf32, #tpu.memory_space<vmem>>
    %dma_wait3A_900 = arith.constant 0 : i32
    %dma_wait3A_901 = tpu.memref_slice %arg5[%dma_wait3A_894, %dma_wait3A_900] : memref<13x128xi32, #tpu.memory_space<vmem>> -> memref<1x128xi32, #tpu.memory_space<vmem>>
    %dma_wait3A_902 = tpu.memref_squeeze %dma_wait3A_901 : memref<1x128xi32, #tpu.memory_space<vmem>> -> memref<128xi32, #tpu.memory_space<vmem>>
    %dma_wait3A_903 = arith.constant 0 : i32
    %dma_wait3A_904 = arith.constant 0 : i32
    %dma_wait3A_905 = tpu.memref_slice %arg3[%dma_wait3A_903, %dma_wait3A_904] : memref<26000x128xf32, #tpu.memory_space<hbm>> -> memref<26000x128xf32, #tpu.memory_space<hbm>>
    tpu.wait_indirect_dma semaphore(%arg11 : memref<!tpu.dma_semaphore, #tpu.memory_space<semaphore_mem>>) src(%dma_wait3A_905 : memref<26000x128xf32, #tpu.memory_space<hbm>>) dst(%dma_wait3A_899 : memref<128x128xf32, #tpu.memory_space<vmem>>)
    %add3A_906 = arith.constant 1280 : i32
    %add3A_907 = arith.addi %mul3A_2, %add3A_906 : i32
    %jit3A_908 = arith.constant 2048 : i32
    %eq3A_909 = arith.constant 0 : i32
    %eq3A_910 = arith.cmpi eq, %jit3A_908, %eq3A_909 : i32
    %jit3A_911 = arith.constant 1 : i32
    %select_n3A_912 = arith.select %eq3A_910, %jit3A_911, %jit3A_908 : i32
    %rem3A_913 = arith.remsi %add3A_907, %select_n3A_912 : i32
    %ne3A_914 = arith.constant 0 : i32
    %ne3A_915 = arith.cmpi ne, %rem3A_913, %ne3A_914 : i32
    %lt3A_916 = arith.constant 0 : i32
    %lt3A_917 = arith.cmpi slt, %rem3A_913, %lt3A_916 : i32
    %lt3A_918 = arith.constant 0 : i32
    %lt3A_919 = arith.cmpi slt, %select_n3A_912, %lt3A_918 : i32
    %ne3A_920 = arith.xori %lt3A_917, %lt3A_919 : i1
    %and3A_921 = arith.andi %ne3A_920, %ne3A_915 : i1
    %add3A_922 = arith.addi %rem3A_913, %select_n3A_912 : i32
    %select_n3A_923 = arith.select %and3A_921, %add3A_922, %rem3A_913 : i32
    %jit3A_924 = arith.constant 2048 : i32
    %div3A_925 = arith.divsi %add3A_907, %jit3A_924 : i32
    %sign3A_926 = arith.constant 0 : i32
    %sign3A_927 = arith.cmpi sgt, %add3A_907, %sign3A_926 : i32
    %sign3A_928 = arith.extui %sign3A_927 : i1 to i32
    %sign3A_929 = arith.constant 0 : i32
    %sign3A_930 = arith.cmpi slt, %add3A_907, %sign3A_929 : i32
    %sign3A_931 = arith.extui %sign3A_930 : i1 to i32
    %sign3A_932 = arith.subi %sign3A_928, %sign3A_931 : i32
    %sign3A_933 = arith.constant 0 : i32
    %sign3A_934 = arith.cmpi sgt, %jit3A_924, %sign3A_933 : i32
    %sign3A_935 = arith.extui %sign3A_934 : i1 to i32
    %sign3A_936 = arith.constant 0 : i32
    %sign3A_937 = arith.cmpi slt, %jit3A_924, %sign3A_936 : i32
    %sign3A_938 = arith.extui %sign3A_937 : i1 to i32
    %sign3A_939 = arith.subi %sign3A_935, %sign3A_938 : i32
    %ne3A_940 = arith.cmpi ne, %sign3A_932, %sign3A_939 : i32
    %rem3A_941 = arith.remsi %add3A_907, %jit3A_924 : i32
    %ne3A_942 = arith.constant 0 : i32
    %ne3A_943 = arith.cmpi ne, %rem3A_941, %ne3A_942 : i32
    %and3A_944 = arith.andi %ne3A_940, %ne3A_943 : i1
    %sub3A_945 = arith.constant 1 : i32
    %sub3A_946 = arith.subi %div3A_925, %sub3A_945 : i32
    %select_n3A_947 = arith.select %and3A_944, %sub3A_946, %div3A_925 : i32
    %mul3A_948 = arith.constant 128 : i32
    %mul3A_949 = arith.muli %select_n3A_947, %mul3A_948 : i32
    %dma_start3A_950 = arith.constant 4 : i32
    %dma_start3A_951 = arith.constant 0 : i32
    %dma_start3A_952 = arith.constant 0 : i32
    %dma_start3A_953 = tpu.memref_slice %arg6[%dma_start3A_950, %dma_start3A_951, %dma_start3A_952] : memref<6x128x128xf32, #tpu.memory_space<vmem>> -> memref<1x128x128xf32, #tpu.memory_space<vmem>>
    %dma_start3A_954 = tpu.memref_squeeze %dma_start3A_953 : memref<1x128x128xf32, #tpu.memory_space<vmem>> -> memref<128x128xf32, #tpu.memory_space<vmem>>
    %dma_start3A_955 = tpu.memref_slice %arg4[%select_n3A_923, %mul3A_949] : memref<2048x3328xf32, #tpu.memory_space<hbm>> -> memref<128x128xf32, #tpu.memory_space<hbm>>
    %dma_start3A_956 = tpu.memref_slice %arg4[%select_n3A_923, %mul3A_949] : memref<2048x3328xf32, #tpu.memory_space<hbm>> -> memref<128x128xf32, #tpu.memory_space<hbm>>
    %dma_start3A_957 = arith.constant 0 : i32
    %dma_start3A_958 = arith.constant 0 : i32
    %dma_start3A_959 = tpu.memref_slice %arg6[%dma_start3A_950, %dma_start3A_957, %dma_start3A_958] : memref<6x128x128xf32, #tpu.memory_space<vmem>> -> memref<1x128x128xf32, #tpu.memory_space<vmem>>
    %dma_start3A_960 = tpu.memref_squeeze %dma_start3A_959 : memref<1x128x128xf32, #tpu.memory_space<vmem>> -> memref<128x128xf32, #tpu.memory_space<vmem>>
    tpu.enqueue_dma source(%dma_start3A_960 : memref<128x128xf32, #tpu.memory_space<vmem>>) target(%dma_start3A_956 : memref<128x128xf32, #tpu.memory_space<hbm>>) target_semaphore(%arg17 : memref<!tpu.dma_semaphore, #tpu.memory_space<semaphore_mem>>)
    %dma_wait3A_961 = arith.constant 11 : i32
    %dma_wait3A_962 = arith.constant 5 : i32
    %dma_wait3A_963 = arith.constant 0 : i32
    %dma_wait3A_964 = arith.constant 0 : i32
    %dma_wait3A_965 = tpu.memref_slice %arg6[%dma_wait3A_962, %dma_wait3A_963, %dma_wait3A_964] : memref<6x128x128xf32, #tpu.memory_space<vmem>> -> memref<1x128x128xf32, #tpu.memory_space<vmem>>
    %dma_wait3A_966 = tpu.memref_squeeze %dma_wait3A_965 : memref<1x128x128xf32, #tpu.memory_space<vmem>> -> memref<128x128xf32, #tpu.memory_space<vmem>>
    %dma_wait3A_967 = arith.constant 0 : i32
    %dma_wait3A_968 = tpu.memref_slice %arg5[%dma_wait3A_961, %dma_wait3A_967] : memref<13x128xi32, #tpu.memory_space<vmem>> -> memref<1x128xi32, #tpu.memory_space<vmem>>
    %dma_wait3A_969 = tpu.memref_squeeze %dma_wait3A_968 : memref<1x128xi32, #tpu.memory_space<vmem>> -> memref<128xi32, #tpu.memory_space<vmem>>
    %dma_wait3A_970 = arith.constant 0 : i32
    %dma_wait3A_971 = arith.constant 0 : i32
    %dma_wait3A_972 = tpu.memref_slice %arg3[%dma_wait3A_970, %dma_wait3A_971] : memref<26000x128xf32, #tpu.memory_space<hbm>> -> memref<26000x128xf32, #tpu.memory_space<hbm>>
    tpu.wait_indirect_dma semaphore(%arg12 : memref<!tpu.dma_semaphore, #tpu.memory_space<semaphore_mem>>) src(%dma_wait3A_972 : memref<26000x128xf32, #tpu.memory_space<hbm>>) dst(%dma_wait3A_966 : memref<128x128xf32, #tpu.memory_space<vmem>>)
    %add3A_973 = arith.constant 1408 : i32
    %add3A_974 = arith.addi %mul3A_2, %add3A_973 : i32
    %jit3A_975 = arith.constant 2048 : i32
    %eq3A_976 = arith.constant 0 : i32
    %eq3A_977 = arith.cmpi eq, %jit3A_975, %eq3A_976 : i32
    %jit3A_978 = arith.constant 1 : i32
    %select_n3A_979 = arith.select %eq3A_977, %jit3A_978, %jit3A_975 : i32
    %rem3A_980 = arith.remsi %add3A_974, %select_n3A_979 : i32
    %ne3A_981 = arith.constant 0 : i32
    %ne3A_982 = arith.cmpi ne, %rem3A_980, %ne3A_981 : i32
    %lt3A_983 = arith.constant 0 : i32
    %lt3A_984 = arith.cmpi slt, %rem3A_980, %lt3A_983 : i32
    %lt3A_985 = arith.constant 0 : i32
    %lt3A_986 = arith.cmpi slt, %select_n3A_979, %lt3A_985 : i32
    %ne3A_987 = arith.xori %lt3A_984, %lt3A_986 : i1
    %and3A_988 = arith.andi %ne3A_987, %ne3A_982 : i1
    %add3A_989 = arith.addi %rem3A_980, %select_n3A_979 : i32
    %select_n3A_990 = arith.select %and3A_988, %add3A_989, %rem3A_980 : i32
    %jit3A_991 = arith.constant 2048 : i32
    %div3A_992 = arith.divsi %add3A_974, %jit3A_991 : i32
    %sign3A_993 = arith.constant 0 : i32
    %sign3A_994 = arith.cmpi sgt, %add3A_974, %sign3A_993 : i32
    %sign3A_995 = arith.extui %sign3A_994 : i1 to i32
    %sign3A_996 = arith.constant 0 : i32
    %sign3A_997 = arith.cmpi slt, %add3A_974, %sign3A_996 : i32
    %sign3A_998 = arith.extui %sign3A_997 : i1 to i32
    %sign3A_999 = arith.subi %sign3A_995, %sign3A_998 : i32
    %sign3A_1000 = arith.constant 0 : i32
    %sign3A_1001 = arith.cmpi sgt, %jit3A_991, %sign3A_1000 : i32
    %sign3A_1002 = arith.extui %sign3A_1001 : i1 to i32
    %sign3A_1003 = arith.constant 0 : i32
    %sign3A_1004 = arith.cmpi slt, %jit3A_991, %sign3A_1003 : i32
    %sign3A_1005 = arith.extui %sign3A_1004 : i1 to i32
    %sign3A_1006 = arith.subi %sign3A_1002, %sign3A_1005 : i32
    %ne3A_1007 = arith.cmpi ne, %sign3A_999, %sign3A_1006 : i32
    %rem3A_1008 = arith.remsi %add3A_974, %jit3A_991 : i32
    %ne3A_1009 = arith.constant 0 : i32
    %ne3A_1010 = arith.cmpi ne, %rem3A_1008, %ne3A_1009 : i32
    %and3A_1011 = arith.andi %ne3A_1007, %ne3A_1010 : i1
    %sub3A_1012 = arith.constant 1 : i32
    %sub3A_1013 = arith.subi %div3A_992, %sub3A_1012 : i32
    %select_n3A_1014 = arith.select %and3A_1011, %sub3A_1013, %div3A_992 : i32
    %mul3A_1015 = arith.constant 128 : i32
    %mul3A_1016 = arith.muli %select_n3A_1014, %mul3A_1015 : i32
    %dma_start3A_1017 = arith.constant 5 : i32
    %dma_start3A_1018 = arith.constant 0 : i32
    %dma_start3A_1019 = arith.constant 0 : i32
    %dma_start3A_1020 = tpu.memref_slice %arg6[%dma_start3A_1017, %dma_start3A_1018, %dma_start3A_1019] : memref<6x128x128xf32, #tpu.memory_space<vmem>> -> memref<1x128x128xf32, #tpu.memory_space<vmem>>
    %dma_start3A_1021 = tpu.memref_squeeze %dma_start3A_1020 : memref<1x128x128xf32, #tpu.memory_space<vmem>> -> memref<128x128xf32, #tpu.memory_space<vmem>>
    %dma_start3A_1022 = tpu.memref_slice %arg4[%select_n3A_990, %mul3A_1016] : memref<2048x3328xf32, #tpu.memory_space<hbm>> -> memref<128x128xf32, #tpu.memory_space<hbm>>
    %dma_start3A_1023 = tpu.memref_slice %arg4[%select_n3A_990, %mul3A_1016] : memref<2048x3328xf32, #tpu.memory_space<hbm>> -> memref<128x128xf32, #tpu.memory_space<hbm>>
    %dma_start3A_1024 = arith.constant 0 : i32
    %dma_start3A_1025 = arith.constant 0 : i32
    %dma_start3A_1026 = tpu.memref_slice %arg6[%dma_start3A_1017, %dma_start3A_1024, %dma_start3A_1025] : memref<6x128x128xf32, #tpu.memory_space<vmem>> -> memref<1x128x128xf32, #tpu.memory_space<vmem>>
    %dma_start3A_1027 = tpu.memref_squeeze %dma_start3A_1026 : memref<1x128x128xf32, #tpu.memory_space<vmem>> -> memref<128x128xf32, #tpu.memory_space<vmem>>
    tpu.enqueue_dma source(%dma_start3A_1027 : memref<128x128xf32, #tpu.memory_space<vmem>>) target(%dma_start3A_1023 : memref<128x128xf32, #tpu.memory_space<hbm>>) target_semaphore(%arg18 : memref<!tpu.dma_semaphore, #tpu.memory_space<semaphore_mem>>)
    %dma_wait3A_1028 = arith.constant 12 : i32
    %dma_wait3A_1029 = arith.constant 0 : i32
    %dma_wait3A_1030 = arith.constant 0 : i32
    %dma_wait3A_1031 = arith.constant 0 : i32
    %dma_wait3A_1032 = tpu.memref_slice %arg6[%dma_wait3A_1029, %dma_wait3A_1030, %dma_wait3A_1031] : memref<6x128x128xf32, #tpu.memory_space<vmem>> -> memref<1x128x128xf32, #tpu.memory_space<vmem>>
    %dma_wait3A_1033 = tpu.memref_squeeze %dma_wait3A_1032 : memref<1x128x128xf32, #tpu.memory_space<vmem>> -> memref<128x128xf32, #tpu.memory_space<vmem>>
    %dma_wait3A_1034 = arith.constant 0 : i32
    %dma_wait3A_1035 = tpu.memref_slice %arg5[%dma_wait3A_1028, %dma_wait3A_1034] : memref<13x128xi32, #tpu.memory_space<vmem>> -> memref<1x128xi32, #tpu.memory_space<vmem>>
    %dma_wait3A_1036 = tpu.memref_squeeze %dma_wait3A_1035 : memref<1x128xi32, #tpu.memory_space<vmem>> -> memref<128xi32, #tpu.memory_space<vmem>>
    %dma_wait3A_1037 = arith.constant 0 : i32
    %dma_wait3A_1038 = arith.constant 0 : i32
    %dma_wait3A_1039 = tpu.memref_slice %arg3[%dma_wait3A_1037, %dma_wait3A_1038] : memref<26000x128xf32, #tpu.memory_space<hbm>> -> memref<26000x128xf32, #tpu.memory_space<hbm>>
    tpu.wait_indirect_dma semaphore(%arg7 : memref<!tpu.dma_semaphore, #tpu.memory_space<semaphore_mem>>) src(%dma_wait3A_1039 : memref<26000x128xf32, #tpu.memory_space<hbm>>) dst(%dma_wait3A_1033 : memref<128x128xf32, #tpu.memory_space<vmem>>)
    %add3A_1040 = arith.constant 1536 : i32
    %add3A_1041 = arith.addi %mul3A_2, %add3A_1040 : i32
    %jit3A_1042 = arith.constant 2048 : i32
    %eq3A_1043 = arith.constant 0 : i32
    %eq3A_1044 = arith.cmpi eq, %jit3A_1042, %eq3A_1043 : i32
    %jit3A_1045 = arith.constant 1 : i32
    %select_n3A_1046 = arith.select %eq3A_1044, %jit3A_1045, %jit3A_1042 : i32
    %rem3A_1047 = arith.remsi %add3A_1041, %select_n3A_1046 : i32
    %ne3A_1048 = arith.constant 0 : i32
    %ne3A_1049 = arith.cmpi ne, %rem3A_1047, %ne3A_1048 : i32
    %lt3A_1050 = arith.constant 0 : i32
    %lt3A_1051 = arith.cmpi slt, %rem3A_1047, %lt3A_1050 : i32
    %lt3A_1052 = arith.constant 0 : i32
    %lt3A_1053 = arith.cmpi slt, %select_n3A_1046, %lt3A_1052 : i32
    %ne3A_1054 = arith.xori %lt3A_1051, %lt3A_1053 : i1
    %and3A_1055 = arith.andi %ne3A_1054, %ne3A_1049 : i1
    %add3A_1056 = arith.addi %rem3A_1047, %select_n3A_1046 : i32
    %select_n3A_1057 = arith.select %and3A_1055, %add3A_1056, %rem3A_1047 : i32
    %jit3A_1058 = arith.constant 2048 : i32
    %div3A_1059 = arith.divsi %add3A_1041, %jit3A_1058 : i32
    %sign3A_1060 = arith.constant 0 : i32
    %sign3A_1061 = arith.cmpi sgt, %add3A_1041, %sign3A_1060 : i32
    %sign3A_1062 = arith.extui %sign3A_1061 : i1 to i32
    %sign3A_1063 = arith.constant 0 : i32
    %sign3A_1064 = arith.cmpi slt, %add3A_1041, %sign3A_1063 : i32
    %sign3A_1065 = arith.extui %sign3A_1064 : i1 to i32
    %sign3A_1066 = arith.subi %sign3A_1062, %sign3A_1065 : i32
    %sign3A_1067 = arith.constant 0 : i32
    %sign3A_1068 = arith.cmpi sgt, %jit3A_1058, %sign3A_1067 : i32
    %sign3A_1069 = arith.extui %sign3A_1068 : i1 to i32
    %sign3A_1070 = arith.constant 0 : i32
    %sign3A_1071 = arith.cmpi slt, %jit3A_1058, %sign3A_1070 : i32
    %sign3A_1072 = arith.extui %sign3A_1071 : i1 to i32
    %sign3A_1073 = arith.subi %sign3A_1069, %sign3A_1072 : i32
    %ne3A_1074 = arith.cmpi ne, %sign3A_1066, %sign3A_1073 : i32
    %rem3A_1075 = arith.remsi %add3A_1041, %jit3A_1058 : i32
    %ne3A_1076 = arith.constant 0 : i32
    %ne3A_1077 = arith.cmpi ne, %rem3A_1075, %ne3A_1076 : i32
    %and3A_1078 = arith.andi %ne3A_1074, %ne3A_1077 : i1
    %sub3A_1079 = arith.constant 1 : i32
    %sub3A_1080 = arith.subi %div3A_1059, %sub3A_1079 : i32
    %select_n3A_1081 = arith.select %and3A_1078, %sub3A_1080, %div3A_1059 : i32
    %mul3A_1082 = arith.constant 128 : i32
    %mul3A_1083 = arith.muli %select_n3A_1081, %mul3A_1082 : i32
    %dma_start3A_1084 = arith.constant 0 : i32
    %dma_start3A_1085 = arith.constant 0 : i32
    %dma_start3A_1086 = arith.constant 0 : i32
    %dma_start3A_1087 = tpu.memref_slice %arg6[%dma_start3A_1084, %dma_start3A_1085, %dma_start3A_1086] : memref<6x128x128xf32, #tpu.memory_space<vmem>> -> memref<1x128x128xf32, #tpu.memory_space<vmem>>
    %dma_start3A_1088 = tpu.memref_squeeze %dma_start3A_1087 : memref<1x128x128xf32, #tpu.memory_space<vmem>> -> memref<128x128xf32, #tpu.memory_space<vmem>>
    %dma_start3A_1089 = tpu.memref_slice %arg4[%select_n3A_1057, %mul3A_1083] : memref<2048x3328xf32, #tpu.memory_space<hbm>> -> memref<128x128xf32, #tpu.memory_space<hbm>>
    %dma_start3A_1090 = tpu.memref_slice %arg4[%select_n3A_1057, %mul3A_1083] : memref<2048x3328xf32, #tpu.memory_space<hbm>> -> memref<128x128xf32, #tpu.memory_space<hbm>>
    %dma_start3A_1091 = arith.constant 0 : i32
    %dma_start3A_1092 = arith.constant 0 : i32
    %dma_start3A_1093 = tpu.memref_slice %arg6[%dma_start3A_1084, %dma_start3A_1091, %dma_start3A_1092] : memref<6x128x128xf32, #tpu.memory_space<vmem>> -> memref<1x128x128xf32, #tpu.memory_space<vmem>>
    %dma_start3A_1094 = tpu.memref_squeeze %dma_start3A_1093 : memref<1x128x128xf32, #tpu.memory_space<vmem>> -> memref<128x128xf32, #tpu.memory_space<vmem>>
    tpu.enqueue_dma source(%dma_start3A_1094 : memref<128x128xf32, #tpu.memory_space<vmem>>) target(%dma_start3A_1090 : memref<128x128xf32, #tpu.memory_space<hbm>>) target_semaphore(%arg13 : memref<!tpu.dma_semaphore, #tpu.memory_space<semaphore_mem>>)
    %dma_wait3A_1095 = arith.constant 1 : i32
    %dma_wait3A_1096 = arith.constant 0 : i32
    %dma_wait3A_1097 = arith.constant 0 : i32
    %dma_wait3A_1098 = tpu.memref_slice %arg6[%dma_wait3A_1095, %dma_wait3A_1096, %dma_wait3A_1097] : memref<6x128x128xf32, #tpu.memory_space<vmem>> -> memref<1x128x128xf32, #tpu.memory_space<vmem>>
    %dma_wait3A_1099 = tpu.memref_squeeze %dma_wait3A_1098 : memref<1x128x128xf32, #tpu.memory_space<vmem>> -> memref<128x128xf32, #tpu.memory_space<vmem>>
    %dma_wait3A_1100 = tpu.memref_slice %arg4[%select_n3A_722, %mul3A_748] : memref<2048x3328xf32, #tpu.memory_space<hbm>> -> memref<128x128xf32, #tpu.memory_space<hbm>>
    %dma_wait3A_1101 = tpu.memref_slice %arg4[%select_n3A_722, %mul3A_748] : memref<2048x3328xf32, #tpu.memory_space<hbm>> -> memref<128x128xf32, #tpu.memory_space<hbm>>
    %dma_wait3A_1102 = arith.constant 0 : i32
    %dma_wait3A_1103 = arith.constant 0 : i32
    %dma_wait3A_1104 = tpu.memref_slice %arg6[%dma_wait3A_1095, %dma_wait3A_1102, %dma_wait3A_1103] : memref<6x128x128xf32, #tpu.memory_space<vmem>> -> memref<1x128x128xf32, #tpu.memory_space<vmem>>
    %dma_wait3A_1105 = tpu.memref_squeeze %dma_wait3A_1104 : memref<1x128x128xf32, #tpu.memory_space<vmem>> -> memref<128x128xf32, #tpu.memory_space<vmem>>
    tpu.wait_dma2 semaphore(%arg14 : memref<!tpu.dma_semaphore, #tpu.memory_space<semaphore_mem>>) src(%dma_wait3A_1105 : memref<128x128xf32, #tpu.memory_space<vmem>>) dst(%dma_wait3A_1101 : memref<128x128xf32, #tpu.memory_space<hbm>>)
    %dma_wait3A_1106 = arith.constant 2 : i32
    %dma_wait3A_1107 = arith.constant 0 : i32
    %dma_wait3A_1108 = arith.constant 0 : i32
    %dma_wait3A_1109 = tpu.memref_slice %arg6[%dma_wait3A_1106, %dma_wait3A_1107, %dma_wait3A_1108] : memref<6x128x128xf32, #tpu.memory_space<vmem>> -> memref<1x128x128xf32, #tpu.memory_space<vmem>>
    %dma_wait3A_1110 = tpu.memref_squeeze %dma_wait3A_1109 : memref<1x128x128xf32, #tpu.memory_space<vmem>> -> memref<128x128xf32, #tpu.memory_space<vmem>>
    %dma_wait3A_1111 = tpu.memref_slice %arg4[%select_n3A_789, %mul3A_815] : memref<2048x3328xf32, #tpu.memory_space<hbm>> -> memref<128x128xf32, #tpu.memory_space<hbm>>
    %dma_wait3A_1112 = tpu.memref_slice %arg4[%select_n3A_789, %mul3A_815] : memref<2048x3328xf32, #tpu.memory_space<hbm>> -> memref<128x128xf32, #tpu.memory_space<hbm>>
    %dma_wait3A_1113 = arith.constant 0 : i32
    %dma_wait3A_1114 = arith.constant 0 : i32
    %dma_wait3A_1115 = tpu.memref_slice %arg6[%dma_wait3A_1106, %dma_wait3A_1113, %dma_wait3A_1114] : memref<6x128x128xf32, #tpu.memory_space<vmem>> -> memref<1x128x128xf32, #tpu.memory_space<vmem>>
    %dma_wait3A_1116 = tpu.memref_squeeze %dma_wait3A_1115 : memref<1x128x128xf32, #tpu.memory_space<vmem>> -> memref<128x128xf32, #tpu.memory_space<vmem>>
    tpu.wait_dma2 semaphore(%arg15 : memref<!tpu.dma_semaphore, #tpu.memory_space<semaphore_mem>>) src(%dma_wait3A_1116 : memref<128x128xf32, #tpu.memory_space<vmem>>) dst(%dma_wait3A_1112 : memref<128x128xf32, #tpu.memory_space<hbm>>)
    %dma_wait3A_1117 = arith.constant 3 : i32
    %dma_wait3A_1118 = arith.constant 0 : i32
    %dma_wait3A_1119 = arith.constant 0 : i32
    %dma_wait3A_1120 = tpu.memref_slice %arg6[%dma_wait3A_1117, %dma_wait3A_1118, %dma_wait3A_1119] : memref<6x128x128xf32, #tpu.memory_space<vmem>> -> memref<1x128x128xf32, #tpu.memory_space<vmem>>
    %dma_wait3A_1121 = tpu.memref_squeeze %dma_wait3A_1120 : memref<1x128x128xf32, #tpu.memory_space<vmem>> -> memref<128x128xf32, #tpu.memory_space<vmem>>
    %dma_wait3A_1122 = tpu.memref_slice %arg4[%select_n3A_856, %mul3A_882] : memref<2048x3328xf32, #tpu.memory_space<hbm>> -> memref<128x128xf32, #tpu.memory_space<hbm>>
    %dma_wait3A_1123 = tpu.memref_slice %arg4[%select_n3A_856, %mul3A_882] : memref<2048x3328xf32, #tpu.memory_space<hbm>> -> memref<128x128xf32, #tpu.memory_space<hbm>>
    %dma_wait3A_1124 = arith.constant 0 : i32
    %dma_wait3A_1125 = arith.constant 0 : i32
    %dma_wait3A_1126 = tpu.memref_slice %arg6[%dma_wait3A_1117, %dma_wait3A_1124, %dma_wait3A_1125] : memref<6x128x128xf32, #tpu.memory_space<vmem>> -> memref<1x128x128xf32, #tpu.memory_space<vmem>>
    %dma_wait3A_1127 = tpu.memref_squeeze %dma_wait3A_1126 : memref<1x128x128xf32, #tpu.memory_space<vmem>> -> memref<128x128xf32, #tpu.memory_space<vmem>>
    tpu.wait_dma2 semaphore(%arg16 : memref<!tpu.dma_semaphore, #tpu.memory_space<semaphore_mem>>) src(%dma_wait3A_1127 : memref<128x128xf32, #tpu.memory_space<vmem>>) dst(%dma_wait3A_1123 : memref<128x128xf32, #tpu.memory_space<hbm>>)
    %dma_wait3A_1128 = arith.constant 4 : i32
    %dma_wait3A_1129 = arith.constant 0 : i32
    %dma_wait3A_1130 = arith.constant 0 : i32
    %dma_wait3A_1131 = tpu.memref_slice %arg6[%dma_wait3A_1128, %dma_wait3A_1129, %dma_wait3A_1130] : memref<6x128x128xf32, #tpu.memory_space<vmem>> -> memref<1x128x128xf32, #tpu.memory_space<vmem>>
    %dma_wait3A_1132 = tpu.memref_squeeze %dma_wait3A_1131 : memref<1x128x128xf32, #tpu.memory_space<vmem>> -> memref<128x128xf32, #tpu.memory_space<vmem>>
    %dma_wait3A_1133 = tpu.memref_slice %arg4[%select_n3A_923, %mul3A_949] : memref<2048x3328xf32, #tpu.memory_space<hbm>> -> memref<128x128xf32, #tpu.memory_space<hbm>>
    %dma_wait3A_1134 = tpu.memref_slice %arg4[%select_n3A_923, %mul3A_949] : memref<2048x3328xf32, #tpu.memory_space<hbm>> -> memref<128x128xf32, #tpu.memory_space<hbm>>
    %dma_wait3A_1135 = arith.constant 0 : i32
    %dma_wait3A_1136 = arith.constant 0 : i32
    %dma_wait3A_1137 = tpu.memref_slice %arg6[%dma_wait3A_1128, %dma_wait3A_1135, %dma_wait3A_1136] : memref<6x128x128xf32, #tpu.memory_space<vmem>> -> memref<1x128x128xf32, #tpu.memory_space<vmem>>
    %dma_wait3A_1138 = tpu.memref_squeeze %dma_wait3A_1137 : memref<1x128x128xf32, #tpu.memory_space<vmem>> -> memref<128x128xf32, #tpu.memory_space<vmem>>
    tpu.wait_dma2 semaphore(%arg17 : memref<!tpu.dma_semaphore, #tpu.memory_space<semaphore_mem>>) src(%dma_wait3A_1138 : memref<128x128xf32, #tpu.memory_space<vmem>>) dst(%dma_wait3A_1134 : memref<128x128xf32, #tpu.memory_space<hbm>>)
    %dma_wait3A_1139 = arith.constant 5 : i32
    %dma_wait3A_1140 = arith.constant 0 : i32
    %dma_wait3A_1141 = arith.constant 0 : i32
    %dma_wait3A_1142 = tpu.memref_slice %arg6[%dma_wait3A_1139, %dma_wait3A_1140, %dma_wait3A_1141] : memref<6x128x128xf32, #tpu.memory_space<vmem>> -> memref<1x128x128xf32, #tpu.memory_space<vmem>>
    %dma_wait3A_1143 = tpu.memref_squeeze %dma_wait3A_1142 : memref<1x128x128xf32, #tpu.memory_space<vmem>> -> memref<128x128xf32, #tpu.memory_space<vmem>>
    %dma_wait3A_1144 = tpu.memref_slice %arg4[%select_n3A_990, %mul3A_1016] : memref<2048x3328xf32, #tpu.memory_space<hbm>> -> memref<128x128xf32, #tpu.memory_space<hbm>>
    %dma_wait3A_1145 = tpu.memref_slice %arg4[%select_n3A_990, %mul3A_1016] : memref<2048x3328xf32, #tpu.memory_space<hbm>> -> memref<128x128xf32, #tpu.memory_space<hbm>>
    %dma_wait3A_1146 = arith.constant 0 : i32
    %dma_wait3A_1147 = arith.constant 0 : i32
    %dma_wait3A_1148 = tpu.memref_slice %arg6[%dma_wait3A_1139, %dma_wait3A_1146, %dma_wait3A_1147] : memref<6x128x128xf32, #tpu.memory_space<vmem>> -> memref<1x128x128xf32, #tpu.memory_space<vmem>>
    %dma_wait3A_1149 = tpu.memref_squeeze %dma_wait3A_1148 : memref<1x128x128xf32, #tpu.memory_space<vmem>> -> memref<128x128xf32, #tpu.memory_space<vmem>>
    tpu.wait_dma2 semaphore(%arg18 : memref<!tpu.dma_semaphore, #tpu.memory_space<semaphore_mem>>) src(%dma_wait3A_1149 : memref<128x128xf32, #tpu.memory_space<vmem>>) dst(%dma_wait3A_1145 : memref<128x128xf32, #tpu.memory_space<hbm>>)
    %dma_wait3A_1150 = arith.constant 0 : i32
    %dma_wait3A_1151 = arith.constant 0 : i32
    %dma_wait3A_1152 = arith.constant 0 : i32
    %dma_wait3A_1153 = tpu.memref_slice %arg6[%dma_wait3A_1150, %dma_wait3A_1151, %dma_wait3A_1152] : memref<6x128x128xf32, #tpu.memory_space<vmem>> -> memref<1x128x128xf32, #tpu.memory_space<vmem>>
    %dma_wait3A_1154 = tpu.memref_squeeze %dma_wait3A_1153 : memref<1x128x128xf32, #tpu.memory_space<vmem>> -> memref<128x128xf32, #tpu.memory_space<vmem>>
    %dma_wait3A_1155 = tpu.memref_slice %arg4[%select_n3A_1057, %mul3A_1083] : memref<2048x3328xf32, #tpu.memory_space<hbm>> -> memref<128x128xf32, #tpu.memory_space<hbm>>
    %dma_wait3A_1156 = tpu.memref_slice %arg4[%select_n3A_1057, %mul3A_1083] : memref<2048x3328xf32, #tpu.memory_space<hbm>> -> memref<128x128xf32, #tpu.memory_space<hbm>>
    %dma_wait3A_1157 = arith.constant 0 : i32
    %dma_wait3A_1158 = arith.constant 0 : i32
    %dma_wait3A_1159 = tpu.memref_slice %arg6[%dma_wait3A_1150, %dma_wait3A_1157, %dma_wait3A_1158] : memref<6x128x128xf32, #tpu.memory_space<vmem>> -> memref<1x128x128xf32, #tpu.memory_space<vmem>>
    %dma_wait3A_1160 = tpu.memref_squeeze %dma_wait3A_1159 : memref<1x128x128xf32, #tpu.memory_space<vmem>> -> memref<128x128xf32, #tpu.memory_space<vmem>>
    tpu.wait_dma2 semaphore(%arg13 : memref<!tpu.dma_semaphore, #tpu.memory_space<semaphore_mem>>) src(%dma_wait3A_1160 : memref<128x128xf32, #tpu.memory_space<vmem>>) dst(%dma_wait3A_1156 : memref<128x128xf32, #tpu.memory_space<hbm>>)
    return
  }
}

#map = affine_map<(d0, d1) -> (0, 0, 0)>
#map1 = affine_map<(d0, d1) -> (0, 0)>
module attributes {stable_mosaic.version = 14 : i64} {
  func.func @_gather_sc(%arg0: i32, %arg1: i32, %arg2: memref<32x13x128xi32, #tpu.memory_space<hbm>>, %arg3: memref<26000x128xf32, #tpu.memory_space<hbm>>, %arg4: memref<2048x3328xf32, #tpu.memory_space<hbm>>, %arg5: memref<13x128xi32, #tpu.memory_space<vmem>>, %arg6: memref<6x128x128xf32, #tpu.memory_space<vmem>>, %arg7: memref<!tpu.dma_semaphore, #tpu.memory_space<semaphore_mem>>, %arg8: memref<!tpu.dma_semaphore, #tpu.memory_space<semaphore_mem>>, %arg9: memref<!tpu.dma_semaphore, #tpu.memory_space<semaphore_mem>>, %arg10: memref<!tpu.dma_semaphore, #tpu.memory_space<semaphore_mem>>, %arg11: memref<!tpu.dma_semaphore, #tpu.memory_space<semaphore_mem>>, %arg12: memref<!tpu.dma_semaphore, #tpu.memory_space<semaphore_mem>>, %arg13: memref<!tpu.dma_semaphore, #tpu.memory_space<semaphore_mem>>, %arg14: memref<!tpu.dma_semaphore, #tpu.memory_space<semaphore_mem>>, %arg15: memref<!tpu.dma_semaphore, #tpu.memory_space<semaphore_mem>>, %arg16: memref<!tpu.dma_semaphore, #tpu.memory_space<semaphore_mem>>, %arg17: memref<!tpu.dma_semaphore, #tpu.memory_space<semaphore_mem>>, %arg18: memref<!tpu.dma_semaphore, #tpu.memory_space<semaphore_mem>>) attributes {dimension_semantics = [#tpu.dimension_semantics<core_parallel>, #tpu.dimension_semantics<subcore_parallel>], iteration_bounds = array<i64: 2, 16>, scalar_prefetch = 0 : i64, scratch_operands = 14 : i64, tpu.core_type = #tpu.core_type<sc_vector_subcore>, window_params = [{transform_indices = #map}, {transform_indices = #map1}, {transform_indices = #map1}]} {
    %mul3A = arith.constant 2 : i32
    %mul3A_0 = arith.muli %arg1, %mul3A : i32
    %add3A = arith.addi %mul3A_0, %arg0 : i32
    "tpu.region"() ({
      %run_scoped3A = tpu.sem_alloc : memref<!tpu.dma_semaphore, #tpu.memory_space<semaphore_mem>>
      %dma_start3A_1161 = arith.constant 0 : i32
      %dma_start3A_1162 = arith.constant 0 : i32
      %dma_start3A_1163 = tpu.memref_slice %arg2[%add3A, %dma_start3A_1161, %dma_start3A_1162] : memref<32x13x128xi32, #tpu.memory_space<hbm>> -> memref<1x13x128xi32, #tpu.memory_space<hbm>>
      %dma_start3A_1164 = tpu.memref_squeeze %dma_start3A_1163 : memref<1x13x128xi32, #tpu.memory_space<hbm>> -> memref<13x128xi32, #tpu.memory_space<hbm>>
      %dma_start3A_1165 = arith.constant 0 : i32
      %dma_start3A_1166 = arith.constant 0 : i32
      %dma_start3A_1167 = tpu.memref_slice %arg2[%add3A, %dma_start3A_1165, %dma_start3A_1166] : memref<32x13x128xi32, #tpu.memory_space<hbm>> -> memref<1x13x128xi32, #tpu.memory_space<hbm>>
      %dma_start3A_1168 = tpu.memref_squeeze %dma_start3A_1167 : memref<1x13x128xi32, #tpu.memory_space<hbm>> -> memref<13x128xi32, #tpu.memory_space<hbm>>
      tpu.enqueue_dma source(%dma_start3A_1168 : memref<13x128xi32, #tpu.memory_space<hbm>>) target(%arg5 : memref<13x128xi32, #tpu.memory_space<vmem>>) target_semaphore(%run_scoped3A : memref<!tpu.dma_semaphore, #tpu.memory_space<semaphore_mem>>)
      %dma_wait3A_1169 = arith.constant 0 : i32
      %dma_wait3A_1170 = arith.constant 0 : i32
      %dma_wait3A_1171 = tpu.memref_slice %arg2[%add3A, %dma_wait3A_1169, %dma_wait3A_1170] : memref<32x13x128xi32, #tpu.memory_space<hbm>> -> memref<1x13x128xi32, #tpu.memory_space<hbm>>
      %dma_wait3A_1172 = tpu.memref_squeeze %dma_wait3A_1171 : memref<1x13x128xi32, #tpu.memory_space<hbm>> -> memref<13x128xi32, #tpu.memory_space<hbm>>
      %dma_wait3A_1173 = arith.constant 0 : i32
      %dma_wait3A_1174 = arith.constant 0 : i32
      %dma_wait3A_1175 = tpu.memref_slice %arg2[%add3A, %dma_wait3A_1173, %dma_wait3A_1174] : memref<32x13x128xi32, #tpu.memory_space<hbm>> -> memref<1x13x128xi32, #tpu.memory_space<hbm>>
      %dma_wait3A_1176 = tpu.memref_squeeze %dma_wait3A_1175 : memref<1x13x128xi32, #tpu.memory_space<hbm>> -> memref<13x128xi32, #tpu.memory_space<hbm>>
      tpu.wait_dma2 semaphore(%run_scoped3A : memref<!tpu.dma_semaphore, #tpu.memory_space<semaphore_mem>>) src(%dma_wait3A_1176 : memref<13x128xi32, #tpu.memory_space<hbm>>) dst(%arg5 : memref<13x128xi32, #tpu.memory_space<vmem>>)
      tpu.yield
    }) : () -> ()
    %mul3A_1 = arith.constant 1664 : i32
    %mul3A_2 = arith.muli %add3A, %mul3A_1 : i32
    %dma_start3A = arith.constant 0 : i32
    %dma_start3A_3 = arith.constant 0 : i32
    %dma_start3A_4 = arith.constant 0 : i32
    %dma_start3A_5 = arith.constant 0 : i32
    %dma_start3A_6 = tpu.memref_slice %arg6[%dma_start3A_3, %dma_start3A_4, %dma_start3A_5] : memref<6x128x128xf32, #tpu.memory_space<vmem>> -> memref<1x128x128xf32, #tpu.memory_space<vmem>>
    %dma_start3A_7 = tpu.memref_squeeze %dma_start3A_6 : memref<1x128x128xf32, #tpu.memory_space<vmem>> -> memref<128x128xf32, #tpu.memory_space<vmem>>
    %dma_start3A_8 = arith.constant 0 : i32
    %dma_start3A_9 = tpu.memref_slice %arg5[%dma_start3A, %dma_start3A_8] : memref<13x128xi32, #tpu.memory_space<vmem>> -> memref<1x128xi32, #tpu.memory_space<vmem>>
    %dma_start3A_10 = tpu.memref_squeeze %dma_start3A_9 : memref<1x128xi32, #tpu.memory_space<vmem>> -> memref<128xi32, #tpu.memory_space<vmem>>
    %dma_start3A_11 = arith.constant 0 : i32
    %dma_start3A_12 = arith.constant 0 : i32
    %dma_start3A_13 = tpu.memref_slice %arg3[%dma_start3A_11, %dma_start3A_12] : memref<26000x128xf32, #tpu.memory_space<hbm>> -> memref<26000x128xf32, #tpu.memory_space<hbm>>
    tpu.enqueue_indirect_dma source(%dma_start3A_13 : memref<26000x128xf32, #tpu.memory_space<hbm>>) target(%dma_start3A_7 : memref<128x128xf32, #tpu.memory_space<vmem>>) offsets(%dma_start3A_10 : memref<128xi32, #tpu.memory_space<vmem>>) semaphore(%arg7 : memref<!tpu.dma_semaphore, #tpu.memory_space<semaphore_mem>>)
    %dma_start3A_14 = arith.constant 1 : i32
    %dma_start3A_15 = arith.constant 1 : i32
    %dma_start3A_16 = arith.constant 0 : i32
    %dma_start3A_17 = arith.constant 0 : i32
    %dma_start3A_18 = tpu.memref_slice %arg6[%dma_start3A_15, %dma_start3A_16, %dma_start3A_17] : memref<6x128x128xf32, #tpu.memory_space<vmem>> -> memref<1x128x128xf32, #tpu.memory_space<vmem>>
    %dma_start3A_19 = tpu.memref_squeeze %dma_start3A_18 : memref<1x128x128xf32, #tpu.memory_space<vmem>> -> memref<128x128xf32, #tpu.memory_space<vmem>>
    %dma_start3A_20 = arith.constant 0 : i32
    %dma_start3A_21 = tpu.memref_slice %arg5[%dma_start3A_14, %dma_start3A_20] : memref<13x128xi32, #tpu.memory_space<vmem>> -> memref<1x128xi32, #tpu.memory_space<vmem>>
    %dma_start3A_22 = tpu.memref_squeeze %dma_start3A_21 : memref<1x128xi32, #tpu.memory_space<vmem>> -> memref<128xi32, #tpu.memory_space<vmem>>
    %dma_start3A_23 = arith.constant 0 : i32
    %dma_start3A_24 = arith.constant 0 : i32
    %dma_start3A_25 = tpu.memref_slice %arg3[%dma_start3A_23, %dma_start3A_24] : memref<26000x128xf32, #tpu.memory_space<hbm>> -> memref<26000x128xf32, #tpu.memory_space<hbm>>
    tpu.enqueue_indirect_dma source(%dma_start3A_25 : memref<26000x128xf32, #tpu.memory_space<hbm>>) target(%dma_start3A_19 : memref<128x128xf32, #tpu.memory_space<vmem>>) offsets(%dma_start3A_22 : memref<128xi32, #tpu.memory_space<vmem>>) semaphore(%arg8 : memref<!tpu.dma_semaphore, #tpu.memory_space<semaphore_mem>>)
    %dma_start3A_26 = arith.constant 2 : i32
    %dma_start3A_27 = arith.constant 2 : i32
    %dma_start3A_28 = arith.constant 0 : i32
    %dma_start3A_29 = arith.constant 0 : i32
    %dma_start3A_30 = tpu.memref_slice %arg6[%dma_start3A_27, %dma_start3A_28, %dma_start3A_29] : memref<6x128x128xf32, #tpu.memory_space<vmem>> -> memref<1x128x128xf32, #tpu.memory_space<vmem>>
    %dma_start3A_31 = tpu.memref_squeeze %dma_start3A_30 : memref<1x128x128xf32, #tpu.memory_space<vmem>> -> memref<128x128xf32, #tpu.memory_space<vmem>>
    %dma_start3A_32 = arith.constant 0 : i32
    %dma_start3A_33 = tpu.memref_slice %arg5[%dma_start3A_26, %dma_start3A_32] : memref<13x128xi32, #tpu.memory_space<vmem>> -> memref<1x128xi32, #tpu.memory_space<vmem>>
    %dma_start3A_34 = tpu.memref_squeeze %dma_start3A_33 : memref<1x128xi32, #tpu.memory_space<vmem>> -> memref<128xi32, #tpu.memory_space<vmem>>
    %dma_start3A_35 = arith.constant 0 : i32
    %dma_start3A_36 = arith.constant 0 : i32
    %dma_start3A_37 = tpu.memref_slice %arg3[%dma_start3A_35, %dma_start3A_36] : memref<26000x128xf32, #tpu.memory_space<hbm>> -> memref<26000x128xf32, #tpu.memory_space<hbm>>
    tpu.enqueue_indirect_dma source(%dma_start3A_37 : memref<26000x128xf32, #tpu.memory_space<hbm>>) target(%dma_start3A_31 : memref<128x128xf32, #tpu.memory_space<vmem>>) offsets(%dma_start3A_34 : memref<128xi32, #tpu.memory_space<vmem>>) semaphore(%arg9 : memref<!tpu.dma_semaphore, #tpu.memory_space<semaphore_mem>>)
    %dma_start3A_38 = arith.constant 3 : i32
    %dma_start3A_39 = arith.constant 3 : i32
    %dma_start3A_40 = arith.constant 0 : i32
    %dma_start3A_41 = arith.constant 0 : i32
    %dma_start3A_42 = tpu.memref_slice %arg6[%dma_start3A_39, %dma_start3A_40, %dma_start3A_41] : memref<6x128x128xf32, #tpu.memory_space<vmem>> -> memref<1x128x128xf32, #tpu.memory_space<vmem>>
    %dma_start3A_43 = tpu.memref_squeeze %dma_start3A_42 : memref<1x128x128xf32, #tpu.memory_space<vmem>> -> memref<128x128xf32, #tpu.memory_space<vmem>>
    %dma_start3A_44 = arith.constant 0 : i32
    %dma_start3A_45 = tpu.memref_slice %arg5[%dma_start3A_38, %dma_start3A_44] : memref<13x128xi32, #tpu.memory_space<vmem>> -> memref<1x128xi32, #tpu.memory_space<vmem>>
    %dma_start3A_46 = tpu.memref_squeeze %dma_start3A_45 : memref<1x128xi32, #tpu.memory_space<vmem>> -> memref<128xi32, #tpu.memory_space<vmem>>
    %dma_start3A_47 = arith.constant 0 : i32
    %dma_start3A_48 = arith.constant 0 : i32
    %dma_start3A_49 = tpu.memref_slice %arg3[%dma_start3A_47, %dma_start3A_48] : memref<26000x128xf32, #tpu.memory_space<hbm>> -> memref<26000x128xf32, #tpu.memory_space<hbm>>
    tpu.enqueue_indirect_dma source(%dma_start3A_49 : memref<26000x128xf32, #tpu.memory_space<hbm>>) target(%dma_start3A_43 : memref<128x128xf32, #tpu.memory_space<vmem>>) offsets(%dma_start3A_46 : memref<128xi32, #tpu.memory_space<vmem>>) semaphore(%arg10 : memref<!tpu.dma_semaphore, #tpu.memory_space<semaphore_mem>>)
    %dma_start3A_50 = arith.constant 4 : i32
    %dma_start3A_51 = arith.constant 4 : i32
    %dma_start3A_52 = arith.constant 0 : i32
    %dma_start3A_53 = arith.constant 0 : i32
    %dma_start3A_54 = tpu.memref_slice %arg6[%dma_start3A_51, %dma_start3A_52, %dma_start3A_53] : memref<6x128x128xf32, #tpu.memory_space<vmem>> -> memref<1x128x128xf32, #tpu.memory_space<vmem>>
    %dma_start3A_55 = tpu.memref_squeeze %dma_start3A_54 : memref<1x128x128xf32, #tpu.memory_space<vmem>> -> memref<128x128xf32, #tpu.memory_space<vmem>>
    %dma_start3A_56 = arith.constant 0 : i32
    %dma_start3A_57 = tpu.memref_slice %arg5[%dma_start3A_50, %dma_start3A_56] : memref<13x128xi32, #tpu.memory_space<vmem>> -> memref<1x128xi32, #tpu.memory_space<vmem>>
    %dma_start3A_58 = tpu.memref_squeeze %dma_start3A_57 : memref<1x128xi32, #tpu.memory_space<vmem>> -> memref<128xi32, #tpu.memory_space<vmem>>
    %dma_start3A_59 = arith.constant 0 : i32
    %dma_start3A_60 = arith.constant 0 : i32
    %dma_start3A_61 = tpu.memref_slice %arg3[%dma_start3A_59, %dma_start3A_60] : memref<26000x128xf32, #tpu.memory_space<hbm>> -> memref<26000x128xf32, #tpu.memory_space<hbm>>
    tpu.enqueue_indirect_dma source(%dma_start3A_61 : memref<26000x128xf32, #tpu.memory_space<hbm>>) target(%dma_start3A_55 : memref<128x128xf32, #tpu.memory_space<vmem>>) offsets(%dma_start3A_58 : memref<128xi32, #tpu.memory_space<vmem>>) semaphore(%arg11 : memref<!tpu.dma_semaphore, #tpu.memory_space<semaphore_mem>>)
    %dma_wait3A = arith.constant 0 : i32
    %dma_wait3A_62 = arith.constant 0 : i32
    %dma_wait3A_63 = arith.constant 0 : i32
    %dma_wait3A_64 = arith.constant 0 : i32
    %dma_wait3A_65 = tpu.memref_slice %arg6[%dma_wait3A_62, %dma_wait3A_63, %dma_wait3A_64] : memref<6x128x128xf32, #tpu.memory_space<vmem>> -> memref<1x128x128xf32, #tpu.memory_space<vmem>>
    %dma_wait3A_66 = tpu.memref_squeeze %dma_wait3A_65 : memref<1x128x128xf32, #tpu.memory_space<vmem>> -> memref<128x128xf32, #tpu.memory_space<vmem>>
    %dma_wait3A_67 = arith.constant 0 : i32
    %dma_wait3A_68 = tpu.memref_slice %arg5[%dma_wait3A, %dma_wait3A_67] : memref<13x128xi32, #tpu.memory_space<vmem>> -> memref<1x128xi32, #tpu.memory_space<vmem>>
    %dma_wait3A_69 = tpu.memref_squeeze %dma_wait3A_68 : memref<1x128xi32, #tpu.memory_space<vmem>> -> memref<128xi32, #tpu.memory_space<vmem>>
    %dma_wait3A_70 = arith.constant 0 : i32
    %dma_wait3A_71 = arith.constant 0 : i32
    %dma_wait3A_72 = tpu.memref_slice %arg3[%dma_wait3A_70, %dma_wait3A_71] : memref<26000x128xf32, #tpu.memory_space<hbm>> -> memref<26000x128xf32, #tpu.memory_space<hbm>>
    tpu.wait_indirect_dma semaphore(%arg7 : memref<!tpu.dma_semaphore, #tpu.memory_space<semaphore_mem>>) src(%dma_wait3A_72 : memref<26000x128xf32, #tpu.memory_space<hbm>>) dst(%dma_wait3A_66 : memref<128x128xf32, #tpu.memory_space<vmem>>)
    %dma_start3A_73 = arith.constant 5 : i32
    %dma_start3A_74 = arith.constant 5 : i32
    %dma_start3A_75 = arith.constant 0 : i32
    %dma_start3A_76 = arith.constant 0 : i32
    %dma_start3A_77 = tpu.memref_slice %arg6[%dma_start3A_74, %dma_start3A_75, %dma_start3A_76] : memref<6x128x128xf32, #tpu.memory_space<vmem>> -> memref<1x128x128xf32, #tpu.memory_space<vmem>>
    %dma_start3A_78 = tpu.memref_squeeze %dma_start3A_77 : memref<1x128x128xf32, #tpu.memory_space<vmem>> -> memref<128x128xf32, #tpu.memory_space<vmem>>
    %dma_start3A_79 = arith.constant 0 : i32
    %dma_start3A_80 = tpu.memref_slice %arg5[%dma_start3A_73, %dma_start3A_79] : memref<13x128xi32, #tpu.memory_space<vmem>> -> memref<1x128xi32, #tpu.memory_space<vmem>>
    %dma_start3A_81 = tpu.memref_squeeze %dma_start3A_80 : memref<1x128xi32, #tpu.memory_space<vmem>> -> memref<128xi32, #tpu.memory_space<vmem>>
    %dma_start3A_82 = arith.constant 0 : i32
    %dma_start3A_83 = arith.constant 0 : i32
    %dma_start3A_84 = tpu.memref_slice %arg3[%dma_start3A_82, %dma_start3A_83] : memref<26000x128xf32, #tpu.memory_space<hbm>> -> memref<26000x128xf32, #tpu.memory_space<hbm>>
    tpu.enqueue_indirect_dma source(%dma_start3A_84 : memref<26000x128xf32, #tpu.memory_space<hbm>>) target(%dma_start3A_78 : memref<128x128xf32, #tpu.memory_space<vmem>>) offsets(%dma_start3A_81 : memref<128xi32, #tpu.memory_space<vmem>>) semaphore(%arg12 : memref<!tpu.dma_semaphore, #tpu.memory_space<semaphore_mem>>)
    %add3A_85 = arith.constant 0 : i32
    %add3A_86 = arith.addi %mul3A_2, %add3A_85 : i32
    %jit3A = arith.constant 2048 : i32
    %eq3A = arith.constant 0 : i32
    %eq3A_87 = arith.cmpi eq, %jit3A, %eq3A : i32
    %jit3A_88 = arith.constant 1 : i32
    %select_n3A = arith.select %eq3A_87, %jit3A_88, %jit3A : i32
    %rem3A = arith.remsi %add3A_86, %select_n3A : i32
    %ne3A = arith.constant 0 : i32
    %ne3A_89 = arith.cmpi ne, %rem3A, %ne3A : i32
    %lt3A = arith.constant 0 : i32
    %lt3A_90 = arith.cmpi slt, %rem3A, %lt3A : i32
    %lt3A_91 = arith.constant 0 : i32
    %lt3A_92 = arith.cmpi slt, %select_n3A, %lt3A_91 : i32
    %ne3A_93 = arith.xori %lt3A_90, %lt3A_92 : i1
    %and3A = arith.andi %ne3A_93, %ne3A_89 : i1
    %add3A_94 = arith.addi %rem3A, %select_n3A : i32
    %select_n3A_95 = arith.select %and3A, %add3A_94, %rem3A : i32
    %jit3A_96 = arith.constant 2048 : i32
    %div3A = arith.divsi %add3A_86, %jit3A_96 : i32
    %sign3A = arith.constant 0 : i32
    %sign3A_97 = arith.cmpi sgt, %add3A_86, %sign3A : i32
    %sign3A_98 = arith.extui %sign3A_97 : i1 to i32
    %sign3A_99 = arith.constant 0 : i32
    %sign3A_100 = arith.cmpi slt, %add3A_86, %sign3A_99 : i32
    %sign3A_101 = arith.extui %sign3A_100 : i1 to i32
    %sign3A_102 = arith.subi %sign3A_98, %sign3A_101 : i32
    %sign3A_103 = arith.constant 0 : i32
    %sign3A_104 = arith.cmpi sgt, %jit3A_96, %sign3A_103 : i32
    %sign3A_105 = arith.extui %sign3A_104 : i1 to i32
    %sign3A_106 = arith.constant 0 : i32
    %sign3A_107 = arith.cmpi slt, %jit3A_96, %sign3A_106 : i32
    %sign3A_108 = arith.extui %sign3A_107 : i1 to i32
    %sign3A_109 = arith.subi %sign3A_105, %sign3A_108 : i32
    %ne3A_110 = arith.cmpi ne, %sign3A_102, %sign3A_109 : i32
    %rem3A_111 = arith.remsi %add3A_86, %jit3A_96 : i32
    %ne3A_112 = arith.constant 0 : i32
    %ne3A_113 = arith.cmpi ne, %rem3A_111, %ne3A_112 : i32
    %and3A_114 = arith.andi %ne3A_110, %ne3A_113 : i1
    %sub3A = arith.constant 1 : i32
    %sub3A_115 = arith.subi %div3A, %sub3A : i32
    %select_n3A_116 = arith.select %and3A_114, %sub3A_115, %div3A : i32
    %mul3A_117 = arith.constant 128 : i32
    %mul3A_118 = arith.muli %select_n3A_116, %mul3A_117 : i32
    %dma_start3A_119 = arith.constant 0 : i32
    %dma_start3A_120 = arith.constant 0 : i32
    %dma_start3A_121 = arith.constant 0 : i32
    %dma_start3A_122 = tpu.memref_slice %arg6[%dma_start3A_119, %dma_start3A_120, %dma_start3A_121] : memref<6x128x128xf32, #tpu.memory_space<vmem>> -> memref<1x128x128xf32, #tpu.memory_space<vmem>>
    %dma_start3A_123 = tpu.memref_squeeze %dma_start3A_122 : memref<1x128x128xf32, #tpu.memory_space<vmem>> -> memref<128x128xf32, #tpu.memory_space<vmem>>
    %dma_start3A_124 = tpu.memref_slice %arg4[%select_n3A_95, %mul3A_118] : memref<2048x3328xf32, #tpu.memory_space<hbm>> -> memref<128x128xf32, #tpu.memory_space<hbm>>
    %dma_start3A_125 = tpu.memref_slice %arg4[%select_n3A_95, %mul3A_118] : memref<2048x3328xf32, #tpu.memory_space<hbm>> -> memref<128x128xf32, #tpu.memory_space<hbm>>
    %dma_start3A_126 = arith.constant 0 : i32
    %dma_start3A_127 = arith.constant 0 : i32
    %dma_start3A_128 = tpu.memref_slice %arg6[%dma_start3A_119, %dma_start3A_126, %dma_start3A_127] : memref<6x128x128xf32, #tpu.memory_space<vmem>> -> memref<1x128x128xf32, #tpu.memory_space<vmem>>
    %dma_start3A_129 = tpu.memref_squeeze %dma_start3A_128 : memref<1x128x128xf32, #tpu.memory_space<vmem>> -> memref<128x128xf32, #tpu.memory_space<vmem>>
    tpu.enqueue_dma source(%dma_start3A_129 : memref<128x128xf32, #tpu.memory_space<vmem>>) target(%dma_start3A_125 : memref<128x128xf32, #tpu.memory_space<hbm>>) target_semaphore(%arg13 : memref<!tpu.dma_semaphore, #tpu.memory_space<semaphore_mem>>)
    %dma_wait3A_130 = arith.constant 1 : i32
    %dma_wait3A_131 = arith.constant 1 : i32
    %dma_wait3A_132 = arith.constant 0 : i32
    %dma_wait3A_133 = arith.constant 0 : i32
    %dma_wait3A_134 = tpu.memref_slice %arg6[%dma_wait3A_131, %dma_wait3A_132, %dma_wait3A_133] : memref<6x128x128xf32, #tpu.memory_space<vmem>> -> memref<1x128x128xf32, #tpu.memory_space<vmem>>
    %dma_wait3A_135 = tpu.memref_squeeze %dma_wait3A_134 : memref<1x128x128xf32, #tpu.memory_space<vmem>> -> memref<128x128xf32, #tpu.memory_space<vmem>>
    %dma_wait3A_136 = arith.constant 0 : i32
    %dma_wait3A_137 = tpu.memref_slice %arg5[%dma_wait3A_130, %dma_wait3A_136] : memref<13x128xi32, #tpu.memory_space<vmem>> -> memref<1x128xi32, #tpu.memory_space<vmem>>
    %dma_wait3A_138 = tpu.memref_squeeze %dma_wait3A_137 : memref<1x128xi32, #tpu.memory_space<vmem>> -> memref<128xi32, #tpu.memory_space<vmem>>
    %dma_wait3A_139 = arith.constant 0 : i32
    %dma_wait3A_140 = arith.constant 0 : i32
    %dma_wait3A_141 = tpu.memref_slice %arg3[%dma_wait3A_139, %dma_wait3A_140] : memref<26000x128xf32, #tpu.memory_space<hbm>> -> memref<26000x128xf32, #tpu.memory_space<hbm>>
    tpu.wait_indirect_dma semaphore(%arg8 : memref<!tpu.dma_semaphore, #tpu.memory_space<semaphore_mem>>) src(%dma_wait3A_141 : memref<26000x128xf32, #tpu.memory_space<hbm>>) dst(%dma_wait3A_135 : memref<128x128xf32, #tpu.memory_space<vmem>>)
    %dma_wait3A_142 = arith.constant 0 : i32
    %dma_wait3A_143 = arith.constant 0 : i32
    %dma_wait3A_144 = arith.constant 0 : i32
    %dma_wait3A_145 = tpu.memref_slice %arg6[%dma_wait3A_142, %dma_wait3A_143, %dma_wait3A_144] : memref<6x128x128xf32, #tpu.memory_space<vmem>> -> memref<1x128x128xf32, #tpu.memory_space<vmem>>
    %dma_wait3A_146 = tpu.memref_squeeze %dma_wait3A_145 : memref<1x128x128xf32, #tpu.memory_space<vmem>> -> memref<128x128xf32, #tpu.memory_space<vmem>>
    %dma_wait3A_147 = tpu.memref_slice %arg4[%select_n3A_95, %mul3A_118] : memref<2048x3328xf32, #tpu.memory_space<hbm>> -> memref<128x128xf32, #tpu.memory_space<hbm>>
    %dma_wait3A_148 = tpu.memref_slice %arg4[%select_n3A_95, %mul3A_118] : memref<2048x3328xf32, #tpu.memory_space<hbm>> -> memref<128x128xf32, #tpu.memory_space<hbm>>
    %dma_wait3A_149 = arith.constant 0 : i32
    %dma_wait3A_150 = arith.constant 0 : i32
    %dma_wait3A_151 = tpu.memref_slice %arg6[%dma_wait3A_142, %dma_wait3A_149, %dma_wait3A_150] : memref<6x128x128xf32, #tpu.memory_space<vmem>> -> memref<1x128x128xf32, #tpu.memory_space<vmem>>
    %dma_wait3A_152 = tpu.memref_squeeze %dma_wait3A_151 : memref<1x128x128xf32, #tpu.memory_space<vmem>> -> memref<128x128xf32, #tpu.memory_space<vmem>>
    tpu.wait_dma2 semaphore(%arg13 : memref<!tpu.dma_semaphore, #tpu.memory_space<semaphore_mem>>) src(%dma_wait3A_152 : memref<128x128xf32, #tpu.memory_space<vmem>>) dst(%dma_wait3A_148 : memref<128x128xf32, #tpu.memory_space<hbm>>)
    %dma_start3A_153 = arith.constant 6 : i32
    %dma_start3A_154 = arith.constant 0 : i32
    %dma_start3A_155 = arith.constant 0 : i32
    %dma_start3A_156 = arith.constant 0 : i32
    %dma_start3A_157 = tpu.memref_slice %arg6[%dma_start3A_154, %dma_start3A_155, %dma_start3A_156] : memref<6x128x128xf32, #tpu.memory_space<vmem>> -> memref<1x128x128xf32, #tpu.memory_space<vmem>>
    %dma_start3A_158 = tpu.memref_squeeze %dma_start3A_157 : memref<1x128x128xf32, #tpu.memory_space<vmem>> -> memref<128x128xf32, #tpu.memory_space<vmem>>
    %dma_start3A_159 = arith.constant 0 : i32
    %dma_start3A_160 = tpu.memref_slice %arg5[%dma_start3A_153, %dma_start3A_159] : memref<13x128xi32, #tpu.memory_space<vmem>> -> memref<1x128xi32, #tpu.memory_space<vmem>>
    %dma_start3A_161 = tpu.memref_squeeze %dma_start3A_160 : memref<1x128xi32, #tpu.memory_space<vmem>> -> memref<128xi32, #tpu.memory_space<vmem>>
    %dma_start3A_162 = arith.constant 0 : i32
    %dma_start3A_163 = arith.constant 0 : i32
    %dma_start3A_164 = tpu.memref_slice %arg3[%dma_start3A_162, %dma_start3A_163] : memref<26000x128xf32, #tpu.memory_space<hbm>> -> memref<26000x128xf32, #tpu.memory_space<hbm>>
    tpu.enqueue_indirect_dma source(%dma_start3A_164 : memref<26000x128xf32, #tpu.memory_space<hbm>>) target(%dma_start3A_158 : memref<128x128xf32, #tpu.memory_space<vmem>>) offsets(%dma_start3A_161 : memref<128xi32, #tpu.memory_space<vmem>>) semaphore(%arg7 : memref<!tpu.dma_semaphore, #tpu.memory_space<semaphore_mem>>)
    %add3A_165 = arith.constant 128 : i32
    %add3A_166 = arith.addi %mul3A_2, %add3A_165 : i32
    %jit3A_167 = arith.constant 2048 : i32
    %eq3A_168 = arith.constant 0 : i32
    %eq3A_169 = arith.cmpi eq, %jit3A_167, %eq3A_168 : i32
    %jit3A_170 = arith.constant 1 : i32
    %select_n3A_171 = arith.select %eq3A_169, %jit3A_170, %jit3A_167 : i32
    %rem3A_172 = arith.remsi %add3A_166, %select_n3A_171 : i32
    %ne3A_173 = arith.constant 0 : i32
    %ne3A_174 = arith.cmpi ne, %rem3A_172, %ne3A_173 : i32
    %lt3A_175 = arith.constant 0 : i32
    %lt3A_176 = arith.cmpi slt, %rem3A_172, %lt3A_175 : i32
    %lt3A_177 = arith.constant 0 : i32
    %lt3A_178 = arith.cmpi slt, %select_n3A_171, %lt3A_177 : i32
    %ne3A_179 = arith.xori %lt3A_176, %lt3A_178 : i1
    %and3A_180 = arith.andi %ne3A_179, %ne3A_174 : i1
    %add3A_181 = arith.addi %rem3A_172, %select_n3A_171 : i32
    %select_n3A_182 = arith.select %and3A_180, %add3A_181, %rem3A_172 : i32
    %jit3A_183 = arith.constant 2048 : i32
    %div3A_184 = arith.divsi %add3A_166, %jit3A_183 : i32
    %sign3A_185 = arith.constant 0 : i32
    %sign3A_186 = arith.cmpi sgt, %add3A_166, %sign3A_185 : i32
    %sign3A_187 = arith.extui %sign3A_186 : i1 to i32
    %sign3A_188 = arith.constant 0 : i32
    %sign3A_189 = arith.cmpi slt, %add3A_166, %sign3A_188 : i32
    %sign3A_190 = arith.extui %sign3A_189 : i1 to i32
    %sign3A_191 = arith.subi %sign3A_187, %sign3A_190 : i32
    %sign3A_192 = arith.constant 0 : i32
    %sign3A_193 = arith.cmpi sgt, %jit3A_183, %sign3A_192 : i32
    %sign3A_194 = arith.extui %sign3A_193 : i1 to i32
    %sign3A_195 = arith.constant 0 : i32
    %sign3A_196 = arith.cmpi slt, %jit3A_183, %sign3A_195 : i32
    %sign3A_197 = arith.extui %sign3A_196 : i1 to i32
    %sign3A_198 = arith.subi %sign3A_194, %sign3A_197 : i32
    %ne3A_199 = arith.cmpi ne, %sign3A_191, %sign3A_198 : i32
    %rem3A_200 = arith.remsi %add3A_166, %jit3A_183 : i32
    %ne3A_201 = arith.constant 0 : i32
    %ne3A_202 = arith.cmpi ne, %rem3A_200, %ne3A_201 : i32
    %and3A_203 = arith.andi %ne3A_199, %ne3A_202 : i1
    %sub3A_204 = arith.constant 1 : i32
    %sub3A_205 = arith.subi %div3A_184, %sub3A_204 : i32
    %select_n3A_206 = arith.select %and3A_203, %sub3A_205, %div3A_184 : i32
    %mul3A_207 = arith.constant 128 : i32
    %mul3A_208 = arith.muli %select_n3A_206, %mul3A_207 : i32
    %dma_start3A_209 = arith.constant 1 : i32
    %dma_start3A_210 = arith.constant 0 : i32
    %dma_start3A_211 = arith.constant 0 : i32
    %dma_start3A_212 = tpu.memref_slice %arg6[%dma_start3A_209, %dma_start3A_210, %dma_start3A_211] : memref<6x128x128xf32, #tpu.memory_space<vmem>> -> memref<1x128x128xf32, #tpu.memory_space<vmem>>
    %dma_start3A_213 = tpu.memref_squeeze %dma_start3A_212 : memref<1x128x128xf32, #tpu.memory_space<vmem>> -> memref<128x128xf32, #tpu.memory_space<vmem>>
    %dma_start3A_214 = tpu.memref_slice %arg4[%select_n3A_182, %mul3A_208] : memref<2048x3328xf32, #tpu.memory_space<hbm>> -> memref<128x128xf32, #tpu.memory_space<hbm>>
    %dma_start3A_215 = tpu.memref_slice %arg4[%select_n3A_182, %mul3A_208] : memref<2048x3328xf32, #tpu.memory_space<hbm>> -> memref<128x128xf32, #tpu.memory_space<hbm>>
    %dma_start3A_216 = arith.constant 0 : i32
    %dma_start3A_217 = arith.constant 0 : i32
    %dma_start3A_218 = tpu.memref_slice %arg6[%dma_start3A_209, %dma_start3A_216, %dma_start3A_217] : memref<6x128x128xf32, #tpu.memory_space<vmem>> -> memref<1x128x128xf32, #tpu.memory_space<vmem>>
    %dma_start3A_219 = tpu.memref_squeeze %dma_start3A_218 : memref<1x128x128xf32, #tpu.memory_space<vmem>> -> memref<128x128xf32, #tpu.memory_space<vmem>>
    tpu.enqueue_dma source(%dma_start3A_219 : memref<128x128xf32, #tpu.memory_space<vmem>>) target(%dma_start3A_215 : memref<128x128xf32, #tpu.memory_space<hbm>>) target_semaphore(%arg14 : memref<!tpu.dma_semaphore, #tpu.memory_space<semaphore_mem>>)
    %dma_wait3A_220 = arith.constant 2 : i32
    %dma_wait3A_221 = arith.constant 2 : i32
    %dma_wait3A_222 = arith.constant 0 : i32
    %dma_wait3A_223 = arith.constant 0 : i32
    %dma_wait3A_224 = tpu.memref_slice %arg6[%dma_wait3A_221, %dma_wait3A_222, %dma_wait3A_223] : memref<6x128x128xf32, #tpu.memory_space<vmem>> -> memref<1x128x128xf32, #tpu.memory_space<vmem>>
    %dma_wait3A_225 = tpu.memref_squeeze %dma_wait3A_224 : memref<1x128x128xf32, #tpu.memory_space<vmem>> -> memref<128x128xf32, #tpu.memory_space<vmem>>
    %dma_wait3A_226 = arith.constant 0 : i32
    %dma_wait3A_227 = tpu.memref_slice %arg5[%dma_wait3A_220, %dma_wait3A_226] : memref<13x128xi32, #tpu.memory_space<vmem>> -> memref<1x128xi32, #tpu.memory_space<vmem>>
    %dma_wait3A_228 = tpu.memref_squeeze %dma_wait3A_227 : memref<1x128xi32, #tpu.memory_space<vmem>> -> memref<128xi32, #tpu.memory_space<vmem>>
    %dma_wait3A_229 = arith.constant 0 : i32
    %dma_wait3A_230 = arith.constant 0 : i32
    %dma_wait3A_231 = tpu.memref_slice %arg3[%dma_wait3A_229, %dma_wait3A_230] : memref<26000x128xf32, #tpu.memory_space<hbm>> -> memref<26000x128xf32, #tpu.memory_space<hbm>>
    tpu.wait_indirect_dma semaphore(%arg9 : memref<!tpu.dma_semaphore, #tpu.memory_space<semaphore_mem>>) src(%dma_wait3A_231 : memref<26000x128xf32, #tpu.memory_space<hbm>>) dst(%dma_wait3A_225 : memref<128x128xf32, #tpu.memory_space<vmem>>)
    %dma_wait3A_232 = arith.constant 1 : i32
    %dma_wait3A_233 = arith.constant 0 : i32
    %dma_wait3A_234 = arith.constant 0 : i32
    %dma_wait3A_235 = tpu.memref_slice %arg6[%dma_wait3A_232, %dma_wait3A_233, %dma_wait3A_234] : memref<6x128x128xf32, #tpu.memory_space<vmem>> -> memref<1x128x128xf32, #tpu.memory_space<vmem>>
    %dma_wait3A_236 = tpu.memref_squeeze %dma_wait3A_235 : memref<1x128x128xf32, #tpu.memory_space<vmem>> -> memref<128x128xf32, #tpu.memory_space<vmem>>
    %dma_wait3A_237 = tpu.memref_slice %arg4[%select_n3A_182, %mul3A_208] : memref<2048x3328xf32, #tpu.memory_space<hbm>> -> memref<128x128xf32, #tpu.memory_space<hbm>>
    %dma_wait3A_238 = tpu.memref_slice %arg4[%select_n3A_182, %mul3A_208] : memref<2048x3328xf32, #tpu.memory_space<hbm>> -> memref<128x128xf32, #tpu.memory_space<hbm>>
    %dma_wait3A_239 = arith.constant 0 : i32
    %dma_wait3A_240 = arith.constant 0 : i32
    %dma_wait3A_241 = tpu.memref_slice %arg6[%dma_wait3A_232, %dma_wait3A_239, %dma_wait3A_240] : memref<6x128x128xf32, #tpu.memory_space<vmem>> -> memref<1x128x128xf32, #tpu.memory_space<vmem>>
    %dma_wait3A_242 = tpu.memref_squeeze %dma_wait3A_241 : memref<1x128x128xf32, #tpu.memory_space<vmem>> -> memref<128x128xf32, #tpu.memory_space<vmem>>
    tpu.wait_dma2 semaphore(%arg14 : memref<!tpu.dma_semaphore, #tpu.memory_space<semaphore_mem>>) src(%dma_wait3A_242 : memref<128x128xf32, #tpu.memory_space<vmem>>) dst(%dma_wait3A_238 : memref<128x128xf32, #tpu.memory_space<hbm>>)
    %dma_start3A_243 = arith.constant 7 : i32
    %dma_start3A_244 = arith.constant 1 : i32
    %dma_start3A_245 = arith.constant 0 : i32
    %dma_start3A_246 = arith.constant 0 : i32
    %dma_start3A_247 = tpu.memref_slice %arg6[%dma_start3A_244, %dma_start3A_245, %dma_start3A_246] : memref<6x128x128xf32, #tpu.memory_space<vmem>> -> memref<1x128x128xf32, #tpu.memory_space<vmem>>
    %dma_start3A_248 = tpu.memref_squeeze %dma_start3A_247 : memref<1x128x128xf32, #tpu.memory_space<vmem>> -> memref<128x128xf32, #tpu.memory_space<vmem>>
    %dma_start3A_249 = arith.constant 0 : i32
    %dma_start3A_250 = tpu.memref_slice %arg5[%dma_start3A_243, %dma_start3A_249] : memref<13x128xi32, #tpu.memory_space<vmem>> -> memref<1x128xi32, #tpu.memory_space<vmem>>
    %dma_start3A_251 = tpu.memref_squeeze %dma_start3A_250 : memref<1x128xi32, #tpu.memory_space<vmem>> -> memref<128xi32, #tpu.memory_space<vmem>>
    %dma_start3A_252 = arith.constant 0 : i32
    %dma_start3A_253 = arith.constant 0 : i32
    %dma_start3A_254 = tpu.memref_slice %arg3[%dma_start3A_252, %dma_start3A_253] : memref<26000x128xf32, #tpu.memory_space<hbm>> -> memref<26000x128xf32, #tpu.memory_space<hbm>>
    tpu.enqueue_indirect_dma source(%dma_start3A_254 : memref<26000x128xf32, #tpu.memory_space<hbm>>) target(%dma_start3A_248 : memref<128x128xf32, #tpu.memory_space<vmem>>) offsets(%dma_start3A_251 : memref<128xi32, #tpu.memory_space<vmem>>) semaphore(%arg8 : memref<!tpu.dma_semaphore, #tpu.memory_space<semaphore_mem>>)
    %add3A_255 = arith.constant 256 : i32
    %add3A_256 = arith.addi %mul3A_2, %add3A_255 : i32
    %jit3A_257 = arith.constant 2048 : i32
    %eq3A_258 = arith.constant 0 : i32
    %eq3A_259 = arith.cmpi eq, %jit3A_257, %eq3A_258 : i32
    %jit3A_260 = arith.constant 1 : i32
    %select_n3A_261 = arith.select %eq3A_259, %jit3A_260, %jit3A_257 : i32
    %rem3A_262 = arith.remsi %add3A_256, %select_n3A_261 : i32
    %ne3A_263 = arith.constant 0 : i32
    %ne3A_264 = arith.cmpi ne, %rem3A_262, %ne3A_263 : i32
    %lt3A_265 = arith.constant 0 : i32
    %lt3A_266 = arith.cmpi slt, %rem3A_262, %lt3A_265 : i32
    %lt3A_267 = arith.constant 0 : i32
    %lt3A_268 = arith.cmpi slt, %select_n3A_261, %lt3A_267 : i32
    %ne3A_269 = arith.xori %lt3A_266, %lt3A_268 : i1
    %and3A_270 = arith.andi %ne3A_269, %ne3A_264 : i1
    %add3A_271 = arith.addi %rem3A_262, %select_n3A_261 : i32
    %select_n3A_272 = arith.select %and3A_270, %add3A_271, %rem3A_262 : i32
    %jit3A_273 = arith.constant 2048 : i32
    %div3A_274 = arith.divsi %add3A_256, %jit3A_273 : i32
    %sign3A_275 = arith.constant 0 : i32
    %sign3A_276 = arith.cmpi sgt, %add3A_256, %sign3A_275 : i32
    %sign3A_277 = arith.extui %sign3A_276 : i1 to i32
    %sign3A_278 = arith.constant 0 : i32
    %sign3A_279 = arith.cmpi slt, %add3A_256, %sign3A_278 : i32
    %sign3A_280 = arith.extui %sign3A_279 : i1 to i32
    %sign3A_281 = arith.subi %sign3A_277, %sign3A_280 : i32
    %sign3A_282 = arith.constant 0 : i32
    %sign3A_283 = arith.cmpi sgt, %jit3A_273, %sign3A_282 : i32
    %sign3A_284 = arith.extui %sign3A_283 : i1 to i32
    %sign3A_285 = arith.constant 0 : i32
    %sign3A_286 = arith.cmpi slt, %jit3A_273, %sign3A_285 : i32
    %sign3A_287 = arith.extui %sign3A_286 : i1 to i32
    %sign3A_288 = arith.subi %sign3A_284, %sign3A_287 : i32
    %ne3A_289 = arith.cmpi ne, %sign3A_281, %sign3A_288 : i32
    %rem3A_290 = arith.remsi %add3A_256, %jit3A_273 : i32
    %ne3A_291 = arith.constant 0 : i32
    %ne3A_292 = arith.cmpi ne, %rem3A_290, %ne3A_291 : i32
    %and3A_293 = arith.andi %ne3A_289, %ne3A_292 : i1
    %sub3A_294 = arith.constant 1 : i32
    %sub3A_295 = arith.subi %div3A_274, %sub3A_294 : i32
    %select_n3A_296 = arith.select %and3A_293, %sub3A_295, %div3A_274 : i32
    %mul3A_297 = arith.constant 128 : i32
    %mul3A_298 = arith.muli %select_n3A_296, %mul3A_297 : i32
    %dma_start3A_299 = arith.constant 2 : i32
    %dma_start3A_300 = arith.constant 0 : i32
    %dma_start3A_301 = arith.constant 0 : i32
    %dma_start3A_302 = tpu.memref_slice %arg6[%dma_start3A_299, %dma_start3A_300, %dma_start3A_301] : memref<6x128x128xf32, #tpu.memory_space<vmem>> -> memref<1x128x128xf32, #tpu.memory_space<vmem>>
    %dma_start3A_303 = tpu.memref_squeeze %dma_start3A_302 : memref<1x128x128xf32, #tpu.memory_space<vmem>> -> memref<128x128xf32, #tpu.memory_space<vmem>>
    %dma_start3A_304 = tpu.memref_slice %arg4[%select_n3A_272, %mul3A_298] : memref<2048x3328xf32, #tpu.memory_space<hbm>> -> memref<128x128xf32, #tpu.memory_space<hbm>>
    %dma_start3A_305 = tpu.memref_slice %arg4[%select_n3A_272, %mul3A_298] : memref<2048x3328xf32, #tpu.memory_space<hbm>> -> memref<128x128xf32, #tpu.memory_space<hbm>>
    %dma_start3A_306 = arith.constant 0 : i32
    %dma_start3A_307 = arith.constant 0 : i32
    %dma_start3A_308 = tpu.memref_slice %arg6[%dma_start3A_299, %dma_start3A_306, %dma_start3A_307] : memref<6x128x128xf32, #tpu.memory_space<vmem>> -> memref<1x128x128xf32, #tpu.memory_space<vmem>>
    %dma_start3A_309 = tpu.memref_squeeze %dma_start3A_308 : memref<1x128x128xf32, #tpu.memory_space<vmem>> -> memref<128x128xf32, #tpu.memory_space<vmem>>
    tpu.enqueue_dma source(%dma_start3A_309 : memref<128x128xf32, #tpu.memory_space<vmem>>) target(%dma_start3A_305 : memref<128x128xf32, #tpu.memory_space<hbm>>) target_semaphore(%arg15 : memref<!tpu.dma_semaphore, #tpu.memory_space<semaphore_mem>>)
    %dma_wait3A_310 = arith.constant 3 : i32
    %dma_wait3A_311 = arith.constant 3 : i32
    %dma_wait3A_312 = arith.constant 0 : i32
    %dma_wait3A_313 = arith.constant 0 : i32
    %dma_wait3A_314 = tpu.memref_slice %arg6[%dma_wait3A_311, %dma_wait3A_312, %dma_wait3A_313] : memref<6x128x128xf32, #tpu.memory_space<vmem>> -> memref<1x128x128xf32, #tpu.memory_space<vmem>>
    %dma_wait3A_315 = tpu.memref_squeeze %dma_wait3A_314 : memref<1x128x128xf32, #tpu.memory_space<vmem>> -> memref<128x128xf32, #tpu.memory_space<vmem>>
    %dma_wait3A_316 = arith.constant 0 : i32
    %dma_wait3A_317 = tpu.memref_slice %arg5[%dma_wait3A_310, %dma_wait3A_316] : memref<13x128xi32, #tpu.memory_space<vmem>> -> memref<1x128xi32, #tpu.memory_space<vmem>>
    %dma_wait3A_318 = tpu.memref_squeeze %dma_wait3A_317 : memref<1x128xi32, #tpu.memory_space<vmem>> -> memref<128xi32, #tpu.memory_space<vmem>>
    %dma_wait3A_319 = arith.constant 0 : i32
    %dma_wait3A_320 = arith.constant 0 : i32
    %dma_wait3A_321 = tpu.memref_slice %arg3[%dma_wait3A_319, %dma_wait3A_320] : memref<26000x128xf32, #tpu.memory_space<hbm>> -> memref<26000x128xf32, #tpu.memory_space<hbm>>
    tpu.wait_indirect_dma semaphore(%arg10 : memref<!tpu.dma_semaphore, #tpu.memory_space<semaphore_mem>>) src(%dma_wait3A_321 : memref<26000x128xf32, #tpu.memory_space<hbm>>) dst(%dma_wait3A_315 : memref<128x128xf32, #tpu.memory_space<vmem>>)
    %dma_wait3A_322 = arith.constant 2 : i32
    %dma_wait3A_323 = arith.constant 0 : i32
    %dma_wait3A_324 = arith.constant 0 : i32
    %dma_wait3A_325 = tpu.memref_slice %arg6[%dma_wait3A_322, %dma_wait3A_323, %dma_wait3A_324] : memref<6x128x128xf32, #tpu.memory_space<vmem>> -> memref<1x128x128xf32, #tpu.memory_space<vmem>>
    %dma_wait3A_326 = tpu.memref_squeeze %dma_wait3A_325 : memref<1x128x128xf32, #tpu.memory_space<vmem>> -> memref<128x128xf32, #tpu.memory_space<vmem>>
    %dma_wait3A_327 = tpu.memref_slice %arg4[%select_n3A_272, %mul3A_298] : memref<2048x3328xf32, #tpu.memory_space<hbm>> -> memref<128x128xf32, #tpu.memory_space<hbm>>
    %dma_wait3A_328 = tpu.memref_slice %arg4[%select_n3A_272, %mul3A_298] : memref<2048x3328xf32, #tpu.memory_space<hbm>> -> memref<128x128xf32, #tpu.memory_space<hbm>>
    %dma_wait3A_329 = arith.constant 0 : i32
    %dma_wait3A_330 = arith.constant 0 : i32
    %dma_wait3A_331 = tpu.memref_slice %arg6[%dma_wait3A_322, %dma_wait3A_329, %dma_wait3A_330] : memref<6x128x128xf32, #tpu.memory_space<vmem>> -> memref<1x128x128xf32, #tpu.memory_space<vmem>>
    %dma_wait3A_332 = tpu.memref_squeeze %dma_wait3A_331 : memref<1x128x128xf32, #tpu.memory_space<vmem>> -> memref<128x128xf32, #tpu.memory_space<vmem>>
    tpu.wait_dma2 semaphore(%arg15 : memref<!tpu.dma_semaphore, #tpu.memory_space<semaphore_mem>>) src(%dma_wait3A_332 : memref<128x128xf32, #tpu.memory_space<vmem>>) dst(%dma_wait3A_328 : memref<128x128xf32, #tpu.memory_space<hbm>>)
    %dma_start3A_333 = arith.constant 8 : i32
    %dma_start3A_334 = arith.constant 2 : i32
    %dma_start3A_335 = arith.constant 0 : i32
    %dma_start3A_336 = arith.constant 0 : i32
    %dma_start3A_337 = tpu.memref_slice %arg6[%dma_start3A_334, %dma_start3A_335, %dma_start3A_336] : memref<6x128x128xf32, #tpu.memory_space<vmem>> -> memref<1x128x128xf32, #tpu.memory_space<vmem>>
    %dma_start3A_338 = tpu.memref_squeeze %dma_start3A_337 : memref<1x128x128xf32, #tpu.memory_space<vmem>> -> memref<128x128xf32, #tpu.memory_space<vmem>>
    %dma_start3A_339 = arith.constant 0 : i32
    %dma_start3A_340 = tpu.memref_slice %arg5[%dma_start3A_333, %dma_start3A_339] : memref<13x128xi32, #tpu.memory_space<vmem>> -> memref<1x128xi32, #tpu.memory_space<vmem>>
    %dma_start3A_341 = tpu.memref_squeeze %dma_start3A_340 : memref<1x128xi32, #tpu.memory_space<vmem>> -> memref<128xi32, #tpu.memory_space<vmem>>
    %dma_start3A_342 = arith.constant 0 : i32
    %dma_start3A_343 = arith.constant 0 : i32
    %dma_start3A_344 = tpu.memref_slice %arg3[%dma_start3A_342, %dma_start3A_343] : memref<26000x128xf32, #tpu.memory_space<hbm>> -> memref<26000x128xf32, #tpu.memory_space<hbm>>
    tpu.enqueue_indirect_dma source(%dma_start3A_344 : memref<26000x128xf32, #tpu.memory_space<hbm>>) target(%dma_start3A_338 : memref<128x128xf32, #tpu.memory_space<vmem>>) offsets(%dma_start3A_341 : memref<128xi32, #tpu.memory_space<vmem>>) semaphore(%arg9 : memref<!tpu.dma_semaphore, #tpu.memory_space<semaphore_mem>>)
    %add3A_345 = arith.constant 384 : i32
    %add3A_346 = arith.addi %mul3A_2, %add3A_345 : i32
    %jit3A_347 = arith.constant 2048 : i32
    %eq3A_348 = arith.constant 0 : i32
    %eq3A_349 = arith.cmpi eq, %jit3A_347, %eq3A_348 : i32
    %jit3A_350 = arith.constant 1 : i32
    %select_n3A_351 = arith.select %eq3A_349, %jit3A_350, %jit3A_347 : i32
    %rem3A_352 = arith.remsi %add3A_346, %select_n3A_351 : i32
    %ne3A_353 = arith.constant 0 : i32
    %ne3A_354 = arith.cmpi ne, %rem3A_352, %ne3A_353 : i32
    %lt3A_355 = arith.constant 0 : i32
    %lt3A_356 = arith.cmpi slt, %rem3A_352, %lt3A_355 : i32
    %lt3A_357 = arith.constant 0 : i32
    %lt3A_358 = arith.cmpi slt, %select_n3A_351, %lt3A_357 : i32
    %ne3A_359 = arith.xori %lt3A_356, %lt3A_358 : i1
    %and3A_360 = arith.andi %ne3A_359, %ne3A_354 : i1
    %add3A_361 = arith.addi %rem3A_352, %select_n3A_351 : i32
    %select_n3A_362 = arith.select %and3A_360, %add3A_361, %rem3A_352 : i32
    %jit3A_363 = arith.constant 2048 : i32
    %div3A_364 = arith.divsi %add3A_346, %jit3A_363 : i32
    %sign3A_365 = arith.constant 0 : i32
    %sign3A_366 = arith.cmpi sgt, %add3A_346, %sign3A_365 : i32
    %sign3A_367 = arith.extui %sign3A_366 : i1 to i32
    %sign3A_368 = arith.constant 0 : i32
    %sign3A_369 = arith.cmpi slt, %add3A_346, %sign3A_368 : i32
    %sign3A_370 = arith.extui %sign3A_369 : i1 to i32
    %sign3A_371 = arith.subi %sign3A_367, %sign3A_370 : i32
    %sign3A_372 = arith.constant 0 : i32
    %sign3A_373 = arith.cmpi sgt, %jit3A_363, %sign3A_372 : i32
    %sign3A_374 = arith.extui %sign3A_373 : i1 to i32
    %sign3A_375 = arith.constant 0 : i32
    %sign3A_376 = arith.cmpi slt, %jit3A_363, %sign3A_375 : i32
    %sign3A_377 = arith.extui %sign3A_376 : i1 to i32
    %sign3A_378 = arith.subi %sign3A_374, %sign3A_377 : i32
    %ne3A_379 = arith.cmpi ne, %sign3A_371, %sign3A_378 : i32
    %rem3A_380 = arith.remsi %add3A_346, %jit3A_363 : i32
    %ne3A_381 = arith.constant 0 : i32
    %ne3A_382 = arith.cmpi ne, %rem3A_380, %ne3A_381 : i32
    %and3A_383 = arith.andi %ne3A_379, %ne3A_382 : i1
    %sub3A_384 = arith.constant 1 : i32
    %sub3A_385 = arith.subi %div3A_364, %sub3A_384 : i32
    %select_n3A_386 = arith.select %and3A_383, %sub3A_385, %div3A_364 : i32
    %mul3A_387 = arith.constant 128 : i32
    %mul3A_388 = arith.muli %select_n3A_386, %mul3A_387 : i32
    %dma_start3A_389 = arith.constant 3 : i32
    %dma_start3A_390 = arith.constant 0 : i32
    %dma_start3A_391 = arith.constant 0 : i32
    %dma_start3A_392 = tpu.memref_slice %arg6[%dma_start3A_389, %dma_start3A_390, %dma_start3A_391] : memref<6x128x128xf32, #tpu.memory_space<vmem>> -> memref<1x128x128xf32, #tpu.memory_space<vmem>>
    %dma_start3A_393 = tpu.memref_squeeze %dma_start3A_392 : memref<1x128x128xf32, #tpu.memory_space<vmem>> -> memref<128x128xf32, #tpu.memory_space<vmem>>
    %dma_start3A_394 = tpu.memref_slice %arg4[%select_n3A_362, %mul3A_388] : memref<2048x3328xf32, #tpu.memory_space<hbm>> -> memref<128x128xf32, #tpu.memory_space<hbm>>
    %dma_start3A_395 = tpu.memref_slice %arg4[%select_n3A_362, %mul3A_388] : memref<2048x3328xf32, #tpu.memory_space<hbm>> -> memref<128x128xf32, #tpu.memory_space<hbm>>
    %dma_start3A_396 = arith.constant 0 : i32
    %dma_start3A_397 = arith.constant 0 : i32
    %dma_start3A_398 = tpu.memref_slice %arg6[%dma_start3A_389, %dma_start3A_396, %dma_start3A_397] : memref<6x128x128xf32, #tpu.memory_space<vmem>> -> memref<1x128x128xf32, #tpu.memory_space<vmem>>
    %dma_start3A_399 = tpu.memref_squeeze %dma_start3A_398 : memref<1x128x128xf32, #tpu.memory_space<vmem>> -> memref<128x128xf32, #tpu.memory_space<vmem>>
    tpu.enqueue_dma source(%dma_start3A_399 : memref<128x128xf32, #tpu.memory_space<vmem>>) target(%dma_start3A_395 : memref<128x128xf32, #tpu.memory_space<hbm>>) target_semaphore(%arg16 : memref<!tpu.dma_semaphore, #tpu.memory_space<semaphore_mem>>)
    %dma_wait3A_400 = arith.constant 4 : i32
    %dma_wait3A_401 = arith.constant 4 : i32
    %dma_wait3A_402 = arith.constant 0 : i32
    %dma_wait3A_403 = arith.constant 0 : i32
    %dma_wait3A_404 = tpu.memref_slice %arg6[%dma_wait3A_401, %dma_wait3A_402, %dma_wait3A_403] : memref<6x128x128xf32, #tpu.memory_space<vmem>> -> memref<1x128x128xf32, #tpu.memory_space<vmem>>
    %dma_wait3A_405 = tpu.memref_squeeze %dma_wait3A_404 : memref<1x128x128xf32, #tpu.memory_space<vmem>> -> memref<128x128xf32, #tpu.memory_space<vmem>>
    %dma_wait3A_406 = arith.constant 0 : i32
    %dma_wait3A_407 = tpu.memref_slice %arg5[%dma_wait3A_400, %dma_wait3A_406] : memref<13x128xi32, #tpu.memory_space<vmem>> -> memref<1x128xi32, #tpu.memory_space<vmem>>
    %dma_wait3A_408 = tpu.memref_squeeze %dma_wait3A_407 : memref<1x128xi32, #tpu.memory_space<vmem>> -> memref<128xi32, #tpu.memory_space<vmem>>
    %dma_wait3A_409 = arith.constant 0 : i32
    %dma_wait3A_410 = arith.constant 0 : i32
    %dma_wait3A_411 = tpu.memref_slice %arg3[%dma_wait3A_409, %dma_wait3A_410] : memref<26000x128xf32, #tpu.memory_space<hbm>> -> memref<26000x128xf32, #tpu.memory_space<hbm>>
    tpu.wait_indirect_dma semaphore(%arg11 : memref<!tpu.dma_semaphore, #tpu.memory_space<semaphore_mem>>) src(%dma_wait3A_411 : memref<26000x128xf32, #tpu.memory_space<hbm>>) dst(%dma_wait3A_405 : memref<128x128xf32, #tpu.memory_space<vmem>>)
    %dma_wait3A_412 = arith.constant 3 : i32
    %dma_wait3A_413 = arith.constant 0 : i32
    %dma_wait3A_414 = arith.constant 0 : i32
    %dma_wait3A_415 = tpu.memref_slice %arg6[%dma_wait3A_412, %dma_wait3A_413, %dma_wait3A_414] : memref<6x128x128xf32, #tpu.memory_space<vmem>> -> memref<1x128x128xf32, #tpu.memory_space<vmem>>
    %dma_wait3A_416 = tpu.memref_squeeze %dma_wait3A_415 : memref<1x128x128xf32, #tpu.memory_space<vmem>> -> memref<128x128xf32, #tpu.memory_space<vmem>>
    %dma_wait3A_417 = tpu.memref_slice %arg4[%select_n3A_362, %mul3A_388] : memref<2048x3328xf32, #tpu.memory_space<hbm>> -> memref<128x128xf32, #tpu.memory_space<hbm>>
    %dma_wait3A_418 = tpu.memref_slice %arg4[%select_n3A_362, %mul3A_388] : memref<2048x3328xf32, #tpu.memory_space<hbm>> -> memref<128x128xf32, #tpu.memory_space<hbm>>
    %dma_wait3A_419 = arith.constant 0 : i32
    %dma_wait3A_420 = arith.constant 0 : i32
    %dma_wait3A_421 = tpu.memref_slice %arg6[%dma_wait3A_412, %dma_wait3A_419, %dma_wait3A_420] : memref<6x128x128xf32, #tpu.memory_space<vmem>> -> memref<1x128x128xf32, #tpu.memory_space<vmem>>
    %dma_wait3A_422 = tpu.memref_squeeze %dma_wait3A_421 : memref<1x128x128xf32, #tpu.memory_space<vmem>> -> memref<128x128xf32, #tpu.memory_space<vmem>>
    tpu.wait_dma2 semaphore(%arg16 : memref<!tpu.dma_semaphore, #tpu.memory_space<semaphore_mem>>) src(%dma_wait3A_422 : memref<128x128xf32, #tpu.memory_space<vmem>>) dst(%dma_wait3A_418 : memref<128x128xf32, #tpu.memory_space<hbm>>)
    %dma_start3A_423 = arith.constant 9 : i32
    %dma_start3A_424 = arith.constant 3 : i32
    %dma_start3A_425 = arith.constant 0 : i32
    %dma_start3A_426 = arith.constant 0 : i32
    %dma_start3A_427 = tpu.memref_slice %arg6[%dma_start3A_424, %dma_start3A_425, %dma_start3A_426] : memref<6x128x128xf32, #tpu.memory_space<vmem>> -> memref<1x128x128xf32, #tpu.memory_space<vmem>>
    %dma_start3A_428 = tpu.memref_squeeze %dma_start3A_427 : memref<1x128x128xf32, #tpu.memory_space<vmem>> -> memref<128x128xf32, #tpu.memory_space<vmem>>
    %dma_start3A_429 = arith.constant 0 : i32
    %dma_start3A_430 = tpu.memref_slice %arg5[%dma_start3A_423, %dma_start3A_429] : memref<13x128xi32, #tpu.memory_space<vmem>> -> memref<1x128xi32, #tpu.memory_space<vmem>>
    %dma_start3A_431 = tpu.memref_squeeze %dma_start3A_430 : memref<1x128xi32, #tpu.memory_space<vmem>> -> memref<128xi32, #tpu.memory_space<vmem>>
    %dma_start3A_432 = arith.constant 0 : i32
    %dma_start3A_433 = arith.constant 0 : i32
    %dma_start3A_434 = tpu.memref_slice %arg3[%dma_start3A_432, %dma_start3A_433] : memref<26000x128xf32, #tpu.memory_space<hbm>> -> memref<26000x128xf32, #tpu.memory_space<hbm>>
    tpu.enqueue_indirect_dma source(%dma_start3A_434 : memref<26000x128xf32, #tpu.memory_space<hbm>>) target(%dma_start3A_428 : memref<128x128xf32, #tpu.memory_space<vmem>>) offsets(%dma_start3A_431 : memref<128xi32, #tpu.memory_space<vmem>>) semaphore(%arg10 : memref<!tpu.dma_semaphore, #tpu.memory_space<semaphore_mem>>)
    %add3A_435 = arith.constant 512 : i32
    %add3A_436 = arith.addi %mul3A_2, %add3A_435 : i32
    %jit3A_437 = arith.constant 2048 : i32
    %eq3A_438 = arith.constant 0 : i32
    %eq3A_439 = arith.cmpi eq, %jit3A_437, %eq3A_438 : i32
    %jit3A_440 = arith.constant 1 : i32
    %select_n3A_441 = arith.select %eq3A_439, %jit3A_440, %jit3A_437 : i32
    %rem3A_442 = arith.remsi %add3A_436, %select_n3A_441 : i32
    %ne3A_443 = arith.constant 0 : i32
    %ne3A_444 = arith.cmpi ne, %rem3A_442, %ne3A_443 : i32
    %lt3A_445 = arith.constant 0 : i32
    %lt3A_446 = arith.cmpi slt, %rem3A_442, %lt3A_445 : i32
    %lt3A_447 = arith.constant 0 : i32
    %lt3A_448 = arith.cmpi slt, %select_n3A_441, %lt3A_447 : i32
    %ne3A_449 = arith.xori %lt3A_446, %lt3A_448 : i1
    %and3A_450 = arith.andi %ne3A_449, %ne3A_444 : i1
    %add3A_451 = arith.addi %rem3A_442, %select_n3A_441 : i32
    %select_n3A_452 = arith.select %and3A_450, %add3A_451, %rem3A_442 : i32
    %jit3A_453 = arith.constant 2048 : i32
    %div3A_454 = arith.divsi %add3A_436, %jit3A_453 : i32
    %sign3A_455 = arith.constant 0 : i32
    %sign3A_456 = arith.cmpi sgt, %add3A_436, %sign3A_455 : i32
    %sign3A_457 = arith.extui %sign3A_456 : i1 to i32
    %sign3A_458 = arith.constant 0 : i32
    %sign3A_459 = arith.cmpi slt, %add3A_436, %sign3A_458 : i32
    %sign3A_460 = arith.extui %sign3A_459 : i1 to i32
    %sign3A_461 = arith.subi %sign3A_457, %sign3A_460 : i32
    %sign3A_462 = arith.constant 0 : i32
    %sign3A_463 = arith.cmpi sgt, %jit3A_453, %sign3A_462 : i32
    %sign3A_464 = arith.extui %sign3A_463 : i1 to i32
    %sign3A_465 = arith.constant 0 : i32
    %sign3A_466 = arith.cmpi slt, %jit3A_453, %sign3A_465 : i32
    %sign3A_467 = arith.extui %sign3A_466 : i1 to i32
    %sign3A_468 = arith.subi %sign3A_464, %sign3A_467 : i32
    %ne3A_469 = arith.cmpi ne, %sign3A_461, %sign3A_468 : i32
    %rem3A_470 = arith.remsi %add3A_436, %jit3A_453 : i32
    %ne3A_471 = arith.constant 0 : i32
    %ne3A_472 = arith.cmpi ne, %rem3A_470, %ne3A_471 : i32
    %and3A_473 = arith.andi %ne3A_469, %ne3A_472 : i1
    %sub3A_474 = arith.constant 1 : i32
    %sub3A_475 = arith.subi %div3A_454, %sub3A_474 : i32
    %select_n3A_476 = arith.select %and3A_473, %sub3A_475, %div3A_454 : i32
    %mul3A_477 = arith.constant 128 : i32
    %mul3A_478 = arith.muli %select_n3A_476, %mul3A_477 : i32
    %dma_start3A_479 = arith.constant 4 : i32
    %dma_start3A_480 = arith.constant 0 : i32
    %dma_start3A_481 = arith.constant 0 : i32
    %dma_start3A_482 = tpu.memref_slice %arg6[%dma_start3A_479, %dma_start3A_480, %dma_start3A_481] : memref<6x128x128xf32, #tpu.memory_space<vmem>> -> memref<1x128x128xf32, #tpu.memory_space<vmem>>
    %dma_start3A_483 = tpu.memref_squeeze %dma_start3A_482 : memref<1x128x128xf32, #tpu.memory_space<vmem>> -> memref<128x128xf32, #tpu.memory_space<vmem>>
    %dma_start3A_484 = tpu.memref_slice %arg4[%select_n3A_452, %mul3A_478] : memref<2048x3328xf32, #tpu.memory_space<hbm>> -> memref<128x128xf32, #tpu.memory_space<hbm>>
    %dma_start3A_485 = tpu.memref_slice %arg4[%select_n3A_452, %mul3A_478] : memref<2048x3328xf32, #tpu.memory_space<hbm>> -> memref<128x128xf32, #tpu.memory_space<hbm>>
    %dma_start3A_486 = arith.constant 0 : i32
    %dma_start3A_487 = arith.constant 0 : i32
    %dma_start3A_488 = tpu.memref_slice %arg6[%dma_start3A_479, %dma_start3A_486, %dma_start3A_487] : memref<6x128x128xf32, #tpu.memory_space<vmem>> -> memref<1x128x128xf32, #tpu.memory_space<vmem>>
    %dma_start3A_489 = tpu.memref_squeeze %dma_start3A_488 : memref<1x128x128xf32, #tpu.memory_space<vmem>> -> memref<128x128xf32, #tpu.memory_space<vmem>>
    tpu.enqueue_dma source(%dma_start3A_489 : memref<128x128xf32, #tpu.memory_space<vmem>>) target(%dma_start3A_485 : memref<128x128xf32, #tpu.memory_space<hbm>>) target_semaphore(%arg17 : memref<!tpu.dma_semaphore, #tpu.memory_space<semaphore_mem>>)
    %dma_wait3A_490 = arith.constant 5 : i32
    %dma_wait3A_491 = arith.constant 5 : i32
    %dma_wait3A_492 = arith.constant 0 : i32
    %dma_wait3A_493 = arith.constant 0 : i32
    %dma_wait3A_494 = tpu.memref_slice %arg6[%dma_wait3A_491, %dma_wait3A_492, %dma_wait3A_493] : memref<6x128x128xf32, #tpu.memory_space<vmem>> -> memref<1x128x128xf32, #tpu.memory_space<vmem>>
    %dma_wait3A_495 = tpu.memref_squeeze %dma_wait3A_494 : memref<1x128x128xf32, #tpu.memory_space<vmem>> -> memref<128x128xf32, #tpu.memory_space<vmem>>
    %dma_wait3A_496 = arith.constant 0 : i32
    %dma_wait3A_497 = tpu.memref_slice %arg5[%dma_wait3A_490, %dma_wait3A_496] : memref<13x128xi32, #tpu.memory_space<vmem>> -> memref<1x128xi32, #tpu.memory_space<vmem>>
    %dma_wait3A_498 = tpu.memref_squeeze %dma_wait3A_497 : memref<1x128xi32, #tpu.memory_space<vmem>> -> memref<128xi32, #tpu.memory_space<vmem>>
    %dma_wait3A_499 = arith.constant 0 : i32
    %dma_wait3A_500 = arith.constant 0 : i32
    %dma_wait3A_501 = tpu.memref_slice %arg3[%dma_wait3A_499, %dma_wait3A_500] : memref<26000x128xf32, #tpu.memory_space<hbm>> -> memref<26000x128xf32, #tpu.memory_space<hbm>>
    tpu.wait_indirect_dma semaphore(%arg12 : memref<!tpu.dma_semaphore, #tpu.memory_space<semaphore_mem>>) src(%dma_wait3A_501 : memref<26000x128xf32, #tpu.memory_space<hbm>>) dst(%dma_wait3A_495 : memref<128x128xf32, #tpu.memory_space<vmem>>)
    %dma_wait3A_502 = arith.constant 4 : i32
    %dma_wait3A_503 = arith.constant 0 : i32
    %dma_wait3A_504 = arith.constant 0 : i32
    %dma_wait3A_505 = tpu.memref_slice %arg6[%dma_wait3A_502, %dma_wait3A_503, %dma_wait3A_504] : memref<6x128x128xf32, #tpu.memory_space<vmem>> -> memref<1x128x128xf32, #tpu.memory_space<vmem>>
    %dma_wait3A_506 = tpu.memref_squeeze %dma_wait3A_505 : memref<1x128x128xf32, #tpu.memory_space<vmem>> -> memref<128x128xf32, #tpu.memory_space<vmem>>
    %dma_wait3A_507 = tpu.memref_slice %arg4[%select_n3A_452, %mul3A_478] : memref<2048x3328xf32, #tpu.memory_space<hbm>> -> memref<128x128xf32, #tpu.memory_space<hbm>>
    %dma_wait3A_508 = tpu.memref_slice %arg4[%select_n3A_452, %mul3A_478] : memref<2048x3328xf32, #tpu.memory_space<hbm>> -> memref<128x128xf32, #tpu.memory_space<hbm>>
    %dma_wait3A_509 = arith.constant 0 : i32
    %dma_wait3A_510 = arith.constant 0 : i32
    %dma_wait3A_511 = tpu.memref_slice %arg6[%dma_wait3A_502, %dma_wait3A_509, %dma_wait3A_510] : memref<6x128x128xf32, #tpu.memory_space<vmem>> -> memref<1x128x128xf32, #tpu.memory_space<vmem>>
    %dma_wait3A_512 = tpu.memref_squeeze %dma_wait3A_511 : memref<1x128x128xf32, #tpu.memory_space<vmem>> -> memref<128x128xf32, #tpu.memory_space<vmem>>
    tpu.wait_dma2 semaphore(%arg17 : memref<!tpu.dma_semaphore, #tpu.memory_space<semaphore_mem>>) src(%dma_wait3A_512 : memref<128x128xf32, #tpu.memory_space<vmem>>) dst(%dma_wait3A_508 : memref<128x128xf32, #tpu.memory_space<hbm>>)
    %dma_start3A_513 = arith.constant 10 : i32
    %dma_start3A_514 = arith.constant 4 : i32
    %dma_start3A_515 = arith.constant 0 : i32
    %dma_start3A_516 = arith.constant 0 : i32
    %dma_start3A_517 = tpu.memref_slice %arg6[%dma_start3A_514, %dma_start3A_515, %dma_start3A_516] : memref<6x128x128xf32, #tpu.memory_space<vmem>> -> memref<1x128x128xf32, #tpu.memory_space<vmem>>
    %dma_start3A_518 = tpu.memref_squeeze %dma_start3A_517 : memref<1x128x128xf32, #tpu.memory_space<vmem>> -> memref<128x128xf32, #tpu.memory_space<vmem>>
    %dma_start3A_519 = arith.constant 0 : i32
    %dma_start3A_520 = tpu.memref_slice %arg5[%dma_start3A_513, %dma_start3A_519] : memref<13x128xi32, #tpu.memory_space<vmem>> -> memref<1x128xi32, #tpu.memory_space<vmem>>
    %dma_start3A_521 = tpu.memref_squeeze %dma_start3A_520 : memref<1x128xi32, #tpu.memory_space<vmem>> -> memref<128xi32, #tpu.memory_space<vmem>>
    %dma_start3A_522 = arith.constant 0 : i32
    %dma_start3A_523 = arith.constant 0 : i32
    %dma_start3A_524 = tpu.memref_slice %arg3[%dma_start3A_522, %dma_start3A_523] : memref<26000x128xf32, #tpu.memory_space<hbm>> -> memref<26000x128xf32, #tpu.memory_space<hbm>>
    tpu.enqueue_indirect_dma source(%dma_start3A_524 : memref<26000x128xf32, #tpu.memory_space<hbm>>) target(%dma_start3A_518 : memref<128x128xf32, #tpu.memory_space<vmem>>) offsets(%dma_start3A_521 : memref<128xi32, #tpu.memory_space<vmem>>) semaphore(%arg11 : memref<!tpu.dma_semaphore, #tpu.memory_space<semaphore_mem>>)
    %add3A_525 = arith.constant 640 : i32
    %add3A_526 = arith.addi %mul3A_2, %add3A_525 : i32
    %jit3A_527 = arith.constant 2048 : i32
    %eq3A_528 = arith.constant 0 : i32
    %eq3A_529 = arith.cmpi eq, %jit3A_527, %eq3A_528 : i32
    %jit3A_530 = arith.constant 1 : i32
    %select_n3A_531 = arith.select %eq3A_529, %jit3A_530, %jit3A_527 : i32
    %rem3A_532 = arith.remsi %add3A_526, %select_n3A_531 : i32
    %ne3A_533 = arith.constant 0 : i32
    %ne3A_534 = arith.cmpi ne, %rem3A_532, %ne3A_533 : i32
    %lt3A_535 = arith.constant 0 : i32
    %lt3A_536 = arith.cmpi slt, %rem3A_532, %lt3A_535 : i32
    %lt3A_537 = arith.constant 0 : i32
    %lt3A_538 = arith.cmpi slt, %select_n3A_531, %lt3A_537 : i32
    %ne3A_539 = arith.xori %lt3A_536, %lt3A_538 : i1
    %and3A_540 = arith.andi %ne3A_539, %ne3A_534 : i1
    %add3A_541 = arith.addi %rem3A_532, %select_n3A_531 : i32
    %select_n3A_542 = arith.select %and3A_540, %add3A_541, %rem3A_532 : i32
    %jit3A_543 = arith.constant 2048 : i32
    %div3A_544 = arith.divsi %add3A_526, %jit3A_543 : i32
    %sign3A_545 = arith.constant 0 : i32
    %sign3A_546 = arith.cmpi sgt, %add3A_526, %sign3A_545 : i32
    %sign3A_547 = arith.extui %sign3A_546 : i1 to i32
    %sign3A_548 = arith.constant 0 : i32
    %sign3A_549 = arith.cmpi slt, %add3A_526, %sign3A_548 : i32
    %sign3A_550 = arith.extui %sign3A_549 : i1 to i32
    %sign3A_551 = arith.subi %sign3A_547, %sign3A_550 : i32
    %sign3A_552 = arith.constant 0 : i32
    %sign3A_553 = arith.cmpi sgt, %jit3A_543, %sign3A_552 : i32
    %sign3A_554 = arith.extui %sign3A_553 : i1 to i32
    %sign3A_555 = arith.constant 0 : i32
    %sign3A_556 = arith.cmpi slt, %jit3A_543, %sign3A_555 : i32
    %sign3A_557 = arith.extui %sign3A_556 : i1 to i32
    %sign3A_558 = arith.subi %sign3A_554, %sign3A_557 : i32
    %ne3A_559 = arith.cmpi ne, %sign3A_551, %sign3A_558 : i32
    %rem3A_560 = arith.remsi %add3A_526, %jit3A_543 : i32
    %ne3A_561 = arith.constant 0 : i32
    %ne3A_562 = arith.cmpi ne, %rem3A_560, %ne3A_561 : i32
    %and3A_563 = arith.andi %ne3A_559, %ne3A_562 : i1
    %sub3A_564 = arith.constant 1 : i32
    %sub3A_565 = arith.subi %div3A_544, %sub3A_564 : i32
    %select_n3A_566 = arith.select %and3A_563, %sub3A_565, %div3A_544 : i32
    %mul3A_567 = arith.constant 128 : i32
    %mul3A_568 = arith.muli %select_n3A_566, %mul3A_567 : i32
    %dma_start3A_569 = arith.constant 5 : i32
    %dma_start3A_570 = arith.constant 0 : i32
    %dma_start3A_571 = arith.constant 0 : i32
    %dma_start3A_572 = tpu.memref_slice %arg6[%dma_start3A_569, %dma_start3A_570, %dma_start3A_571] : memref<6x128x128xf32, #tpu.memory_space<vmem>> -> memref<1x128x128xf32, #tpu.memory_space<vmem>>
    %dma_start3A_573 = tpu.memref_squeeze %dma_start3A_572 : memref<1x128x128xf32, #tpu.memory_space<vmem>> -> memref<128x128xf32, #tpu.memory_space<vmem>>
    %dma_start3A_574 = tpu.memref_slice %arg4[%select_n3A_542, %mul3A_568] : memref<2048x3328xf32, #tpu.memory_space<hbm>> -> memref<128x128xf32, #tpu.memory_space<hbm>>
    %dma_start3A_575 = tpu.memref_slice %arg4[%select_n3A_542, %mul3A_568] : memref<2048x3328xf32, #tpu.memory_space<hbm>> -> memref<128x128xf32, #tpu.memory_space<hbm>>
    %dma_start3A_576 = arith.constant 0 : i32
    %dma_start3A_577 = arith.constant 0 : i32
    %dma_start3A_578 = tpu.memref_slice %arg6[%dma_start3A_569, %dma_start3A_576, %dma_start3A_577] : memref<6x128x128xf32, #tpu.memory_space<vmem>> -> memref<1x128x128xf32, #tpu.memory_space<vmem>>
    %dma_start3A_579 = tpu.memref_squeeze %dma_start3A_578 : memref<1x128x128xf32, #tpu.memory_space<vmem>> -> memref<128x128xf32, #tpu.memory_space<vmem>>
    tpu.enqueue_dma source(%dma_start3A_579 : memref<128x128xf32, #tpu.memory_space<vmem>>) target(%dma_start3A_575 : memref<128x128xf32, #tpu.memory_space<hbm>>) target_semaphore(%arg18 : memref<!tpu.dma_semaphore, #tpu.memory_space<semaphore_mem>>)
    %dma_wait3A_580 = arith.constant 6 : i32
    %dma_wait3A_581 = arith.constant 0 : i32
    %dma_wait3A_582 = arith.constant 0 : i32
    %dma_wait3A_583 = arith.constant 0 : i32
    %dma_wait3A_584 = tpu.memref_slice %arg6[%dma_wait3A_581, %dma_wait3A_582, %dma_wait3A_583] : memref<6x128x128xf32, #tpu.memory_space<vmem>> -> memref<1x128x128xf32, #tpu.memory_space<vmem>>
    %dma_wait3A_585 = tpu.memref_squeeze %dma_wait3A_584 : memref<1x128x128xf32, #tpu.memory_space<vmem>> -> memref<128x128xf32, #tpu.memory_space<vmem>>
    %dma_wait3A_586 = arith.constant 0 : i32
    %dma_wait3A_587 = tpu.memref_slice %arg5[%dma_wait3A_580, %dma_wait3A_586] : memref<13x128xi32, #tpu.memory_space<vmem>> -> memref<1x128xi32, #tpu.memory_space<vmem>>
    %dma_wait3A_588 = tpu.memref_squeeze %dma_wait3A_587 : memref<1x128xi32, #tpu.memory_space<vmem>> -> memref<128xi32, #tpu.memory_space<vmem>>
    %dma_wait3A_589 = arith.constant 0 : i32
    %dma_wait3A_590 = arith.constant 0 : i32
    %dma_wait3A_591 = tpu.memref_slice %arg3[%dma_wait3A_589, %dma_wait3A_590] : memref<26000x128xf32, #tpu.memory_space<hbm>> -> memref<26000x128xf32, #tpu.memory_space<hbm>>
    tpu.wait_indirect_dma semaphore(%arg7 : memref<!tpu.dma_semaphore, #tpu.memory_space<semaphore_mem>>) src(%dma_wait3A_591 : memref<26000x128xf32, #tpu.memory_space<hbm>>) dst(%dma_wait3A_585 : memref<128x128xf32, #tpu.memory_space<vmem>>)
    %dma_wait3A_592 = arith.constant 5 : i32
    %dma_wait3A_593 = arith.constant 0 : i32
    %dma_wait3A_594 = arith.constant 0 : i32
    %dma_wait3A_595 = tpu.memref_slice %arg6[%dma_wait3A_592, %dma_wait3A_593, %dma_wait3A_594] : memref<6x128x128xf32, #tpu.memory_space<vmem>> -> memref<1x128x128xf32, #tpu.memory_space<vmem>>
    %dma_wait3A_596 = tpu.memref_squeeze %dma_wait3A_595 : memref<1x128x128xf32, #tpu.memory_space<vmem>> -> memref<128x128xf32, #tpu.memory_space<vmem>>
    %dma_wait3A_597 = tpu.memref_slice %arg4[%select_n3A_542, %mul3A_568] : memref<2048x3328xf32, #tpu.memory_space<hbm>> -> memref<128x128xf32, #tpu.memory_space<hbm>>
    %dma_wait3A_598 = tpu.memref_slice %arg4[%select_n3A_542, %mul3A_568] : memref<2048x3328xf32, #tpu.memory_space<hbm>> -> memref<128x128xf32, #tpu.memory_space<hbm>>
    %dma_wait3A_599 = arith.constant 0 : i32
    %dma_wait3A_600 = arith.constant 0 : i32
    %dma_wait3A_601 = tpu.memref_slice %arg6[%dma_wait3A_592, %dma_wait3A_599, %dma_wait3A_600] : memref<6x128x128xf32, #tpu.memory_space<vmem>> -> memref<1x128x128xf32, #tpu.memory_space<vmem>>
    %dma_wait3A_602 = tpu.memref_squeeze %dma_wait3A_601 : memref<1x128x128xf32, #tpu.memory_space<vmem>> -> memref<128x128xf32, #tpu.memory_space<vmem>>
    tpu.wait_dma2 semaphore(%arg18 : memref<!tpu.dma_semaphore, #tpu.memory_space<semaphore_mem>>) src(%dma_wait3A_602 : memref<128x128xf32, #tpu.memory_space<vmem>>) dst(%dma_wait3A_598 : memref<128x128xf32, #tpu.memory_space<hbm>>)
    %dma_start3A_603 = arith.constant 11 : i32
    %dma_start3A_604 = arith.constant 5 : i32
    %dma_start3A_605 = arith.constant 0 : i32
    %dma_start3A_606 = arith.constant 0 : i32
    %dma_start3A_607 = tpu.memref_slice %arg6[%dma_start3A_604, %dma_start3A_605, %dma_start3A_606] : memref<6x128x128xf32, #tpu.memory_space<vmem>> -> memref<1x128x128xf32, #tpu.memory_space<vmem>>
    %dma_start3A_608 = tpu.memref_squeeze %dma_start3A_607 : memref<1x128x128xf32, #tpu.memory_space<vmem>> -> memref<128x128xf32, #tpu.memory_space<vmem>>
    %dma_start3A_609 = arith.constant 0 : i32
    %dma_start3A_610 = tpu.memref_slice %arg5[%dma_start3A_603, %dma_start3A_609] : memref<13x128xi32, #tpu.memory_space<vmem>> -> memref<1x128xi32, #tpu.memory_space<vmem>>
    %dma_start3A_611 = tpu.memref_squeeze %dma_start3A_610 : memref<1x128xi32, #tpu.memory_space<vmem>> -> memref<128xi32, #tpu.memory_space<vmem>>
    %dma_start3A_612 = arith.constant 0 : i32
    %dma_start3A_613 = arith.constant 0 : i32
    %dma_start3A_614 = tpu.memref_slice %arg3[%dma_start3A_612, %dma_start3A_613] : memref<26000x128xf32, #tpu.memory_space<hbm>> -> memref<26000x128xf32, #tpu.memory_space<hbm>>
    tpu.enqueue_indirect_dma source(%dma_start3A_614 : memref<26000x128xf32, #tpu.memory_space<hbm>>) target(%dma_start3A_608 : memref<128x128xf32, #tpu.memory_space<vmem>>) offsets(%dma_start3A_611 : memref<128xi32, #tpu.memory_space<vmem>>) semaphore(%arg12 : memref<!tpu.dma_semaphore, #tpu.memory_space<semaphore_mem>>)
    %add3A_615 = arith.constant 768 : i32
    %add3A_616 = arith.addi %mul3A_2, %add3A_615 : i32
    %jit3A_617 = arith.constant 2048 : i32
    %eq3A_618 = arith.constant 0 : i32
    %eq3A_619 = arith.cmpi eq, %jit3A_617, %eq3A_618 : i32
    %jit3A_620 = arith.constant 1 : i32
    %select_n3A_621 = arith.select %eq3A_619, %jit3A_620, %jit3A_617 : i32
    %rem3A_622 = arith.remsi %add3A_616, %select_n3A_621 : i32
    %ne3A_623 = arith.constant 0 : i32
    %ne3A_624 = arith.cmpi ne, %rem3A_622, %ne3A_623 : i32
    %lt3A_625 = arith.constant 0 : i32
    %lt3A_626 = arith.cmpi slt, %rem3A_622, %lt3A_625 : i32
    %lt3A_627 = arith.constant 0 : i32
    %lt3A_628 = arith.cmpi slt, %select_n3A_621, %lt3A_627 : i32
    %ne3A_629 = arith.xori %lt3A_626, %lt3A_628 : i1
    %and3A_630 = arith.andi %ne3A_629, %ne3A_624 : i1
    %add3A_631 = arith.addi %rem3A_622, %select_n3A_621 : i32
    %select_n3A_632 = arith.select %and3A_630, %add3A_631, %rem3A_622 : i32
    %jit3A_633 = arith.constant 2048 : i32
    %div3A_634 = arith.divsi %add3A_616, %jit3A_633 : i32
    %sign3A_635 = arith.constant 0 : i32
    %sign3A_636 = arith.cmpi sgt, %add3A_616, %sign3A_635 : i32
    %sign3A_637 = arith.extui %sign3A_636 : i1 to i32
    %sign3A_638 = arith.constant 0 : i32
    %sign3A_639 = arith.cmpi slt, %add3A_616, %sign3A_638 : i32
    %sign3A_640 = arith.extui %sign3A_639 : i1 to i32
    %sign3A_641 = arith.subi %sign3A_637, %sign3A_640 : i32
    %sign3A_642 = arith.constant 0 : i32
    %sign3A_643 = arith.cmpi sgt, %jit3A_633, %sign3A_642 : i32
    %sign3A_644 = arith.extui %sign3A_643 : i1 to i32
    %sign3A_645 = arith.constant 0 : i32
    %sign3A_646 = arith.cmpi slt, %jit3A_633, %sign3A_645 : i32
    %sign3A_647 = arith.extui %sign3A_646 : i1 to i32
    %sign3A_648 = arith.subi %sign3A_644, %sign3A_647 : i32
    %ne3A_649 = arith.cmpi ne, %sign3A_641, %sign3A_648 : i32
    %rem3A_650 = arith.remsi %add3A_616, %jit3A_633 : i32
    %ne3A_651 = arith.constant 0 : i32
    %ne3A_652 = arith.cmpi ne, %rem3A_650, %ne3A_651 : i32
    %and3A_653 = arith.andi %ne3A_649, %ne3A_652 : i1
    %sub3A_654 = arith.constant 1 : i32
    %sub3A_655 = arith.subi %div3A_634, %sub3A_654 : i32
    %select_n3A_656 = arith.select %and3A_653, %sub3A_655, %div3A_634 : i32
    %mul3A_657 = arith.constant 128 : i32
    %mul3A_658 = arith.muli %select_n3A_656, %mul3A_657 : i32
    %dma_start3A_659 = arith.constant 0 : i32
    %dma_start3A_660 = arith.constant 0 : i32
    %dma_start3A_661 = arith.constant 0 : i32
    %dma_start3A_662 = tpu.memref_slice %arg6[%dma_start3A_659, %dma_start3A_660, %dma_start3A_661] : memref<6x128x128xf32, #tpu.memory_space<vmem>> -> memref<1x128x128xf32, #tpu.memory_space<vmem>>
    %dma_start3A_663 = tpu.memref_squeeze %dma_start3A_662 : memref<1x128x128xf32, #tpu.memory_space<vmem>> -> memref<128x128xf32, #tpu.memory_space<vmem>>
    %dma_start3A_664 = tpu.memref_slice %arg4[%select_n3A_632, %mul3A_658] : memref<2048x3328xf32, #tpu.memory_space<hbm>> -> memref<128x128xf32, #tpu.memory_space<hbm>>
    %dma_start3A_665 = tpu.memref_slice %arg4[%select_n3A_632, %mul3A_658] : memref<2048x3328xf32, #tpu.memory_space<hbm>> -> memref<128x128xf32, #tpu.memory_space<hbm>>
    %dma_start3A_666 = arith.constant 0 : i32
    %dma_start3A_667 = arith.constant 0 : i32
    %dma_start3A_668 = tpu.memref_slice %arg6[%dma_start3A_659, %dma_start3A_666, %dma_start3A_667] : memref<6x128x128xf32, #tpu.memory_space<vmem>> -> memref<1x128x128xf32, #tpu.memory_space<vmem>>
    %dma_start3A_669 = tpu.memref_squeeze %dma_start3A_668 : memref<1x128x128xf32, #tpu.memory_space<vmem>> -> memref<128x128xf32, #tpu.memory_space<vmem>>
    tpu.enqueue_dma source(%dma_start3A_669 : memref<128x128xf32, #tpu.memory_space<vmem>>) target(%dma_start3A_665 : memref<128x128xf32, #tpu.memory_space<hbm>>) target_semaphore(%arg13 : memref<!tpu.dma_semaphore, #tpu.memory_space<semaphore_mem>>)
    %dma_wait3A_670 = arith.constant 7 : i32
    %dma_wait3A_671 = arith.constant 1 : i32
    %dma_wait3A_672 = arith.constant 0 : i32
    %dma_wait3A_673 = arith.constant 0 : i32
    %dma_wait3A_674 = tpu.memref_slice %arg6[%dma_wait3A_671, %dma_wait3A_672, %dma_wait3A_673] : memref<6x128x128xf32, #tpu.memory_space<vmem>> -> memref<1x128x128xf32, #tpu.memory_space<vmem>>
    %dma_wait3A_675 = tpu.memref_squeeze %dma_wait3A_674 : memref<1x128x128xf32, #tpu.memory_space<vmem>> -> memref<128x128xf32, #tpu.memory_space<vmem>>
    %dma_wait3A_676 = arith.constant 0 : i32
    %dma_wait3A_677 = tpu.memref_slice %arg5[%dma_wait3A_670, %dma_wait3A_676] : memref<13x128xi32, #tpu.memory_space<vmem>> -> memref<1x128xi32, #tpu.memory_space<vmem>>
    %dma_wait3A_678 = tpu.memref_squeeze %dma_wait3A_677 : memref<1x128xi32, #tpu.memory_space<vmem>> -> memref<128xi32, #tpu.memory_space<vmem>>
    %dma_wait3A_679 = arith.constant 0 : i32
    %dma_wait3A_680 = arith.constant 0 : i32
    %dma_wait3A_681 = tpu.memref_slice %arg3[%dma_wait3A_679, %dma_wait3A_680] : memref<26000x128xf32, #tpu.memory_space<hbm>> -> memref<26000x128xf32, #tpu.memory_space<hbm>>
    tpu.wait_indirect_dma semaphore(%arg8 : memref<!tpu.dma_semaphore, #tpu.memory_space<semaphore_mem>>) src(%dma_wait3A_681 : memref<26000x128xf32, #tpu.memory_space<hbm>>) dst(%dma_wait3A_675 : memref<128x128xf32, #tpu.memory_space<vmem>>)
    %dma_wait3A_682 = arith.constant 0 : i32
    %dma_wait3A_683 = arith.constant 0 : i32
    %dma_wait3A_684 = arith.constant 0 : i32
    %dma_wait3A_685 = tpu.memref_slice %arg6[%dma_wait3A_682, %dma_wait3A_683, %dma_wait3A_684] : memref<6x128x128xf32, #tpu.memory_space<vmem>> -> memref<1x128x128xf32, #tpu.memory_space<vmem>>
    %dma_wait3A_686 = tpu.memref_squeeze %dma_wait3A_685 : memref<1x128x128xf32, #tpu.memory_space<vmem>> -> memref<128x128xf32, #tpu.memory_space<vmem>>
    %dma_wait3A_687 = tpu.memref_slice %arg4[%select_n3A_632, %mul3A_658] : memref<2048x3328xf32, #tpu.memory_space<hbm>> -> memref<128x128xf32, #tpu.memory_space<hbm>>
    %dma_wait3A_688 = tpu.memref_slice %arg4[%select_n3A_632, %mul3A_658] : memref<2048x3328xf32, #tpu.memory_space<hbm>> -> memref<128x128xf32, #tpu.memory_space<hbm>>
    %dma_wait3A_689 = arith.constant 0 : i32
    %dma_wait3A_690 = arith.constant 0 : i32
    %dma_wait3A_691 = tpu.memref_slice %arg6[%dma_wait3A_682, %dma_wait3A_689, %dma_wait3A_690] : memref<6x128x128xf32, #tpu.memory_space<vmem>> -> memref<1x128x128xf32, #tpu.memory_space<vmem>>
    %dma_wait3A_692 = tpu.memref_squeeze %dma_wait3A_691 : memref<1x128x128xf32, #tpu.memory_space<vmem>> -> memref<128x128xf32, #tpu.memory_space<vmem>>
    tpu.wait_dma2 semaphore(%arg13 : memref<!tpu.dma_semaphore, #tpu.memory_space<semaphore_mem>>) src(%dma_wait3A_692 : memref<128x128xf32, #tpu.memory_space<vmem>>) dst(%dma_wait3A_688 : memref<128x128xf32, #tpu.memory_space<hbm>>)
    %dma_start3A_693 = arith.constant 12 : i32
    %dma_start3A_694 = arith.constant 0 : i32
    %dma_start3A_695 = arith.constant 0 : i32
    %dma_start3A_696 = arith.constant 0 : i32
    %dma_start3A_697 = tpu.memref_slice %arg6[%dma_start3A_694, %dma_start3A_695, %dma_start3A_696] : memref<6x128x128xf32, #tpu.memory_space<vmem>> -> memref<1x128x128xf32, #tpu.memory_space<vmem>>
    %dma_start3A_698 = tpu.memref_squeeze %dma_start3A_697 : memref<1x128x128xf32, #tpu.memory_space<vmem>> -> memref<128x128xf32, #tpu.memory_space<vmem>>
    %dma_start3A_699 = arith.constant 0 : i32
    %dma_start3A_700 = tpu.memref_slice %arg5[%dma_start3A_693, %dma_start3A_699] : memref<13x128xi32, #tpu.memory_space<vmem>> -> memref<1x128xi32, #tpu.memory_space<vmem>>
    %dma_start3A_701 = tpu.memref_squeeze %dma_start3A_700 : memref<1x128xi32, #tpu.memory_space<vmem>> -> memref<128xi32, #tpu.memory_space<vmem>>
    %dma_start3A_702 = arith.constant 0 : i32
    %dma_start3A_703 = arith.constant 0 : i32
    %dma_start3A_704 = tpu.memref_slice %arg3[%dma_start3A_702, %dma_start3A_703] : memref<26000x128xf32, #tpu.memory_space<hbm>> -> memref<26000x128xf32, #tpu.memory_space<hbm>>
    tpu.enqueue_indirect_dma source(%dma_start3A_704 : memref<26000x128xf32, #tpu.memory_space<hbm>>) target(%dma_start3A_698 : memref<128x128xf32, #tpu.memory_space<vmem>>) offsets(%dma_start3A_701 : memref<128xi32, #tpu.memory_space<vmem>>) semaphore(%arg7 : memref<!tpu.dma_semaphore, #tpu.memory_space<semaphore_mem>>)
    %add3A_705 = arith.constant 896 : i32
    %add3A_706 = arith.addi %mul3A_2, %add3A_705 : i32
    %jit3A_707 = arith.constant 2048 : i32
    %eq3A_708 = arith.constant 0 : i32
    %eq3A_709 = arith.cmpi eq, %jit3A_707, %eq3A_708 : i32
    %jit3A_710 = arith.constant 1 : i32
    %select_n3A_711 = arith.select %eq3A_709, %jit3A_710, %jit3A_707 : i32
    %rem3A_712 = arith.remsi %add3A_706, %select_n3A_711 : i32
    %ne3A_713 = arith.constant 0 : i32
    %ne3A_714 = arith.cmpi ne, %rem3A_712, %ne3A_713 : i32
    %lt3A_715 = arith.constant 0 : i32
    %lt3A_716 = arith.cmpi slt, %rem3A_712, %lt3A_715 : i32
    %lt3A_717 = arith.constant 0 : i32
    %lt3A_718 = arith.cmpi slt, %select_n3A_711, %lt3A_717 : i32
    %ne3A_719 = arith.xori %lt3A_716, %lt3A_718 : i1
    %and3A_720 = arith.andi %ne3A_719, %ne3A_714 : i1
    %add3A_721 = arith.addi %rem3A_712, %select_n3A_711 : i32
    %select_n3A_722 = arith.select %and3A_720, %add3A_721, %rem3A_712 : i32
    %jit3A_723 = arith.constant 2048 : i32
    %div3A_724 = arith.divsi %add3A_706, %jit3A_723 : i32
    %sign3A_725 = arith.constant 0 : i32
    %sign3A_726 = arith.cmpi sgt, %add3A_706, %sign3A_725 : i32
    %sign3A_727 = arith.extui %sign3A_726 : i1 to i32
    %sign3A_728 = arith.constant 0 : i32
    %sign3A_729 = arith.cmpi slt, %add3A_706, %sign3A_728 : i32
    %sign3A_730 = arith.extui %sign3A_729 : i1 to i32
    %sign3A_731 = arith.subi %sign3A_727, %sign3A_730 : i32
    %sign3A_732 = arith.constant 0 : i32
    %sign3A_733 = arith.cmpi sgt, %jit3A_723, %sign3A_732 : i32
    %sign3A_734 = arith.extui %sign3A_733 : i1 to i32
    %sign3A_735 = arith.constant 0 : i32
    %sign3A_736 = arith.cmpi slt, %jit3A_723, %sign3A_735 : i32
    %sign3A_737 = arith.extui %sign3A_736 : i1 to i32
    %sign3A_738 = arith.subi %sign3A_734, %sign3A_737 : i32
    %ne3A_739 = arith.cmpi ne, %sign3A_731, %sign3A_738 : i32
    %rem3A_740 = arith.remsi %add3A_706, %jit3A_723 : i32
    %ne3A_741 = arith.constant 0 : i32
    %ne3A_742 = arith.cmpi ne, %rem3A_740, %ne3A_741 : i32
    %and3A_743 = arith.andi %ne3A_739, %ne3A_742 : i1
    %sub3A_744 = arith.constant 1 : i32
    %sub3A_745 = arith.subi %div3A_724, %sub3A_744 : i32
    %select_n3A_746 = arith.select %and3A_743, %sub3A_745, %div3A_724 : i32
    %mul3A_747 = arith.constant 128 : i32
    %mul3A_748 = arith.muli %select_n3A_746, %mul3A_747 : i32
    %dma_start3A_749 = arith.constant 1 : i32
    %dma_start3A_750 = arith.constant 0 : i32
    %dma_start3A_751 = arith.constant 0 : i32
    %dma_start3A_752 = tpu.memref_slice %arg6[%dma_start3A_749, %dma_start3A_750, %dma_start3A_751] : memref<6x128x128xf32, #tpu.memory_space<vmem>> -> memref<1x128x128xf32, #tpu.memory_space<vmem>>
    %dma_start3A_753 = tpu.memref_squeeze %dma_start3A_752 : memref<1x128x128xf32, #tpu.memory_space<vmem>> -> memref<128x128xf32, #tpu.memory_space<vmem>>
    %dma_start3A_754 = tpu.memref_slice %arg4[%select_n3A_722, %mul3A_748] : memref<2048x3328xf32, #tpu.memory_space<hbm>> -> memref<128x128xf32, #tpu.memory_space<hbm>>
    %dma_start3A_755 = tpu.memref_slice %arg4[%select_n3A_722, %mul3A_748] : memref<2048x3328xf32, #tpu.memory_space<hbm>> -> memref<128x128xf32, #tpu.memory_space<hbm>>
    %dma_start3A_756 = arith.constant 0 : i32
    %dma_start3A_757 = arith.constant 0 : i32
    %dma_start3A_758 = tpu.memref_slice %arg6[%dma_start3A_749, %dma_start3A_756, %dma_start3A_757] : memref<6x128x128xf32, #tpu.memory_space<vmem>> -> memref<1x128x128xf32, #tpu.memory_space<vmem>>
    %dma_start3A_759 = tpu.memref_squeeze %dma_start3A_758 : memref<1x128x128xf32, #tpu.memory_space<vmem>> -> memref<128x128xf32, #tpu.memory_space<vmem>>
    tpu.enqueue_dma source(%dma_start3A_759 : memref<128x128xf32, #tpu.memory_space<vmem>>) target(%dma_start3A_755 : memref<128x128xf32, #tpu.memory_space<hbm>>) target_semaphore(%arg14 : memref<!tpu.dma_semaphore, #tpu.memory_space<semaphore_mem>>)
    %dma_wait3A_760 = arith.constant 8 : i32
    %dma_wait3A_761 = arith.constant 2 : i32
    %dma_wait3A_762 = arith.constant 0 : i32
    %dma_wait3A_763 = arith.constant 0 : i32
    %dma_wait3A_764 = tpu.memref_slice %arg6[%dma_wait3A_761, %dma_wait3A_762, %dma_wait3A_763] : memref<6x128x128xf32, #tpu.memory_space<vmem>> -> memref<1x128x128xf32, #tpu.memory_space<vmem>>
    %dma_wait3A_765 = tpu.memref_squeeze %dma_wait3A_764 : memref<1x128x128xf32, #tpu.memory_space<vmem>> -> memref<128x128xf32, #tpu.memory_space<vmem>>
    %dma_wait3A_766 = arith.constant 0 : i32
    %dma_wait3A_767 = tpu.memref_slice %arg5[%dma_wait3A_760, %dma_wait3A_766] : memref<13x128xi32, #tpu.memory_space<vmem>> -> memref<1x128xi32, #tpu.memory_space<vmem>>
    %dma_wait3A_768 = tpu.memref_squeeze %dma_wait3A_767 : memref<1x128xi32, #tpu.memory_space<vmem>> -> memref<128xi32, #tpu.memory_space<vmem>>
    %dma_wait3A_769 = arith.constant 0 : i32
    %dma_wait3A_770 = arith.constant 0 : i32
    %dma_wait3A_771 = tpu.memref_slice %arg3[%dma_wait3A_769, %dma_wait3A_770] : memref<26000x128xf32, #tpu.memory_space<hbm>> -> memref<26000x128xf32, #tpu.memory_space<hbm>>
    tpu.wait_indirect_dma semaphore(%arg9 : memref<!tpu.dma_semaphore, #tpu.memory_space<semaphore_mem>>) src(%dma_wait3A_771 : memref<26000x128xf32, #tpu.memory_space<hbm>>) dst(%dma_wait3A_765 : memref<128x128xf32, #tpu.memory_space<vmem>>)
    %add3A_772 = arith.constant 1024 : i32
    %add3A_773 = arith.addi %mul3A_2, %add3A_772 : i32
    %jit3A_774 = arith.constant 2048 : i32
    %eq3A_775 = arith.constant 0 : i32
    %eq3A_776 = arith.cmpi eq, %jit3A_774, %eq3A_775 : i32
    %jit3A_777 = arith.constant 1 : i32
    %select_n3A_778 = arith.select %eq3A_776, %jit3A_777, %jit3A_774 : i32
    %rem3A_779 = arith.remsi %add3A_773, %select_n3A_778 : i32
    %ne3A_780 = arith.constant 0 : i32
    %ne3A_781 = arith.cmpi ne, %rem3A_779, %ne3A_780 : i32
    %lt3A_782 = arith.constant 0 : i32
    %lt3A_783 = arith.cmpi slt, %rem3A_779, %lt3A_782 : i32
    %lt3A_784 = arith.constant 0 : i32
    %lt3A_785 = arith.cmpi slt, %select_n3A_778, %lt3A_784 : i32
    %ne3A_786 = arith.xori %lt3A_783, %lt3A_785 : i1
    %and3A_787 = arith.andi %ne3A_786, %ne3A_781 : i1
    %add3A_788 = arith.addi %rem3A_779, %select_n3A_778 : i32
    %select_n3A_789 = arith.select %and3A_787, %add3A_788, %rem3A_779 : i32
    %jit3A_790 = arith.constant 2048 : i32
    %div3A_791 = arith.divsi %add3A_773, %jit3A_790 : i32
    %sign3A_792 = arith.constant 0 : i32
    %sign3A_793 = arith.cmpi sgt, %add3A_773, %sign3A_792 : i32
    %sign3A_794 = arith.extui %sign3A_793 : i1 to i32
    %sign3A_795 = arith.constant 0 : i32
    %sign3A_796 = arith.cmpi slt, %add3A_773, %sign3A_795 : i32
    %sign3A_797 = arith.extui %sign3A_796 : i1 to i32
    %sign3A_798 = arith.subi %sign3A_794, %sign3A_797 : i32
    %sign3A_799 = arith.constant 0 : i32
    %sign3A_800 = arith.cmpi sgt, %jit3A_790, %sign3A_799 : i32
    %sign3A_801 = arith.extui %sign3A_800 : i1 to i32
    %sign3A_802 = arith.constant 0 : i32
    %sign3A_803 = arith.cmpi slt, %jit3A_790, %sign3A_802 : i32
    %sign3A_804 = arith.extui %sign3A_803 : i1 to i32
    %sign3A_805 = arith.subi %sign3A_801, %sign3A_804 : i32
    %ne3A_806 = arith.cmpi ne, %sign3A_798, %sign3A_805 : i32
    %rem3A_807 = arith.remsi %add3A_773, %jit3A_790 : i32
    %ne3A_808 = arith.constant 0 : i32
    %ne3A_809 = arith.cmpi ne, %rem3A_807, %ne3A_808 : i32
    %and3A_810 = arith.andi %ne3A_806, %ne3A_809 : i1
    %sub3A_811 = arith.constant 1 : i32
    %sub3A_812 = arith.subi %div3A_791, %sub3A_811 : i32
    %select_n3A_813 = arith.select %and3A_810, %sub3A_812, %div3A_791 : i32
    %mul3A_814 = arith.constant 128 : i32
    %mul3A_815 = arith.muli %select_n3A_813, %mul3A_814 : i32
    %dma_start3A_816 = arith.constant 2 : i32
    %dma_start3A_817 = arith.constant 0 : i32
    %dma_start3A_818 = arith.constant 0 : i32
    %dma_start3A_819 = tpu.memref_slice %arg6[%dma_start3A_816, %dma_start3A_817, %dma_start3A_818] : memref<6x128x128xf32, #tpu.memory_space<vmem>> -> memref<1x128x128xf32, #tpu.memory_space<vmem>>
    %dma_start3A_820 = tpu.memref_squeeze %dma_start3A_819 : memref<1x128x128xf32, #tpu.memory_space<vmem>> -> memref<128x128xf32, #tpu.memory_space<vmem>>
    %dma_start3A_821 = tpu.memref_slice %arg4[%select_n3A_789, %mul3A_815] : memref<2048x3328xf32, #tpu.memory_space<hbm>> -> memref<128x128xf32, #tpu.memory_space<hbm>>
    %dma_start3A_822 = tpu.memref_slice %arg4[%select_n3A_789, %mul3A_815] : memref<2048x3328xf32, #tpu.memory_space<hbm>> -> memref<128x128xf32, #tpu.memory_space<hbm>>
    %dma_start3A_823 = arith.constant 0 : i32
    %dma_start3A_824 = arith.constant 0 : i32
    %dma_start3A_825 = tpu.memref_slice %arg6[%dma_start3A_816, %dma_start3A_823, %dma_start3A_824] : memref<6x128x128xf32, #tpu.memory_space<vmem>> -> memref<1x128x128xf32, #tpu.memory_space<vmem>>
    %dma_start3A_826 = tpu.memref_squeeze %dma_start3A_825 : memref<1x128x128xf32, #tpu.memory_space<vmem>> -> memref<128x128xf32, #tpu.memory_space<vmem>>
    tpu.enqueue_dma source(%dma_start3A_826 : memref<128x128xf32, #tpu.memory_space<vmem>>) target(%dma_start3A_822 : memref<128x128xf32, #tpu.memory_space<hbm>>) target_semaphore(%arg15 : memref<!tpu.dma_semaphore, #tpu.memory_space<semaphore_mem>>)
    %dma_wait3A_827 = arith.constant 9 : i32
    %dma_wait3A_828 = arith.constant 3 : i32
    %dma_wait3A_829 = arith.constant 0 : i32
    %dma_wait3A_830 = arith.constant 0 : i32
    %dma_wait3A_831 = tpu.memref_slice %arg6[%dma_wait3A_828, %dma_wait3A_829, %dma_wait3A_830] : memref<6x128x128xf32, #tpu.memory_space<vmem>> -> memref<1x128x128xf32, #tpu.memory_space<vmem>>
    %dma_wait3A_832 = tpu.memref_squeeze %dma_wait3A_831 : memref<1x128x128xf32, #tpu.memory_space<vmem>> -> memref<128x128xf32, #tpu.memory_space<vmem>>
    %dma_wait3A_833 = arith.constant 0 : i32
    %dma_wait3A_834 = tpu.memref_slice %arg5[%dma_wait3A_827, %dma_wait3A_833] : memref<13x128xi32, #tpu.memory_space<vmem>> -> memref<1x128xi32, #tpu.memory_space<vmem>>
    %dma_wait3A_835 = tpu.memref_squeeze %dma_wait3A_834 : memref<1x128xi32, #tpu.memory_space<vmem>> -> memref<128xi32, #tpu.memory_space<vmem>>
    %dma_wait3A_836 = arith.constant 0 : i32
    %dma_wait3A_837 = arith.constant 0 : i32
    %dma_wait3A_838 = tpu.memref_slice %arg3[%dma_wait3A_836, %dma_wait3A_837] : memref<26000x128xf32, #tpu.memory_space<hbm>> -> memref<26000x128xf32, #tpu.memory_space<hbm>>
    tpu.wait_indirect_dma semaphore(%arg10 : memref<!tpu.dma_semaphore, #tpu.memory_space<semaphore_mem>>) src(%dma_wait3A_838 : memref<26000x128xf32, #tpu.memory_space<hbm>>) dst(%dma_wait3A_832 : memref<128x128xf32, #tpu.memory_space<vmem>>)
    %add3A_839 = arith.constant 1152 : i32
    %add3A_840 = arith.addi %mul3A_2, %add3A_839 : i32
    %jit3A_841 = arith.constant 2048 : i32
    %eq3A_842 = arith.constant 0 : i32
    %eq3A_843 = arith.cmpi eq, %jit3A_841, %eq3A_842 : i32
    %jit3A_844 = arith.constant 1 : i32
    %select_n3A_845 = arith.select %eq3A_843, %jit3A_844, %jit3A_841 : i32
    %rem3A_846 = arith.remsi %add3A_840, %select_n3A_845 : i32
    %ne3A_847 = arith.constant 0 : i32
    %ne3A_848 = arith.cmpi ne, %rem3A_846, %ne3A_847 : i32
    %lt3A_849 = arith.constant 0 : i32
    %lt3A_850 = arith.cmpi slt, %rem3A_846, %lt3A_849 : i32
    %lt3A_851 = arith.constant 0 : i32
    %lt3A_852 = arith.cmpi slt, %select_n3A_845, %lt3A_851 : i32
    %ne3A_853 = arith.xori %lt3A_850, %lt3A_852 : i1
    %and3A_854 = arith.andi %ne3A_853, %ne3A_848 : i1
    %add3A_855 = arith.addi %rem3A_846, %select_n3A_845 : i32
    %select_n3A_856 = arith.select %and3A_854, %add3A_855, %rem3A_846 : i32
    %jit3A_857 = arith.constant 2048 : i32
    %div3A_858 = arith.divsi %add3A_840, %jit3A_857 : i32
    %sign3A_859 = arith.constant 0 : i32
    %sign3A_860 = arith.cmpi sgt, %add3A_840, %sign3A_859 : i32
    %sign3A_861 = arith.extui %sign3A_860 : i1 to i32
    %sign3A_862 = arith.constant 0 : i32
    %sign3A_863 = arith.cmpi slt, %add3A_840, %sign3A_862 : i32
    %sign3A_864 = arith.extui %sign3A_863 : i1 to i32
    %sign3A_865 = arith.subi %sign3A_861, %sign3A_864 : i32
    %sign3A_866 = arith.constant 0 : i32
    %sign3A_867 = arith.cmpi sgt, %jit3A_857, %sign3A_866 : i32
    %sign3A_868 = arith.extui %sign3A_867 : i1 to i32
    %sign3A_869 = arith.constant 0 : i32
    %sign3A_870 = arith.cmpi slt, %jit3A_857, %sign3A_869 : i32
    %sign3A_871 = arith.extui %sign3A_870 : i1 to i32
    %sign3A_872 = arith.subi %sign3A_868, %sign3A_871 : i32
    %ne3A_873 = arith.cmpi ne, %sign3A_865, %sign3A_872 : i32
    %rem3A_874 = arith.remsi %add3A_840, %jit3A_857 : i32
    %ne3A_875 = arith.constant 0 : i32
    %ne3A_876 = arith.cmpi ne, %rem3A_874, %ne3A_875 : i32
    %and3A_877 = arith.andi %ne3A_873, %ne3A_876 : i1
    %sub3A_878 = arith.constant 1 : i32
    %sub3A_879 = arith.subi %div3A_858, %sub3A_878 : i32
    %select_n3A_880 = arith.select %and3A_877, %sub3A_879, %div3A_858 : i32
    %mul3A_881 = arith.constant 128 : i32
    %mul3A_882 = arith.muli %select_n3A_880, %mul3A_881 : i32
    %dma_start3A_883 = arith.constant 3 : i32
    %dma_start3A_884 = arith.constant 0 : i32
    %dma_start3A_885 = arith.constant 0 : i32
    %dma_start3A_886 = tpu.memref_slice %arg6[%dma_start3A_883, %dma_start3A_884, %dma_start3A_885] : memref<6x128x128xf32, #tpu.memory_space<vmem>> -> memref<1x128x128xf32, #tpu.memory_space<vmem>>
    %dma_start3A_887 = tpu.memref_squeeze %dma_start3A_886 : memref<1x128x128xf32, #tpu.memory_space<vmem>> -> memref<128x128xf32, #tpu.memory_space<vmem>>
    %dma_start3A_888 = tpu.memref_slice %arg4[%select_n3A_856, %mul3A_882] : memref<2048x3328xf32, #tpu.memory_space<hbm>> -> memref<128x128xf32, #tpu.memory_space<hbm>>
    %dma_start3A_889 = tpu.memref_slice %arg4[%select_n3A_856, %mul3A_882] : memref<2048x3328xf32, #tpu.memory_space<hbm>> -> memref<128x128xf32, #tpu.memory_space<hbm>>
    %dma_start3A_890 = arith.constant 0 : i32
    %dma_start3A_891 = arith.constant 0 : i32
    %dma_start3A_892 = tpu.memref_slice %arg6[%dma_start3A_883, %dma_start3A_890, %dma_start3A_891] : memref<6x128x128xf32, #tpu.memory_space<vmem>> -> memref<1x128x128xf32, #tpu.memory_space<vmem>>
    %dma_start3A_893 = tpu.memref_squeeze %dma_start3A_892 : memref<1x128x128xf32, #tpu.memory_space<vmem>> -> memref<128x128xf32, #tpu.memory_space<vmem>>
    tpu.enqueue_dma source(%dma_start3A_893 : memref<128x128xf32, #tpu.memory_space<vmem>>) target(%dma_start3A_889 : memref<128x128xf32, #tpu.memory_space<hbm>>) target_semaphore(%arg16 : memref<!tpu.dma_semaphore, #tpu.memory_space<semaphore_mem>>)
    %dma_wait3A_894 = arith.constant 10 : i32
    %dma_wait3A_895 = arith.constant 4 : i32
    %dma_wait3A_896 = arith.constant 0 : i32
    %dma_wait3A_897 = arith.constant 0 : i32
    %dma_wait3A_898 = tpu.memref_slice %arg6[%dma_wait3A_895, %dma_wait3A_896, %dma_wait3A_897] : memref<6x128x128xf32, #tpu.memory_space<vmem>> -> memref<1x128x128xf32, #tpu.memory_space<vmem>>
    %dma_wait3A_899 = tpu.memref_squeeze %dma_wait3A_898 : memref<1x128x128xf32, #tpu.memory_space<vmem>> -> memref<128x128xf32, #tpu.memory_space<vmem>>
    %dma_wait3A_900 = arith.constant 0 : i32
    %dma_wait3A_901 = tpu.memref_slice %arg5[%dma_wait3A_894, %dma_wait3A_900] : memref<13x128xi32, #tpu.memory_space<vmem>> -> memref<1x128xi32, #tpu.memory_space<vmem>>
    %dma_wait3A_902 = tpu.memref_squeeze %dma_wait3A_901 : memref<1x128xi32, #tpu.memory_space<vmem>> -> memref<128xi32, #tpu.memory_space<vmem>>
    %dma_wait3A_903 = arith.constant 0 : i32
    %dma_wait3A_904 = arith.constant 0 : i32
    %dma_wait3A_905 = tpu.memref_slice %arg3[%dma_wait3A_903, %dma_wait3A_904] : memref<26000x128xf32, #tpu.memory_space<hbm>> -> memref<26000x128xf32, #tpu.memory_space<hbm>>
    tpu.wait_indirect_dma semaphore(%arg11 : memref<!tpu.dma_semaphore, #tpu.memory_space<semaphore_mem>>) src(%dma_wait3A_905 : memref<26000x128xf32, #tpu.memory_space<hbm>>) dst(%dma_wait3A_899 : memref<128x128xf32, #tpu.memory_space<vmem>>)
    %add3A_906 = arith.constant 1280 : i32
    %add3A_907 = arith.addi %mul3A_2, %add3A_906 : i32
    %jit3A_908 = arith.constant 2048 : i32
    %eq3A_909 = arith.constant 0 : i32
    %eq3A_910 = arith.cmpi eq, %jit3A_908, %eq3A_909 : i32
    %jit3A_911 = arith.constant 1 : i32
    %select_n3A_912 = arith.select %eq3A_910, %jit3A_911, %jit3A_908 : i32
    %rem3A_913 = arith.remsi %add3A_907, %select_n3A_912 : i32
    %ne3A_914 = arith.constant 0 : i32
    %ne3A_915 = arith.cmpi ne, %rem3A_913, %ne3A_914 : i32
    %lt3A_916 = arith.constant 0 : i32
    %lt3A_917 = arith.cmpi slt, %rem3A_913, %lt3A_916 : i32
    %lt3A_918 = arith.constant 0 : i32
    %lt3A_919 = arith.cmpi slt, %select_n3A_912, %lt3A_918 : i32
    %ne3A_920 = arith.xori %lt3A_917, %lt3A_919 : i1
    %and3A_921 = arith.andi %ne3A_920, %ne3A_915 : i1
    %add3A_922 = arith.addi %rem3A_913, %select_n3A_912 : i32
    %select_n3A_923 = arith.select %and3A_921, %add3A_922, %rem3A_913 : i32
    %jit3A_924 = arith.constant 2048 : i32
    %div3A_925 = arith.divsi %add3A_907, %jit3A_924 : i32
    %sign3A_926 = arith.constant 0 : i32
    %sign3A_927 = arith.cmpi sgt, %add3A_907, %sign3A_926 : i32
    %sign3A_928 = arith.extui %sign3A_927 : i1 to i32
    %sign3A_929 = arith.constant 0 : i32
    %sign3A_930 = arith.cmpi slt, %add3A_907, %sign3A_929 : i32
    %sign3A_931 = arith.extui %sign3A_930 : i1 to i32
    %sign3A_932 = arith.subi %sign3A_928, %sign3A_931 : i32
    %sign3A_933 = arith.constant 0 : i32
    %sign3A_934 = arith.cmpi sgt, %jit3A_924, %sign3A_933 : i32
    %sign3A_935 = arith.extui %sign3A_934 : i1 to i32
    %sign3A_936 = arith.constant 0 : i32
    %sign3A_937 = arith.cmpi slt, %jit3A_924, %sign3A_936 : i32
    %sign3A_938 = arith.extui %sign3A_937 : i1 to i32
    %sign3A_939 = arith.subi %sign3A_935, %sign3A_938 : i32
    %ne3A_940 = arith.cmpi ne, %sign3A_932, %sign3A_939 : i32
    %rem3A_941 = arith.remsi %add3A_907, %jit3A_924 : i32
    %ne3A_942 = arith.constant 0 : i32
    %ne3A_943 = arith.cmpi ne, %rem3A_941, %ne3A_942 : i32
    %and3A_944 = arith.andi %ne3A_940, %ne3A_943 : i1
    %sub3A_945 = arith.constant 1 : i32
    %sub3A_946 = arith.subi %div3A_925, %sub3A_945 : i32
    %select_n3A_947 = arith.select %and3A_944, %sub3A_946, %div3A_925 : i32
    %mul3A_948 = arith.constant 128 : i32
    %mul3A_949 = arith.muli %select_n3A_947, %mul3A_948 : i32
    %dma_start3A_950 = arith.constant 4 : i32
    %dma_start3A_951 = arith.constant 0 : i32
    %dma_start3A_952 = arith.constant 0 : i32
    %dma_start3A_953 = tpu.memref_slice %arg6[%dma_start3A_950, %dma_start3A_951, %dma_start3A_952] : memref<6x128x128xf32, #tpu.memory_space<vmem>> -> memref<1x128x128xf32, #tpu.memory_space<vmem>>
    %dma_start3A_954 = tpu.memref_squeeze %dma_start3A_953 : memref<1x128x128xf32, #tpu.memory_space<vmem>> -> memref<128x128xf32, #tpu.memory_space<vmem>>
    %dma_start3A_955 = tpu.memref_slice %arg4[%select_n3A_923, %mul3A_949] : memref<2048x3328xf32, #tpu.memory_space<hbm>> -> memref<128x128xf32, #tpu.memory_space<hbm>>
    %dma_start3A_956 = tpu.memref_slice %arg4[%select_n3A_923, %mul3A_949] : memref<2048x3328xf32, #tpu.memory_space<hbm>> -> memref<128x128xf32, #tpu.memory_space<hbm>>
    %dma_start3A_957 = arith.constant 0 : i32
    %dma_start3A_958 = arith.constant 0 : i32
    %dma_start3A_959 = tpu.memref_slice %arg6[%dma_start3A_950, %dma_start3A_957, %dma_start3A_958] : memref<6x128x128xf32, #tpu.memory_space<vmem>> -> memref<1x128x128xf32, #tpu.memory_space<vmem>>
    %dma_start3A_960 = tpu.memref_squeeze %dma_start3A_959 : memref<1x128x128xf32, #tpu.memory_space<vmem>> -> memref<128x128xf32, #tpu.memory_space<vmem>>
    tpu.enqueue_dma source(%dma_start3A_960 : memref<128x128xf32, #tpu.memory_space<vmem>>) target(%dma_start3A_956 : memref<128x128xf32, #tpu.memory_space<hbm>>) target_semaphore(%arg17 : memref<!tpu.dma_semaphore, #tpu.memory_space<semaphore_mem>>)
    %dma_wait3A_961 = arith.constant 11 : i32
    %dma_wait3A_962 = arith.constant 5 : i32
    %dma_wait3A_963 = arith.constant 0 : i32
    %dma_wait3A_964 = arith.constant 0 : i32
    %dma_wait3A_965 = tpu.memref_slice %arg6[%dma_wait3A_962, %dma_wait3A_963, %dma_wait3A_964] : memref<6x128x128xf32, #tpu.memory_space<vmem>> -> memref<1x128x128xf32, #tpu.memory_space<vmem>>
    %dma_wait3A_966 = tpu.memref_squeeze %dma_wait3A_965 : memref<1x128x128xf32, #tpu.memory_space<vmem>> -> memref<128x128xf32, #tpu.memory_space<vmem>>
    %dma_wait3A_967 = arith.constant 0 : i32
    %dma_wait3A_968 = tpu.memref_slice %arg5[%dma_wait3A_961, %dma_wait3A_967] : memref<13x128xi32, #tpu.memory_space<vmem>> -> memref<1x128xi32, #tpu.memory_space<vmem>>
    %dma_wait3A_969 = tpu.memref_squeeze %dma_wait3A_968 : memref<1x128xi32, #tpu.memory_space<vmem>> -> memref<128xi32, #tpu.memory_space<vmem>>
    %dma_wait3A_970 = arith.constant 0 : i32
    %dma_wait3A_971 = arith.constant 0 : i32
    %dma_wait3A_972 = tpu.memref_slice %arg3[%dma_wait3A_970, %dma_wait3A_971] : memref<26000x128xf32, #tpu.memory_space<hbm>> -> memref<26000x128xf32, #tpu.memory_space<hbm>>
    tpu.wait_indirect_dma semaphore(%arg12 : memref<!tpu.dma_semaphore, #tpu.memory_space<semaphore_mem>>) src(%dma_wait3A_972 : memref<26000x128xf32, #tpu.memory_space<hbm>>) dst(%dma_wait3A_966 : memref<128x128xf32, #tpu.memory_space<vmem>>)
    %add3A_973 = arith.constant 1408 : i32
    %add3A_974 = arith.addi %mul3A_2, %add3A_973 : i32
    %jit3A_975 = arith.constant 2048 : i32
    %eq3A_976 = arith.constant 0 : i32
    %eq3A_977 = arith.cmpi eq, %jit3A_975, %eq3A_976 : i32
    %jit3A_978 = arith.constant 1 : i32
    %select_n3A_979 = arith.select %eq3A_977, %jit3A_978, %jit3A_975 : i32
    %rem3A_980 = arith.remsi %add3A_974, %select_n3A_979 : i32
    %ne3A_981 = arith.constant 0 : i32
    %ne3A_982 = arith.cmpi ne, %rem3A_980, %ne3A_981 : i32
    %lt3A_983 = arith.constant 0 : i32
    %lt3A_984 = arith.cmpi slt, %rem3A_980, %lt3A_983 : i32
    %lt3A_985 = arith.constant 0 : i32
    %lt3A_986 = arith.cmpi slt, %select_n3A_979, %lt3A_985 : i32
    %ne3A_987 = arith.xori %lt3A_984, %lt3A_986 : i1
    %and3A_988 = arith.andi %ne3A_987, %ne3A_982 : i1
    %add3A_989 = arith.addi %rem3A_980, %select_n3A_979 : i32
    %select_n3A_990 = arith.select %and3A_988, %add3A_989, %rem3A_980 : i32
    %jit3A_991 = arith.constant 2048 : i32
    %div3A_992 = arith.divsi %add3A_974, %jit3A_991 : i32
    %sign3A_993 = arith.constant 0 : i32
    %sign3A_994 = arith.cmpi sgt, %add3A_974, %sign3A_993 : i32
    %sign3A_995 = arith.extui %sign3A_994 : i1 to i32
    %sign3A_996 = arith.constant 0 : i32
    %sign3A_997 = arith.cmpi slt, %add3A_974, %sign3A_996 : i32
    %sign3A_998 = arith.extui %sign3A_997 : i1 to i32
    %sign3A_999 = arith.subi %sign3A_995, %sign3A_998 : i32
    %sign3A_1000 = arith.constant 0 : i32
    %sign3A_1001 = arith.cmpi sgt, %jit3A_991, %sign3A_1000 : i32
    %sign3A_1002 = arith.extui %sign3A_1001 : i1 to i32
    %sign3A_1003 = arith.constant 0 : i32
    %sign3A_1004 = arith.cmpi slt, %jit3A_991, %sign3A_1003 : i32
    %sign3A_1005 = arith.extui %sign3A_1004 : i1 to i32
    %sign3A_1006 = arith.subi %sign3A_1002, %sign3A_1005 : i32
    %ne3A_1007 = arith.cmpi ne, %sign3A_999, %sign3A_1006 : i32
    %rem3A_1008 = arith.remsi %add3A_974, %jit3A_991 : i32
    %ne3A_1009 = arith.constant 0 : i32
    %ne3A_1010 = arith.cmpi ne, %rem3A_1008, %ne3A_1009 : i32
    %and3A_1011 = arith.andi %ne3A_1007, %ne3A_1010 : i1
    %sub3A_1012 = arith.constant 1 : i32
    %sub3A_1013 = arith.subi %div3A_992, %sub3A_1012 : i32
    %select_n3A_1014 = arith.select %and3A_1011, %sub3A_1013, %div3A_992 : i32
    %mul3A_1015 = arith.constant 128 : i32
    %mul3A_1016 = arith.muli %select_n3A_1014, %mul3A_1015 : i32
    %dma_start3A_1017 = arith.constant 5 : i32
    %dma_start3A_1018 = arith.constant 0 : i32
    %dma_start3A_1019 = arith.constant 0 : i32
    %dma_start3A_1020 = tpu.memref_slice %arg6[%dma_start3A_1017, %dma_start3A_1018, %dma_start3A_1019] : memref<6x128x128xf32, #tpu.memory_space<vmem>> -> memref<1x128x128xf32, #tpu.memory_space<vmem>>
    %dma_start3A_1021 = tpu.memref_squeeze %dma_start3A_1020 : memref<1x128x128xf32, #tpu.memory_space<vmem>> -> memref<128x128xf32, #tpu.memory_space<vmem>>
    %dma_start3A_1022 = tpu.memref_slice %arg4[%select_n3A_990, %mul3A_1016] : memref<2048x3328xf32, #tpu.memory_space<hbm>> -> memref<128x128xf32, #tpu.memory_space<hbm>>
    %dma_start3A_1023 = tpu.memref_slice %arg4[%select_n3A_990, %mul3A_1016] : memref<2048x3328xf32, #tpu.memory_space<hbm>> -> memref<128x128xf32, #tpu.memory_space<hbm>>
    %dma_start3A_1024 = arith.constant 0 : i32
    %dma_start3A_1025 = arith.constant 0 : i32
    %dma_start3A_1026 = tpu.memref_slice %arg6[%dma_start3A_1017, %dma_start3A_1024, %dma_start3A_1025] : memref<6x128x128xf32, #tpu.memory_space<vmem>> -> memref<1x128x128xf32, #tpu.memory_space<vmem>>
    %dma_start3A_1027 = tpu.memref_squeeze %dma_start3A_1026 : memref<1x128x128xf32, #tpu.memory_space<vmem>> -> memref<128x128xf32, #tpu.memory_space<vmem>>
    tpu.enqueue_dma source(%dma_start3A_1027 : memref<128x128xf32, #tpu.memory_space<vmem>>) target(%dma_start3A_1023 : memref<128x128xf32, #tpu.memory_space<hbm>>) target_semaphore(%arg18 : memref<!tpu.dma_semaphore, #tpu.memory_space<semaphore_mem>>)
    %dma_wait3A_1028 = arith.constant 12 : i32
    %dma_wait3A_1029 = arith.constant 0 : i32
    %dma_wait3A_1030 = arith.constant 0 : i32
    %dma_wait3A_1031 = arith.constant 0 : i32
    %dma_wait3A_1032 = tpu.memref_slice %arg6[%dma_wait3A_1029, %dma_wait3A_1030, %dma_wait3A_1031] : memref<6x128x128xf32, #tpu.memory_space<vmem>> -> memref<1x128x128xf32, #tpu.memory_space<vmem>>
    %dma_wait3A_1033 = tpu.memref_squeeze %dma_wait3A_1032 : memref<1x128x128xf32, #tpu.memory_space<vmem>> -> memref<128x128xf32, #tpu.memory_space<vmem>>
    %dma_wait3A_1034 = arith.constant 0 : i32
    %dma_wait3A_1035 = tpu.memref_slice %arg5[%dma_wait3A_1028, %dma_wait3A_1034] : memref<13x128xi32, #tpu.memory_space<vmem>> -> memref<1x128xi32, #tpu.memory_space<vmem>>
    %dma_wait3A_1036 = tpu.memref_squeeze %dma_wait3A_1035 : memref<1x128xi32, #tpu.memory_space<vmem>> -> memref<128xi32, #tpu.memory_space<vmem>>
    %dma_wait3A_1037 = arith.constant 0 : i32
    %dma_wait3A_1038 = arith.constant 0 : i32
    %dma_wait3A_1039 = tpu.memref_slice %arg3[%dma_wait3A_1037, %dma_wait3A_1038] : memref<26000x128xf32, #tpu.memory_space<hbm>> -> memref<26000x128xf32, #tpu.memory_space<hbm>>
    tpu.wait_indirect_dma semaphore(%arg7 : memref<!tpu.dma_semaphore, #tpu.memory_space<semaphore_mem>>) src(%dma_wait3A_1039 : memref<26000x128xf32, #tpu.memory_space<hbm>>) dst(%dma_wait3A_1033 : memref<128x128xf32, #tpu.memory_space<vmem>>)
    %add3A_1040 = arith.constant 1536 : i32
    %add3A_1041 = arith.addi %mul3A_2, %add3A_1040 : i32
    %jit3A_1042 = arith.constant 2048 : i32
    %eq3A_1043 = arith.constant 0 : i32
    %eq3A_1044 = arith.cmpi eq, %jit3A_1042, %eq3A_1043 : i32
    %jit3A_1045 = arith.constant 1 : i32
    %select_n3A_1046 = arith.select %eq3A_1044, %jit3A_1045, %jit3A_1042 : i32
    %rem3A_1047 = arith.remsi %add3A_1041, %select_n3A_1046 : i32
    %ne3A_1048 = arith.constant 0 : i32
    %ne3A_1049 = arith.cmpi ne, %rem3A_1047, %ne3A_1048 : i32
    %lt3A_1050 = arith.constant 0 : i32
    %lt3A_1051 = arith.cmpi slt, %rem3A_1047, %lt3A_1050 : i32
    %lt3A_1052 = arith.constant 0 : i32
    %lt3A_1053 = arith.cmpi slt, %select_n3A_1046, %lt3A_1052 : i32
    %ne3A_1054 = arith.xori %lt3A_1051, %lt3A_1053 : i1
    %and3A_1055 = arith.andi %ne3A_1054, %ne3A_1049 : i1
    %add3A_1056 = arith.addi %rem3A_1047, %select_n3A_1046 : i32
    %select_n3A_1057 = arith.select %and3A_1055, %add3A_1056, %rem3A_1047 : i32
    %jit3A_1058 = arith.constant 2048 : i32
    %div3A_1059 = arith.divsi %add3A_1041, %jit3A_1058 : i32
    %sign3A_1060 = arith.constant 0 : i32
    %sign3A_1061 = arith.cmpi sgt, %add3A_1041, %sign3A_1060 : i32
    %sign3A_1062 = arith.extui %sign3A_1061 : i1 to i32
    %sign3A_1063 = arith.constant 0 : i32
    %sign3A_1064 = arith.cmpi slt, %add3A_1041, %sign3A_1063 : i32
    %sign3A_1065 = arith.extui %sign3A_1064 : i1 to i32
    %sign3A_1066 = arith.subi %sign3A_1062, %sign3A_1065 : i32
    %sign3A_1067 = arith.constant 0 : i32
    %sign3A_1068 = arith.cmpi sgt, %jit3A_1058, %sign3A_1067 : i32
    %sign3A_1069 = arith.extui %sign3A_1068 : i1 to i32
    %sign3A_1070 = arith.constant 0 : i32
    %sign3A_1071 = arith.cmpi slt, %jit3A_1058, %sign3A_1070 : i32
    %sign3A_1072 = arith.extui %sign3A_1071 : i1 to i32
    %sign3A_1073 = arith.subi %sign3A_1069, %sign3A_1072 : i32
    %ne3A_1074 = arith.cmpi ne, %sign3A_1066, %sign3A_1073 : i32
    %rem3A_1075 = arith.remsi %add3A_1041, %jit3A_1058 : i32
    %ne3A_1076 = arith.constant 0 : i32
    %ne3A_1077 = arith.cmpi ne, %rem3A_1075, %ne3A_1076 : i32
    %and3A_1078 = arith.andi %ne3A_1074, %ne3A_1077 : i1
    %sub3A_1079 = arith.constant 1 : i32
    %sub3A_1080 = arith.subi %div3A_1059, %sub3A_1079 : i32
    %select_n3A_1081 = arith.select %and3A_1078, %sub3A_1080, %div3A_1059 : i32
    %mul3A_1082 = arith.constant 128 : i32
    %mul3A_1083 = arith.muli %select_n3A_1081, %mul3A_1082 : i32
    %dma_start3A_1084 = arith.constant 0 : i32
    %dma_start3A_1085 = arith.constant 0 : i32
    %dma_start3A_1086 = arith.constant 0 : i32
    %dma_start3A_1087 = tpu.memref_slice %arg6[%dma_start3A_1084, %dma_start3A_1085, %dma_start3A_1086] : memref<6x128x128xf32, #tpu.memory_space<vmem>> -> memref<1x128x128xf32, #tpu.memory_space<vmem>>
    %dma_start3A_1088 = tpu.memref_squeeze %dma_start3A_1087 : memref<1x128x128xf32, #tpu.memory_space<vmem>> -> memref<128x128xf32, #tpu.memory_space<vmem>>
    %dma_start3A_1089 = tpu.memref_slice %arg4[%select_n3A_1057, %mul3A_1083] : memref<2048x3328xf32, #tpu.memory_space<hbm>> -> memref<128x128xf32, #tpu.memory_space<hbm>>
    %dma_start3A_1090 = tpu.memref_slice %arg4[%select_n3A_1057, %mul3A_1083] : memref<2048x3328xf32, #tpu.memory_space<hbm>> -> memref<128x128xf32, #tpu.memory_space<hbm>>
    %dma_start3A_1091 = arith.constant 0 : i32
    %dma_start3A_1092 = arith.constant 0 : i32
    %dma_start3A_1093 = tpu.memref_slice %arg6[%dma_start3A_1084, %dma_start3A_1091, %dma_start3A_1092] : memref<6x128x128xf32, #tpu.memory_space<vmem>> -> memref<1x128x128xf32, #tpu.memory_space<vmem>>
    %dma_start3A_1094 = tpu.memref_squeeze %dma_start3A_1093 : memref<1x128x128xf32, #tpu.memory_space<vmem>> -> memref<128x128xf32, #tpu.memory_space<vmem>>
    tpu.enqueue_dma source(%dma_start3A_1094 : memref<128x128xf32, #tpu.memory_space<vmem>>) target(%dma_start3A_1090 : memref<128x128xf32, #tpu.memory_space<hbm>>) target_semaphore(%arg13 : memref<!tpu.dma_semaphore, #tpu.memory_space<semaphore_mem>>)
    %dma_wait3A_1095 = arith.constant 1 : i32
    %dma_wait3A_1096 = arith.constant 0 : i32
    %dma_wait3A_1097 = arith.constant 0 : i32
    %dma_wait3A_1098 = tpu.memref_slice %arg6[%dma_wait3A_1095, %dma_wait3A_1096, %dma_wait3A_1097] : memref<6x128x128xf32, #tpu.memory_space<vmem>> -> memref<1x128x128xf32, #tpu.memory_space<vmem>>
    %dma_wait3A_1099 = tpu.memref_squeeze %dma_wait3A_1098 : memref<1x128x128xf32, #tpu.memory_space<vmem>> -> memref<128x128xf32, #tpu.memory_space<vmem>>
    %dma_wait3A_1100 = tpu.memref_slice %arg4[%select_n3A_722, %mul3A_748] : memref<2048x3328xf32, #tpu.memory_space<hbm>> -> memref<128x128xf32, #tpu.memory_space<hbm>>
    %dma_wait3A_1101 = tpu.memref_slice %arg4[%select_n3A_722, %mul3A_748] : memref<2048x3328xf32, #tpu.memory_space<hbm>> -> memref<128x128xf32, #tpu.memory_space<hbm>>
    %dma_wait3A_1102 = arith.constant 0 : i32
    %dma_wait3A_1103 = arith.constant 0 : i32
    %dma_wait3A_1104 = tpu.memref_slice %arg6[%dma_wait3A_1095, %dma_wait3A_1102, %dma_wait3A_1103] : memref<6x128x128xf32, #tpu.memory_space<vmem>> -> memref<1x128x128xf32, #tpu.memory_space<vmem>>
    %dma_wait3A_1105 = tpu.memref_squeeze %dma_wait3A_1104 : memref<1x128x128xf32, #tpu.memory_space<vmem>> -> memref<128x128xf32, #tpu.memory_space<vmem>>
    tpu.wait_dma2 semaphore(%arg14 : memref<!tpu.dma_semaphore, #tpu.memory_space<semaphore_mem>>) src(%dma_wait3A_1105 : memref<128x128xf32, #tpu.memory_space<vmem>>) dst(%dma_wait3A_1101 : memref<128x128xf32, #tpu.memory_space<hbm>>)
    %dma_wait3A_1106 = arith.constant 2 : i32
    %dma_wait3A_1107 = arith.constant 0 : i32
    %dma_wait3A_1108 = arith.constant 0 : i32
    %dma_wait3A_1109 = tpu.memref_slice %arg6[%dma_wait3A_1106, %dma_wait3A_1107, %dma_wait3A_1108] : memref<6x128x128xf32, #tpu.memory_space<vmem>> -> memref<1x128x128xf32, #tpu.memory_space<vmem>>
    %dma_wait3A_1110 = tpu.memref_squeeze %dma_wait3A_1109 : memref<1x128x128xf32, #tpu.memory_space<vmem>> -> memref<128x128xf32, #tpu.memory_space<vmem>>
    %dma_wait3A_1111 = tpu.memref_slice %arg4[%select_n3A_789, %mul3A_815] : memref<2048x3328xf32, #tpu.memory_space<hbm>> -> memref<128x128xf32, #tpu.memory_space<hbm>>
    %dma_wait3A_1112 = tpu.memref_slice %arg4[%select_n3A_789, %mul3A_815] : memref<2048x3328xf32, #tpu.memory_space<hbm>> -> memref<128x128xf32, #tpu.memory_space<hbm>>
    %dma_wait3A_1113 = arith.constant 0 : i32
    %dma_wait3A_1114 = arith.constant 0 : i32
    %dma_wait3A_1115 = tpu.memref_slice %arg6[%dma_wait3A_1106, %dma_wait3A_1113, %dma_wait3A_1114] : memref<6x128x128xf32, #tpu.memory_space<vmem>> -> memref<1x128x128xf32, #tpu.memory_space<vmem>>
    %dma_wait3A_1116 = tpu.memref_squeeze %dma_wait3A_1115 : memref<1x128x128xf32, #tpu.memory_space<vmem>> -> memref<128x128xf32, #tpu.memory_space<vmem>>
    tpu.wait_dma2 semaphore(%arg15 : memref<!tpu.dma_semaphore, #tpu.memory_space<semaphore_mem>>) src(%dma_wait3A_1116 : memref<128x128xf32, #tpu.memory_space<vmem>>) dst(%dma_wait3A_1112 : memref<128x128xf32, #tpu.memory_space<hbm>>)
    %dma_wait3A_1117 = arith.constant 3 : i32
    %dma_wait3A_1118 = arith.constant 0 : i32
    %dma_wait3A_1119 = arith.constant 0 : i32
    %dma_wait3A_1120 = tpu.memref_slice %arg6[%dma_wait3A_1117, %dma_wait3A_1118, %dma_wait3A_1119] : memref<6x128x128xf32, #tpu.memory_space<vmem>> -> memref<1x128x128xf32, #tpu.memory_space<vmem>>
    %dma_wait3A_1121 = tpu.memref_squeeze %dma_wait3A_1120 : memref<1x128x128xf32, #tpu.memory_space<vmem>> -> memref<128x128xf32, #tpu.memory_space<vmem>>
    %dma_wait3A_1122 = tpu.memref_slice %arg4[%select_n3A_856, %mul3A_882] : memref<2048x3328xf32, #tpu.memory_space<hbm>> -> memref<128x128xf32, #tpu.memory_space<hbm>>
    %dma_wait3A_1123 = tpu.memref_slice %arg4[%select_n3A_856, %mul3A_882] : memref<2048x3328xf32, #tpu.memory_space<hbm>> -> memref<128x128xf32, #tpu.memory_space<hbm>>
    %dma_wait3A_1124 = arith.constant 0 : i32
    %dma_wait3A_1125 = arith.constant 0 : i32
    %dma_wait3A_1126 = tpu.memref_slice %arg6[%dma_wait3A_1117, %dma_wait3A_1124, %dma_wait3A_1125] : memref<6x128x128xf32, #tpu.memory_space<vmem>> -> memref<1x128x128xf32, #tpu.memory_space<vmem>>
    %dma_wait3A_1127 = tpu.memref_squeeze %dma_wait3A_1126 : memref<1x128x128xf32, #tpu.memory_space<vmem>> -> memref<128x128xf32, #tpu.memory_space<vmem>>
    tpu.wait_dma2 semaphore(%arg16 : memref<!tpu.dma_semaphore, #tpu.memory_space<semaphore_mem>>) src(%dma_wait3A_1127 : memref<128x128xf32, #tpu.memory_space<vmem>>) dst(%dma_wait3A_1123 : memref<128x128xf32, #tpu.memory_space<hbm>>)
    %dma_wait3A_1128 = arith.constant 4 : i32
    %dma_wait3A_1129 = arith.constant 0 : i32
    %dma_wait3A_1130 = arith.constant 0 : i32
    %dma_wait3A_1131 = tpu.memref_slice %arg6[%dma_wait3A_1128, %dma_wait3A_1129, %dma_wait3A_1130] : memref<6x128x128xf32, #tpu.memory_space<vmem>> -> memref<1x128x128xf32, #tpu.memory_space<vmem>>
    %dma_wait3A_1132 = tpu.memref_squeeze %dma_wait3A_1131 : memref<1x128x128xf32, #tpu.memory_space<vmem>> -> memref<128x128xf32, #tpu.memory_space<vmem>>
    %dma_wait3A_1133 = tpu.memref_slice %arg4[%select_n3A_923, %mul3A_949] : memref<2048x3328xf32, #tpu.memory_space<hbm>> -> memref<128x128xf32, #tpu.memory_space<hbm>>
    %dma_wait3A_1134 = tpu.memref_slice %arg4[%select_n3A_923, %mul3A_949] : memref<2048x3328xf32, #tpu.memory_space<hbm>> -> memref<128x128xf32, #tpu.memory_space<hbm>>
    %dma_wait3A_1135 = arith.constant 0 : i32
    %dma_wait3A_1136 = arith.constant 0 : i32
    %dma_wait3A_1137 = tpu.memref_slice %arg6[%dma_wait3A_1128, %dma_wait3A_1135, %dma_wait3A_1136] : memref<6x128x128xf32, #tpu.memory_space<vmem>> -> memref<1x128x128xf32, #tpu.memory_space<vmem>>
    %dma_wait3A_1138 = tpu.memref_squeeze %dma_wait3A_1137 : memref<1x128x128xf32, #tpu.memory_space<vmem>> -> memref<128x128xf32, #tpu.memory_space<vmem>>
    tpu.wait_dma2 semaphore(%arg17 : memref<!tpu.dma_semaphore, #tpu.memory_space<semaphore_mem>>) src(%dma_wait3A_1138 : memref<128x128xf32, #tpu.memory_space<vmem>>) dst(%dma_wait3A_1134 : memref<128x128xf32, #tpu.memory_space<hbm>>)
    %dma_wait3A_1139 = arith.constant 5 : i32
    %dma_wait3A_1140 = arith.constant 0 : i32
    %dma_wait3A_1141 = arith.constant 0 : i32
    %dma_wait3A_1142 = tpu.memref_slice %arg6[%dma_wait3A_1139, %dma_wait3A_1140, %dma_wait3A_1141] : memref<6x128x128xf32, #tpu.memory_space<vmem>> -> memref<1x128x128xf32, #tpu.memory_space<vmem>>
    %dma_wait3A_1143 = tpu.memref_squeeze %dma_wait3A_1142 : memref<1x128x128xf32, #tpu.memory_space<vmem>> -> memref<128x128xf32, #tpu.memory_space<vmem>>
    %dma_wait3A_1144 = tpu.memref_slice %arg4[%select_n3A_990, %mul3A_1016] : memref<2048x3328xf32, #tpu.memory_space<hbm>> -> memref<128x128xf32, #tpu.memory_space<hbm>>
    %dma_wait3A_1145 = tpu.memref_slice %arg4[%select_n3A_990, %mul3A_1016] : memref<2048x3328xf32, #tpu.memory_space<hbm>> -> memref<128x128xf32, #tpu.memory_space<hbm>>
    %dma_wait3A_1146 = arith.constant 0 : i32
    %dma_wait3A_1147 = arith.constant 0 : i32
    %dma_wait3A_1148 = tpu.memref_slice %arg6[%dma_wait3A_1139, %dma_wait3A_1146, %dma_wait3A_1147] : memref<6x128x128xf32, #tpu.memory_space<vmem>> -> memref<1x128x128xf32, #tpu.memory_space<vmem>>
    %dma_wait3A_1149 = tpu.memref_squeeze %dma_wait3A_1148 : memref<1x128x128xf32, #tpu.memory_space<vmem>> -> memref<128x128xf32, #tpu.memory_space<vmem>>
    tpu.wait_dma2 semaphore(%arg18 : memref<!tpu.dma_semaphore, #tpu.memory_space<semaphore_mem>>) src(%dma_wait3A_1149 : memref<128x128xf32, #tpu.memory_space<vmem>>) dst(%dma_wait3A_1145 : memref<128x128xf32, #tpu.memory_space<hbm>>)
    %dma_wait3A_1150 = arith.constant 0 : i32
    %dma_wait3A_1151 = arith.constant 0 : i32
    %dma_wait3A_1152 = arith.constant 0 : i32
    %dma_wait3A_1153 = tpu.memref_slice %arg6[%dma_wait3A_1150, %dma_wait3A_1151, %dma_wait3A_1152] : memref<6x128x128xf32, #tpu.memory_space<vmem>> -> memref<1x128x128xf32, #tpu.memory_space<vmem>>
    %dma_wait3A_1154 = tpu.memref_squeeze %dma_wait3A_1153 : memref<1x128x128xf32, #tpu.memory_space<vmem>> -> memref<128x128xf32, #tpu.memory_space<vmem>>
    %dma_wait3A_1155 = tpu.memref_slice %arg4[%select_n3A_1057, %mul3A_1083] : memref<2048x3328xf32, #tpu.memory_space<hbm>> -> memref<128x128xf32, #tpu.memory_space<hbm>>
    %dma_wait3A_1156 = tpu.memref_slice %arg4[%select_n3A_1057, %mul3A_1083] : memref<2048x3328xf32, #tpu.memory_space<hbm>> -> memref<128x128xf32, #tpu.memory_space<hbm>>
    %dma_wait3A_1157 = arith.constant 0 : i32
    %dma_wait3A_1158 = arith.constant 0 : i32
    %dma_wait3A_1159 = tpu.memref_slice %arg6[%dma_wait3A_1150, %dma_wait3A_1157, %dma_wait3A_1158] : memref<6x128x128xf32, #tpu.memory_space<vmem>> -> memref<1x128x128xf32, #tpu.memory_space<vmem>>
    %dma_wait3A_1160 = tpu.memref_squeeze %dma_wait3A_1159 : memref<1x128x128xf32, #tpu.memory_space<vmem>> -> memref<128x128xf32, #tpu.memory_space<vmem>>
    tpu.wait_dma2 semaphore(%arg13 : memref<!tpu.dma_semaphore, #tpu.memory_space<semaphore_mem>>) src(%dma_wait3A_1160 : memref<128x128xf32, #tpu.memory_space<vmem>>) dst(%dma_wait3A_1156 : memref<128x128xf32, #tpu.memory_space<hbm>>)
    return
  }
}

module attributes {stable_mosaic.version = 14 : i64} {
  func.func @_mm_body(%arg0: i32, %arg1: memref<512x3328xf32, #tpu.memory_space<vmem>>, %arg2: memref<3328x1024xf32, #tpu.memory_space<vmem>>, %arg3: memref<1x1024xf32, #tpu.memory_space<vmem>>, %arg4: memref<512x1024xf32, #tpu.memory_space<vmem>>) attributes {dimension_semantics = [#tpu.dimension_semantics<arbitrary>], iteration_bounds = array<i64: 4>, scalar_prefetch = 0 : i64, scratch_operands = 0 : i64, tpu.core_type = #tpu.core_type<tc>, window_params = [{transform_indices = @transform_0, window_bounds = array<i64: 512, 3328>}, {pipeline_mode = #tpu.pipeline_mode<synchronous>, transform_indices = @transform_1, window_bounds = array<i64: 3328, 1024>}, {pipeline_mode = #tpu.pipeline_mode<synchronous>, transform_indices = @transform_2, window_bounds = array<i64: 1, 1024>}, {transform_indices = @transform_3, window_bounds = array<i64: 512, 1024>}]} {
    %get3A = arith.constant 0 : index
    %get3A_0 = arith.constant 0 : index
    %get3A_1 = vector.load %arg1[%get3A, %get3A_0] : memref<512x3328xf32, #tpu.memory_space<vmem>>, vector<512x3328xf32>
    %get3A_2 = arith.constant 0 : index
    %get3A_3 = arith.constant 0 : index
    %get3A_4 = vector.load %arg2[%get3A_2, %get3A_3] : memref<3328x1024xf32, #tpu.memory_space<vmem>>, vector<3328x1024xf32>
    %dot_general3A = arith.constant dense<0.000000e+00> : vector<512x1024xf32>
    %dot_general3A_5 = tpu.matmul %get3A_1, %get3A_4, %dot_general3A {dimension_numbers = #tpu.dot_dimension_numbers<[1], [0], [0], [1], [0, 0, 1, 1], [], []>, transpose_lhs_hint = false} : vector<512x3328xf32>, vector<3328x1024xf32>, vector<512x1024xf32> -> vector<512x1024xf32>
    %get3A_6 = arith.constant 0 : index
    %get3A_7 = arith.constant 0 : index
    %get3A_8 = vector.load %arg3[%get3A_6, %get3A_7] : memref<1x1024xf32, #tpu.memory_space<vmem>>, vector<1x1024xf32>
    %add3A = vector.broadcast %get3A_8 : vector<1x1024xf32> to vector<512x1024xf32>
    %add3A_9 = arith.addf %dot_general3A_5, %add3A : vector<512x1024xf32>
    %swap3A = arith.constant 0 : index
    %swap3A_10 = arith.constant 0 : index
    %swap3A_11 = vector.load %arg4[%swap3A, %swap3A_10] : memref<512x1024xf32, #tpu.memory_space<vmem>>, vector<512x1024xf32>
    tpu.vector_store %arg4[%swap3A, %swap3A_10], %add3A_9 {strides = array<i32>} : memref<512x1024xf32, #tpu.memory_space<vmem>>, vector<512x1024xf32>,
    return
  }
  func.func @transform_0(%arg0: i32) -> (i32, i32) {
    %c0_i32 = arith.constant 0 : i32
    %c0_i32_0 = arith.constant 0 : i32
    return %arg0, %c0_i32 : i32, i32
  }
  func.func @transform_1(%arg0: i32) -> (i32, i32) {
    %c0_i32 = arith.constant 0 : i32
    %c0_i32_0 = arith.constant 0 : i32
    %c0_i32_1 = arith.constant 0 : i32
    return %c0_i32, %c0_i32_0 : i32, i32
  }
  func.func @transform_2(%arg0: i32) -> (i32, i32) {
    %c0_i32 = arith.constant 0 : i32
    %c0_i32_0 = arith.constant 0 : i32
    %c0_i32_1 = arith.constant 0 : i32
    return %c0_i32, %c0_i32_0 : i32, i32
  }
  func.func @transform_3(%arg0: i32) -> (i32, i32) {
    %add3A = arith.constant 0 : i32
    %add3A_0 = arith.addi %add3A, %arg0 : i32
    %c0_i32 = arith.constant 0 : i32
    %c0_i32_1 = arith.constant 0 : i32
    return %add3A_0, %c0_i32 : i32, i32
  }
}

module attributes {stable_mosaic.version = 14 : i64} {
  func.func @_mm_body_alias(%arg0: i32, %arg1: memref<512x3328xf32, #tpu.memory_space<vmem>>, %arg2: memref<3328x1024xf32, #tpu.memory_space<vmem>>, %arg3: memref<1x1024xf32, #tpu.memory_space<vmem>>, %arg4: memref<4096x1024xf32, #tpu.memory_space<any>>, %arg5: memref<512x1024xf32, #tpu.memory_space<vmem>>) attributes {dimension_semantics = [#tpu.dimension_semantics<arbitrary>], iteration_bounds = array<i64: 4>, scalar_prefetch = 0 : i64, scratch_operands = 0 : i64, tpu.core_type = #tpu.core_type<tc>, window_params = [{transform_indices = @transform_0, window_bounds = array<i64: 512, 3328>}, {pipeline_mode = #tpu.pipeline_mode<synchronous>, transform_indices = @transform_1, window_bounds = array<i64: 3328, 1024>}, {pipeline_mode = #tpu.pipeline_mode<synchronous>, transform_indices = @transform_2, window_bounds = array<i64: 1, 1024>}, {}, {transform_indices = @transform_4, window_bounds = array<i64: 512, 1024>}]} {
    %get3A = arith.constant 0 : index
    %get3A_0 = arith.constant 0 : index
    %get3A_1 = vector.load %arg1[%get3A, %get3A_0] : memref<512x3328xf32, #tpu.memory_space<vmem>>, vector<512x3328xf32>
    %get3A_2 = arith.constant 0 : index
    %get3A_3 = arith.constant 0 : index
    %get3A_4 = vector.load %arg2[%get3A_2, %get3A_3] : memref<3328x1024xf32, #tpu.memory_space<vmem>>, vector<3328x1024xf32>
    %dot_general3A = arith.constant dense<0.000000e+00> : vector<512x1024xf32>
    %dot_general3A_5 = tpu.matmul %get3A_1, %get3A_4, %dot_general3A {dimension_numbers = #tpu.dot_dimension_numbers<[1], [0], [0], [1], [0, 0, 1, 1], [], []>, transpose_lhs_hint = false} : vector<512x3328xf32>, vector<3328x1024xf32>, vector<512x1024xf32> -> vector<512x1024xf32>
    %get3A_6 = arith.constant 0 : index
    %get3A_7 = arith.constant 0 : index
    %get3A_8 = vector.load %arg3[%get3A_6, %get3A_7] : memref<1x1024xf32, #tpu.memory_space<vmem>>, vector<1x1024xf32>
    %add3A = vector.broadcast %get3A_8 : vector<1x1024xf32> to vector<512x1024xf32>
    %add3A_9 = arith.addf %dot_general3A_5, %add3A : vector<512x1024xf32>
    %swap3A = arith.constant 0 : index
    %swap3A_10 = arith.constant 0 : index
    %swap3A_11 = vector.load %arg5[%swap3A, %swap3A_10] : memref<512x1024xf32, #tpu.memory_space<vmem>>, vector<512x1024xf32>
    tpu.vector_store %arg5[%swap3A, %swap3A_10], %add3A_9 {strides = array<i32>} : memref<512x1024xf32, #tpu.memory_space<vmem>>, vector<512x1024xf32>,
    return
  }
  func.func @transform_0(%arg0: i32) -> (i32, i32) {
    %c0_i32 = arith.constant 0 : i32
    %c0_i32_0 = arith.constant 0 : i32
    return %arg0, %c0_i32 : i32, i32
  }
  func.func @transform_1(%arg0: i32) -> (i32, i32) {
    %c0_i32 = arith.constant 0 : i32
    %c0_i32_0 = arith.constant 0 : i32
    %c0_i32_1 = arith.constant 0 : i32
    return %c0_i32, %c0_i32_0 : i32, i32
  }
  func.func @transform_2(%arg0: i32) -> (i32, i32) {
    %c0_i32 = arith.constant 0 : i32
    %c0_i32_0 = arith.constant 0 : i32
    %c0_i32_1 = arith.constant 0 : i32
    return %c0_i32, %c0_i32_0 : i32, i32
  }
  func.func @transform_4(%arg0: i32) -> (i32, i32) {
    %add3A = arith.constant 4 : i32
    %add3A_0 = arith.addi %add3A, %arg0 : i32
    %c0_i32 = arith.constant 0 : i32
    %c0_i32_1 = arith.constant 0 : i32
    return %add3A_0, %c0_i32 : i32, i32
  }
}

</mosaic_0001>

<sc_bundles>
// kernel: kernel.6.cloned.1.call-start
scs
__scs_entry_jumppad:
0x0: {  	(pc) =	sbr.rel $0x88, $3  }
0x1: {  	(tag) =	ssettag $0x0;
	lr =	simm.s32 $0x1  }
0x2: {  	[smem:$0x3F9D] =	sst lr;
	_ =	strace $0xD0000000  }
0x3: {  	_ = 	snop  }
0x4: {  	_ = 	snop  }
0x5: {  	_ = 	snop  }
0x6: {  	_ = 	snop  }
0x7: {  	_ = 	snop  }
__scs_overlays_trampoline_lowered:
0x8: {  	[smem:$0x3FAC] =	sst s0  }
0x9: {  	[smem:$0x3FAD] =	sst s1  }
0xa: {  	[smem:$0x3FAE] =	sst s2  }
0xb: {  	[smem:$0x3FAF] =	sst s3  }
0xc: {  	[smem:$0x3FB0] =	sst s4  }
0xd: {  	[smem:$0x3FB1] =	sst s5  }
0xe: {  	[smem:$0x3FB2] =	sst s6  }
0xf: {  	[smem:$0x3FB3] =	sst s7  }
0x10: {  	[smem:$0x3FB4] =	sst s8  }
0x11: {  	[smem:$0x3FB5] =	sst s9;
	s0 =	simm.s32 @!p0 $0x0  }
0x12: {  	s1 =	sld [smem:$0x3F9B];
	s0 =	simm.s32 @p0 $0x1  }
0x13: {  	[smem:$0x3FB6] =	sst s0;
	s0 =	simm.s32 @!p1 $0x0  }
0x14: {  	s2 =	sld [smem:$0x3F9A];
	s0 =	simm.s32 @p1 $0x1  }
0x15: {  	[smem:$0x3FB7] =	sst s0;
	s0 =	simm.s32 @!p2 $0x0  }
0x16: {  	s3 =	sld [smem:$0x3FDB];
	s0 =	simm.s32 @p2 $0x1  }
0x17: {  	s4 =	simm.s32 $0x1BF5;
	[smem:$0x3FB9] =	sst s0  }
0x18: {  	s0 =	sld [smem:$0x3F9C];
	_ =	swait.ge [sflag:s4], $0x0  }
0x19: {  	s7 =	sld [smem:$0x3F9D]  }
0x1a: {  	s8 =	sadd.s32 $0xFFFFE003, lr  }
0x1b: {  	s9 =	sadd.s32 $0xFFFFFEF7, lr;
	s5 =	simm.s32 $0xFFFFFFFF;
	p2 =	slt.u32 s8, $0xFFFFF086  }
0x1c: {  	p1 =	slt.u32 s9, $0xF7A;
	s5 =	simm.s32 @!p2 $0x0  }
0x1d: {  	s5 =	simm.s32 @p1 $0x1;
	p0 =	seq.s32 s7, s2  }
0x1e: {  	s7 =	smul.u32 @!p0 $0xF7A, s2;
	p2 =	seq.s32 @!p0 s5, $0x0  }
0x1f: {  	s9 =	smul.u32 $0xF7A, s1;
	s8 =	simm.s32 @!p0 $0x1BF5;
	p2 =	por !p2, p0  }
0x20: {  	[sflag:s8] =	ssyncset.s32 @!p0 $0xFFFFF086;
	s6 =	sadd.s32 @!p0 s3, s7;
	s7 =	simm.s32 @!p0 $0x108  }
0x21: {  	s3 =	sadd.s32 s3, s9;
	s6 =	sadd.s32 @!p0 $0x88, s6;
	s7 =	simm.s32 @p2 $0x1082  }
0x22: {  	[simem:s7], [sflag:s8] =	dma.local @!p0 [hbm:s6], $0xF7A  }
0x23: {  	s9 =	sor.u32 $0xD0000000, s2;
	s6 =	simm.s32 $0x108;
	_ =	swait.ge @!p0 [sflag:s8], $0x0  }
0x24: {  	s3 =	sadd.s32 $0x88, s3;
	s6 =	simm.s32 @!p1 $0x1082;
	[sflag:s4] =	ssyncset.s32 $0xFFFFF086  }
0x25: {  	[simem:s6], [sflag:s4] =	dma.local [hbm:s3], $0xF7A  }
0x26: {  	[smem:$0x3F9D] =	sst s1;
	(tag) =	ssettag s2;
	_ =	strace s9  }
0x27: {  	s1 =	sld [smem:$0x3FAD]  }
0x28: {  	s2 =	sld [smem:$0x3FAE]  }
0x29: {  	s4 =	sld [smem:$0x3FB0]  }
0x2a: {  	p0 =	seq.s32 s5, $0x0;
	s5 =	sld [smem:$0x3FB1]  }
0x2b: {  	s6 =	sld [smem:$0x3FB2]  }
0x2c: {  	s7 =	sld [smem:$0x3FB3]  }
0x2d: {  	s3 =	simm.s32 $0x108;
	s8 =	sld [smem:$0x3FB4]  }
0x2e: {  	s3 =	simm.s32 @!p0 $0x1082;
	s9 =	sld [smem:$0x3FB5]  }
0x2f: {  	lr =	sadd.s32 s0, s3;
	s0 =	sld [smem:$0x3FAC]  }
0x30: {  	s3 =	sld [smem:$0x3FAF]  }
0x31: {  	[smem:$0x3FB8] =	sst s10  }
0x32: {  	s10 =	sld [smem:$0x3FB6];
	_ =	sdelay $0x3  }
0x33: {  	p0 =	seq.s32 s10, $0x1;
	s10 =	sld [smem:$0x3FB8];
	_ =	sdelay $0x3  }
0x34: {  	[smem:$0x3FB8] =	sst s10  }
0x35: {  	s10 =	sld [smem:$0x3FB7];
	_ =	sdelay $0x3  }
0x36: {  	p1 =	seq.s32 s10, $0x1;
	s10 =	sld [smem:$0x3FB8];
	_ =	sdelay $0x3  }
0x37: {  	[smem:$0x3FB8] =	sst s10  }
0x38: {  	s10 =	sld [smem:$0x3FB9]  }
0x39: {  	_ = 	snop;
	(pc) =	sbr.ind lr, $3  }
0x3a: {  	_ = 	snop  }
0x3b: {  	_ = 	snop  }
0x3c: {  	p2 =	seq.s32 s10, $0x1;
	s10 =	sld [smem:$0x3FB8]  }
0x3d: {  	_ =	shalt  }
0x3e: {  	_ =	shalt  }
0x3f: {  	_ =	shalt  }
0x40: {  	_ =	shalt  }
0x41: {  	_ =	shalt  }
0x42: {  	_ =	shalt  }
0x43: {  	_ =	shalt  }
0x44: {  	_ =	shalt  }
0x45: {  	_ =	shalt  }
0x46: {  	_ =	shalt  }
0x47: {  	_ =	shalt  }
0x48: {  	_ =	shalt  }
0x49: {  	_ =	shalt  }
0x4a: {  	_ =	shalt  }
0x4b: {  	_ =	shalt  }
0x4c: {  	_ =	shalt  }
0x4d: {  	_ =	shalt  }
0x4e: {  	_ =	shalt  }
0x4f: {  	_ =	shalt  }
0x50: {  	_ =	shalt  }
0x51: {  	_ =	shalt  }
0x52: {  	_ =	shalt  }
0x53: {  	_ =	shalt  }
0x54: {  	_ =	shalt  }
0x55: {  	_ =	shalt  }
0x56: {  	_ =	shalt  }
0x57: {  	_ =	shalt  }
0x58: {  	_ =	shalt  }
0x59: {  	_ =	shalt  }
0x5a: {  	_ =	shalt  }
0x5b: {  	_ =	shalt  }
0x5c: {  	_ =	shalt  }
0x5d: {  	_ =	shalt  }
0x5e: {  	_ =	shalt  }
0x5f: {  	_ =	shalt  }
0x60: {  	_ =	shalt  }
0x61: {  	_ =	shalt  }
0x62: {  	_ =	shalt  }
0x63: {  	_ =	shalt  }
0x64: {  	_ =	shalt  }
0x65: {  	_ =	shalt  }
0x66: {  	_ =	shalt  }
0x67: {  	_ =	shalt  }
0x68: {  	_ =	shalt  }
0x69: {  	_ =	shalt  }
0x6a: {  	_ =	shalt  }
0x6b: {  	_ =	shalt  }
0x6c: {  	_ =	shalt  }
0x6d: {  	_ =	shalt  }
0x6e: {  	_ =	shalt  }
0x6f: {  	_ =	shalt  }
0x70: {  	_ =	shalt  }
0x71: {  	_ =	shalt  }
0x72: {  	_ =	shalt  }
0x73: {  	_ =	shalt  }
0x74: {  	_ =	shalt  }
0x75: {  	_ =	shalt  }
0x76: {  	_ =	shalt  }
0x77: {  	_ =	shalt  }
0x78: {  	_ =	shalt  }
0x79: {  	_ =	shalt  }
0x7a: {  	_ =	shalt  }
0x7b: {  	_ =	shalt  }
0x7c: {  	_ =	shalt  }
0x7d: {  	_ =	shalt  }
0x7e: {  	_ =	shalt  }
0x7f: {  	_ =	shalt  }
0x80: {  	_ =	shalt  }
0x81: {  	_ =	shalt  }
0x82: {  	_ =	shalt  }
0x83: {  	_ =	shalt  }
0x84: {  	_ =	shalt  }
0x85: {  	_ =	shalt  }
0x86: {  	_ =	shalt  }
0x87: {  	_ =	shalt  }
.Lfunc_end0:
.L_simem_size_0:
called_computation_lowered:
.L_overlay_start_0:
0x88: {  	s2 =	sld [smem:$0x3FD9]  }
0x89: {  	s3 =	sld [smem:$0x3FFE];
	_ =	sdelay $0x1  }
0x8a: {  	s1 =	srdreg.scid  }
0x8b: {  	s0 =	sand.u32 $0x1, s1  }
0x8c: {  	s17 =	sshll.u32 s0, $0xA;
	s2 =	sadd.s32 s3, s2  }
0x8d: {  	s2 =	sadd.s32 s2, s17  }
0x8e: {  	[smem:$0x3FC4] =	sst s2  }
0x8f: {  	_ = 	snop  }
0x90: {  	s2 =	sld [smem:$0x3FC8]  }
0x91: {  	s18 =	sld [smem:$0x3FD0];
	(tm) =	ssettm $0x1  }
0x92: {  	s4 =	sld [smem:$0x3FFB];
	_ =	sdelay $0x3  }
0x93: {  	_ =	strace s4  }
0x94: {  	s4 =	sld [smem:$0x3FFC];
	_ =	sdelay $0x3  }
0x95: {  	_ =	strace s4  }
0x96: {  	s4 =	sld [smem:$0x3FFD];
	_ =	sdelay $0x3  }
0x97: {  	_ =	strace s4  }
0x98: {  	_ =	strace $0x8FFFFFFF  }
0x99: {  	s19 =	sld [smem:$0x3FDB];
	_ =	sdelay $0x1  }
0x9a: {  	s5 =	simm.s32 $_scs_section_size  }
0x9b: {  	s6 =	simm.s32 $_size__tile_overlayer_lowered;
	s7 =	simm.s32 $_tile_overlayer_lowered  }
0x9c: {  	s22 =	simm.s32 $0x1BFF;
	s21 =	sshll.u32 s7, $0x1;
	s4 =	sadd.s32 s5, s19  }
0x9d: {  	s8 =	simm.s32 $0x0;
	s20 =	sshll.u32 s6, $0x1;
	s6 =	sadd.s32 s21, s4  }
0x9e: {  	[timem:s8], [sflag:s22] =	dma.local [hbm:s6], s20  }
0x9f: {  	_ =	swait.ge [sflag:s22], s20  }
0xa0: {  	s5 =	ssub.s32 $0x0, s20;
	[sflag:s22] =	ssyncset.done $0x0  }
0xa1: {  	[sflag:s22] =	ssyncadd.s32 s5;
	_ =	sdelay $0x1  }
0xa2: {  	s23 =	simm.s32 $0x1B8B  }
0xa3: {  	_ =	swait.ge [sflag:s23], $0x1  }
0xa4: {  	[sflag:s23] =	ssyncset.done $0x0  }
0xa5: {  	s25 =	simm.s32 $0x1B8E;
	s24 =	sld [smem:$0x3FFE];
	[sflag:s23] =	ssyncadd.s32 $0xFFFFFFFF  }
0xa6: {  	s26 =	simm.s32 $execute0_lowered;
	[smem:$0x3FD2] =	sst s25  }
0xa7: {  	s6 =	sshll.u32 s26, $0x1;
	_ =	strace $0x80000046;
	[dreg:$0x1] =	wrdreg $0xFFFFFFFF  }
0xa8: {  	s28 =	simm.s32 $_size_execute0_lowered;
	s4 =	sadd.s32 s4, s6;
	[dreg:$0x0] =	wrdreg $0x0  }
0xa9: {  	s6 =	sshll.u32 s28, $0x1;
	[dreg:$0x2] =	wrdreg s4  }
0xaa: {  	[dreg:$0x3] =	wrdreg s6  }
0xab: {  	[dreg:$0x4] =	wrdreg $0xC0  }
0xac: {  	_ =	task [dreg:s8], $0x5FFFF  }
0xad: {  	[dreg:$0x1] =	wrdreg $0xFFFFFFFF  }
0xae: {  	[dreg:$0x0] =	wrdreg $0x60  }
0xaf: {  	[dreg:$0x2] =	wrdreg s18  }
0xb0: {  	[dreg:$0x3] =	wrdreg s2  }
0xb1: {  	[dreg:$0x4] =	wrdreg s24  }
0xb2: {  	[dreg:$0x5] =	wrdreg $0x9  }
0xb3: {  	_ =	task.clear_ibuf [dreg:s8], $0x6FFFF;
	_ =	strace $0x90000046  }
0xb4: {  	s29 =	simm.s32 $0x9;
	_ =	strace $0x80000048  }
0xb5: {  	_ =	swait.ge [sflag:s29], $0x1  }
0xb6: {  	[sflag:s29] =	ssyncadd.s32 $0xFFFFFFFF  }
0xb7: {  	_ =	strace $0x90000048  }
0xb8: {  	_ =	sfence  }
0xb9: {  	s30 =	sld [smem:$0x0];
	_ =	sdelay $0x2  }
0xba: {  	s31 =	sshll.u32 s1, $0xD;
	s1 =	sshrl.u32 s1, $0x2  }
0xbb: {  	s3 =	sand.u32 $0x4000, s31;
	s1 =	sadd.s32 s1, s30  }
0xbc: {  	s0 =	sor.u32 s3, s0;
	s1 =	sshll.u32 s1, $0x11  }
0xbd: {  	s0 =	sor.u32 s1, s0  }
0xbe: {  	s0 =	sadd.s32 $0x8F2B, s0  }
0xbf: {  	[sflag:s0] =	ssyncadd.remote.s32 $0x1  }
0xc0: {  	_ =	sfence.sel $0xFFFF  }
0xc1: {  	[dreg:$0x0] =	wrdreg $0xFFFFFFFF;
	(pc) =	sbr.abs _section_cstart, $3  }
0xc2: {  	[dreg:$0x1] =	wrdreg $0xFFFFFFFF  }
0xc3: {  	_ =	task.clear_ibuf [dreg:s8], $0x2FFFF;
	_ =	strace $0x9FFFFFFF  }
0xc4: {  	(tm) =	ssettm $0x7FFFFFFF  }
0xc5: {  	_ =	shalt  }
tec
execute0_lowered:
.L_overlay_start_1:
0x0: {  	(tag) =	ssettag $0x1  }
0x1: {  	s0 =	srdreg.scid;
	s6 =	rddreg [dreg:$0x0]  }
0x2: {  	s1 =	stileid.u32;
	s2 =	rddreg [dreg:$0x1]  }
0x3: {  	s26 =	rddreg [dreg:$0x2];
	s3 =	simm.s32 $0x0;
	s31 =	simm.s32 $0xD  }
0x4: {  	s30 =	simm.s32 $0x480;
	s5 =	sand.u32 $0x1, s0;
	s25 =	sshll.u32 s1, $0x1  }
0x5: {  	p0 =	por $0x0, $0x0;
	s29 =	simm.s32 $0x500;
	s0 =	sor.u32 s5, s25  }
0x6: {  	s28 =	simm.s32 $0x580;
	[smem:$0x7FF] =	sst s3;
	s4 =	smul.u32 $0x680, s0  }
0x7: {  	s1 =	sadd.s32 $0x1C00, s26;
	_ =	strace $0x80000047;
	s0 =	sshll.u32 s0, $0x8  }
0x8: {  	s5 =	ssub.s32 $0x2, s5;
	s0 =	sadd.s32 s6, s0;
	s7 =	sshrl.u32 s4, $0x3  }
0x9: {  	s8 =	sshrl.u32 s4, $0x1;
	s9 =	sadd.s32 $0x80, s4;
	[dreg:$0x4] =	wrdreg s0  }
0xa: {  	s13 =	sadd.s32 $0x100, s4;
	s18 =	sadd.s32 $0x180, s4;
	s21 =	sadd.s32 $0x200, s4  }
0xb: {  	s26 =	sadd.s32 $0x280, s4;
	s7 =	sand.u32 $0xF0, s7;
	s8 =	sand.u32 $0x7C00, s8  }
0xc: {  	s12 =	sshrl.u32 s9, $0x1;
	s14 =	sshrl.u32 s13, $0x3;
	s7 =	smul.u32 $0x6800, s7  }
0xd: {  	s17 =	sshrl.u32 s13, $0x1;
	s20 =	sshrl.u32 s18, $0x3;
	s22 =	sshrl.u32 s21, $0x3  }
0xe: {  	s16 =	sand.u32 $0xF0, s14;
	s7 =	sor.u32 s8, s7;
	s8 =	sshrl.u32 s9, $0x3  }
0xf: {  	s9 =	sand.u32 $0xF0, s22;
	s22 =	sadd.s32 $0x400, s4;
	s10 =	sshrl.u32 s7, $0x3  }
0x10: {  	s11 =	sand.u32 $0xF0, s8;
	s7 =	sand.u32 $0xFC00, s12;
	s23 =	smul.u32 $0x6800, s9  }
0x11: {  	s8 =	sshrl.u32 s18, $0x1;
	s9 =	sshrl.u32 s26, $0x3;
	s6 =	smul.u32 $0x6800, s11  }
0x12: {  	s0 =	sadd.s32 s1, s10;
	s8 =	sand.u32 $0xFC00, s8;
	s10 =	sadd.s32 $0x300, s4  }
0x13: {  	[dreg:$0x5] =	wrdreg s0;
	s11 =	sshrl.u32 s10, $0x3;
	s15 =	sadd.s32 s7, s6  }
0x14: {  	s6 =	smul.u32 $0x6800, s16;
	s7 =	sand.u32 $0xFC00, s17;
	s13 =	sand.u32 $0xF0, s11  }
0x15: {  	s16 =	sadd.s32 $0x380, s4;
	s0 =	sshrl.u32 s15, $0x3;
	s14 =	smul.u32 $0x6800, s13  }
0x16: {  	s15 =	sshrl.u32 s10, $0x1;
	s17 =	sshrl.u32 s16, $0x3;
	s13 =	sadd.s32 $0x580, s4  }
0x17: {  	s0 =	sadd.s32 s1, s0;
	s19 =	sadd.s32 s7, s6;
	s6 =	sand.u32 $0xF0, s20  }
0x18: {  	s7 =	sshrl.u32 s21, $0x1;
	s20 =	sshrl.u32 s16, $0x1;
	[dreg:$0x6] =	wrdreg s0  }
0x19: {  	s0 =	sshrl.u32 s19, $0x3;
	s6 =	smul.u32 $0x6800, s6;
	s25 =	sand.u32 $0xFC00, s7  }
0x1a: {  	s7 =	sshrl.u32 s26, $0x1;
	s19 =	sand.u32 $0xF0, s17;
	s21 =	sand.u32 $0xFC00, s20  }
0x1b: {  	s0 =	sadd.s32 s1, s0;
	s12 =	sand.u32 $0xFC00, s7;
	s6 =	sadd.s32 s8, s6  }
0x1c: {  	s7 =	sand.u32 $0xFC00, s15;
	[dreg:$0x7] =	wrdreg s0;
	s24 =	sshrl.u32 s6, $0x3  }
0x1d: {  	s6 =	sadd.s32 s25, s23;
	s23 =	sshrl.u32 s22, $0x3;
	s0 =	sadd.s32 s1, s24  }
0x1e: {  	s8 =	sshrl.u32 s6, $0x3;
	s6 =	sand.u32 $0xF0, s9;
	s24 =	sadd.s32 $0x480, s4  }
0x1f: {  	[dreg:$0x8] =	wrdreg s0;
	s0 =	sadd.s32 s1, s8;
	s6 =	smul.u32 $0x6800, s6  }
0x20: {  	s25 =	sshrl.u32 s24, $0x3;
	s8 =	sshrl.u32 s24, $0x1;
	s24 =	simm.s32 $0x200  }
0x21: {  	[dreg:$0x9] =	wrdreg s0;
	s9 =	sand.u32 $0xF0, s25;
	s26 =	sand.u32 $0xFC00, s8  }
0x22: {  	s8 =	sadd.s32 $0x500, s4;
	s4 =	sadd.s32 $0x600, s4;
	[dreg:$0x14] =	wrdreg s24  }
0x23: {  	s25 =	simm.s32 $0x280;
	s24 =	simm.s32 $0x2;
	s0 =	sadd.s32 s12, s6  }
0x24: {  	s6 =	sadd.s32 s7, s14;
	s7 =	sshrl.u32 s22, $0x1;
	s9 =	smul.u32 $0x6800, s9  }
0x25: {  	s10 =	sshrl.u32 s8, $0x3;
	s12 =	sshrl.u32 s8, $0x1;
	s14 =	sshrl.u32 s13, $0x3  }
0x26: {  	s16 =	sshrl.u32 s4, $0x3;
	s4 =	sshrl.u32 s4, $0x1;
	s22 =	simm.s32 $0x100  }
0x27: {  	[dreg:$0x15] =	wrdreg s25;
	s0 =	sshrl.u32 s0, $0x3;
	s18 =	sshrl.u32 s6, $0x3  }
0x28: {  	s6 =	smul.u32 $0x6800, s19;
	s7 =	sand.u32 $0xFC00, s7;
	s11 =	sand.u32 $0xF0, s10  }
0x29: {  	s15 =	sand.u32 $0xF0, s14;
	s8 =	sand.u32 $0xF0, s16;
	s4 =	sand.u32 $0xFC00, s4  }
0x2a: {  	[dreg:$0x12] =	wrdreg s22;
	s16 =	simm.s32 $0xC800;
	s10 =	simm.s32 $0x14800  }
0x2b: {  	s22 =	simm.s32 $0x4;
	s14 =	simm.s32 $0xC;
	s0 =	sadd.s32 s1, s0  }
0x2c: {  	s8 =	smul.u32 $0x6800, s8;
	[dreg:$0xa] =	wrdreg s0;
	s0 =	sadd.s32 s1, s18  }
0x2d: {  	s18 =	sshrl.u32 s5, $0x1;
	[dreg:$0xb] =	wrdreg s0;
	s0 =	sadd.s32 s21, s6  }
0x2e: {  	s6 =	sand.u32 $0xF0, s23;
	s4 =	sadd.s32 s4, s8;
	s20 =	ssub.s32 s5, s18  }
0x2f: {  	s18 =	simm.s32 $0x80;
	s23 =	simm.s32 $0x180;
	s8 =	simm.s32 $0x6800  }
0x30: {  	s5 =	simm.s32 $0x7;
	s0 =	sshrl.u32 s0, $0x3;
	s6 =	smul.u32 $0x6800, s6  }
0x31: {  	s4 =	sshrl.u32 s4, $0x3;
	s21 =	smax.u32 s20, $0x1;
	[dreg:$0x13] =	wrdreg s23  }
0x32: {  	s23 =	simm.s32 $0x3;
	s20 =	simm.s32 $0x5;
	s0 =	sadd.s32 s1, s0  }
0x33: {  	s19 =	sadd.s32 s1, s4;
	s4 =	simm.s32 $0x800;
	p1 =	sne.s32 s21, $0x1  }
0x34: {  	s25 =	sadd.s32 $0xFFFFFFFF, s21;
	s21 =	simm.s32 $0x6;
	[dreg:$0xc] =	wrdreg s0  }
0x35: {  	s6 =	sadd.s32 s7, s6;
	s7 =	sadd.s32 s26, s9;
	[dreg:$0x11] =	wrdreg s19  }
0x36: {  	s19 =	simm.s32 $0x4800;
	s26 =	simm.s32 $0x300;
	s6 =	sshrl.u32 s6, $0x3  }
0x37: {  	[dreg:$0x16] =	wrdreg s26;
	s26 =	simm.s32 $0x600;
	s0 =	sadd.s32 s1, s6  }
0x38: {  	s6 =	sshrl.u32 s7, $0x3;
	s7 =	sshrl.u32 s13, $0x1;
	s13 =	simm.s32 $0x10800  }
0x39: {  	[dreg:$0xd] =	wrdreg s0;
	s9 =	sadd.s32 s1, s6;
	s0 =	smul.u32 $0x6800, s11  }
0x3a: {  	s6 =	sand.u32 $0xFC00, s12;
	s7 =	sand.u32 $0xFC00, s7;
	s11 =	simm.s32 $0x8  }
0x3b: {  	s12 =	simm.s32 $0x9;
	s0 =	sadd.s32 s6, s0;
	s6 =	smul.u32 $0x6800, s15  }
.Ltmp0:
0x3c: {  	[dreg:$0xe] =	wrdreg s9;
	s0 =	sshrl.u32 s0, $0x3;
	(pc) =	sbr.rel @!p1 .LBB2_1-.Ltmp0, $4  }
0x3d: {  	s9 =	simm.s32 $0xA;
	s6 =	sadd.s32 s7, s6;
	s0 =	sadd.s32 s1, s0  }
0x3e: {  	s15 =	simm.s32 $0xB;
	s6 =	sshrl.u32 s6, $0x3;
	[dreg:$0xf] =	wrdreg s0  }
0x3f: {  	s7 =	simm.s32 $0x400;
	s0 =	rddreg [dreg:$0x4];
	s17 =	sadd.s32 s1, s6  }
0x40: {  	s6 =	simm.s32 $0x1;
	[dreg:$0x10] =	wrdreg s17;
	s17 =	simm.s32 $0x8800  }
0x41: {  	[tilespmem:s3], [sflag:$0xD] =	stream.linear.gather [hbm4b:s0+s3], $0x680, $0x38;
	[tilespmem:$0x18800] =	vst v63  }
0x42: {  	_ =	swait.ge [sflag:s31], $0x680  }
0x43: {  	[sflag:s31] =	ssyncset.done $0x0  }
0x44: {  	[sflag:s31] =	ssyncadd.s32 $0xFFFFF980  }
0x45: {  	[tilespmem:s4], [sflag:$0x1] =	stream.indirect.gather [hbm4b:s2+s18], $0x80, s3, s18, $0xb8;
	[tilespmem:$0x18800] =	vst v63  }
0x46: {  	_ = 	snop  }
0x47: {  	[tilespmem:s19], [sflag:$0x2] =	stream.indirect.gather [hbm4b:s2+s18], $0x80, s18, s18, $0xb8;
	[tilespmem:$0x18800] =	vst v63  }
0x48: {  	s0 =	rddreg [dreg:$0x12]  }
0x49: {  	[tilespmem:s17], [sflag:$0x3] =	stream.indirect.gather [hbm4b:s2+s18], $0x80, s0, s18, $0xb8;
	[tilespmem:$0x18800] =	vst v63  }
0x4a: {  	s1 =	rddreg [dreg:$0x13]  }
0x4b: {  	[tilespmem:s16], [sflag:$0x4] =	stream.indirect.gather [hbm4b:s2+s18], $0x80, s1, s18, $0xb8;
	[tilespmem:$0x18800] =	vst v63  }
0x4c: {  	s0 =	rddreg [dreg:$0x14]  }
0x4d: {  	[tilespmem:s13], [sflag:$0x5] =	stream.indirect.gather [hbm4b:s2+s18], $0x80, s0, s18, $0xb8;
	[tilespmem:$0x18800] =	vst v63  }
0x4e: {  	_ =	swait.ge [sflag:s6], $0x4000  }
0x4f: {  	[sflag:s6] =	ssyncset.done $0x0  }
0x50: {  	s0 =	rddreg [dreg:$0x15];
	[sflag:s6] =	ssyncadd.s32 $0xFFFFC000  }
0x51: {  	[tilespmem:s10], [sflag:$0x6] =	stream.indirect.gather [hbm4b:s2+s18], $0x80, s0, s18, $0xb8;
	[tilespmem:$0x18800] =	vst v63  }
0x52: {  	s1 =	rddreg [dreg:$0x5]  }
0x53: {  	[hbm4b:s1+s7] =	stream.strided.scatter [tilespmem:s4], [sflag:$0x7], $0x4000, s8, s7, $0x38;
	[tilespmem:$0x18800] =	vst v63  }
0x54: {  	_ =	swait.ge [sflag:s24], $0x4000  }
0x55: {  	[sflag:s24] =	ssyncset.done $0x0  }
0x56: {  	[sflag:s24] =	ssyncadd.s32 $0xFFFFC000  }
0x57: {  	_ =	swait.ge [sflag:s5], $0x4000  }
0x58: {  	[sflag:s5] =	ssyncset.done $0x0  }
0x59: {  	s0 =	rddreg [dreg:$0x16];
	[sflag:s5] =	ssyncadd.s32 $0xFFFFC000  }
0x5a: {  	[tilespmem:s4], [sflag:$0x1] =	stream.indirect.gather [hbm4b:s2+s18], $0x80, s0, s18, $0xb8;
	[tilespmem:$0x18800] =	vst v63  }
0x5b: {  	s1 =	rddreg [dreg:$0x6]  }
0x5c: {  	[hbm4b:s1+s7] =	stream.strided.scatter [tilespmem:s19], [sflag:$0x8], $0x4000, s8, s7, $0x38;
	[tilespmem:$0x18800] =	vst v63  }
0x5d: {  	_ =	swait.ge [sflag:s23], $0x4000  }
0x5e: {  	[sflag:s23] =	ssyncset.done $0x0  }
0x5f: {  	[sflag:s23] =	ssyncadd.s32 $0xFFFFC000  }
0x60: {  	_ =	swait.ge [sflag:s11], $0x4000  }
0x61: {  	[sflag:s11] =	ssyncset.done $0x0  }
0x62: {  	s1 =	simm.s32 $0x380;
	[sflag:s11] =	ssyncadd.s32 $0xFFFFC000  }
0x63: {  	[tilespmem:s19], [sflag:$0x2] =	stream.indirect.gather [hbm4b:s2+s18], $0x80, s1, s18, $0xb8;
	[tilespmem:$0x18800] =	vst v63  }
0x64: {  	s0 =	rddreg [dreg:$0x7]  }
0x65: {  	[hbm4b:s0+s7] =	stream.strided.scatter [tilespmem:s17], [sflag:$0x9], $0x4000, s8, s7, $0x38;
	[tilespmem:$0x18800] =	vst v63  }
0x66: {  	_ =	swait.ge [sflag:s22], $0x4000  }
0x67: {  	[sflag:s22] =	ssyncset.done $0x0  }
0x68: {  	[sflag:s22] =	ssyncadd.s32 $0xFFFFC000  }
0x69: {  	_ =	swait.ge [sflag:s12], $0x4000  }
0x6a: {  	[sflag:s12] =	ssyncset.done $0x0  }
0x6b: {  	[sflag:s12] =	ssyncadd.s32 $0xFFFFC000  }
0x6c: {  	[tilespmem:s17], [sflag:$0x3] =	stream.indirect.gather [hbm4b:s2+s18], $0x80, s7, s18, $0xb8;
	[tilespmem:$0x18800] =	vst v63  }
0x6d: {  	s1 =	rddreg [dreg:$0x8]  }
0x6e: {  	[hbm4b:s1+s7] =	stream.strided.scatter [tilespmem:s16], [sflag:$0xA], $0x4000, s8, s7, $0x38;
	[tilespmem:$0x18800] =	vst v63  }
0x6f: {  	_ =	swait.ge [sflag:s20], $0x4000  }
0x70: {  	[sflag:s20] =	ssyncset.done $0x0  }
0x71: {  	[sflag:s20] =	ssyncadd.s32 $0xFFFFC000  }
0x72: {  	_ =	swait.ge [sflag:s9], $0x4000  }
0x73: {  	[sflag:s9] =	ssyncset.done $0x0  }
0x74: {  	[sflag:s9] =	ssyncadd.s32 $0xFFFFC000  }
0x75: {  	[tilespmem:s16], [sflag:$0x4] =	stream.indirect.gather [hbm4b:s2+s18], $0x80, s30, s18, $0xb8;
	[tilespmem:$0x18800] =	vst v63  }
0x76: {  	s1 =	rddreg [dreg:$0x9]  }
0x77: {  	[hbm4b:s1+s7] =	stream.strided.scatter [tilespmem:s13], [sflag:$0xB], $0x4000, s8, s7, $0x38;
	[tilespmem:$0x18800] =	vst v63  }
0x78: {  	_ =	swait.ge [sflag:s21], $0x4000  }
0x79: {  	[sflag:s21] =	ssyncset.done $0x0  }
0x7a: {  	[sflag:s21] =	ssyncadd.s32 $0xFFFFC000  }
0x7b: {  	_ =	swait.ge [sflag:s15], $0x4000  }
0x7c: {  	[sflag:s15] =	ssyncset.done $0x0  }
0x7d: {  	[sflag:s15] =	ssyncadd.s32 $0xFFFFC000  }
0x7e: {  	[tilespmem:s13], [sflag:$0x5] =	stream.indirect.gather [hbm4b:s2+s18], $0x80, s29, s18, $0xb8;
	[tilespmem:$0x18800] =	vst v63  }
0x7f: {  	s1 =	rddreg [dreg:$0xa]  }
0x80: {  	[hbm4b:s1+s7] =	stream.strided.scatter [tilespmem:s10], [sflag:$0xC], $0x4000, s8, s7, $0x38;
	[tilespmem:$0x18800] =	vst v63  }
0x81: {  	_ =	swait.ge [sflag:s6], $0x4000  }
0x82: {  	[sflag:s6] =	ssyncset.done $0x0  }
0x83: {  	[sflag:s6] =	ssyncadd.s32 $0xFFFFC000  }
0x84: {  	_ =	swait.ge [sflag:s14], $0x4000  }
0x85: {  	[sflag:s14] =	ssyncset.done $0x0  }
0x86: {  	[sflag:s14] =	ssyncadd.s32 $0xFFFFC000  }
0x87: {  	[tilespmem:s10], [sflag:$0x6] =	stream.indirect.gather [hbm4b:s2+s18], $0x80, s28, s18, $0xb8;
	[tilespmem:$0x18800] =	vst v63  }
0x88: {  	s1 =	rddreg [dreg:$0xb]  }
0x89: {  	[hbm4b:s1+s7] =	stream.strided.scatter [tilespmem:s4], [sflag:$0x7], $0x4000, s8, s7, $0x38;
	[tilespmem:$0x18800] =	vst v63  }
0x8a: {  	_ =	swait.ge [sflag:s24], $0x4000  }
0x8b: {  	[sflag:s24] =	ssyncset.done $0x0  }
0x8c: {  	[sflag:s24] =	ssyncadd.s32 $0xFFFFC000  }
0x8d: {  	_ =	swait.ge [sflag:s5], $0x4000  }
0x8e: {  	[sflag:s5] =	ssyncset.done $0x0  }
0x8f: {  	[sflag:s5] =	ssyncadd.s32 $0xFFFFC000  }
0x90: {  	[tilespmem:s4], [sflag:$0x1] =	stream.indirect.gather [hbm4b:s2+s18], $0x80, s26, s18, $0xb8;
	[tilespmem:$0x18800] =	vst v63  }
0x91: {  	s1 =	rddreg [dreg:$0xc]  }
0x92: {  	[hbm4b:s1+s7] =	stream.strided.scatter [tilespmem:s19], [sflag:$0x8], $0x4000, s8, s7, $0x38;
	[tilespmem:$0x18800] =	vst v63  }
0x93: {  	_ =	swait.ge [sflag:s23], $0x4000  }
0x94: {  	[sflag:s23] =	ssyncset.done $0x0  }
0x95: {  	s1 =	rddreg [dreg:$0xd];
	[sflag:s23] =	ssyncadd.s32 $0xFFFFC000  }
0x96: {  	[hbm4b:s1+s7] =	stream.strided.scatter [tilespmem:s17], [sflag:$0x9], $0x4000, s8, s7, $0x38;
	[tilespmem:$0x18800] =	vst v63  }
0x97: {  	_ =	swait.ge [sflag:s22], $0x4000  }
0x98: {  	[sflag:s22] =	ssyncset.done $0x0  }
0x99: {  	s1 =	rddreg [dreg:$0xe];
	[sflag:s22] =	ssyncadd.s32 $0xFFFFC000  }
0x9a: {  	[hbm4b:s1+s7] =	stream.strided.scatter [tilespmem:s16], [sflag:$0xA], $0x4000, s8, s7, $0x38;
	[tilespmem:$0x18800] =	vst v63  }
0x9b: {  	_ =	swait.ge [sflag:s20], $0x4000  }
0x9c: {  	[sflag:s20] =	ssyncset.done $0x0  }
0x9d: {  	s1 =	rddreg [dreg:$0xf];
	[sflag:s20] =	ssyncadd.s32 $0xFFFFC000  }
0x9e: {  	[hbm4b:s1+s7] =	stream.strided.scatter [tilespmem:s13], [sflag:$0xB], $0x4000, s8, s7, $0x38;
	[tilespmem:$0x18800] =	vst v63  }
0x9f: {  	_ =	swait.ge [sflag:s21], $0x4000  }
0xa0: {  	[sflag:s21] =	ssyncset.done $0x0  }
0xa1: {  	s1 =	rddreg [dreg:$0x10];
	[sflag:s21] =	ssyncadd.s32 $0xFFFFC000  }
0xa2: {  	[hbm4b:s1+s7] =	stream.strided.scatter [tilespmem:s10], [sflag:$0xC], $0x4000, s8, s7, $0x38;
	[tilespmem:$0x18800] =	vst v63  }
0xa3: {  	_ =	swait.ge [sflag:s6], $0x4000  }
0xa4: {  	[sflag:s6] =	ssyncset.done $0x0  }
0xa5: {  	s1 =	rddreg [dreg:$0x11];
	[sflag:s6] =	ssyncadd.s32 $0xFFFFC000  }
0xa6: {  	[hbm4b:s1+s7] =	stream.strided.scatter [tilespmem:s4], [sflag:$0x7], $0x4000, s8, s7, $0x38;
	[tilespmem:$0x18800] =	vst v63  }
0xa7: {  	_ =	swait.ge [sflag:s11], $0x4000  }
0xa8: {  	[sflag:s11] =	ssyncset.done $0x0  }
0xa9: {  	[sflag:s11] =	ssyncadd.s32 $0xFFFFC000  }
0xaa: {  	_ =	swait.ge [sflag:s12], $0x4000  }
0xab: {  	[sflag:s12] =	ssyncset.done $0x0  }
0xac: {  	[sflag:s12] =	ssyncadd.s32 $0xFFFFC000  }
0xad: {  	_ =	swait.ge [sflag:s9], $0x4000  }
0xae: {  	[sflag:s9] =	ssyncset.done $0x0  }
0xaf: {  	[sflag:s9] =	ssyncadd.s32 $0xFFFFC000  }
0xb0: {  	_ =	swait.ge [sflag:s15], $0x4000  }
0xb1: {  	[sflag:s15] =	ssyncset.done $0x0  }
0xb2: {  	p1 =	sne.s32 s25, $0x1;
	[sflag:s15] =	ssyncadd.s32 $0xFFFFC000  }
.Ltmp1:
0xb3: {  	_ =	swait.ge [sflag:s14], $0x4000;
	(pc) =	sbr.rel @!p1 .LBB2_3-.Ltmp1, $4  }
0xb4: {  	[sflag:s14] =	ssyncset.done $0x0  }
0xb5: {  	[sflag:s14] =	ssyncadd.s32 $0xFFFFC000  }
0xb6: {  	p0 =	por $0x1, $0x1;
	_ =	swait.ge [sflag:s5], $0x4000  }
0xb7: {  	s1 =	sadd.s32 $0xFFFFFFFF, s25;
	s0 =	rddreg [dreg:$0x4];
	[sflag:s5] =	ssyncset.done $0x0  }
.LBB2_4:
0xb8: {  	[sflag:s5] =	ssyncadd.s32 $0xFFFFC000  }
0xb9: {  	[tilespmem:s3], [sflag:$0xD] =	stream.linear.gather [hbm4b:s0+s3], $0x680, $0x38;
	[tilespmem:$0x18800] =	vst v63  }
0xba: {  	_ =	swait.ge [sflag:s31], $0x680  }
0xbb: {  	[sflag:s31] =	ssyncset.done $0x0  }
0xbc: {  	[sflag:s31] =	ssyncadd.s32 $0xFFFFF980  }
0xbd: {  	[tilespmem:s4], [sflag:$0x1] =	stream.indirect.gather [hbm4b:s2+s18], $0x80, s3, s18, $0xb8;
	[tilespmem:$0x18800] =	vst v63  }
0xbe: {  	_ = 	snop  }
0xbf: {  	[tilespmem:s19], [sflag:$0x2] =	stream.indirect.gather [hbm4b:s2+s18], $0x80, s18, s18, $0xb8;
	[tilespmem:$0x18800] =	vst v63  }
0xc0: {  	s0 =	rddreg [dreg:$0x12]  }
0xc1: {  	[tilespmem:s17], [sflag:$0x3] =	stream.indirect.gather [hbm4b:s2+s18], $0x80, s0, s18, $0xb8;
	[tilespmem:$0x18800] =	vst v63  }
0xc2: {  	s25 =	rddreg [dreg:$0x13]  }
0xc3: {  	[tilespmem:s16], [sflag:$0x4] =	stream.indirect.gather [hbm4b:s2+s18], $0x80, s25, s18, $0xb8;
	[tilespmem:$0x18800] =	vst v63  }
0xc4: {  	s0 =	rddreg [dreg:$0x14]  }
0xc5: {  	[tilespmem:s13], [sflag:$0x5] =	stream.indirect.gather [hbm4b:s2+s18], $0x80, s0, s18, $0xb8;
	[tilespmem:$0x18800] =	vst v63  }
0xc6: {  	_ =	swait.ge [sflag:s6], $0x4000  }
0xc7: {  	[sflag:s6] =	ssyncset.done $0x0  }
0xc8: {  	s0 =	rddreg [dreg:$0x15];
	[sflag:s6] =	ssyncadd.s32 $0xFFFFC000  }
0xc9: {  	[tilespmem:s10], [sflag:$0x6] =	stream.indirect.gather [hbm4b:s2+s18], $0x80, s0, s18, $0xb8;
	[tilespmem:$0x18800] =	vst v63  }
0xca: {  	s25 =	rddreg [dreg:$0x5]  }
0xcb: {  	[hbm4b:s25+s7] =	stream.strided.scatter [tilespmem:s4], [sflag:$0x7], $0x4000, s8, s7, $0x38;
	[tilespmem:$0x18800] =	vst v63  }
0xcc: {  	_ =	swait.ge [sflag:s24], $0x4000  }
0xcd: {  	[sflag:s24] =	ssyncset.done $0x0  }
0xce: {  	[sflag:s24] =	ssyncadd.s32 $0xFFFFC000  }
0xcf: {  	_ =	swait.ge [sflag:s5], $0x4000  }
0xd0: {  	[sflag:s5] =	ssyncset.done $0x0  }
0xd1: {  	s0 =	rddreg [dreg:$0x16];
	[sflag:s5] =	ssyncadd.s32 $0xFFFFC000  }
0xd2: {  	[tilespmem:s4], [sflag:$0x1] =	stream.indirect.gather [hbm4b:s2+s18], $0x80, s0, s18, $0xb8;
	[tilespmem:$0x18800] =	vst v63  }
0xd3: {  	s25 =	rddreg [dreg:$0x6]  }
0xd4: {  	[hbm4b:s25+s7] =	stream.strided.scatter [tilespmem:s19], [sflag:$0x8], $0x4000, s8, s7, $0x38;
	[tilespmem:$0x18800] =	vst v63  }
0xd5: {  	_ =	swait.ge [sflag:s23], $0x4000  }
0xd6: {  	[sflag:s23] =	ssyncset.done $0x0  }
0xd7: {  	[sflag:s23] =	ssyncadd.s32 $0xFFFFC000  }
0xd8: {  	_ =	swait.ge [sflag:s11], $0x4000  }
0xd9: {  	[sflag:s11] =	ssyncset.done $0x0  }
0xda: {  	s25 =	simm.s32 $0x380;
	[sflag:s11] =	ssyncadd.s32 $0xFFFFC000  }
0xdb: {  	[tilespmem:s19], [sflag:$0x2] =	stream.indirect.gather [hbm4b:s2+s18], $0x80, s25, s18, $0xb8;
	[tilespmem:$0x18800] =	vst v63  }
0xdc: {  	s0 =	rddreg [dreg:$0x7]  }
0xdd: {  	[hbm4b:s0+s7] =	stream.strided.scatter [tilespmem:s17], [sflag:$0x9], $0x4000, s8, s7, $0x38;
	[tilespmem:$0x18800] =	vst v63  }
0xde: {  	_ =	swait.ge [sflag:s22], $0x4000  }
0xdf: {  	[sflag:s22] =	ssyncset.done $0x0  }
0xe0: {  	[sflag:s22] =	ssyncadd.s32 $0xFFFFC000  }
0xe1: {  	_ =	swait.ge [sflag:s12], $0x4000  }
0xe2: {  	[sflag:s12] =	ssyncset.done $0x0  }
0xe3: {  	[sflag:s12] =	ssyncadd.s32 $0xFFFFC000  }
0xe4: {  	[tilespmem:s17], [sflag:$0x3] =	stream.indirect.gather [hbm4b:s2+s18], $0x80, s7, s18, $0xb8;
	[tilespmem:$0x18800] =	vst v63  }
0xe5: {  	s25 =	rddreg [dreg:$0x8]  }
0xe6: {  	[hbm4b:s25+s7] =	stream.strided.scatter [tilespmem:s16], [sflag:$0xA], $0x4000, s8, s7, $0x38;
	[tilespmem:$0x18800] =	vst v63  }
0xe7: {  	_ =	swait.ge [sflag:s20], $0x4000  }
0xe8: {  	[sflag:s20] =	ssyncset.done $0x0  }
0xe9: {  	[sflag:s20] =	ssyncadd.s32 $0xFFFFC000  }
0xea: {  	_ =	swait.ge [sflag:s9], $0x4000  }
0xeb: {  	[sflag:s9] =	ssyncset.done $0x0  }
0xec: {  	[sflag:s9] =	ssyncadd.s32 $0xFFFFC000  }
0xed: {  	[tilespmem:s16], [sflag:$0x4] =	stream.indirect.gather [hbm4b:s2+s18], $0x80, s30, s18, $0xb8;
	[tilespmem:$0x18800] =	vst v63  }
0xee: {  	s25 =	rddreg [dreg:$0x9]  }
0xef: {  	[hbm4b:s25+s7] =	stream.strided.scatter [tilespmem:s13], [sflag:$0xB], $0x4000, s8, s7, $0x38;
	[tilespmem:$0x18800] =	vst v63  }
0xf0: {  	_ =	swait.ge [sflag:s21], $0x4000  }
0xf1: {  	[sflag:s21] =	ssyncset.done $0x0  }
0xf2: {  	[sflag:s21] =	ssyncadd.s32 $0xFFFFC000  }
0xf3: {  	_ =	swait.ge [sflag:s15], $0x4000  }
0xf4: {  	[sflag:s15] =	ssyncset.done $0x0  }
0xf5: {  	[sflag:s15] =	ssyncadd.s32 $0xFFFFC000  }
0xf6: {  	[tilespmem:s13], [sflag:$0x5] =	stream.indirect.gather [hbm4b:s2+s18], $0x80, s29, s18, $0xb8;
	[tilespmem:$0x18800] =	vst v63  }
0xf7: {  	s25 =	rddreg [dreg:$0xa]  }
0xf8: {  	[hbm4b:s25+s7] =	stream.strided.scatter [tilespmem:s10], [sflag:$0xC], $0x4000, s8, s7, $0x38;
	[tilespmem:$0x18800] =	vst v63  }
0xf9: {  	_ =	swait.ge [sflag:s6], $0x4000  }
0xfa: {  	[sflag:s6] =	ssyncset.done $0x0  }
0xfb: {  	[sflag:s6] =	ssyncadd.s32 $0xFFFFC000  }
0xfc: {  	_ =	swait.ge [sflag:s14], $0x4000  }
0xfd: {  	[sflag:s14] =	ssyncset.done $0x0  }
0xfe: {  	[sflag:s14] =	ssyncadd.s32 $0xFFFFC000  }
0xff: {  	[tilespmem:s10], [sflag:$0x6] =	stream.indirect.gather [hbm4b:s2+s18], $0x80, s28, s18, $0xb8;
	[tilespmem:$0x18800] =	vst v63  }
0x100: {  	s25 =	rddreg [dreg:$0xb]  }
0x101: {  	[hbm4b:s25+s7] =	stream.strided.scatter [tilespmem:s4], [sflag:$0x7], $0x4000, s8, s7, $0x38;
	[tilespmem:$0x18800] =	vst v63  }
0x102: {  	_ =	swait.ge [sflag:s24], $0x4000  }
0x103: {  	[sflag:s24] =	ssyncset.done $0x0  }
0x104: {  	[sflag:s24] =	ssyncadd.s32 $0xFFFFC000  }
0x105: {  	_ =	swait.ge [sflag:s5], $0x4000  }
0x106: {  	[sflag:s5] =	ssyncset.done $0x0  }
0x107: {  	[sflag:s5] =	ssyncadd.s32 $0xFFFFC000  }
0x108: {  	[tilespmem:s4], [sflag:$0x1] =	stream.indirect.gather [hbm4b:s2+s18], $0x80, s26, s18, $0xb8;
	[tilespmem:$0x18800] =	vst v63  }
0x109: {  	s25 =	rddreg [dreg:$0xc]  }
0x10a: {  	[hbm4b:s25+s7] =	stream.strided.scatter [tilespmem:s19], [sflag:$0x8], $0x4000, s8, s7, $0x38;
	[tilespmem:$0x18800] =	vst v63  }
0x10b: {  	_ =	swait.ge [sflag:s23], $0x4000  }
0x10c: {  	[sflag:s23] =	ssyncset.done $0x0  }
0x10d: {  	s25 =	rddreg [dreg:$0xd];
	[sflag:s23] =	ssyncadd.s32 $0xFFFFC000  }
0x10e: {  	[hbm4b:s25+s7] =	stream.strided.scatter [tilespmem:s17], [sflag:$0x9], $0x4000, s8, s7, $0x38;
	[tilespmem:$0x18800] =	vst v63  }
0x10f: {  	_ =	swait.ge [sflag:s22], $0x4000  }
0x110: {  	[sflag:s22] =	ssyncset.done $0x0  }
0x111: {  	s25 =	rddreg [dreg:$0xe];
	[sflag:s22] =	ssyncadd.s32 $0xFFFFC000  }
0x112: {  	[hbm4b:s25+s7] =	stream.strided.scatter [tilespmem:s16], [sflag:$0xA], $0x4000, s8, s7, $0x38;
	[tilespmem:$0x18800] =	vst v63  }
0x113: {  	_ =	swait.ge [sflag:s20], $0x4000  }
0x114: {  	[sflag:s20] =	ssyncset.done $0x0  }
0x115: {  	s25 =	rddreg [dreg:$0xf];
	[sflag:s20] =	ssyncadd.s32 $0xFFFFC000  }
0x116: {  	[hbm4b:s25+s7] =	stream.strided.scatter [tilespmem:s13], [sflag:$0xB], $0x4000, s8, s7, $0x38;
	[tilespmem:$0x18800] =	vst v63  }
0x117: {  	_ =	swait.ge [sflag:s21], $0x4000  }
0x118: {  	[sflag:s21] =	ssyncset.done $0x0  }
0x119: {  	s25 =	rddreg [dreg:$0x10];
	[sflag:s21] =	ssyncadd.s32 $0xFFFFC000  }
0x11a: {  	[hbm4b:s25+s7] =	stream.strided.scatter [tilespmem:s10], [sflag:$0xC], $0x4000, s8, s7, $0x38;
	[tilespmem:$0x18800] =	vst v63  }
0x11b: {  	_ =	swait.ge [sflag:s6], $0x4000  }
0x11c: {  	[sflag:s6] =	ssyncset.done $0x0  }
0x11d: {  	s25 =	rddreg [dreg:$0x11];
	[sflag:s6] =	ssyncadd.s32 $0xFFFFC000  }
0x11e: {  	[hbm4b:s25+s7] =	stream.strided.scatter [tilespmem:s4], [sflag:$0x7], $0x4000, s8, s7, $0x38;
	[tilespmem:$0x18800] =	vst v63  }
0x11f: {  	_ =	swait.ge [sflag:s11], $0x4000  }
0x120: {  	[sflag:s11] =	ssyncset.done $0x0  }
0x121: {  	[sflag:s11] =	ssyncadd.s32 $0xFFFFC000  }
0x122: {  	_ =	swait.ge [sflag:s12], $0x4000  }
0x123: {  	[sflag:s12] =	ssyncset.done $0x0  }
0x124: {  	[sflag:s12] =	ssyncadd.s32 $0xFFFFC000  }
0x125: {  	_ =	swait.ge [sflag:s9], $0x4000  }
0x126: {  	[sflag:s9] =	ssyncset.done $0x0  }
0x127: {  	[sflag:s9] =	ssyncadd.s32 $0xFFFFC000  }
0x128: {  	_ =	swait.ge [sflag:s15], $0x4000  }
0x129: {  	[sflag:s15] =	ssyncset.done $0x0  }
0x12a: {  	p1 =	sne.s32 s1, $0x1;
	[sflag:s15] =	ssyncadd.s32 $0xFFFFC000  }
.Ltmp2:
0x12b: {  	_ =	swait.ge [sflag:s14], $0x4000;
	(pc) =	sbr.rel @p1 .LBB2_4-.Ltmp2, $4  }
0x12c: {  	[sflag:s14] =	ssyncset.done $0x0  }
0x12d: {  	[sflag:s14] =	ssyncadd.s32 $0xFFFFC000  }
0x12e: {  	_ =	swait.ge [sflag:s5], $0x4000  }
0x12f: {  	s1 =	sadd.s32 $0xFFFFFFFF, s1;
	s0 =	rddreg [dreg:$0x4];
	[sflag:s5] =	ssyncset.done $0x0  }
0x130: {  	s25 =	simm.s32 $0x380;
	s30 =	simm.s32 $0x480  }
0x131: {  	s29 =	simm.s32 $0x500;
	s28 =	simm.s32 $0x580;
	s26 =	simm.s32 $0x600  }
.LBB2_6:
0x132: {  	[sflag:s5] =	ssyncadd.s32 @p0 $0xFFFFC000  }
0x133: {  	[tilespmem:s3], [sflag:$0xD] =	stream.linear.gather [hbm4b:s0+s3], $0x680, $0x38;
	[tilespmem:$0x18800] =	vst v63  }
0x134: {  	_ =	swait.ge [sflag:s31], $0x680  }
0x135: {  	[sflag:s31] =	ssyncset.done $0x0  }
0x136: {  	[sflag:s31] =	ssyncadd.s32 $0xFFFFF980  }
0x137: {  	[tilespmem:s4], [sflag:$0x1] =	stream.indirect.gather [hbm4b:s2+s18], $0x80, s3, s18, $0xb8;
	[tilespmem:$0x18800] =	vst v63  }
0x138: {  	_ = 	snop  }
0x139: {  	[tilespmem:s19], [sflag:$0x2] =	stream.indirect.gather [hbm4b:s2+s18], $0x80, s18, s18, $0xb8;
	[tilespmem:$0x18800] =	vst v63  }
0x13a: {  	s3 =	rddreg [dreg:$0x12]  }
0x13b: {  	[tilespmem:s17], [sflag:$0x3] =	stream.indirect.gather [hbm4b:s2+s18], $0x80, s3, s18, $0xb8;
	[tilespmem:$0x18800] =	vst v63  }
0x13c: {  	s1 =	rddreg [dreg:$0x13]  }
0x13d: {  	[tilespmem:s16], [sflag:$0x4] =	stream.indirect.gather [hbm4b:s2+s18], $0x80, s1, s18, $0xb8;
	[tilespmem:$0x18800] =	vst v63  }
0x13e: {  	s31 =	rddreg [dreg:$0x14]  }
0x13f: {  	[tilespmem:s13], [sflag:$0x5] =	stream.indirect.gather [hbm4b:s2+s18], $0x80, s31, s18, $0xb8;
	[tilespmem:$0x18800] =	vst v63  }
0x140: {  	_ =	swait.ge [sflag:s6], $0x4000  }
0x141: {  	[sflag:s6] =	ssyncset.done $0x0  }
0x142: {  	s3 =	rddreg [dreg:$0x15];
	[sflag:s6] =	ssyncadd.s32 $0xFFFFC000  }
0x143: {  	[tilespmem:s10], [sflag:$0x6] =	stream.indirect.gather [hbm4b:s2+s18], $0x80, s3, s18, $0xb8;
	[tilespmem:$0x18800] =	vst v63  }
0x144: {  	s31 =	rddreg [dreg:$0x5]  }
0x145: {  	[hbm4b:s31+s7] =	stream.strided.scatter [tilespmem:s4], [sflag:$0x7], $0x4000, s8, s7, $0x38;
	[tilespmem:$0x18800] =	vst v63  }
0x146: {  	_ =	swait.ge [sflag:s24], $0x4000  }
0x147: {  	[sflag:s24] =	ssyncset.done $0x0  }
0x148: {  	[sflag:s24] =	ssyncadd.s32 $0xFFFFC000  }
0x149: {  	_ =	swait.ge [sflag:s5], $0x4000  }
0x14a: {  	[sflag:s5] =	ssyncset.done $0x0  }
0x14b: {  	s3 =	rddreg [dreg:$0x16];
	[sflag:s5] =	ssyncadd.s32 $0xFFFFC000  }
0x14c: {  	[tilespmem:s4], [sflag:$0x1] =	stream.indirect.gather [hbm4b:s2+s18], $0x80, s3, s18, $0xb8;
	[tilespmem:$0x18800] =	vst v63  }
0x14d: {  	s31 =	rddreg [dreg:$0x6]  }
0x14e: {  	[hbm4b:s31+s7] =	stream.strided.scatter [tilespmem:s19], [sflag:$0x8], $0x4000, s8, s7, $0x38;
	[tilespmem:$0x18800] =	vst v63  }
0x14f: {  	_ =	swait.ge [sflag:s23], $0x4000  }
0x150: {  	[sflag:s23] =	ssyncset.done $0x0  }
0x151: {  	[sflag:s23] =	ssyncadd.s32 $0xFFFFC000  }
0x152: {  	_ =	swait.ge [sflag:s11], $0x4000  }
0x153: {  	[sflag:s11] =	ssyncset.done $0x0  }
0x154: {  	[sflag:s11] =	ssyncadd.s32 $0xFFFFC000  }
0x155: {  	[tilespmem:s19], [sflag:$0x2] =	stream.indirect.gather [hbm4b:s2+s18], $0x80, s25, s18, $0xb8;
	[tilespmem:$0x18800] =	vst v63  }
0x156: {  	s3 =	rddreg [dreg:$0x7]  }
0x157: {  	[hbm4b:s3+s7] =	stream.strided.scatter [tilespmem:s17], [sflag:$0x9], $0x4000, s8, s7, $0x38;
	[tilespmem:$0x18800] =	vst v63  }
0x158: {  	_ =	swait.ge [sflag:s22], $0x4000  }
0x159: {  	[sflag:s22] =	ssyncset.done $0x0  }
0x15a: {  	[sflag:s22] =	ssyncadd.s32 $0xFFFFC000  }
0x15b: {  	_ =	swait.ge [sflag:s12], $0x4000  }
0x15c: {  	[sflag:s12] =	ssyncset.done $0x0  }
0x15d: {  	[sflag:s12] =	ssyncadd.s32 $0xFFFFC000  }
0x15e: {  	[tilespmem:s17], [sflag:$0x3] =	stream.indirect.gather [hbm4b:s2+s18], $0x80, s7, s18, $0xb8;
	[tilespmem:$0x18800] =	vst v63  }
0x15f: {  	s25 =	rddreg [dreg:$0x8]  }
0x160: {  	[hbm4b:s25+s7] =	stream.strided.scatter [tilespmem:s16], [sflag:$0xA], $0x4000, s8, s7, $0x38;
	[tilespmem:$0x18800] =	vst v63  }
0x161: {  	_ =	swait.ge [sflag:s20], $0x4000  }
0x162: {  	[sflag:s20] =	ssyncset.done $0x0  }
0x163: {  	[sflag:s20] =	ssyncadd.s32 $0xFFFFC000  }
0x164: {  	_ =	swait.ge [sflag:s9], $0x4000  }
0x165: {  	[sflag:s9] =	ssyncset.done $0x0  }
0x166: {  	[sflag:s9] =	ssyncadd.s32 $0xFFFFC000  }
0x167: {  	[tilespmem:s16], [sflag:$0x4] =	stream.indirect.gather [hbm4b:s2+s18], $0x80, s30, s18, $0xb8;
	[tilespmem:$0x18800] =	vst v63  }
0x168: {  	s31 =	rddreg [dreg:$0x9]  }
0x169: {  	[hbm4b:s31+s7] =	stream.strided.scatter [tilespmem:s13], [sflag:$0xB], $0x4000, s8, s7, $0x38;
	[tilespmem:$0x18800] =	vst v63  }
0x16a: {  	_ =	swait.ge [sflag:s21], $0x4000  }
0x16b: {  	[sflag:s21] =	ssyncset.done $0x0  }
0x16c: {  	[sflag:s21] =	ssyncadd.s32 $0xFFFFC000  }
0x16d: {  	_ =	swait.ge [sflag:s15], $0x4000  }
0x16e: {  	[sflag:s15] =	ssyncset.done $0x0  }
0x16f: {  	[sflag:s15] =	ssyncadd.s32 $0xFFFFC000  }
0x170: {  	[tilespmem:s13], [sflag:$0x5] =	stream.indirect.gather [hbm4b:s2+s18], $0x80, s29, s18, $0xb8;
	[tilespmem:$0x18800] =	vst v63  }
0x171: {  	s1 =	rddreg [dreg:$0xa]  }
0x172: {  	[hbm4b:s1+s7] =	stream.strided.scatter [tilespmem:s10], [sflag:$0xC], $0x4000, s8, s7, $0x38;
	[tilespmem:$0x18800] =	vst v63  }
0x173: {  	_ =	swait.ge [sflag:s6], $0x4000  }
0x174: {  	[sflag:s6] =	ssyncset.done $0x0  }
0x175: {  	[sflag:s6] =	ssyncadd.s32 $0xFFFFC000  }
0x176: {  	_ =	swait.ge [sflag:s14], $0x4000  }
0x177: {  	[sflag:s14] =	ssyncset.done $0x0  }
0x178: {  	[sflag:s14] =	ssyncadd.s32 $0xFFFFC000  }
0x179: {  	[tilespmem:s10], [sflag:$0x6] =	stream.indirect.gather [hbm4b:s2+s18], $0x80, s28, s18, $0xb8;
	[tilespmem:$0x18800] =	vst v63  }
0x17a: {  	s3 =	rddreg [dreg:$0xb]  }
0x17b: {  	[hbm4b:s3+s7] =	stream.strided.scatter [tilespmem:s4], [sflag:$0x7], $0x4000, s8, s7, $0x38;
	[tilespmem:$0x18800] =	vst v63  }
0x17c: {  	_ =	swait.ge [sflag:s24], $0x4000  }
0x17d: {  	[sflag:s24] =	ssyncset.done $0x0  }
0x17e: {  	[sflag:s24] =	ssyncadd.s32 $0xFFFFC000  }
0x17f: {  	_ =	swait.ge [sflag:s5], $0x4000  }
0x180: {  	[sflag:s5] =	ssyncset.done $0x0  }
0x181: {  	[sflag:s5] =	ssyncadd.s32 $0xFFFFC000  }
0x182: {  	[tilespmem:s4], [sflag:$0x1] =	stream.indirect.gather [hbm4b:s2+s18], $0x80, s26, s18, $0xb8;
	[tilespmem:$0x18800] =	vst v63  }
0x183: {  	s24 =	rddreg [dreg:$0xc]  }
0x184: {  	[hbm4b:s24+s7] =	stream.strided.scatter [tilespmem:s19], [sflag:$0x8], $0x4000, s8, s7, $0x38;
	[tilespmem:$0x18800] =	vst v63  }
0x185: {  	_ =	swait.ge [sflag:s23], $0x4000  }
0x186: {  	[sflag:s23] =	ssyncset.done $0x0  }
0x187: {  	s25 =	rddreg [dreg:$0xd];
	[sflag:s23] =	ssyncadd.s32 $0xFFFFC000  }
0x188: {  	[hbm4b:s25+s7] =	stream.strided.scatter [tilespmem:s17], [sflag:$0x9], $0x4000, s8, s7, $0x38;
	[tilespmem:$0x18800] =	vst v63  }
0x189: {  	_ =	swait.ge [sflag:s22], $0x4000  }
0x18a: {  	[sflag:s22] =	ssyncset.done $0x0  }
0x18b: {  	s26 =	rddreg [dreg:$0xe];
	[sflag:s22] =	ssyncadd.s32 $0xFFFFC000  }
0x18c: {  	[hbm4b:s26+s7] =	stream.strided.scatter [tilespmem:s16], [sflag:$0xA], $0x4000, s8, s7, $0x38;
	[tilespmem:$0x18800] =	vst v63  }
0x18d: {  	_ =	swait.ge [sflag:s20], $0x4000  }
0x18e: {  	[sflag:s20] =	ssyncset.done $0x0  }
0x18f: {  	s28 =	rddreg [dreg:$0xf];
	[sflag:s20] =	ssyncadd.s32 $0xFFFFC000  }
0x190: {  	[hbm4b:s28+s7] =	stream.strided.scatter [tilespmem:s13], [sflag:$0xB], $0x4000, s8, s7, $0x38;
	[tilespmem:$0x18800] =	vst v63  }
0x191: {  	_ =	swait.ge [sflag:s21], $0x4000  }
0x192: {  	[sflag:s21] =	ssyncset.done $0x0  }
0x193: {  	s29 =	rddreg [dreg:$0x10];
	[sflag:s21] =	ssyncadd.s32 $0xFFFFC000  }
0x194: {  	[hbm4b:s29+s7] =	stream.strided.scatter [tilespmem:s10], [sflag:$0xC], $0x4000, s8, s7, $0x38;
	[tilespmem:$0x18800] =	vst v63  }
0x195: {  	_ =	swait.ge [sflag:s6], $0x4000  }
0x196: {  	[sflag:s6] =	ssyncset.done $0x0  }
0x197: {  	s30 =	rddreg [dreg:$0x11];
	[sflag:s6] =	ssyncadd.s32 $0xFFFFC000  }
0x198: {  	[hbm4b:s30+s7] =	stream.strided.scatter [tilespmem:s4], [sflag:$0x7], $0x4000, s8, s7, $0x38;
	[tilespmem:$0x18800] =	vst v63  }
0x199: {  	_ =	swait.ge [sflag:s11], $0x4000  }
0x19a: {  	[sflag:s11] =	ssyncset.done $0x0  }
0x19b: {  	[sflag:s11] =	ssyncadd.s32 $0xFFFFC000  }
0x19c: {  	_ =	swait.ge [sflag:s12], $0x4000  }
0x19d: {  	[sflag:s12] =	ssyncset.done $0x0  }
0x19e: {  	[sflag:s12] =	ssyncadd.s32 $0xFFFFC000  }
0x19f: {  	_ =	swait.ge [sflag:s9], $0x4000  }
0x1a0: {  	[sflag:s9] =	ssyncset.done $0x0  }
0x1a1: {  	[sflag:s9] =	ssyncadd.s32 $0xFFFFC000  }
0x1a2: {  	_ =	swait.ge [sflag:s15], $0x4000  }
0x1a3: {  	[sflag:s15] =	ssyncset.done $0x0  }
0x1a4: {  	[sflag:s15] =	ssyncadd.s32 $0xFFFFC000  }
0x1a5: {  	_ =	swait.ge [sflag:s14], $0x4000  }
0x1a6: {  	[sflag:s14] =	ssyncset.done $0x0  }
0x1a7: {  	[sflag:s14] =	ssyncadd.s32 $0xFFFFC000  }
0x1a8: {  	_ =	swait.ge [sflag:s5], $0x4000  }
0x1a9: {  	[sflag:s5] =	ssyncset.done $0x0  }
0x1aa: {  	[sflag:s5] =	ssyncadd.s32 $0xFFFFC000  }
0x1ab: {  	_ =	sfence.sel $0x180000  }
0x1ac: {  	[bflag:$0x0] =	sbarrier.arrive $0xFFFF  }
0x1ad: {  	_ =	strace $0x90000047  }
0x1ae: {  	s31 =	stileid.u32;
	[bflag:$0x2] =	sbarrier.arrive $0xFFFF  }
0x1af: {  	p0 =	sne.s32 s31, $0x0;
	s0 =	rddreg [dreg:$0x3]  }
0x1b0: {  	s0 =	sadd.s32 @!p0 $0x100000, s0  }
0x1b1: {  	[sflag:s0] =	ssyncadd.tile.s32 @!p0 $0x1;
	_ =	shalt  }
.LBB2_1:
.Ltmp3:
0x1b2: {  	(pc) =	sbr.rel .LBB2_6-.Ltmp3, $3  }
0x1b3: {  	_ =	sdelay $0x1  }
0x1b4: {  	s25 =	simm.s32 $0x380;
	s30 =	simm.s32 $0x480  }
0x1b5: {  	s29 =	simm.s32 $0x500;
	s28 =	simm.s32 $0x580;
	s26 =	simm.s32 $0x600  }
.LBB2_3:
.Ltmp4:
0x1b6: {  	(pc) =	sbr.rel .LBB2_6-.Ltmp4, $3  }
0x1b7: {  	_ =	sdelay $0x1  }
0x1b8: {  	s25 =	simm.s32 $0x380;
	s30 =	simm.s32 $0x480  }
0x1b9: {  	s29 =	simm.s32 $0x500;
	s28 =	simm.s32 $0x580;
	s26 =	simm.s32 $0x600  }
.Lfunc_end2:
_tile_overlayer_lowered:
.L_overlay_start_2:
0x1ba: {  	(tag) =	ssettag $0x2  }
0x1bb: {  	s0 =	rddreg [dreg:$0x0];
	s2 =	stileid.u32  }
0x1bc: {  	s1 =	rddreg [dreg:$0x1];
	p0 =	sne.s32 s2, $0x0  }
0x1bd: {  	s3 =	rddreg [dreg:$0x2];
	[bflag:$0x3] =	sbarrier.arrive $0xFFFF;
	s2 =	simm.s32 @!p0 $0x1C0D  }
0x1be: {  	[timem:s3], [sflag:s2] =	dma.local @!p0 [hbm:s0], s1  }
0x1bf: {  	s0 =	simm.s32 @!p0 $0xD  }
0x1c0: {  	_ =	swait.ge @!p0 [sflag:s0], s1  }
0x1c1: {  	s1 =	ssub.s32 @!p0 $0x0, s1;
	[sflag:s0] =	ssyncset.done @!p0 $0x0  }
0x1c2: {  	[sflag:s0] =	ssyncadd.s32 @!p0 s1  }
0x1c3: {  	[bflag:$0x3] =	sbarrier.arrive $0xFFFF  }
0x1c4: {  	_ =	shalt  }

// kernel: kernel.9.cloned.1.call-start
scs
__scs_entry_jumppad:
0x0: {  	(pc) =	sbr.rel $0x88, $3  }
0x1: {  	(tag) =	ssettag $0x0;
	lr =	simm.s32 $0x1  }
0x2: {  	[smem:$0x3F9D] =	sst lr;
	_ =	strace $0xD0000000  }
0x3: {  	_ = 	snop  }
0x4: {  	_ = 	snop  }
0x5: {  	_ = 	snop  }
0x6: {  	_ = 	snop  }
0x7: {  	_ = 	snop  }
__scs_overlays_trampoline_lowered:
0x8: {  	[smem:$0x3FAC] =	sst s0  }
0x9: {  	[smem:$0x3FAD] =	sst s1  }
0xa: {  	[smem:$0x3FAE] =	sst s2  }
0xb: {  	[smem:$0x3FAF] =	sst s3  }
0xc: {  	[smem:$0x3FB0] =	sst s4  }
0xd: {  	[smem:$0x3FB1] =	sst s5  }
0xe: {  	[smem:$0x3FB2] =	sst s6  }
0xf: {  	[smem:$0x3FB3] =	sst s7  }
0x10: {  	[smem:$0x3FB4] =	sst s8  }
0x11: {  	[smem:$0x3FB5] =	sst s9;
	s0 =	simm.s32 @!p0 $0x0  }
0x12: {  	s1 =	sld [smem:$0x3F9B];
	s0 =	simm.s32 @p0 $0x1  }
0x13: {  	[smem:$0x3FB6] =	sst s0;
	s0 =	simm.s32 @!p1 $0x0  }
0x14: {  	s2 =	sld [smem:$0x3F9A];
	s0 =	simm.s32 @p1 $0x1  }
0x15: {  	[smem:$0x3FB7] =	sst s0;
	s0 =	simm.s32 @!p2 $0x0  }
0x16: {  	s3 =	sld [smem:$0x3FDB];
	s0 =	simm.s32 @p2 $0x1  }
0x17: {  	s4 =	simm.s32 $0x1BF5;
	[smem:$0x3FB9] =	sst s0  }
0x18: {  	s0 =	sld [smem:$0x3F9C];
	_ =	swait.ge [sflag:s4], $0x0  }
0x19: {  	s7 =	sld [smem:$0x3F9D]  }
0x1a: {  	s8 =	sadd.s32 $0xFFFFE003, lr  }
0x1b: {  	s9 =	sadd.s32 $0xFFFFFEF7, lr;
	s5 =	simm.s32 $0xFFFFFFFF;
	p2 =	slt.u32 s8, $0xFFFFF086  }
0x1c: {  	p1 =	slt.u32 s9, $0xF7A;
	s5 =	simm.s32 @!p2 $0x0  }
0x1d: {  	s5 =	simm.s32 @p1 $0x1;
	p0 =	seq.s32 s7, s2  }
0x1e: {  	s7 =	smul.u32 @!p0 $0xF7A, s2;
	p2 =	seq.s32 @!p0 s5, $0x0  }
0x1f: {  	s9 =	smul.u32 $0xF7A, s1;
	s8 =	simm.s32 @!p0 $0x1BF5;
	p2 =	por !p2, p0  }
0x20: {  	[sflag:s8] =	ssyncset.s32 @!p0 $0xFFFFF086;
	s6 =	sadd.s32 @!p0 s3, s7;
	s7 =	simm.s32 @!p0 $0x108  }
0x21: {  	s3 =	sadd.s32 s3, s9;
	s6 =	sadd.s32 @!p0 $0x88, s6;
	s7 =	simm.s32 @p2 $0x1082  }
0x22: {  	[simem:s7], [sflag:s8] =	dma.local @!p0 [hbm:s6], $0xF7A  }
0x23: {  	s9 =	sor.u32 $0xD0000000, s2;
	s6 =	simm.s32 $0x108;
	_ =	swait.ge @!p0 [sflag:s8], $0x0  }
0x24: {  	s3 =	sadd.s32 $0x88, s3;
	s6 =	simm.s32 @!p1 $0x1082;
	[sflag:s4] =	ssyncset.s32 $0xFFFFF086  }
0x25: {  	[simem:s6], [sflag:s4] =	dma.local [hbm:s3], $0xF7A  }
0x26: {  	[smem:$0x3F9D] =	sst s1;
	(tag) =	ssettag s2;
	_ =	strace s9  }
0x27: {  	s1 =	sld [smem:$0x3FAD]  }
0x28: {  	s2 =	sld [smem:$0x3FAE]  }
0x29: {  	s4 =	sld [smem:$0x3FB0]  }
0x2a: {  	p0 =	seq.s32 s5, $0x0;
	s5 =	sld [smem:$0x3FB1]  }
0x2b: {  	s6 =	sld [smem:$0x3FB2]  }
0x2c: {  	s7 =	sld [smem:$0x3FB3]  }
0x2d: {  	s3 =	simm.s32 $0x108;
	s8 =	sld [smem:$0x3FB4]  }
0x2e: {  	s3 =	simm.s32 @!p0 $0x1082;
	s9 =	sld [smem:$0x3FB5]  }
0x2f: {  	lr =	sadd.s32 s0, s3;
	s0 =	sld [smem:$0x3FAC]  }
0x30: {  	s3 =	sld [smem:$0x3FAF]  }
0x31: {  	[smem:$0x3FB8] =	sst s10  }
0x32: {  	s10 =	sld [smem:$0x3FB6];
	_ =	sdelay $0x3  }
0x33: {  	p0 =	seq.s32 s10, $0x1;
	s10 =	sld [smem:$0x3FB8];
	_ =	sdelay $0x3  }
0x34: {  	[smem:$0x3FB8] =	sst s10  }
0x35: {  	s10 =	sld [smem:$0x3FB7];
	_ =	sdelay $0x3  }
0x36: {  	p1 =	seq.s32 s10, $0x1;
	s10 =	sld [smem:$0x3FB8];
	_ =	sdelay $0x3  }
0x37: {  	[smem:$0x3FB8] =	sst s10  }
0x38: {  	s10 =	sld [smem:$0x3FB9]  }
0x39: {  	_ = 	snop;
	(pc) =	sbr.ind lr, $3  }
0x3a: {  	_ = 	snop  }
0x3b: {  	_ = 	snop  }
0x3c: {  	p2 =	seq.s32 s10, $0x1;
	s10 =	sld [smem:$0x3FB8]  }
0x3d: {  	_ =	shalt  }
0x3e: {  	_ =	shalt  }
0x3f: {  	_ =	shalt  }
0x40: {  	_ =	shalt  }
0x41: {  	_ =	shalt  }
0x42: {  	_ =	shalt  }
0x43: {  	_ =	shalt  }
0x44: {  	_ =	shalt  }
0x45: {  	_ =	shalt  }
0x46: {  	_ =	shalt  }
0x47: {  	_ =	shalt  }
0x48: {  	_ =	shalt  }
0x49: {  	_ =	shalt  }
0x4a: {  	_ =	shalt  }
0x4b: {  	_ =	shalt  }
0x4c: {  	_ =	shalt  }
0x4d: {  	_ =	shalt  }
0x4e: {  	_ =	shalt  }
0x4f: {  	_ =	shalt  }
0x50: {  	_ =	shalt  }
0x51: {  	_ =	shalt  }
0x52: {  	_ =	shalt  }
0x53: {  	_ =	shalt  }
0x54: {  	_ =	shalt  }
0x55: {  	_ =	shalt  }
0x56: {  	_ =	shalt  }
0x57: {  	_ =	shalt  }
0x58: {  	_ =	shalt  }
0x59: {  	_ =	shalt  }
0x5a: {  	_ =	shalt  }
0x5b: {  	_ =	shalt  }
0x5c: {  	_ =	shalt  }
0x5d: {  	_ =	shalt  }
0x5e: {  	_ =	shalt  }
0x5f: {  	_ =	shalt  }
0x60: {  	_ =	shalt  }
0x61: {  	_ =	shalt  }
0x62: {  	_ =	shalt  }
0x63: {  	_ =	shalt  }
0x64: {  	_ =	shalt  }
0x65: {  	_ =	shalt  }
0x66: {  	_ =	shalt  }
0x67: {  	_ =	shalt  }
0x68: {  	_ =	shalt  }
0x69: {  	_ =	shalt  }
0x6a: {  	_ =	shalt  }
0x6b: {  	_ =	shalt  }
0x6c: {  	_ =	shalt  }
0x6d: {  	_ =	shalt  }
0x6e: {  	_ =	shalt  }
0x6f: {  	_ =	shalt  }
0x70: {  	_ =	shalt  }
0x71: {  	_ =	shalt  }
0x72: {  	_ =	shalt  }
0x73: {  	_ =	shalt  }
0x74: {  	_ =	shalt  }
0x75: {  	_ =	shalt  }
0x76: {  	_ =	shalt  }
0x77: {  	_ =	shalt  }
0x78: {  	_ =	shalt  }
0x79: {  	_ =	shalt  }
0x7a: {  	_ =	shalt  }
0x7b: {  	_ =	shalt  }
0x7c: {  	_ =	shalt  }
0x7d: {  	_ =	shalt  }
0x7e: {  	_ =	shalt  }
0x7f: {  	_ =	shalt  }
0x80: {  	_ =	shalt  }
0x81: {  	_ =	shalt  }
0x82: {  	_ =	shalt  }
0x83: {  	_ =	shalt  }
0x84: {  	_ =	shalt  }
0x85: {  	_ =	shalt  }
0x86: {  	_ =	shalt  }
0x87: {  	_ =	shalt  }
.Lfunc_end0:
.L_simem_size_0:
called_computation.1_lowered:
.L_overlay_start_0:
0x88: {  	s2 =	sld [smem:$0x3FD9]  }
0x89: {  	s3 =	sld [smem:$0x3FFE];
	_ =	sdelay $0x1  }
0x8a: {  	s1 =	srdreg.scid  }
0x8b: {  	s0 =	sand.u32 $0x1, s1  }
0x8c: {  	s17 =	sshll.u32 s0, $0xA;
	s2 =	sadd.s32 s3, s2  }
0x8d: {  	s2 =	sadd.s32 s2, s17  }
0x8e: {  	[smem:$0x3FC4] =	sst s2  }
0x8f: {  	_ = 	snop  }
0x90: {  	s18 =	sld [smem:$0x3FC8];
	(tm) =	ssettm $0x1  }
0x91: {  	s19 =	sld [smem:$0x3FFB];
	_ =	sdelay $0x3  }
0x92: {  	_ =	strace s19  }
0x93: {  	s2 =	sld [smem:$0x3FFC];
	_ =	sdelay $0x3  }
0x94: {  	_ =	strace s2  }
0x95: {  	s2 =	sld [smem:$0x3FFD];
	_ =	sdelay $0x3  }
0x96: {  	_ =	strace s2  }
0x97: {  	_ =	strace $0x8FFFFFFF  }
0x98: {  	s20 =	sld [smem:$0x3FDB];
	_ =	sdelay $0x1  }
0x99: {  	s4 =	simm.s32 $_scs_section_size  }
0x9a: {  	s5 =	simm.s32 $_size__tile_overlayer_lowered;
	s6 =	simm.s32 $_tile_overlayer_lowered  }
0x9b: {  	s7 =	simm.s32 $0x1BFF;
	s21 =	sshll.u32 s6, $0x1;
	s4 =	sadd.s32 s4, s20  }
0x9c: {  	s22 =	simm.s32 $0x0;
	s5 =	sshll.u32 s5, $0x1;
	s6 =	sadd.s32 s21, s4  }
0x9d: {  	[timem:s22], [sflag:s7] =	dma.local [hbm:s6], s5  }
0x9e: {  	_ =	swait.ge [sflag:s7], s5  }
0x9f: {  	s5 =	ssub.s32 $0x0, s5;
	[sflag:s7] =	ssyncset.done $0x0  }
0xa0: {  	[sflag:s7] =	ssyncadd.s32 s5;
	_ =	sdelay $0x1  }
0xa1: {  	s23 =	simm.s32 $0x1B8B  }
0xa2: {  	_ =	swait.ge [sflag:s23], $0x1  }
0xa3: {  	[sflag:s23] =	ssyncset.done $0x0  }
0xa4: {  	[sflag:s23] =	ssyncadd.s32 $0xFFFFFFFF  }
0xa5: {  	s5 =	sld [smem:$0x0]  }
0xa6: {  	s6 =	sand.u32 $0xFFFFFFFE, s1  }
0xa7: {  	p0 =	sne.s32 s1, s6  }
0xa8: {  	s6 =	sshll.u32 @p0 s6, $0xE  }
0xa9: {  	s6 =	sadd.s32 @p0 $0x11B8D, s6;
	s7 =	sshll.u32 @p0 s5, $0x11  }
0xaa: {  	s6 =	sor.u32 @p0 s7, s6  }
0xab: {  	[sflag:s6] =	ssyncadd.remote.s32 @p0 $0x1;
	_ =	sdelay $0x1  }
0xac: {  	s6 =	simm.s32 @p0 $0x1B8D  }
0xad: {  	_ =	swait.eq @p0 [sflag:s6], $0x1  }
0xae: {  	[sflag:s6] =	ssyncadd.s32 @p0 $0xFFFFFFFF  }
0xaf: {  	s7 =	sshll.u32 @!p0 s1, $0xE  }
0xb0: {  	s7 =	sor.u32 @!p0 $0x4000, s7;
	s6 =	simm.s32 @!p0 $0x1B8D  }
0xb1: {  	s5 =	sshll.u32 @!p0 s5, $0x11;
	s7 =	sadd.s32 @!p0 $0x11B8D, s7;
	_ =	swait.eq @!p0 [sflag:s6], $0x1  }
0xb2: {  	s5 =	sor.u32 @!p0 s5, s7;
	[sflag:s6] =	ssyncadd.s32 @!p0 $0xFFFFFFFF  }
0xb3: {  	s25 =	simm.s32 $0x1B8E;
	s24 =	sld [smem:$0x3FFE];
	[sflag:s5] =	ssyncadd.remote.s32 @!p0 $0x1  }
0xb4: {  	s26 =	simm.s32 $execute0_lowered;
	[smem:$0x3FD2] =	sst s25  }
0xb5: {  	s6 =	sshll.u32 s26, $0x1;
	_ =	strace $0x80000049;
	[dreg:$0x1] =	wrdreg $0xFFFFFFFF  }
0xb6: {  	s28 =	simm.s32 $_size_execute0_lowered;
	s4 =	sadd.s32 s4, s6;
	[dreg:$0x0] =	wrdreg $0x0  }
0xb7: {  	s6 =	sshll.u32 s28, $0x1;
	[dreg:$0x2] =	wrdreg s4  }
0xb8: {  	[dreg:$0x3] =	wrdreg s6  }
0xb9: {  	[dreg:$0x4] =	wrdreg $0xC0  }
0xba: {  	_ =	task [dreg:s22], $0x5FFFF  }
0xbb: {  	[dreg:$0x1] =	wrdreg $0xFFFFFFFF  }
0xbc: {  	[dreg:$0x0] =	wrdreg $0x60  }
0xbd: {  	[dreg:$0x2] =	wrdreg s24  }
0xbe: {  	[dreg:$0x3] =	wrdreg s18  }
0xbf: {  	[dreg:$0x4] =	wrdreg $0xA  }
0xc0: {  	_ =	task.clear_ibuf [dreg:s22], $0x5FFFF;
	_ =	strace $0x90000049  }
0xc1: {  	s29 =	simm.s32 $0xA;
	_ =	strace $0x8000004B  }
0xc2: {  	_ =	swait.ge [sflag:s29], $0x1  }
0xc3: {  	[sflag:s29] =	ssyncadd.s32 $0xFFFFFFFF  }
0xc4: {  	_ =	strace $0x9000004B  }
0xc5: {  	_ =	sfence  }
0xc6: {  	s30 =	sld [smem:$0x0];
	_ =	sdelay $0x2  }
0xc7: {  	s31 =	sshll.u32 s1, $0xD;
	s1 =	sshrl.u32 s1, $0x2  }
0xc8: {  	s4 =	sand.u32 $0x4000, s31;
	s1 =	sadd.s32 s1, s30  }
0xc9: {  	s0 =	sor.u32 s4, s0;
	s1 =	sshll.u32 s1, $0x11  }
0xca: {  	s0 =	sor.u32 s1, s0  }
0xcb: {  	s0 =	sadd.s32 $0x8F2B, s0  }
0xcc: {  	[sflag:s0] =	ssyncadd.remote.s32 $0x1  }
0xcd: {  	_ =	sfence.sel $0xFFFF  }
0xce: {  	[dreg:$0x0] =	wrdreg $0xFFFFFFFF;
	(pc) =	sbr.abs _section_cstart, $3  }
0xcf: {  	[dreg:$0x1] =	wrdreg $0xFFFFFFFF  }
0xd0: {  	_ =	task.clear_ibuf [dreg:s22], $0x2FFFF;
	_ =	strace $0x9FFFFFFF  }
0xd1: {  	(tm) =	ssettm $0x7FFFFFFF  }
tec
execute0_lowered:
.L_overlay_start_1:
0x0: {  	(tag) =	ssettag $0x1  }
0x1: {  	s0 =	srdreg.scid;
	s9 =	rddreg [dreg:$0x0]  }
0x2: {  	s1 =	stileid.u32;
	s2 =	rddreg [dreg:$0x1]  }
0x3: {  	s3 =	simm.s32 $0x0;
	s31 =	simm.s32 $0xD;
	s30 =	simm.s32 $0x480  }
0x4: {  	p0 =	por $0x0, $0x0;
	s5 =	sand.u32 $0x1, s0;
	s8 =	sshll.u32 s1, $0x1  }
0x5: {  	s29 =	simm.s32 $0x500;
	s28 =	simm.s32 $0x580;
	s0 =	sor.u32 s5, s8  }
0x6: {  	[smem:$0x7FF] =	sst s3;
	s1 =	sadd.s32 $0xD3C00, s9;
	s4 =	smul.u32 $0x680, s0  }
0x7: {  	_ =	strace $0x8000004A;
	s5 =	ssub.s32 $0x2, s5;
	s0 =	sshll.u32 s0, $0x8  }
0x8: {  	s0 =	sadd.s32 s0, s9;
	s6 =	sshrl.u32 s4, $0x3;
	s7 =	sshrl.u32 s4, $0x1  }
0x9: {  	s8 =	sadd.s32 $0x80, s4;
	s0 =	sadd.s32 $0xD1C00, s0;
	s14 =	sadd.s32 $0x100, s4  }
0xa: {  	s18 =	sadd.s32 $0x180, s4;
	s21 =	sadd.s32 $0x200, s4;
	s26 =	sadd.s32 $0x280, s4  }
0xb: {  	s6 =	sand.u32 $0xF0, s6;
	s7 =	sand.u32 $0x7C00, s7;
	s10 =	sshrl.u32 s8, $0x3  }
0xc: {  	[dreg:$0x3] =	wrdreg s0;
	s13 =	sshrl.u32 s8, $0x1;
	s9 =	sshrl.u32 s14, $0x3  }
0xd: {  	s17 =	sshrl.u32 s14, $0x1;
	s20 =	sshrl.u32 s18, $0x3;
	s8 =	sshrl.u32 s18, $0x1  }
0xe: {  	s22 =	sshrl.u32 s21, $0x3;
	s6 =	smul.u32 $0x6800, s6;
	s12 =	sand.u32 $0xF0, s10  }
0xf: {  	s16 =	sand.u32 $0xF0, s9;
	s8 =	sand.u32 $0xFC00, s8;
	s9 =	sand.u32 $0xF0, s22  }
0x10: {  	s10 =	sadd.s32 $0x300, s4;
	s23 =	smul.u32 $0x6800, s9;
	s6 =	sor.u32 s7, s6  }
0x11: {  	s22 =	sadd.s32 $0x400, s4;
	s11 =	sshrl.u32 s6, $0x3;
	s6 =	smul.u32 $0x6800, s12  }
0x12: {  	s9 =	sshrl.u32 s26, $0x3;
	s7 =	sand.u32 $0xFC00, s13;
	s0 =	sadd.s32 s1, s11  }
0x13: {  	s11 =	sshrl.u32 s10, $0x3;
	[dreg:$0x4] =	wrdreg s0;
	s15 =	sadd.s32 s7, s6  }
0x14: {  	s6 =	smul.u32 $0x6800, s16;
	s7 =	sand.u32 $0xFC00, s17;
	s13 =	sand.u32 $0xF0, s11  }
0x15: {  	s16 =	sadd.s32 $0x380, s4;
	s0 =	sshrl.u32 s15, $0x3;
	s14 =	smul.u32 $0x6800, s13  }
0x16: {  	s15 =	sshrl.u32 s10, $0x1;
	s17 =	sshrl.u32 s16, $0x3;
	s13 =	sadd.s32 $0x580, s4  }
0x17: {  	s0 =	sadd.s32 s1, s0;
	s19 =	sadd.s32 s7, s6;
	s6 =	sand.u32 $0xF0, s20  }
0x18: {  	s7 =	sshrl.u32 s21, $0x1;
	s20 =	sshrl.u32 s16, $0x1;
	[dreg:$0x5] =	wrdreg s0  }
0x19: {  	s0 =	sshrl.u32 s19, $0x3;
	s6 =	smul.u32 $0x6800, s6;
	s25 =	sand.u32 $0xFC00, s7  }
0x1a: {  	s7 =	sshrl.u32 s26, $0x1;
	s19 =	sand.u32 $0xF0, s17;
	s21 =	sand.u32 $0xFC00, s20  }
0x1b: {  	s0 =	sadd.s32 s1, s0;
	s12 =	sand.u32 $0xFC00, s7;
	s6 =	sadd.s32 s8, s6  }
0x1c: {  	s7 =	sand.u32 $0xFC00, s15;
	[dreg:$0x6] =	wrdreg s0;
	s24 =	sshrl.u32 s6, $0x3  }
0x1d: {  	s6 =	sadd.s32 s25, s23;
	s23 =	sshrl.u32 s22, $0x3;
	s0 =	sadd.s32 s1, s24  }
0x1e: {  	s8 =	sshrl.u32 s6, $0x3;
	s6 =	sand.u32 $0xF0, s9;
	s24 =	sadd.s32 $0x480, s4  }
0x1f: {  	[dreg:$0x7] =	wrdreg s0;
	s0 =	sadd.s32 s1, s8;
	s6 =	smul.u32 $0x6800, s6  }
0x20: {  	s25 =	sshrl.u32 s24, $0x3;
	s8 =	sshrl.u32 s24, $0x1;
	s24 =	simm.s32 $0x200  }
0x21: {  	[dreg:$0x8] =	wrdreg s0;
	s9 =	sand.u32 $0xF0, s25;
	s26 =	sand.u32 $0xFC00, s8  }
0x22: {  	s8 =	sadd.s32 $0x500, s4;
	s4 =	sadd.s32 $0x600, s4;
	[dreg:$0x13] =	wrdreg s24  }
0x23: {  	s25 =	simm.s32 $0x280;
	s24 =	simm.s32 $0x2;
	s0 =	sadd.s32 s12, s6  }
0x24: {  	s6 =	sadd.s32 s7, s14;
	s7 =	sshrl.u32 s22, $0x1;
	s9 =	smul.u32 $0x6800, s9  }
0x25: {  	s10 =	sshrl.u32 s8, $0x3;
	s12 =	sshrl.u32 s8, $0x1;
	s14 =	sshrl.u32 s13, $0x3  }
0x26: {  	s16 =	sshrl.u32 s4, $0x3;
	s4 =	sshrl.u32 s4, $0x1;
	s22 =	simm.s32 $0x100  }
0x27: {  	[dreg:$0x14] =	wrdreg s25;
	s0 =	sshrl.u32 s0, $0x3;
	s18 =	sshrl.u32 s6, $0x3  }
0x28: {  	s6 =	smul.u32 $0x6800, s19;
	s7 =	sand.u32 $0xFC00, s7;
	s11 =	sand.u32 $0xF0, s10  }
0x29: {  	s15 =	sand.u32 $0xF0, s14;
	s8 =	sand.u32 $0xF0, s16;
	s4 =	sand.u32 $0xFC00, s4  }
0x2a: {  	[dreg:$0x11] =	wrdreg s22;
	s16 =	simm.s32 $0xC800;
	s10 =	simm.s32 $0x14800  }
0x2b: {  	s22 =	simm.s32 $0x4;
	s14 =	simm.s32 $0xC;
	s0 =	sadd.s32 s1, s0  }
0x2c: {  	s8 =	smul.u32 $0x6800, s8;
	[dreg:$0x9] =	wrdreg s0;
	s0 =	sadd.s32 s1, s18  }
0x2d: {  	s18 =	sshrl.u32 s5, $0x1;
	[dreg:$0xa] =	wrdreg s0;
	s0 =	sadd.s32 s21, s6  }
0x2e: {  	s6 =	sand.u32 $0xF0, s23;
	s4 =	sadd.s32 s4, s8;
	s20 =	ssub.s32 s5, s18  }
0x2f: {  	s18 =	simm.s32 $0x80;
	s23 =	simm.s32 $0x180;
	s8 =	simm.s32 $0x6800  }
0x30: {  	s5 =	simm.s32 $0x7;
	s0 =	sshrl.u32 s0, $0x3;
	s6 =	smul.u32 $0x6800, s6  }
0x31: {  	s4 =	sshrl.u32 s4, $0x3;
	s21 =	smax.u32 s20, $0x1;
	[dreg:$0x12] =	wrdreg s23  }
0x32: {  	s23 =	simm.s32 $0x3;
	s20 =	simm.s32 $0x5;
	s0 =	sadd.s32 s1, s0  }
0x33: {  	s19 =	sadd.s32 s1, s4;
	s4 =	simm.s32 $0x800;
	p1 =	sne.s32 s21, $0x1  }
0x34: {  	s25 =	sadd.s32 $0xFFFFFFFF, s21;
	s21 =	simm.s32 $0x6;
	[dreg:$0xb] =	wrdreg s0  }
0x35: {  	s6 =	sadd.s32 s7, s6;
	s7 =	sadd.s32 s26, s9;
	[dreg:$0x10] =	wrdreg s19  }
0x36: {  	s19 =	simm.s32 $0x4800;
	s26 =	simm.s32 $0x300;
	s6 =	sshrl.u32 s6, $0x3  }
0x37: {  	[dreg:$0x15] =	wrdreg s26;
	s26 =	simm.s32 $0x600;
	s0 =	sadd.s32 s1, s6  }
0x38: {  	s6 =	sshrl.u32 s7, $0x3;
	s7 =	sshrl.u32 s13, $0x1;
	s13 =	simm.s32 $0x10800  }
0x39: {  	[dreg:$0xc] =	wrdreg s0;
	s9 =	sadd.s32 s1, s6;
	s0 =	smul.u32 $0x6800, s11  }
0x3a: {  	s6 =	sand.u32 $0xFC00, s12;
	s7 =	sand.u32 $0xFC00, s7;
	s11 =	simm.s32 $0x8  }
0x3b: {  	s12 =	simm.s32 $0x9;
	s0 =	sadd.s32 s6, s0;
	s6 =	smul.u32 $0x6800, s15  }
.Ltmp0:
0x3c: {  	[dreg:$0xd] =	wrdreg s9;
	s0 =	sshrl.u32 s0, $0x3;
	(pc) =	sbr.rel @!p1 .LBB2_1-.Ltmp0, $4  }
0x3d: {  	s9 =	simm.s32 $0xA;
	s6 =	sadd.s32 s7, s6;
	s0 =	sadd.s32 s1, s0  }
0x3e: {  	s15 =	simm.s32 $0xB;
	s6 =	sshrl.u32 s6, $0x3;
	[dreg:$0xe] =	wrdreg s0  }
0x3f: {  	s7 =	simm.s32 $0x400;
	s0 =	rddreg [dreg:$0x3];
	s17 =	sadd.s32 s1, s6  }
0x40: {  	s6 =	simm.s32 $0x1;
	[dreg:$0xf] =	wrdreg s17;
	s17 =	simm.s32 $0x8800  }
0x41: {  	[tilespmem:s3], [sflag:$0xD] =	stream.linear.gather [hbm4b:s0+s3], $0x680, $0x38;
	[tilespmem:$0x18800] =	vst v63  }
0x42: {  	_ =	swait.ge [sflag:s31], $0x680  }
0x43: {  	[sflag:s31] =	ssyncset.done $0x0  }
0x44: {  	[sflag:s31] =	ssyncadd.s32 $0xFFFFF980  }
0x45: {  	[tilespmem:s4], [sflag:$0x1] =	stream.indirect.gather [hbm4b:s2+s18], $0x80, s3, s18, $0xb8;
	[tilespmem:$0x18800] =	vst v63  }
0x46: {  	_ = 	snop  }
0x47: {  	[tilespmem:s19], [sflag:$0x2] =	stream.indirect.gather [hbm4b:s2+s18], $0x80, s18, s18, $0xb8;
	[tilespmem:$0x18800] =	vst v63  }
0x48: {  	s0 =	rddreg [dreg:$0x11]  }
0x49: {  	[tilespmem:s17], [sflag:$0x3] =	stream.indirect.gather [hbm4b:s2+s18], $0x80, s0, s18, $0xb8;
	[tilespmem:$0x18800] =	vst v63  }
0x4a: {  	s1 =	rddreg [dreg:$0x12]  }
0x4b: {  	[tilespmem:s16], [sflag:$0x4] =	stream.indirect.gather [hbm4b:s2+s18], $0x80, s1, s18, $0xb8;
	[tilespmem:$0x18800] =	vst v63  }
0x4c: {  	s0 =	rddreg [dreg:$0x13]  }
0x4d: {  	[tilespmem:s13], [sflag:$0x5] =	stream.indirect.gather [hbm4b:s2+s18], $0x80, s0, s18, $0xb8;
	[tilespmem:$0x18800] =	vst v63  }
0x4e: {  	_ =	swait.ge [sflag:s6], $0x4000  }
0x4f: {  	[sflag:s6] =	ssyncset.done $0x0  }
0x50: {  	s0 =	rddreg [dreg:$0x14];
	[sflag:s6] =	ssyncadd.s32 $0xFFFFC000  }
0x51: {  	[tilespmem:s10], [sflag:$0x6] =	stream.indirect.gather [hbm4b:s2+s18], $0x80, s0, s18, $0xb8;
	[tilespmem:$0x18800] =	vst v63  }
0x52: {  	s1 =	rddreg [dreg:$0x4]  }
0x53: {  	[hbm4b:s1+s7] =	stream.strided.scatter [tilespmem:s4], [sflag:$0x7], $0x4000, s8, s7, $0x38;
	[tilespmem:$0x18800] =	vst v63  }
0x54: {  	_ =	swait.ge [sflag:s24], $0x4000  }
0x55: {  	[sflag:s24] =	ssyncset.done $0x0  }
0x56: {  	[sflag:s24] =	ssyncadd.s32 $0xFFFFC000  }
0x57: {  	_ =	swait.ge [sflag:s5], $0x4000  }
0x58: {  	[sflag:s5] =	ssyncset.done $0x0  }
0x59: {  	s0 =	rddreg [dreg:$0x15];
	[sflag:s5] =	ssyncadd.s32 $0xFFFFC000  }
0x5a: {  	[tilespmem:s4], [sflag:$0x1] =	stream.indirect.gather [hbm4b:s2+s18], $0x80, s0, s18, $0xb8;
	[tilespmem:$0x18800] =	vst v63  }
0x5b: {  	s1 =	rddreg [dreg:$0x5]  }
0x5c: {  	[hbm4b:s1+s7] =	stream.strided.scatter [tilespmem:s19], [sflag:$0x8], $0x4000, s8, s7, $0x38;
	[tilespmem:$0x18800] =	vst v63  }
0x5d: {  	_ =	swait.ge [sflag:s23], $0x4000  }
0x5e: {  	[sflag:s23] =	ssyncset.done $0x0  }
0x5f: {  	[sflag:s23] =	ssyncadd.s32 $0xFFFFC000  }
0x60: {  	_ =	swait.ge [sflag:s11], $0x4000  }
0x61: {  	[sflag:s11] =	ssyncset.done $0x0  }
0x62: {  	s1 =	simm.s32 $0x380;
	[sflag:s11] =	ssyncadd.s32 $0xFFFFC000  }
0x63: {  	[tilespmem:s19], [sflag:$0x2] =	stream.indirect.gather [hbm4b:s2+s18], $0x80, s1, s18, $0xb8;
	[tilespmem:$0x18800] =	vst v63  }
0x64: {  	s0 =	rddreg [dreg:$0x6]  }
0x65: {  	[hbm4b:s0+s7] =	stream.strided.scatter [tilespmem:s17], [sflag:$0x9], $0x4000, s8, s7, $0x38;
	[tilespmem:$0x18800] =	vst v63  }
0x66: {  	_ =	swait.ge [sflag:s22], $0x4000  }
0x67: {  	[sflag:s22] =	ssyncset.done $0x0  }
0x68: {  	[sflag:s22] =	ssyncadd.s32 $0xFFFFC000  }
0x69: {  	_ =	swait.ge [sflag:s12], $0x4000  }
0x6a: {  	[sflag:s12] =	ssyncset.done $0x0  }
0x6b: {  	[sflag:s12] =	ssyncadd.s32 $0xFFFFC000  }
0x6c: {  	[tilespmem:s17], [sflag:$0x3] =	stream.indirect.gather [hbm4b:s2+s18], $0x80, s7, s18, $0xb8;
	[tilespmem:$0x18800] =	vst v63  }
0x6d: {  	s1 =	rddreg [dreg:$0x7]  }
0x6e: {  	[hbm4b:s1+s7] =	stream.strided.scatter [tilespmem:s16], [sflag:$0xA], $0x4000, s8, s7, $0x38;
	[tilespmem:$0x18800] =	vst v63  }
0x6f: {  	_ =	swait.ge [sflag:s20], $0x4000  }
0x70: {  	[sflag:s20] =	ssyncset.done $0x0  }
0x71: {  	[sflag:s20] =	ssyncadd.s32 $0xFFFFC000  }
0x72: {  	_ =	swait.ge [sflag:s9], $0x4000  }
0x73: {  	[sflag:s9] =	ssyncset.done $0x0  }
0x74: {  	[sflag:s9] =	ssyncadd.s32 $0xFFFFC000  }
0x75: {  	[tilespmem:s16], [sflag:$0x4] =	stream.indirect.gather [hbm4b:s2+s18], $0x80, s30, s18, $0xb8;
	[tilespmem:$0x18800] =	vst v63  }
0x76: {  	s1 =	rddreg [dreg:$0x8]  }
0x77: {  	[hbm4b:s1+s7] =	stream.strided.scatter [tilespmem:s13], [sflag:$0xB], $0x4000, s8, s7, $0x38;
	[tilespmem:$0x18800] =	vst v63  }
0x78: {  	_ =	swait.ge [sflag:s21], $0x4000  }
0x79: {  	[sflag:s21] =	ssyncset.done $0x0  }
0x7a: {  	[sflag:s21] =	ssyncadd.s32 $0xFFFFC000  }
0x7b: {  	_ =	swait.ge [sflag:s15], $0x4000  }
0x7c: {  	[sflag:s15] =	ssyncset.done $0x0  }
0x7d: {  	[sflag:s15] =	ssyncadd.s32 $0xFFFFC000  }
0x7e: {  	[tilespmem:s13], [sflag:$0x5] =	stream.indirect.gather [hbm4b:s2+s18], $0x80, s29, s18, $0xb8;
	[tilespmem:$0x18800] =	vst v63  }
0x7f: {  	s1 =	rddreg [dreg:$0x9]  }
0x80: {  	[hbm4b:s1+s7] =	stream.strided.scatter [tilespmem:s10], [sflag:$0xC], $0x4000, s8, s7, $0x38;
	[tilespmem:$0x18800] =	vst v63  }
0x81: {  	_ =	swait.ge [sflag:s6], $0x4000  }
0x82: {  	[sflag:s6] =	ssyncset.done $0x0  }
0x83: {  	[sflag:s6] =	ssyncadd.s32 $0xFFFFC000  }
0x84: {  	_ =	swait.ge [sflag:s14], $0x4000  }
0x85: {  	[sflag:s14] =	ssyncset.done $0x0  }
0x86: {  	[sflag:s14] =	ssyncadd.s32 $0xFFFFC000  }
0x87: {  	[tilespmem:s10], [sflag:$0x6] =	stream.indirect.gather [hbm4b:s2+s18], $0x80, s28, s18, $0xb8;
	[tilespmem:$0x18800] =	vst v63  }
0x88: {  	s1 =	rddreg [dreg:$0xa]  }
0x89: {  	[hbm4b:s1+s7] =	stream.strided.scatter [tilespmem:s4], [sflag:$0x7], $0x4000, s8, s7, $0x38;
	[tilespmem:$0x18800] =	vst v63  }
0x8a: {  	_ =	swait.ge [sflag:s24], $0x4000  }
0x8b: {  	[sflag:s24] =	ssyncset.done $0x0  }
0x8c: {  	[sflag:s24] =	ssyncadd.s32 $0xFFFFC000  }
0x8d: {  	_ =	swait.ge [sflag:s5], $0x4000  }
0x8e: {  	[sflag:s5] =	ssyncset.done $0x0  }
0x8f: {  	[sflag:s5] =	ssyncadd.s32 $0xFFFFC000  }
0x90: {  	[tilespmem:s4], [sflag:$0x1] =	stream.indirect.gather [hbm4b:s2+s18], $0x80, s26, s18, $0xb8;
	[tilespmem:$0x18800] =	vst v63  }
0x91: {  	s1 =	rddreg [dreg:$0xb]  }
0x92: {  	[hbm4b:s1+s7] =	stream.strided.scatter [tilespmem:s19], [sflag:$0x8], $0x4000, s8, s7, $0x38;
	[tilespmem:$0x18800] =	vst v63  }
0x93: {  	_ =	swait.ge [sflag:s23], $0x4000  }
0x94: {  	[sflag:s23] =	ssyncset.done $0x0  }
0x95: {  	s1 =	rddreg [dreg:$0xc];
	[sflag:s23] =	ssyncadd.s32 $0xFFFFC000  }
0x96: {  	[hbm4b:s1+s7] =	stream.strided.scatter [tilespmem:s17], [sflag:$0x9], $0x4000, s8, s7, $0x38;
	[tilespmem:$0x18800] =	vst v63  }
0x97: {  	_ =	swait.ge [sflag:s22], $0x4000  }
0x98: {  	[sflag:s22] =	ssyncset.done $0x0  }
0x99: {  	s1 =	rddreg [dreg:$0xd];
	[sflag:s22] =	ssyncadd.s32 $0xFFFFC000  }
0x9a: {  	[hbm4b:s1+s7] =	stream.strided.scatter [tilespmem:s16], [sflag:$0xA], $0x4000, s8, s7, $0x38;
	[tilespmem:$0x18800] =	vst v63  }
0x9b: {  	_ =	swait.ge [sflag:s20], $0x4000  }
0x9c: {  	[sflag:s20] =	ssyncset.done $0x0  }
0x9d: {  	s1 =	rddreg [dreg:$0xe];
	[sflag:s20] =	ssyncadd.s32 $0xFFFFC000  }
0x9e: {  	[hbm4b:s1+s7] =	stream.strided.scatter [tilespmem:s13], [sflag:$0xB], $0x4000, s8, s7, $0x38;
	[tilespmem:$0x18800] =	vst v63  }
0x9f: {  	_ =	swait.ge [sflag:s21], $0x4000  }
0xa0: {  	[sflag:s21] =	ssyncset.done $0x0  }
0xa1: {  	s1 =	rddreg [dreg:$0xf];
	[sflag:s21] =	ssyncadd.s32 $0xFFFFC000  }
0xa2: {  	[hbm4b:s1+s7] =	stream.strided.scatter [tilespmem:s10], [sflag:$0xC], $0x4000, s8, s7, $0x38;
	[tilespmem:$0x18800] =	vst v63  }
0xa3: {  	_ =	swait.ge [sflag:s6], $0x4000  }
0xa4: {  	[sflag:s6] =	ssyncset.done $0x0  }
0xa5: {  	s1 =	rddreg [dreg:$0x10];
	[sflag:s6] =	ssyncadd.s32 $0xFFFFC000  }
0xa6: {  	[hbm4b:s1+s7] =	stream.strided.scatter [tilespmem:s4], [sflag:$0x7], $0x4000, s8, s7, $0x38;
	[tilespmem:$0x18800] =	vst v63  }
0xa7: {  	_ =	swait.ge [sflag:s11], $0x4000  }
0xa8: {  	[sflag:s11] =	ssyncset.done $0x0  }
0xa9: {  	[sflag:s11] =	ssyncadd.s32 $0xFFFFC000  }
0xaa: {  	_ =	swait.ge [sflag:s12], $0x4000  }
0xab: {  	[sflag:s12] =	ssyncset.done $0x0  }
0xac: {  	[sflag:s12] =	ssyncadd.s32 $0xFFFFC000  }
0xad: {  	_ =	swait.ge [sflag:s9], $0x4000  }
0xae: {  	[sflag:s9] =	ssyncset.done $0x0  }
0xaf: {  	[sflag:s9] =	ssyncadd.s32 $0xFFFFC000  }
0xb0: {  	_ =	swait.ge [sflag:s15], $0x4000  }
0xb1: {  	[sflag:s15] =	ssyncset.done $0x0  }
0xb2: {  	p1 =	sne.s32 s25, $0x1;
	[sflag:s15] =	ssyncadd.s32 $0xFFFFC000  }
.Ltmp1:
0xb3: {  	_ =	swait.ge [sflag:s14], $0x4000;
	(pc) =	sbr.rel @!p1 .LBB2_3-.Ltmp1, $4  }
0xb4: {  	[sflag:s14] =	ssyncset.done $0x0  }
0xb5: {  	[sflag:s14] =	ssyncadd.s32 $0xFFFFC000  }
0xb6: {  	p0 =	por $0x1, $0x1;
	_ =	swait.ge [sflag:s5], $0x4000  }
0xb7: {  	s1 =	sadd.s32 $0xFFFFFFFF, s25;
	s0 =	rddreg [dreg:$0x3];
	[sflag:s5] =	ssyncset.done $0x0  }
.LBB2_4:
0xb8: {  	[sflag:s5] =	ssyncadd.s32 $0xFFFFC000  }
0xb9: {  	[tilespmem:s3], [sflag:$0xD] =	stream.linear.gather [hbm4b:s0+s3], $0x680, $0x38;
	[tilespmem:$0x18800] =	vst v63  }
0xba: {  	_ =	swait.ge [sflag:s31], $0x680  }
0xbb: {  	[sflag:s31] =	ssyncset.done $0x0  }
0xbc: {  	[sflag:s31] =	ssyncadd.s32 $0xFFFFF980  }
0xbd: {  	[tilespmem:s4], [sflag:$0x1] =	stream.indirect.gather [hbm4b:s2+s18], $0x80, s3, s18, $0xb8;
	[tilespmem:$0x18800] =	vst v63  }
0xbe: {  	_ = 	snop  }
0xbf: {  	[tilespmem:s19], [sflag:$0x2] =	stream.indirect.gather [hbm4b:s2+s18], $0x80, s18, s18, $0xb8;
	[tilespmem:$0x18800] =	vst v63  }
0xc0: {  	s0 =	rddreg [dreg:$0x11]  }
0xc1: {  	[tilespmem:s17], [sflag:$0x3] =	stream.indirect.gather [hbm4b:s2+s18], $0x80, s0, s18, $0xb8;
	[tilespmem:$0x18800] =	vst v63  }
0xc2: {  	s25 =	rddreg [dreg:$0x12]  }
0xc3: {  	[tilespmem:s16], [sflag:$0x4] =	stream.indirect.gather [hbm4b:s2+s18], $0x80, s25, s18, $0xb8;
	[tilespmem:$0x18800] =	vst v63  }
0xc4: {  	s0 =	rddreg [dreg:$0x13]  }
0xc5: {  	[tilespmem:s13], [sflag:$0x5] =	stream.indirect.gather [hbm4b:s2+s18], $0x80, s0, s18, $0xb8;
	[tilespmem:$0x18800] =	vst v63  }
0xc6: {  	_ =	swait.ge [sflag:s6], $0x4000  }
0xc7: {  	[sflag:s6] =	ssyncset.done $0x0  }
0xc8: {  	s0 =	rddreg [dreg:$0x14];
	[sflag:s6] =	ssyncadd.s32 $0xFFFFC000  }
0xc9: {  	[tilespmem:s10], [sflag:$0x6] =	stream.indirect.gather [hbm4b:s2+s18], $0x80, s0, s18, $0xb8;
	[tilespmem:$0x18800] =	vst v63  }
0xca: {  	s25 =	rddreg [dreg:$0x4]  }
0xcb: {  	[hbm4b:s25+s7] =	stream.strided.scatter [tilespmem:s4], [sflag:$0x7], $0x4000, s8, s7, $0x38;
	[tilespmem:$0x18800] =	vst v63  }
0xcc: {  	_ =	swait.ge [sflag:s24], $0x4000  }
0xcd: {  	[sflag:s24] =	ssyncset.done $0x0  }
0xce: {  	[sflag:s24] =	ssyncadd.s32 $0xFFFFC000  }
0xcf: {  	_ =	swait.ge [sflag:s5], $0x4000  }
0xd0: {  	[sflag:s5] =	ssyncset.done $0x0  }
0xd1: {  	s0 =	rddreg [dreg:$0x15];
	[sflag:s5] =	ssyncadd.s32 $0xFFFFC000  }
0xd2: {  	[tilespmem:s4], [sflag:$0x1] =	stream.indirect.gather [hbm4b:s2+s18], $0x80, s0, s18, $0xb8;
	[tilespmem:$0x18800] =	vst v63  }
0xd3: {  	s25 =	rddreg [dreg:$0x5]  }
0xd4: {  	[hbm4b:s25+s7] =	stream.strided.scatter [tilespmem:s19], [sflag:$0x8], $0x4000, s8, s7, $0x38;
	[tilespmem:$0x18800] =	vst v63  }
0xd5: {  	_ =	swait.ge [sflag:s23], $0x4000  }
0xd6: {  	[sflag:s23] =	ssyncset.done $0x0  }
0xd7: {  	[sflag:s23] =	ssyncadd.s32 $0xFFFFC000  }
0xd8: {  	_ =	swait.ge [sflag:s11], $0x4000  }
0xd9: {  	[sflag:s11] =	ssyncset.done $0x0  }
0xda: {  	s25 =	simm.s32 $0x380;
	[sflag:s11] =	ssyncadd.s32 $0xFFFFC000  }
0xdb: {  	[tilespmem:s19], [sflag:$0x2] =	stream.indirect.gather [hbm4b:s2+s18], $0x80, s25, s18, $0xb8;
	[tilespmem:$0x18800] =	vst v63  }
0xdc: {  	s0 =	rddreg [dreg:$0x6]  }
0xdd: {  	[hbm4b:s0+s7] =	stream.strided.scatter [tilespmem:s17], [sflag:$0x9], $0x4000, s8, s7, $0x38;
	[tilespmem:$0x18800] =	vst v63  }
0xde: {  	_ =	swait.ge [sflag:s22], $0x4000  }
0xdf: {  	[sflag:s22] =	ssyncset.done $0x0  }
0xe0: {  	[sflag:s22] =	ssyncadd.s32 $0xFFFFC000  }
0xe1: {  	_ =	swait.ge [sflag:s12], $0x4000  }
0xe2: {  	[sflag:s12] =	ssyncset.done $0x0  }
0xe3: {  	[sflag:s12] =	ssyncadd.s32 $0xFFFFC000  }
0xe4: {  	[tilespmem:s17], [sflag:$0x3] =	stream.indirect.gather [hbm4b:s2+s18], $0x80, s7, s18, $0xb8;
	[tilespmem:$0x18800] =	vst v63  }
0xe5: {  	s25 =	rddreg [dreg:$0x7]  }
0xe6: {  	[hbm4b:s25+s7] =	stream.strided.scatter [tilespmem:s16], [sflag:$0xA], $0x4000, s8, s7, $0x38;
	[tilespmem:$0x18800] =	vst v63  }
0xe7: {  	_ =	swait.ge [sflag:s20], $0x4000  }
0xe8: {  	[sflag:s20] =	ssyncset.done $0x0  }
0xe9: {  	[sflag:s20] =	ssyncadd.s32 $0xFFFFC000  }
0xea: {  	_ =	swait.ge [sflag:s9], $0x4000  }
0xeb: {  	[sflag:s9] =	ssyncset.done $0x0  }
0xec: {  	[sflag:s9] =	ssyncadd.s32 $0xFFFFC000  }
0xed: {  	[tilespmem:s16], [sflag:$0x4] =	stream.indirect.gather [hbm4b:s2+s18], $0x80, s30, s18, $0xb8;
	[tilespmem:$0x18800] =	vst v63  }
0xee: {  	s25 =	rddreg [dreg:$0x8]  }
0xef: {  	[hbm4b:s25+s7] =	stream.strided.scatter [tilespmem:s13], [sflag:$0xB], $0x4000, s8, s7, $0x38;
	[tilespmem:$0x18800] =	vst v63  }
0xf0: {  	_ =	swait.ge [sflag:s21], $0x4000  }
0xf1: {  	[sflag:s21] =	ssyncset.done $0x0  }
0xf2: {  	[sflag:s21] =	ssyncadd.s32 $0xFFFFC000  }
0xf3: {  	_ =	swait.ge [sflag:s15], $0x4000  }
0xf4: {  	[sflag:s15] =	ssyncset.done $0x0  }
0xf5: {  	[sflag:s15] =	ssyncadd.s32 $0xFFFFC000  }
0xf6: {  	[tilespmem:s13], [sflag:$0x5] =	stream.indirect.gather [hbm4b:s2+s18], $0x80, s29, s18, $0xb8;
	[tilespmem:$0x18800] =	vst v63  }
0xf7: {  	s25 =	rddreg [dreg:$0x9]  }
0xf8: {  	[hbm4b:s25+s7] =	stream.strided.scatter [tilespmem:s10], [sflag:$0xC], $0x4000, s8, s7, $0x38;
	[tilespmem:$0x18800] =	vst v63  }
0xf9: {  	_ =	swait.ge [sflag:s6], $0x4000  }
0xfa: {  	[sflag:s6] =	ssyncset.done $0x0  }
0xfb: {  	[sflag:s6] =	ssyncadd.s32 $0xFFFFC000  }
0xfc: {  	_ =	swait.ge [sflag:s14], $0x4000  }
0xfd: {  	[sflag:s14] =	ssyncset.done $0x0  }
0xfe: {  	[sflag:s14] =	ssyncadd.s32 $0xFFFFC000  }
0xff: {  	[tilespmem:s10], [sflag:$0x6] =	stream.indirect.gather [hbm4b:s2+s18], $0x80, s28, s18, $0xb8;
	[tilespmem:$0x18800] =	vst v63  }
0x100: {  	s25 =	rddreg [dreg:$0xa]  }
0x101: {  	[hbm4b:s25+s7] =	stream.strided.scatter [tilespmem:s4], [sflag:$0x7], $0x4000, s8, s7, $0x38;
	[tilespmem:$0x18800] =	vst v63  }
0x102: {  	_ =	swait.ge [sflag:s24], $0x4000  }
0x103: {  	[sflag:s24] =	ssyncset.done $0x0  }
0x104: {  	[sflag:s24] =	ssyncadd.s32 $0xFFFFC000  }
0x105: {  	_ =	swait.ge [sflag:s5], $0x4000  }
0x106: {  	[sflag:s5] =	ssyncset.done $0x0  }
0x107: {  	[sflag:s5] =	ssyncadd.s32 $0xFFFFC000  }
0x108: {  	[tilespmem:s4], [sflag:$0x1] =	stream.indirect.gather [hbm4b:s2+s18], $0x80, s26, s18, $0xb8;
	[tilespmem:$0x18800] =	vst v63  }
0x109: {  	s25 =	rddreg [dreg:$0xb]  }
0x10a: {  	[hbm4b:s25+s7] =	stream.strided.scatter [tilespmem:s19], [sflag:$0x8], $0x4000, s8, s7, $0x38;
	[tilespmem:$0x18800] =	vst v63  }
0x10b: {  	_ =	swait.ge [sflag:s23], $0x4000  }
0x10c: {  	[sflag:s23] =	ssyncset.done $0x0  }
0x10d: {  	s25 =	rddreg [dreg:$0xc];
	[sflag:s23] =	ssyncadd.s32 $0xFFFFC000  }
0x10e: {  	[hbm4b:s25+s7] =	stream.strided.scatter [tilespmem:s17], [sflag:$0x9], $0x4000, s8, s7, $0x38;
	[tilespmem:$0x18800] =	vst v63  }
0x10f: {  	_ =	swait.ge [sflag:s22], $0x4000  }
0x110: {  	[sflag:s22] =	ssyncset.done $0x0  }
0x111: {  	s25 =	rddreg [dreg:$0xd];
	[sflag:s22] =	ssyncadd.s32 $0xFFFFC000  }
0x112: {  	[hbm4b:s25+s7] =	stream.strided.scatter [tilespmem:s16], [sflag:$0xA], $0x4000, s8, s7, $0x38;
	[tilespmem:$0x18800] =	vst v63  }
0x113: {  	_ =	swait.ge [sflag:s20], $0x4000  }
0x114: {  	[sflag:s20] =	ssyncset.done $0x0  }
0x115: {  	s25 =	rddreg [dreg:$0xe];
	[sflag:s20] =	ssyncadd.s32 $0xFFFFC000  }
0x116: {  	[hbm4b:s25+s7] =	stream.strided.scatter [tilespmem:s13], [sflag:$0xB], $0x4000, s8, s7, $0x38;
	[tilespmem:$0x18800] =	vst v63  }
0x117: {  	_ =	swait.ge [sflag:s21], $0x4000  }
0x118: {  	[sflag:s21] =	ssyncset.done $0x0  }
0x119: {  	s25 =	rddreg [dreg:$0xf];
	[sflag:s21] =	ssyncadd.s32 $0xFFFFC000  }
0x11a: {  	[hbm4b:s25+s7] =	stream.strided.scatter [tilespmem:s10], [sflag:$0xC], $0x4000, s8, s7, $0x38;
	[tilespmem:$0x18800] =	vst v63  }
0x11b: {  	_ =	swait.ge [sflag:s6], $0x4000  }
0x11c: {  	[sflag:s6] =	ssyncset.done $0x0  }
0x11d: {  	s25 =	rddreg [dreg:$0x10];
	[sflag:s6] =	ssyncadd.s32 $0xFFFFC000  }
0x11e: {  	[hbm4b:s25+s7] =	stream.strided.scatter [tilespmem:s4], [sflag:$0x7], $0x4000, s8, s7, $0x38;
	[tilespmem:$0x18800] =	vst v63  }
0x11f: {  	_ =	swait.ge [sflag:s11], $0x4000  }
0x120: {  	[sflag:s11] =	ssyncset.done $0x0  }
0x121: {  	[sflag:s11] =	ssyncadd.s32 $0xFFFFC000  }
0x122: {  	_ =	swait.ge [sflag:s12], $0x4000  }
0x123: {  	[sflag:s12] =	ssyncset.done $0x0  }
0x124: {  	[sflag:s12] =	ssyncadd.s32 $0xFFFFC000  }
0x125: {  	_ =	swait.ge [sflag:s9], $0x4000  }
0x126: {  	[sflag:s9] =	ssyncset.done $0x0  }
0x127: {  	[sflag:s9] =	ssyncadd.s32 $0xFFFFC000  }
0x128: {  	_ =	swait.ge [sflag:s15], $0x4000  }
0x129: {  	[sflag:s15] =	ssyncset.done $0x0  }
0x12a: {  	p1 =	sne.s32 s1, $0x1;
	[sflag:s15] =	ssyncadd.s32 $0xFFFFC000  }
.Ltmp2:
0x12b: {  	_ =	swait.ge [sflag:s14], $0x4000;
	(pc) =	sbr.rel @p1 .LBB2_4-.Ltmp2, $4  }
0x12c: {  	[sflag:s14] =	ssyncset.done $0x0  }
0x12d: {  	[sflag:s14] =	ssyncadd.s32 $0xFFFFC000  }
0x12e: {  	_ =	swait.ge [sflag:s5], $0x4000  }
0x12f: {  	s1 =	sadd.s32 $0xFFFFFFFF, s1;
	s0 =	rddreg [dreg:$0x3];
	[sflag:s5] =	ssyncset.done $0x0  }
0x130: {  	s25 =	simm.s32 $0x380;
	s30 =	simm.s32 $0x480  }
0x131: {  	s29 =	simm.s32 $0x500;
	s28 =	simm.s32 $0x580;
	s26 =	simm.s32 $0x600  }
.LBB2_6:
0x132: {  	[sflag:s5] =	ssyncadd.s32 @p0 $0xFFFFC000  }
0x133: {  	[tilespmem:s3], [sflag:$0xD] =	stream.linear.gather [hbm4b:s0+s3], $0x680, $0x38;
	[tilespmem:$0x18800] =	vst v63  }
0x134: {  	_ =	swait.ge [sflag:s31], $0x680  }
0x135: {  	[sflag:s31] =	ssyncset.done $0x0  }
0x136: {  	[sflag:s31] =	ssyncadd.s32 $0xFFFFF980  }
0x137: {  	[tilespmem:s4], [sflag:$0x1] =	stream.indirect.gather [hbm4b:s2+s18], $0x80, s3, s18, $0xb8;
	[tilespmem:$0x18800] =	vst v63  }
0x138: {  	_ = 	snop  }
0x139: {  	[tilespmem:s19], [sflag:$0x2] =	stream.indirect.gather [hbm4b:s2+s18], $0x80, s18, s18, $0xb8;
	[tilespmem:$0x18800] =	vst v63  }
0x13a: {  	s3 =	rddreg [dreg:$0x11]  }
0x13b: {  	[tilespmem:s17], [sflag:$0x3] =	stream.indirect.gather [hbm4b:s2+s18], $0x80, s3, s18, $0xb8;
	[tilespmem:$0x18800] =	vst v63  }
0x13c: {  	s1 =	rddreg [dreg:$0x12]  }
0x13d: {  	[tilespmem:s16], [sflag:$0x4] =	stream.indirect.gather [hbm4b:s2+s18], $0x80, s1, s18, $0xb8;
	[tilespmem:$0x18800] =	vst v63  }
0x13e: {  	s31 =	rddreg [dreg:$0x13]  }
0x13f: {  	[tilespmem:s13], [sflag:$0x5] =	stream.indirect.gather [hbm4b:s2+s18], $0x80, s31, s18, $0xb8;
	[tilespmem:$0x18800] =	vst v63  }
0x140: {  	_ =	swait.ge [sflag:s6], $0x4000  }
0x141: {  	[sflag:s6] =	ssyncset.done $0x0  }
0x142: {  	s3 =	rddreg [dreg:$0x14];
	[sflag:s6] =	ssyncadd.s32 $0xFFFFC000  }
0x143: {  	[tilespmem:s10], [sflag:$0x6] =	stream.indirect.gather [hbm4b:s2+s18], $0x80, s3, s18, $0xb8;
	[tilespmem:$0x18800] =	vst v63  }
0x144: {  	s31 =	rddreg [dreg:$0x4]  }
0x145: {  	[hbm4b:s31+s7] =	stream.strided.scatter [tilespmem:s4], [sflag:$0x7], $0x4000, s8, s7, $0x38;
	[tilespmem:$0x18800] =	vst v63  }
0x146: {  	_ =	swait.ge [sflag:s24], $0x4000  }
0x147: {  	[sflag:s24] =	ssyncset.done $0x0  }
0x148: {  	[sflag:s24] =	ssyncadd.s32 $0xFFFFC000  }
0x149: {  	_ =	swait.ge [sflag:s5], $0x4000  }
0x14a: {  	[sflag:s5] =	ssyncset.done $0x0  }
0x14b: {  	s3 =	rddreg [dreg:$0x15];
	[sflag:s5] =	ssyncadd.s32 $0xFFFFC000  }
0x14c: {  	[tilespmem:s4], [sflag:$0x1] =	stream.indirect.gather [hbm4b:s2+s18], $0x80, s3, s18, $0xb8;
	[tilespmem:$0x18800] =	vst v63  }
0x14d: {  	s31 =	rddreg [dreg:$0x5]  }
0x14e: {  	[hbm4b:s31+s7] =	stream.strided.scatter [tilespmem:s19], [sflag:$0x8], $0x4000, s8, s7, $0x38;
	[tilespmem:$0x18800] =	vst v63  }
0x14f: {  	_ =	swait.ge [sflag:s23], $0x4000  }
0x150: {  	[sflag:s23] =	ssyncset.done $0x0  }
0x151: {  	[sflag:s23] =	ssyncadd.s32 $0xFFFFC000  }
0x152: {  	_ =	swait.ge [sflag:s11], $0x4000  }
0x153: {  	[sflag:s11] =	ssyncset.done $0x0  }
0x154: {  	[sflag:s11] =	ssyncadd.s32 $0xFFFFC000  }
0x155: {  	[tilespmem:s19], [sflag:$0x2] =	stream.indirect.gather [hbm4b:s2+s18], $0x80, s25, s18, $0xb8;
	[tilespmem:$0x18800] =	vst v63  }
0x156: {  	s3 =	rddreg [dreg:$0x6]  }
0x157: {  	[hbm4b:s3+s7] =	stream.strided.scatter [tilespmem:s17], [sflag:$0x9], $0x4000, s8, s7, $0x38;
	[tilespmem:$0x18800] =	vst v63  }
0x158: {  	_ =	swait.ge [sflag:s22], $0x4000  }
0x159: {  	[sflag:s22] =	ssyncset.done $0x0  }
0x15a: {  	[sflag:s22] =	ssyncadd.s32 $0xFFFFC000  }
0x15b: {  	_ =	swait.ge [sflag:s12], $0x4000  }
0x15c: {  	[sflag:s12] =	ssyncset.done $0x0  }
0x15d: {  	[sflag:s12] =	ssyncadd.s32 $0xFFFFC000  }
0x15e: {  	[tilespmem:s17], [sflag:$0x3] =	stream.indirect.gather [hbm4b:s2+s18], $0x80, s7, s18, $0xb8;
	[tilespmem:$0x18800] =	vst v63  }
0x15f: {  	s25 =	rddreg [dreg:$0x7]  }
0x160: {  	[hbm4b:s25+s7] =	stream.strided.scatter [tilespmem:s16], [sflag:$0xA], $0x4000, s8, s7, $0x38;
	[tilespmem:$0x18800] =	vst v63  }
0x161: {  	_ =	swait.ge [sflag:s20], $0x4000  }
0x162: {  	[sflag:s20] =	ssyncset.done $0x0  }
0x163: {  	[sflag:s20] =	ssyncadd.s32 $0xFFFFC000  }
0x164: {  	_ =	swait.ge [sflag:s9], $0x4000  }
0x165: {  	[sflag:s9] =	ssyncset.done $0x0  }
0x166: {  	[sflag:s9] =	ssyncadd.s32 $0xFFFFC000  }
0x167: {  	[tilespmem:s16], [sflag:$0x4] =	stream.indirect.gather [hbm4b:s2+s18], $0x80, s30, s18, $0xb8;
	[tilespmem:$0x18800] =	vst v63  }
0x168: {  	s31 =	rddreg [dreg:$0x8]  }
0x169: {  	[hbm4b:s31+s7] =	stream.strided.scatter [tilespmem:s13], [sflag:$0xB], $0x4000, s8, s7, $0x38;
	[tilespmem:$0x18800] =	vst v63  }
0x16a: {  	_ =	swait.ge [sflag:s21], $0x4000  }
0x16b: {  	[sflag:s21] =	ssyncset.done $0x0  }
0x16c: {  	[sflag:s21] =	ssyncadd.s32 $0xFFFFC000  }
0x16d: {  	_ =	swait.ge [sflag:s15], $0x4000  }
0x16e: {  	[sflag:s15] =	ssyncset.done $0x0  }
0x16f: {  	[sflag:s15] =	ssyncadd.s32 $0xFFFFC000  }
0x170: {  	[tilespmem:s13], [sflag:$0x5] =	stream.indirect.gather [hbm4b:s2+s18], $0x80, s29, s18, $0xb8;
	[tilespmem:$0x18800] =	vst v63  }
0x171: {  	s1 =	rddreg [dreg:$0x9]  }
0x172: {  	[hbm4b:s1+s7] =	stream.strided.scatter [tilespmem:s10], [sflag:$0xC], $0x4000, s8, s7, $0x38;
	[tilespmem:$0x18800] =	vst v63  }
0x173: {  	_ =	swait.ge [sflag:s6], $0x4000  }
0x174: {  	[sflag:s6] =	ssyncset.done $0x0  }
0x175: {  	[sflag:s6] =	ssyncadd.s32 $0xFFFFC000  }
0x176: {  	_ =	swait.ge [sflag:s14], $0x4000  }
0x177: {  	[sflag:s14] =	ssyncset.done $0x0  }
0x178: {  	[sflag:s14] =	ssyncadd.s32 $0xFFFFC000  }
0x179: {  	[tilespmem:s10], [sflag:$0x6] =	stream.indirect.gather [hbm4b:s2+s18], $0x80, s28, s18, $0xb8;
	[tilespmem:$0x18800] =	vst v63  }
0x17a: {  	s3 =	rddreg [dreg:$0xa]  }
0x17b: {  	[hbm4b:s3+s7] =	stream.strided.scatter [tilespmem:s4], [sflag:$0x7], $0x4000, s8, s7, $0x38;
	[tilespmem:$0x18800] =	vst v63  }
0x17c: {  	_ =	swait.ge [sflag:s24], $0x4000  }
0x17d: {  	[sflag:s24] =	ssyncset.done $0x0  }
0x17e: {  	[sflag:s24] =	ssyncadd.s32 $0xFFFFC000  }
0x17f: {  	_ =	swait.ge [sflag:s5], $0x4000  }
0x180: {  	[sflag:s5] =	ssyncset.done $0x0  }
0x181: {  	[sflag:s5] =	ssyncadd.s32 $0xFFFFC000  }
0x182: {  	[tilespmem:s4], [sflag:$0x1] =	stream.indirect.gather [hbm4b:s2+s18], $0x80, s26, s18, $0xb8;
	[tilespmem:$0x18800] =	vst v63  }
0x183: {  	s24 =	rddreg [dreg:$0xb]  }
0x184: {  	[hbm4b:s24+s7] =	stream.strided.scatter [tilespmem:s19], [sflag:$0x8], $0x4000, s8, s7, $0x38;
	[tilespmem:$0x18800] =	vst v63  }
0x185: {  	_ =	swait.ge [sflag:s23], $0x4000  }
0x186: {  	[sflag:s23] =	ssyncset.done $0x0  }
0x187: {  	s25 =	rddreg [dreg:$0xc];
	[sflag:s23] =	ssyncadd.s32 $0xFFFFC000  }
0x188: {  	[hbm4b:s25+s7] =	stream.strided.scatter [tilespmem:s17], [sflag:$0x9], $0x4000, s8, s7, $0x38;
	[tilespmem:$0x18800] =	vst v63  }
0x189: {  	_ =	swait.ge [sflag:s22], $0x4000  }
0x18a: {  	[sflag:s22] =	ssyncset.done $0x0  }
0x18b: {  	s26 =	rddreg [dreg:$0xd];
	[sflag:s22] =	ssyncadd.s32 $0xFFFFC000  }
0x18c: {  	[hbm4b:s26+s7] =	stream.strided.scatter [tilespmem:s16], [sflag:$0xA], $0x4000, s8, s7, $0x38;
	[tilespmem:$0x18800] =	vst v63  }
0x18d: {  	_ =	swait.ge [sflag:s20], $0x4000  }
0x18e: {  	[sflag:s20] =	ssyncset.done $0x0  }
0x18f: {  	s28 =	rddreg [dreg:$0xe];
	[sflag:s20] =	ssyncadd.s32 $0xFFFFC000  }
0x190: {  	[hbm4b:s28+s7] =	stream.strided.scatter [tilespmem:s13], [sflag:$0xB], $0x4000, s8, s7, $0x38;
	[tilespmem:$0x18800] =	vst v63  }
0x191: {  	_ =	swait.ge [sflag:s21], $0x4000  }
0x192: {  	[sflag:s21] =	ssyncset.done $0x0  }
0x193: {  	s29 =	rddreg [dreg:$0xf];
	[sflag:s21] =	ssyncadd.s32 $0xFFFFC000  }
0x194: {  	[hbm4b:s29+s7] =	stream.strided.scatter [tilespmem:s10], [sflag:$0xC], $0x4000, s8, s7, $0x38;
	[tilespmem:$0x18800] =	vst v63  }
0x195: {  	_ =	swait.ge [sflag:s6], $0x4000  }
0x196: {  	[sflag:s6] =	ssyncset.done $0x0  }
0x197: {  	s30 =	rddreg [dreg:$0x10];
	[sflag:s6] =	ssyncadd.s32 $0xFFFFC000  }
0x198: {  	[hbm4b:s30+s7] =	stream.strided.scatter [tilespmem:s4], [sflag:$0x7], $0x4000, s8, s7, $0x38;
	[tilespmem:$0x18800] =	vst v63  }
0x199: {  	_ =	swait.ge [sflag:s11], $0x4000  }
0x19a: {  	[sflag:s11] =	ssyncset.done $0x0  }
0x19b: {  	[sflag:s11] =	ssyncadd.s32 $0xFFFFC000  }
0x19c: {  	_ =	swait.ge [sflag:s12], $0x4000  }
0x19d: {  	[sflag:s12] =	ssyncset.done $0x0  }
0x19e: {  	[sflag:s12] =	ssyncadd.s32 $0xFFFFC000  }
0x19f: {  	_ =	swait.ge [sflag:s9], $0x4000  }
0x1a0: {  	[sflag:s9] =	ssyncset.done $0x0  }
0x1a1: {  	[sflag:s9] =	ssyncadd.s32 $0xFFFFC000  }
0x1a2: {  	_ =	swait.ge [sflag:s15], $0x4000  }
0x1a3: {  	[sflag:s15] =	ssyncset.done $0x0  }
0x1a4: {  	[sflag:s15] =	ssyncadd.s32 $0xFFFFC000  }
0x1a5: {  	_ =	swait.ge [sflag:s14], $0x4000  }
0x1a6: {  	[sflag:s14] =	ssyncset.done $0x0  }
0x1a7: {  	[sflag:s14] =	ssyncadd.s32 $0xFFFFC000  }
0x1a8: {  	_ =	swait.ge [sflag:s5], $0x4000  }
0x1a9: {  	[sflag:s5] =	ssyncset.done $0x0  }
0x1aa: {  	[sflag:s5] =	ssyncadd.s32 $0xFFFFC000  }
0x1ab: {  	_ =	sfence.sel $0x180000  }
0x1ac: {  	[bflag:$0x0] =	sbarrier.arrive $0xFFFF  }
0x1ad: {  	_ =	strace $0x9000004A  }
0x1ae: {  	s31 =	stileid.u32;
	[bflag:$0x2] =	sbarrier.arrive $0xFFFF  }
0x1af: {  	p0 =	sne.s32 s31, $0x0;
	s0 =	rddreg [dreg:$0x2]  }
0x1b0: {  	s0 =	sadd.s32 @!p0 $0x100000, s0  }
0x1b1: {  	[sflag:s0] =	ssyncadd.tile.s32 @!p0 $0x1;
	_ =	shalt  }
.LBB2_1:
.Ltmp3:
0x1b2: {  	(pc) =	sbr.rel .LBB2_6-.Ltmp3, $3  }
0x1b3: {  	_ =	sdelay $0x1  }
0x1b4: {  	s25 =	simm.s32 $0x380;
	s30 =	simm.s32 $0x480  }
0x1b5: {  	s29 =	simm.s32 $0x500;
	s28 =	simm.s32 $0x580;
	s26 =	simm.s32 $0x600  }
.LBB2_3:
.Ltmp4:
0x1b6: {  	(pc) =	sbr.rel .LBB2_6-.Ltmp4, $3  }
0x1b7: {  	_ =	sdelay $0x1  }
0x1b8: {  	s25 =	simm.s32 $0x380;
	s30 =	simm.s32 $0x480  }
0x1b9: {  	s29 =	simm.s32 $0x500;
	s28 =	simm.s32 $0x580;
	s26 =	simm.s32 $0x600  }
.Lfunc_end2:
_tile_overlayer_lowered:
.L_overlay_start_2:
0x1ba: {  	(tag) =	ssettag $0x2  }
0x1bb: {  	s0 =	rddreg [dreg:$0x0];
	s2 =	stileid.u32  }
0x1bc: {  	s1 =	rddreg [dreg:$0x1];
	p0 =	sne.s32 s2, $0x0  }
0x1bd: {  	s3 =	rddreg [dreg:$0x2];
	[bflag:$0x3] =	sbarrier.arrive $0xFFFF;
	s2 =	simm.s32 @!p0 $0x1C0D  }
0x1be: {  	[timem:s3], [sflag:s2] =	dma.local @!p0 [hbm:s0], s1  }
0x1bf: {  	s0 =	simm.s32 @!p0 $0xD  }
0x1c0: {  	_ =	swait.ge @!p0 [sflag:s0], s1  }
0x1c1: {  	s1 =	ssub.s32 @!p0 $0x0, s1;
	[sflag:s0] =	ssyncset.done @!p0 $0x0  }
0x1c2: {  	[sflag:s0] =	ssyncadd.s32 @!p0 s1  }
0x1c3: {  	[bflag:$0x3] =	sbarrier.arrive $0xFFFF  }
0x1c4: {  	_ =	shalt  }

</sc_bundles>
